<compile_context>
chip_gen: v7x
topology: tpu7x:2x2x1
jax: 0.10.2.dev20260603
libtpu: 0.0.44.dev20260713+nightly
codegen_flags: <defaults>
</compile_context>

<pallas_src>
import functools

import jax
import jax.numpy as jnp
from jax import lax
from jax.experimental import pallas as pl
from jax.experimental.pallas import tpu as pltpu
from jax.experimental.pallas import tpu_sc as plsc

N = 100000
E = 3200000
IN_C = 5
HID_C = 16
OUT_C = 64
NUM_OUT = 10

NC = 2
NS = 16
NW = NC * NS
EW = E // NW
BA = 10000
BC = 1000

_SC_MESH = plsc.VectorSubcoreMesh(core_axis_name="c", subcore_axis_name="s")
_SC_PARAMS = pltpu.CompilerParams(use_tc_tiling_on_sc=False)



@functools.partial(
    pl.kernel,
    out_type=jax.ShapeDtypeStruct((NC * N,), jnp.float32),
    mesh=_SC_MESH,
    scratch_types=[
        pltpu.VMEM((BA,), jnp.int32),
        pltpu.VMEM((BA,), jnp.float32),
        pltpu.VMEM_SHARED((N,), jnp.float32),
    ],
    compiler_params=_SC_PARAMS,
)
def _sc_degree(ei_hbm, zeros_hbm, ones_hbm, deg_out, idx_v, ones_v, deg_sp):
    cid = lax.axis_index("c")
    sid = lax.axis_index("s")
    wid = cid * NS + sid

    @pl.when(sid == 0)
    def _():
        pltpu.sync_copy(zeros_hbm, deg_sp)

    pltpu.sync_copy(ones_hbm, ones_v)
    plsc.subcore_barrier()

    def body(i, carry):
        base = E + wid * EW + i * BA
        pltpu.sync_copy(ei_hbm.at[pl.ds(base, BA)], idx_v)
        pltpu.sync_copy(ones_v, deg_sp.at[idx_v], add=True)
        return carry

    lax.fori_loop(0, EW // BA, body, 0)
    plsc.subcore_barrier()

    @pl.when(sid < N // BA)
    def _():
        pltpu.sync_copy(deg_sp.at[pl.ds(sid * BA, BA)], ones_v)
        pltpu.sync_copy(ones_v, deg_out.at[pl.ds(cid * N + sid * BA, BA)])



SB = 2400
BCH = 800
NSB_FULL = EW // SB
TAIL = EW - NSB_FULL * SB
NCH = SB // BCH
NCHT = TAIL // BCH


@functools.partial(
    pl.kernel,
    out_type=jax.ShapeDtypeStruct((NC * N, HID_C), jnp.float32),
    mesh=_SC_MESH,
    scratch_types=[
        pltpu.VMEM((SB,), jnp.int32),
        pltpu.VMEM((SB,), jnp.int32),
        pltpu.VMEM((BCH, HID_C), jnp.float32),
        pltpu.VMEM((BCH, HID_C), jnp.float32),
        pltpu.SemaphoreType.DMA,
        pltpu.SemaphoreType.DMA,
        pltpu.SemaphoreType.DMA,
        pltpu.SemaphoreType.DMA,
        pltpu.VMEM_SHARED((N, HID_C), jnp.float32),
    ],
    compiler_params=_SC_PARAMS,
)
def _sc_agg(ei_hbm, y_hbm, agg_out,
            sidx, didx, rows0, rows1, sg0, sg1, ss0, ss1, agg_sp):
    cid = lax.axis_index("c")
    sid = lax.axis_index("s")
    wid = cid * NS + sid
    rows = (rows0, rows1)
    sg = (sg0, sg1)
    ss = (ss0, ss1)

    @pl.when(sid == 0)
    def _():
        pltpu.sync_copy(y_hbm, agg_sp)

    plsc.subcore_barrier()

    def run_sb(base, nchunks):
        l1 = pltpu.async_copy(ei_hbm.at[pl.ds(base, nchunks * BCH)],
                              sidx.at[pl.ds(0, nchunks * BCH)], ss[0])
        l2 = pltpu.async_copy(ei_hbm.at[pl.ds(E + base, nchunks * BCH)],
                              didx.at[pl.ds(0, nchunks * BCH)], ss[1])
        l1.wait()
        l2.wait()
        g = [None, None]
        sc = [None, None]
        g[0] = pltpu.async_copy(y_hbm.at[sidx.at[pl.ds(0, BCH)]], rows[0], sg[0])
        for j in range(nchunks):
            b = j & 1
            nb = b ^ 1
            if j + 1 < nchunks:
                if sc[nb] is not None:
                    sc[nb].wait()
                g[nb] = pltpu.async_copy(
                    y_hbm.at[sidx.at[pl.ds((j + 1) * BCH, BCH)]], rows[nb], sg[nb])
            g[b].wait()
            sc[b] = pltpu.async_copy(
                rows[b], agg_sp.at[didx.at[pl.ds(j * BCH, BCH)]], ss[b], add=True)
        for d in sc:
            if d is not None:
                d.wait()

    def sb_body(s, carry):
        run_sb(wid * EW + s * SB, NCH)
        return carry

    lax.fori_loop(0, NSB_FULL, sb_body, 0)
    run_sb(wid * EW + NSB_FULL * SB, NCHT)
    plsc.subcore_barrier()

    nch = N // BCH

    def wb(j, carry):
        k = sid + j * NS

        @pl.when(k < nch)
        def _():
            pltpu.sync_copy(agg_sp.at[pl.ds(k * BCH, BCH), :], rows0)
            pltpu.sync_copy(rows0, agg_out.at[pl.ds(cid * N + k * BCH, BCH), :])

        return carry

    lax.fori_loop(0, (nch + NS - 1) // NS, wb, 0)



SB2 = 25000
NSB2 = EW // SB2
_CH2 = (12504, 12496)
_OF2 = (0, 12504)
BC2 = max(_CH2)


@functools.partial(
    pl.kernel,
    out_type=jax.ShapeDtypeStruct((NC * N,), jnp.float32),
    mesh=_SC_MESH,
    scratch_types=[
        pltpu.VMEM((SB2,), jnp.int32),
        pltpu.VMEM((SB2,), jnp.int32),
        pltpu.VMEM((BC2,), jnp.float32),
        pltpu.VMEM((BC2,), jnp.float32),
        pltpu.SemaphoreType.DMA,
        pltpu.SemaphoreType.DMA,
        pltpu.SemaphoreType.DMA,
        pltpu.SemaphoreType.DMA,
        pltpu.VMEM_SHARED((N,), jnp.float32),
        pltpu.VMEM_SHARED((N,), jnp.float32),
    ],
    compiler_params=_SC_PARAMS,
)
def _sc_dnorm(ei_hbm, norm_hbm, dn_out,
              sidx, didx, nv0, nv1, sg0, sg1, ss0, ss1, dn_sp, norm_sp):
    cid = lax.axis_index("c")
    sid = lax.axis_index("s")
    wid = cid * NS + sid
    nv = (nv0, nv1)
    sg = (sg0, sg1)
    ss = (ss0, ss1)

    @pl.when(sid == 0)
    def _():
        pltpu.sync_copy(norm_hbm, dn_sp)
        pltpu.sync_copy(norm_hbm, norm_sp)

    plsc.subcore_barrier()

    def sb_body(s, carry):
        base = wid * EW + s * SB2
        l1 = pltpu.async_copy(ei_hbm.at[pl.ds(base, SB2)], sidx, ss[0])
        l2 = pltpu.async_copy(ei_hbm.at[pl.ds(E + base, SB2)], didx, ss[1])
        l1.wait()
        l2.wait()
        g = [None, None]
        sc = [None, None]
        g[0] = pltpu.async_copy(
            norm_sp.at[didx.at[pl.ds(_OF2[0], _CH2[0])]],
            nv[0].at[pl.ds(0, _CH2[0])], sg[0])
        for j in range(len(_CH2)):
            b = j & 1
            nb = b ^ 1
            if j + 1 < len(_CH2):
                if sc[nb] is not None:
                    sc[nb].wait()
                g[nb] = pltpu.async_copy(
                    norm_sp.at[didx.at[pl.ds(_OF2[j + 1], _CH2[j + 1])]],
                    nv[nb].at[pl.ds(0, _CH2[j + 1])], sg[nb])
            g[b].wait()
            sc[b] = pltpu.async_copy(
                nv[b].at[pl.ds(0, _CH2[j])],
                dn_sp.at[sidx.at[pl.ds(_OF2[j], _CH2[j])]], ss[b], add=True)
        sc[0].wait()
        sc[1].wait()
        return carry

    lax.fori_loop(0, NSB2, sb_body, 0)
    plsc.subcore_barrier()

    WB = 5000
    nch = N // WB

    def wb(j, carry):
        k = sid + j * NS

        @pl.when(k < nch)
        def _():
            pltpu.sync_copy(dn_sp.at[pl.ds(k * WB, WB)], nv0.at[pl.ds(0, WB)])
            pltpu.sync_copy(nv0.at[pl.ds(0, WB)], dn_out.at[pl.ds(cid * N + k * WB, WB)])

        return carry

    lax.fori_loop(0, (nch + NS - 1) // NS, wb, 0)



CHK = 800
NCHK = N // CHK


def _newton_rsqrt(d):
    i = lax.bitcast_convert_type(d, jnp.int32)
    magic = jnp.full((16,), 0x5F3759DF, jnp.int32)
    r = lax.bitcast_convert_type(magic - (i >> 1), jnp.float32)
    for _ in range(3):
        r = r * (1.5 - 0.5 * d * r * r)
    return r


@functools.partial(
    pl.kernel,
    out_type=[
        jax.ShapeDtypeStruct((N, HID_C), jnp.float32),
        jax.ShapeDtypeStruct((N,), jnp.float32),
    ],
    mesh=_SC_MESH,
    scratch_types=[
        pltpu.VMEM((CHK,), jnp.float32),
        pltpu.VMEM((CHK,), jnp.float32),
        pltpu.VMEM((IN_C, CHK), jnp.float32),
        pltpu.VMEM((CHK, HID_C), jnp.float32),
        pltpu.VMEM((CHK,), jnp.float32),
        pltpu.VMEM((IN_C * HID_C,), jnp.float32),
    ],
    compiler_params=_SC_PARAMS,
)
def _sc_prep(degp_hbm, xt_hbm, w1_hbm, y_out, norm_out, d0v, d1v, xc, yc, nc, w1v):
    cid = lax.axis_index("c")
    sid = lax.axis_index("s")
    wid = cid * NS + sid

    pltpu.sync_copy(w1_hbm, w1v)
    w1r = [w1v[pl.ds(k * HID_C, HID_C)] for k in range(IN_C)]

    def chunk(j, carry):
        k = wid + j * NW

        @pl.when(k < NCHK)
        def _():
            base = k * CHK
            pltpu.sync_copy(degp_hbm.at[pl.ds(base, CHK)], d0v)
            pltpu.sync_copy(degp_hbm.at[pl.ds(N + base, CHK)], d1v)
            for f in range(IN_C):
                pltpu.sync_copy(xt_hbm.at[f, pl.ds(base, CHK)], xc.at[f])

            def grp(g, c2):
                sl = pl.ds(g * 16, 16)
                d = d0v[sl] + d1v[sl] + 1.0
                nr = _newton_rsqrt(d)
                nc[sl] = nr
                xk = [xc[f, sl] for f in range(IN_C)]
                for r in range(16):
                    row = xk[0][r] * w1r[0]
                    for f in range(1, IN_C):
                        row = row + xk[f][r] * w1r[f]
                    yc[g * 16 + r, :] = row * nr[r]
                return c2

            lax.fori_loop(0, CHK // 16, grp, 0)
            pltpu.sync_copy(nc, norm_out.at[pl.ds(base, CHK)])
            pltpu.sync_copy(yc, y_out.at[pl.ds(base, CHK), :])

        return carry

    lax.fori_loop(0, (NCHK + NW - 1) // NW, chunk, 0)




@functools.partial(
    pl.kernel,
    out_type=jax.ShapeDtypeStruct((NW * HID_C,), jnp.float32),
    mesh=_SC_MESH,
    scratch_types=[
        pltpu.VMEM((CHK, HID_C), jnp.float32),
        pltpu.VMEM((CHK, HID_C), jnp.float32),
        pltpu.VMEM((CHK, HID_C), jnp.float32),
        pltpu.VMEM((CHK,), jnp.float32),
        pltpu.VMEM((CHK,), jnp.float32),
        pltpu.VMEM((CHK,), jnp.float32),
        pltpu.VMEM((16,), jnp.float32),
        pltpu.VMEM((16,), jnp.float32),
    ],
    compiler_params=_SC_PARAMS,
)
def _sc_final(agg_hbm, dn_hbm, y_hbm, norm_hbm, b1_hbm, part_out,
              a0v, a1v, yv, nv, e0v, e1v, b1v, accv):
    cid = lax.axis_index("c")
    sid = lax.axis_index("s")
    wid = cid * NS + sid

    pltpu.sync_copy(b1_hbm, b1v)
    accv[...] = jnp.zeros((16,), jnp.float32)

    def chunk(j, carry):
        k = wid + j * NW

        @pl.when(k < NCHK)
        def _():
            base = k * CHK
            pltpu.sync_copy(agg_hbm.at[pl.ds(base, CHK), :], a0v)
            pltpu.sync_copy(agg_hbm.at[pl.ds(N + base, CHK), :], a1v)
            pltpu.sync_copy(y_hbm.at[pl.ds(base, CHK), :], yv)
            pltpu.sync_copy(norm_hbm.at[pl.ds(base, CHK)], nv)
            pltpu.sync_copy(dn_hbm.at[pl.ds(base, CHK)], e0v)
            pltpu.sync_copy(dn_hbm.at[pl.ds(N + base, CHK)], e1v)
            b1r = b1v[...]

            def grp(g, acc):
                sl = pl.ds(g * 16, 16)
                nr = nv[sl]
                w = nr * (e0v[sl] + e1v[sl] - nr)
                for r in range(16):
                    row = a0v[g * 16 + r, :] + a1v[g * 16 + r, :] - yv[g * 16 + r, :]
                    h = jnp.maximum(b1r + nr[r] * row, 0.0)
                    acc = acc + h * w[r]
                return acc

            accv[...] = lax.fori_loop(0, CHK // 16, grp, accv[...])

        return carry

    lax.fori_loop(0, (NCHK + NW - 1) // NW, chunk, 0)
    pltpu.sync_copy(accv, part_out.at[pl.ds(wid * HID_C, HID_C)])



def _tc_head_body(pr, w2r, b2r, war, bar, out):
    s16 = jnp.sum(pr[...], axis=0, keepdims=True)
    sumh2 = jnp.dot(s16, w2r[...], preferred_element_type=jnp.float32)
    feat = (sumh2 + float(N) * b2r[...][None, :]) * (1.0 / float(N))
    out[...] = jnp.dot(feat, war[...], preferred_element_type=jnp.float32) + bar[...][None, :]


def _tc_head(partials, W2, b2, Wa, ba):
    return pl.pallas_call(
        _tc_head_body,
        in_specs=[
            pl.BlockSpec((NW, HID_C), lambda: (0, 0)),
            pl.BlockSpec((HID_C, OUT_C), lambda: (0, 0)),
            pl.BlockSpec((OUT_C,), lambda: (0,)),
            pl.BlockSpec((OUT_C, NUM_OUT), lambda: (0, 0)),
            pl.BlockSpec((NUM_OUT,), lambda: (0,)),
        ],
        out_specs=pl.BlockSpec((1, NUM_OUT), lambda: (0, 0)),
        out_shape=jax.ShapeDtypeStruct((1, NUM_OUT), jnp.float32),
    )(partials, W2, b2, Wa, ba)



@jax.jit
def kernel(x, edge_index, W1, b1, W2, b2, Wa, ba):
    ei = edge_index.reshape(2 * E)
    zeros_n = jnp.zeros((N,), jnp.float32)
    ones_b = jnp.ones((BA,), jnp.float32)

    deg_part = _sc_degree(ei, zeros_n, ones_b)
    y, norm = _sc_prep(deg_part, x.T, W1.reshape(IN_C * HID_C))
    agg_part = _sc_agg(ei, y)
    dn_part = _sc_dnorm(ei, norm)
    partials = _sc_final(agg_part, dn_part, y, norm, b1)
    return _tc_head(partials.reshape(NW, HID_C), W2, b2, Wa, ba)

# --- scband reference (transcript-rebuilt; emitter-appended) ---
"""Pipeline reference for scband-gnnrlmodel-12017318494530 (READ-ONLY COPY).

The authoritative reference and input builder live on the scoring server;
editing this copy changes nothing except your own understanding.
"""

import jax, jax.numpy as jnp
import numpy as np

N_NODES = 100000
N_EDGES = 3200000
IN_C = 5
HID_C = 16
OUT_C = 64
NUM_OUTPUTS = 10


def setup_inputs(seed: int = 0) -> dict:
    key = jax.random.key(seed)
    ks = jax.random.split(key, 8)
    x = jax.random.normal(ks[0], (N_NODES, IN_C), dtype=jnp.float32)
    edge_index = jax.random.randint(ks[1], (2, N_EDGES), 0, N_NODES, dtype=jnp.int32)
    W1 = jax.random.normal(ks[2], (IN_C, HID_C), dtype=jnp.float32) * 0.1
    b1 = jnp.zeros((HID_C,), dtype=jnp.float32)
    W2 = jax.random.normal(ks[3], (HID_C, OUT_C), dtype=jnp.float32) * 0.1
    b2 = jnp.zeros((OUT_C,), dtype=jnp.float32)
    Wa = jax.random.normal(ks[4], (OUT_C, NUM_OUTPUTS), dtype=jnp.float32) * 0.1
    ba = jnp.zeros((NUM_OUTPUTS,), dtype=jnp.float32)
    return {"x": x, "edge_index": edge_index, "W1": W1, "b1": b1, "W2": W2, "b2": b2, "Wa": Wa, "ba": ba}


def _gcn_layer(h, src, dst, norm_src, norm_dst, W, b, n_nodes):
    h = h @ W
    msg = h[src] * norm_src[:, None] * norm_dst[:, None]
    out = jnp.zeros((n_nodes, W.shape[1]), dtype=h.dtype).at[dst].add(msg)
    return out + b


def reference(x, edge_index, W1, b1, W2, b2, Wa, ba):
    n = x.shape[0]
    loop = jnp.arange(n, dtype=edge_index.dtype)
    src = jnp.concatenate([edge_index[0], loop])
    dst = jnp.concatenate([edge_index[1], loop])
    # symmetric GCN normalization with self-loops
    deg = jnp.zeros((n,), dtype=jnp.float32).at[dst].add(1.0)
    norm = jax.lax.rsqrt(jnp.maximum(deg, 1.0))
    ns = norm[src]
    nd = norm[dst]
    # actor encoder: 2-layer GCN + global mean pool
    h = _gcn_layer(x, src, dst, ns, nd, W1, b1, n)
    h = jax.nn.relu(h)
    h = _gcn_layer(h, src, dst, ns, nd, W2, b2, n)
    feat = jnp.mean(h, axis=0)
    logits = feat @ Wa + ba
    # logits.dim() == 1 -> unsqueeze(0)
    return logits[None, :]

if __name__ == "__main__":
    import jax
    _d = setup_inputs()
    print(jax.jit(kernel)(*tuple(_d.values())))

</pallas_src>

<mosaic_0001>
#map = affine_map<(d0, d1) -> (0)>
#map1 = affine_map<(d0, d1) -> (0, 0)>
module attributes {stable_mosaic.version = 14 : i64} {
  func.func @_sc_prep(%arg0: i32, %arg1: i32, %arg2: memref<200000xf32, #tpu.memory_space<hbm>>, %arg3: memref<5x100000xf32, #tpu.memory_space<hbm>>, %arg4: memref<80xf32, #tpu.memory_space<hbm>>, %arg5: memref<100000x16xf32, #tpu.memory_space<hbm>>, %arg6: memref<100000xf32, #tpu.memory_space<hbm>>, %arg7: memref<800xf32, #tpu.memory_space<vmem>>, %arg8: memref<800xf32, #tpu.memory_space<vmem>>, %arg9: memref<5x800xf32, #tpu.memory_space<vmem>>, %arg10: memref<800x16xf32, #tpu.memory_space<vmem>>, %arg11: memref<800xf32, #tpu.memory_space<vmem>>, %arg12: memref<80xf32, #tpu.memory_space<vmem>>) attributes {dimension_semantics = [#tpu.dimension_semantics<core_parallel>, #tpu.dimension_semantics<subcore_parallel>], iteration_bounds = array<i64: 2, 16>, scalar_prefetch = 0 : i64, scratch_operands = 6 : i64, tpu.core_type = #tpu.core_type<sc_vector_subcore>, window_params = [{transform_indices = #map}, {transform_indices = #map1}, {transform_indices = #map}, {transform_indices = #map1}, {transform_indices = #map}]} {
    %mul3A = arith.constant 16 : i32
    %mul3A_0 = arith.muli %arg0, %mul3A : i32
    %add3A = arith.addi %mul3A_0, %arg1 : i32
    "tpu.region"() ({
      %run_scoped3A = tpu.sem_alloc : memref<!tpu.dma_semaphore, #tpu.memory_space<semaphore_mem>>
      tpu.enqueue_dma source(%arg4 : memref<80xf32, #tpu.memory_space<hbm>>) target(%arg12 : memref<80xf32, #tpu.memory_space<vmem>>) target_semaphore(%run_scoped3A : memref<!tpu.dma_semaphore, #tpu.memory_space<semaphore_mem>>)
      tpu.wait_dma2 semaphore(%run_scoped3A : memref<!tpu.dma_semaphore, #tpu.memory_space<semaphore_mem>>) src(%arg4 : memref<80xf32, #tpu.memory_space<hbm>>) dst(%arg12 : memref<80xf32, #tpu.memory_space<vmem>>)
      tpu.yield
    }) : () -> ()
    %get3A = arith.constant 0 : index
    %get3A_1 = tpu.vector_load %arg12[%get3A] {strides = array<i32>} : memref<80xf32, #tpu.memory_space<vmem>>, vector<16xf32>,
    %get3A_2 = vector.shape_cast %get3A_1 : vector<16xf32> to vector<16xf32>
    %get3A_3 = arith.constant 16 : index
    %get3A_4 = tpu.vector_load %arg12[%get3A_3] {strides = array<i32>} : memref<80xf32, #tpu.memory_space<vmem>>, vector<16xf32>,
    %get3A_5 = vector.shape_cast %get3A_4 : vector<16xf32> to vector<16xf32>
    %get3A_6 = arith.constant 32 : index
    %get3A_7 = tpu.vector_load %arg12[%get3A_6] {strides = array<i32>} : memref<80xf32, #tpu.memory_space<vmem>>, vector<16xf32>,
    %get3A_8 = vector.shape_cast %get3A_7 : vector<16xf32> to vector<16xf32>
    %get3A_9 = arith.constant 48 : index
    %get3A_10 = tpu.vector_load %arg12[%get3A_9] {strides = array<i32>} : memref<80xf32, #tpu.memory_space<vmem>>, vector<16xf32>,
    %get3A_11 = vector.shape_cast %get3A_10 : vector<16xf32> to vector<16xf32>
    %get3A_12 = arith.constant 64 : index
    %get3A_13 = tpu.vector_load %arg12[%get3A_12] {strides = array<i32>} : memref<80xf32, #tpu.memory_space<vmem>>, vector<16xf32>,
    %get3A_14 = vector.shape_cast %get3A_13 : vector<16xf32> to vector<16xf32>
    %scan3A = arith.constant 0 : i32
    %scan3A_15 = arith.constant 0 : i32
    %scan3A_16 = arith.constant 4 : i32
    %scan3A_17 = arith.addi %scan3A_15, %scan3A_16 : i32
    %scan3A_18 = arith.constant 1 : i32
    scf.for %scan3A_20 = %scan3A_15 to %scan3A_17 step %scan3A_18  : i32 {
      %mul3A_21 = arith.constant 32 : i32
      %mul3A_22 = arith.muli %scan3A_20, %mul3A_21 : i32
      %add3A_23 = arith.addi %add3A, %mul3A_22 : i32
      %lt3A = arith.constant 125 : i32
      %lt3A_24 = arith.cmpi slt, %add3A_23, %lt3A : i32
      %convert_element_type3A = arith.extui %lt3A_24 : i1 to i32
      %cond3A = arith.constant 0 : i32
      %cond3A_25 = arith.cmpi ne, %convert_element_type3A, %cond3A : i32
      scf.if %cond3A_25 {
        %mul3A_26 = arith.constant 800 : i32
        %mul3A_27 = arith.muli %add3A_23, %mul3A_26 : i32
        "tpu.region"() ({
          %run_scoped3A_45 = tpu.sem_alloc : memref<!tpu.dma_semaphore, #tpu.memory_space<semaphore_mem>>
          %dma_start3A = tpu.memref_slice %arg2[%mul3A_27] : memref<200000xf32, #tpu.memory_space<hbm>> -> memref<800xf32, #tpu.memory_space<hbm>>
          %dma_start3A_46 = tpu.memref_slice %arg2[%mul3A_27] : memref<200000xf32, #tpu.memory_space<hbm>> -> memref<800xf32, #tpu.memory_space<hbm>>
          tpu.enqueue_dma source(%dma_start3A_46 : memref<800xf32, #tpu.memory_space<hbm>>) target(%arg7 : memref<800xf32, #tpu.memory_space<vmem>>) target_semaphore(%run_scoped3A_45 : memref<!tpu.dma_semaphore, #tpu.memory_space<semaphore_mem>>)
          %dma_wait3A = tpu.memref_slice %arg2[%mul3A_27] : memref<200000xf32, #tpu.memory_space<hbm>> -> memref<800xf32, #tpu.memory_space<hbm>>
          %dma_wait3A_47 = tpu.memref_slice %arg2[%mul3A_27] : memref<200000xf32, #tpu.memory_space<hbm>> -> memref<800xf32, #tpu.memory_space<hbm>>
          tpu.wait_dma2 semaphore(%run_scoped3A_45 : memref<!tpu.dma_semaphore, #tpu.memory_space<semaphore_mem>>) src(%dma_wait3A_47 : memref<800xf32, #tpu.memory_space<hbm>>) dst(%arg7 : memref<800xf32, #tpu.memory_space<vmem>>)
          tpu.yield
        }) : () -> ()
        %add3A_28 = arith.constant 100000 : i32
        %add3A_29 = arith.addi %add3A_28, %mul3A_27 : i32
        "tpu.region"() ({
          %run_scoped3A_45 = tpu.sem_alloc : memref<!tpu.dma_semaphore, #tpu.memory_space<semaphore_mem>>
          %dma_start3A = tpu.memref_slice %arg2[%add3A_29] : memref<200000xf32, #tpu.memory_space<hbm>> -> memref<800xf32, #tpu.memory_space<hbm>>
          %dma_start3A_46 = tpu.memref_slice %arg2[%add3A_29] : memref<200000xf32, #tpu.memory_space<hbm>> -> memref<800xf32, #tpu.memory_space<hbm>>
          tpu.enqueue_dma source(%dma_start3A_46 : memref<800xf32, #tpu.memory_space<hbm>>) target(%arg8 : memref<800xf32, #tpu.memory_space<vmem>>) target_semaphore(%run_scoped3A_45 : memref<!tpu.dma_semaphore, #tpu.memory_space<semaphore_mem>>)
          %dma_wait3A = tpu.memref_slice %arg2[%add3A_29] : memref<200000xf32, #tpu.memory_space<hbm>> -> memref<800xf32, #tpu.memory_space<hbm>>
          %dma_wait3A_47 = tpu.memref_slice %arg2[%add3A_29] : memref<200000xf32, #tpu.memory_space<hbm>> -> memref<800xf32, #tpu.memory_space<hbm>>
          tpu.wait_dma2 semaphore(%run_scoped3A_45 : memref<!tpu.dma_semaphore, #tpu.memory_space<semaphore_mem>>) src(%dma_wait3A_47 : memref<800xf32, #tpu.memory_space<hbm>>) dst(%arg8 : memref<800xf32, #tpu.memory_space<vmem>>)
          tpu.yield
        }) : () -> ()
        %run_scoped3A = arith.constant 0 : i32
        %run_scoped3A_30 = arith.constant 0 : i32
        "tpu.region"() ({
          %run_scoped3A_45 = tpu.sem_alloc : memref<!tpu.dma_semaphore, #tpu.memory_space<semaphore_mem>>
          %dma_start3A = arith.constant 0 : i32
          %dma_start3A_46 = tpu.memref_slice %arg9[%run_scoped3A_30, %dma_start3A] : memref<5x800xf32, #tpu.memory_space<vmem>> -> memref<1x800xf32, #tpu.memory_space<vmem>>
          %dma_start3A_47 = tpu.memref_squeeze %dma_start3A_46 : memref<1x800xf32, #tpu.memory_space<vmem>> -> memref<800xf32, #tpu.memory_space<vmem>>
          %dma_start3A_48 = tpu.memref_slice %arg3[%run_scoped3A, %mul3A_27] : memref<5x100000xf32, #tpu.memory_space<hbm>> -> memref<1x800xf32, #tpu.memory_space<hbm>>
          %dma_start3A_49 = tpu.memref_squeeze %dma_start3A_48 : memref<1x800xf32, #tpu.memory_space<hbm>> -> memref<800xf32, #tpu.memory_space<hbm>>
          %dma_start3A_50 = arith.constant 0 : i32
          %dma_start3A_51 = tpu.memref_slice %arg9[%run_scoped3A_30, %dma_start3A_50] : memref<5x800xf32, #tpu.memory_space<vmem>> -> memref<1x800xf32, #tpu.memory_space<vmem>>
          %dma_start3A_52 = tpu.memref_squeeze %dma_start3A_51 : memref<1x800xf32, #tpu.memory_space<vmem>> -> memref<800xf32, #tpu.memory_space<vmem>>
          %dma_start3A_53 = tpu.memref_slice %arg3[%run_scoped3A, %mul3A_27] : memref<5x100000xf32, #tpu.memory_space<hbm>> -> memref<1x800xf32, #tpu.memory_space<hbm>>
          %dma_start3A_54 = tpu.memref_squeeze %dma_start3A_53 : memref<1x800xf32, #tpu.memory_space<hbm>> -> memref<800xf32, #tpu.memory_space<hbm>>
          tpu.enqueue_dma source(%dma_start3A_54 : memref<800xf32, #tpu.memory_space<hbm>>) target(%dma_start3A_52 : memref<800xf32, #tpu.memory_space<vmem>>) target_semaphore(%run_scoped3A_45 : memref<!tpu.dma_semaphore, #tpu.memory_space<semaphore_mem>>)
          %dma_wait3A = arith.constant 0 : i32
          %dma_wait3A_55 = tpu.memref_slice %arg9[%run_scoped3A_30, %dma_wait3A] : memref<5x800xf32, #tpu.memory_space<vmem>> -> memref<1x800xf32, #tpu.memory_space<vmem>>
          %dma_wait3A_56 = tpu.memref_squeeze %dma_wait3A_55 : memref<1x800xf32, #tpu.memory_space<vmem>> -> memref<800xf32, #tpu.memory_space<vmem>>
          %dma_wait3A_57 = tpu.memref_slice %arg3[%run_scoped3A, %mul3A_27] : memref<5x100000xf32, #tpu.memory_space<hbm>> -> memref<1x800xf32, #tpu.memory_space<hbm>>
          %dma_wait3A_58 = tpu.memref_squeeze %dma_wait3A_57 : memref<1x800xf32, #tpu.memory_space<hbm>> -> memref<800xf32, #tpu.memory_space<hbm>>
          %dma_wait3A_59 = arith.constant 0 : i32
          %dma_wait3A_60 = tpu.memref_slice %arg9[%run_scoped3A_30, %dma_wait3A_59] : memref<5x800xf32, #tpu.memory_space<vmem>> -> memref<1x800xf32, #tpu.memory_space<vmem>>
          %dma_wait3A_61 = tpu.memref_squeeze %dma_wait3A_60 : memref<1x800xf32, #tpu.memory_space<vmem>> -> memref<800xf32, #tpu.memory_space<vmem>>
          %dma_wait3A_62 = tpu.memref_slice %arg3[%run_scoped3A, %mul3A_27] : memref<5x100000xf32, #tpu.memory_space<hbm>> -> memref<1x800xf32, #tpu.memory_space<hbm>>
          %dma_wait3A_63 = tpu.memref_squeeze %dma_wait3A_62 : memref<1x800xf32, #tpu.memory_space<hbm>> -> memref<800xf32, #tpu.memory_space<hbm>>
          tpu.wait_dma2 semaphore(%run_scoped3A_45 : memref<!tpu.dma_semaphore, #tpu.memory_space<semaphore_mem>>) src(%dma_wait3A_63 : memref<800xf32, #tpu.memory_space<hbm>>) dst(%dma_wait3A_61 : memref<800xf32, #tpu.memory_space<vmem>>)
          tpu.yield
        }) : () -> ()
        %run_scoped3A_31 = arith.constant 1 : i32
        %run_scoped3A_32 = arith.constant 1 : i32
        "tpu.region"() ({
          %run_scoped3A_45 = tpu.sem_alloc : memref<!tpu.dma_semaphore, #tpu.memory_space<semaphore_mem>>
          %dma_start3A = arith.constant 0 : i32
          %dma_start3A_46 = tpu.memref_slice %arg9[%run_scoped3A_32, %dma_start3A] : memref<5x800xf32, #tpu.memory_space<vmem>> -> memref<1x800xf32, #tpu.memory_space<vmem>>
          %dma_start3A_47 = tpu.memref_squeeze %dma_start3A_46 : memref<1x800xf32, #tpu.memory_space<vmem>> -> memref<800xf32, #tpu.memory_space<vmem>>
          %dma_start3A_48 = tpu.memref_slice %arg3[%run_scoped3A_31, %mul3A_27] : memref<5x100000xf32, #tpu.memory_space<hbm>> -> memref<1x800xf32, #tpu.memory_space<hbm>>
          %dma_start3A_49 = tpu.memref_squeeze %dma_start3A_48 : memref<1x800xf32, #tpu.memory_space<hbm>> -> memref<800xf32, #tpu.memory_space<hbm>>
          %dma_start3A_50 = arith.constant 0 : i32
          %dma_start3A_51 = tpu.memref_slice %arg9[%run_scoped3A_32, %dma_start3A_50] : memref<5x800xf32, #tpu.memory_space<vmem>> -> memref<1x800xf32, #tpu.memory_space<vmem>>
          %dma_start3A_52 = tpu.memref_squeeze %dma_start3A_51 : memref<1x800xf32, #tpu.memory_space<vmem>> -> memref<800xf32, #tpu.memory_space<vmem>>
          %dma_start3A_53 = tpu.memref_slice %arg3[%run_scoped3A_31, %mul3A_27] : memref<5x100000xf32, #tpu.memory_space<hbm>> -> memref<1x800xf32, #tpu.memory_space<hbm>>
          %dma_start3A_54 = tpu.memref_squeeze %dma_start3A_53 : memref<1x800xf32, #tpu.memory_space<hbm>> -> memref<800xf32, #tpu.memory_space<hbm>>
          tpu.enqueue_dma source(%dma_start3A_54 : memref<800xf32, #tpu.memory_space<hbm>>) target(%dma_start3A_52 : memref<800xf32, #tpu.memory_space<vmem>>) target_semaphore(%run_scoped3A_45 : memref<!tpu.dma_semaphore, #tpu.memory_space<semaphore_mem>>)
          %dma_wait3A = arith.constant 0 : i32
          %dma_wait3A_55 = tpu.memref_slice %arg9[%run_scoped3A_32, %dma_wait3A] : memref<5x800xf32, #tpu.memory_space<vmem>> -> memref<1x800xf32, #tpu.memory_space<vmem>>
          %dma_wait3A_56 = tpu.memref_squeeze %dma_wait3A_55 : memref<1x800xf32, #tpu.memory_space<vmem>> -> memref<800xf32, #tpu.memory_space<vmem>>
          %dma_wait3A_57 = tpu.memref_slice %arg3[%run_scoped3A_31, %mul3A_27] : memref<5x100000xf32, #tpu.memory_space<hbm>> -> memref<1x800xf32, #tpu.memory_space<hbm>>
          %dma_wait3A_58 = tpu.memref_squeeze %dma_wait3A_57 : memref<1x800xf32, #tpu.memory_space<hbm>> -> memref<800xf32, #tpu.memory_space<hbm>>
          %dma_wait3A_59 = arith.constant 0 : i32
          %dma_wait3A_60 = tpu.memref_slice %arg9[%run_scoped3A_32, %dma_wait3A_59] : memref<5x800xf32, #tpu.memory_space<vmem>> -> memref<1x800xf32, #tpu.memory_space<vmem>>
          %dma_wait3A_61 = tpu.memref_squeeze %dma_wait3A_60 : memref<1x800xf32, #tpu.memory_space<vmem>> -> memref<800xf32, #tpu.memory_space<vmem>>
          %dma_wait3A_62 = tpu.memref_slice %arg3[%run_scoped3A_31, %mul3A_27] : memref<5x100000xf32, #tpu.memory_space<hbm>> -> memref<1x800xf32, #tpu.memory_space<hbm>>
          %dma_wait3A_63 = tpu.memref_squeeze %dma_wait3A_62 : memref<1x800xf32, #tpu.memory_space<hbm>> -> memref<800xf32, #tpu.memory_space<hbm>>
          tpu.wait_dma2 semaphore(%run_scoped3A_45 : memref<!tpu.dma_semaphore, #tpu.memory_space<semaphore_mem>>) src(%dma_wait3A_63 : memref<800xf32, #tpu.memory_space<hbm>>) dst(%dma_wait3A_61 : memref<800xf32, #tpu.memory_space<vmem>>)
          tpu.yield
        }) : () -> ()
        %run_scoped3A_33 = arith.constant 2 : i32
        %run_scoped3A_34 = arith.constant 2 : i32
        "tpu.region"() ({
          %run_scoped3A_45 = tpu.sem_alloc : memref<!tpu.dma_semaphore, #tpu.memory_space<semaphore_mem>>
          %dma_start3A = arith.constant 0 : i32
          %dma_start3A_46 = tpu.memref_slice %arg9[%run_scoped3A_34, %dma_start3A] : memref<5x800xf32, #tpu.memory_space<vmem>> -> memref<1x800xf32, #tpu.memory_space<vmem>>
          %dma_start3A_47 = tpu.memref_squeeze %dma_start3A_46 : memref<1x800xf32, #tpu.memory_space<vmem>> -> memref<800xf32, #tpu.memory_space<vmem>>
          %dma_start3A_48 = tpu.memref_slice %arg3[%run_scoped3A_33, %mul3A_27] : memref<5x100000xf32, #tpu.memory_space<hbm>> -> memref<1x800xf32, #tpu.memory_space<hbm>>
          %dma_start3A_49 = tpu.memref_squeeze %dma_start3A_48 : memref<1x800xf32, #tpu.memory_space<hbm>> -> memref<800xf32, #tpu.memory_space<hbm>>
          %dma_start3A_50 = arith.constant 0 : i32
          %dma_start3A_51 = tpu.memref_slice %arg9[%run_scoped3A_34, %dma_start3A_50] : memref<5x800xf32, #tpu.memory_space<vmem>> -> memref<1x800xf32, #tpu.memory_space<vmem>>
          %dma_start3A_52 = tpu.memref_squeeze %dma_start3A_51 : memref<1x800xf32, #tpu.memory_space<vmem>> -> memref<800xf32, #tpu.memory_space<vmem>>
          %dma_start3A_53 = tpu.memref_slice %arg3[%run_scoped3A_33, %mul3A_27] : memref<5x100000xf32, #tpu.memory_space<hbm>> -> memref<1x800xf32, #tpu.memory_space<hbm>>
          %dma_start3A_54 = tpu.memref_squeeze %dma_start3A_53 : memref<1x800xf32, #tpu.memory_space<hbm>> -> memref<800xf32, #tpu.memory_space<hbm>>
          tpu.enqueue_dma source(%dma_start3A_54 : memref<800xf32, #tpu.memory_space<hbm>>) target(%dma_start3A_52 : memref<800xf32, #tpu.memory_space<vmem>>) target_semaphore(%run_scoped3A_45 : memref<!tpu.dma_semaphore, #tpu.memory_space<semaphore_mem>>)
          %dma_wait3A = arith.constant 0 : i32
          %dma_wait3A_55 = tpu.memref_slice %arg9[%run_scoped3A_34, %dma_wait3A] : memref<5x800xf32, #tpu.memory_space<vmem>> -> memref<1x800xf32, #tpu.memory_space<vmem>>
          %dma_wait3A_56 = tpu.memref_squeeze %dma_wait3A_55 : memref<1x800xf32, #tpu.memory_space<vmem>> -> memref<800xf32, #tpu.memory_space<vmem>>
          %dma_wait3A_57 = tpu.memref_slice %arg3[%run_scoped3A_33, %mul3A_27] : memref<5x100000xf32, #tpu.memory_space<hbm>> -> memref<1x800xf32, #tpu.memory_space<hbm>>
          %dma_wait3A_58 = tpu.memref_squeeze %dma_wait3A_57 : memref<1x800xf32, #tpu.memory_space<hbm>> -> memref<800xf32, #tpu.memory_space<hbm>>
          %dma_wait3A_59 = arith.constant 0 : i32
          %dma_wait3A_60 = tpu.memref_slice %arg9[%run_scoped3A_34, %dma_wait3A_59] : memref<5x800xf32, #tpu.memory_space<vmem>> -> memref<1x800xf32, #tpu.memory_space<vmem>>
          %dma_wait3A_61 = tpu.memref_squeeze %dma_wait3A_60 : memref<1x800xf32, #tpu.memory_space<vmem>> -> memref<800xf32, #tpu.memory_space<vmem>>
          %dma_wait3A_62 = tpu.memref_slice %arg3[%run_scoped3A_33, %mul3A_27] : memref<5x100000xf32, #tpu.memory_space<hbm>> -> memref<1x800xf32, #tpu.memory_space<hbm>>
          %dma_wait3A_63 = tpu.memref_squeeze %dma_wait3A_62 : memref<1x800xf32, #tpu.memory_space<hbm>> -> memref<800xf32, #tpu.memory_space<hbm>>
          tpu.wait_dma2 semaphore(%run_scoped3A_45 : memref<!tpu.dma_semaphore, #tpu.memory_space<semaphore_mem>>) src(%dma_wait3A_63 : memref<800xf32, #tpu.memory_space<hbm>>) dst(%dma_wait3A_61 : memref<800xf32, #tpu.memory_space<vmem>>)
          tpu.yield
        }) : () -> ()
        %run_scoped3A_35 = arith.constant 3 : i32
        %run_scoped3A_36 = arith.constant 3 : i32
        "tpu.region"() ({
          %run_scoped3A_45 = tpu.sem_alloc : memref<!tpu.dma_semaphore, #tpu.memory_space<semaphore_mem>>
          %dma_start3A = arith.constant 0 : i32
          %dma_start3A_46 = tpu.memref_slice %arg9[%run_scoped3A_36, %dma_start3A] : memref<5x800xf32, #tpu.memory_space<vmem>> -> memref<1x800xf32, #tpu.memory_space<vmem>>
          %dma_start3A_47 = tpu.memref_squeeze %dma_start3A_46 : memref<1x800xf32, #tpu.memory_space<vmem>> -> memref<800xf32, #tpu.memory_space<vmem>>
          %dma_start3A_48 = tpu.memref_slice %arg3[%run_scoped3A_35, %mul3A_27] : memref<5x100000xf32, #tpu.memory_space<hbm>> -> memref<1x800xf32, #tpu.memory_space<hbm>>
          %dma_start3A_49 = tpu.memref_squeeze %dma_start3A_48 : memref<1x800xf32, #tpu.memory_space<hbm>> -> memref<800xf32, #tpu.memory_space<hbm>>
          %dma_start3A_50 = arith.constant 0 : i32
          %dma_start3A_51 = tpu.memref_slice %arg9[%run_scoped3A_36, %dma_start3A_50] : memref<5x800xf32, #tpu.memory_space<vmem>> -> memref<1x800xf32, #tpu.memory_space<vmem>>
          %dma_start3A_52 = tpu.memref_squeeze %dma_start3A_51 : memref<1x800xf32, #tpu.memory_space<vmem>> -> memref<800xf32, #tpu.memory_space<vmem>>
          %dma_start3A_53 = tpu.memref_slice %arg3[%run_scoped3A_35, %mul3A_27] : memref<5x100000xf32, #tpu.memory_space<hbm>> -> memref<1x800xf32, #tpu.memory_space<hbm>>
          %dma_start3A_54 = tpu.memref_squeeze %dma_start3A_53 : memref<1x800xf32, #tpu.memory_space<hbm>> -> memref<800xf32, #tpu.memory_space<hbm>>
          tpu.enqueue_dma source(%dma_start3A_54 : memref<800xf32, #tpu.memory_space<hbm>>) target(%dma_start3A_52 : memref<800xf32, #tpu.memory_space<vmem>>) target_semaphore(%run_scoped3A_45 : memref<!tpu.dma_semaphore, #tpu.memory_space<semaphore_mem>>)
          %dma_wait3A = arith.constant 0 : i32
          %dma_wait3A_55 = tpu.memref_slice %arg9[%run_scoped3A_36, %dma_wait3A] : memref<5x800xf32, #tpu.memory_space<vmem>> -> memref<1x800xf32, #tpu.memory_space<vmem>>
          %dma_wait3A_56 = tpu.memref_squeeze %dma_wait3A_55 : memref<1x800xf32, #tpu.memory_space<vmem>> -> memref<800xf32, #tpu.memory_space<vmem>>
          %dma_wait3A_57 = tpu.memref_slice %arg3[%run_scoped3A_35, %mul3A_27] : memref<5x100000xf32, #tpu.memory_space<hbm>> -> memref<1x800xf32, #tpu.memory_space<hbm>>
          %dma_wait3A_58 = tpu.memref_squeeze %dma_wait3A_57 : memref<1x800xf32, #tpu.memory_space<hbm>> -> memref<800xf32, #tpu.memory_space<hbm>>
          %dma_wait3A_59 = arith.constant 0 : i32
          %dma_wait3A_60 = tpu.memref_slice %arg9[%run_scoped3A_36, %dma_wait3A_59] : memref<5x800xf32, #tpu.memory_space<vmem>> -> memref<1x800xf32, #tpu.memory_space<vmem>>
          %dma_wait3A_61 = tpu.memref_squeeze %dma_wait3A_60 : memref<1x800xf32, #tpu.memory_space<vmem>> -> memref<800xf32, #tpu.memory_space<vmem>>
          %dma_wait3A_62 = tpu.memref_slice %arg3[%run_scoped3A_35, %mul3A_27] : memref<5x100000xf32, #tpu.memory_space<hbm>> -> memref<1x800xf32, #tpu.memory_space<hbm>>
          %dma_wait3A_63 = tpu.memref_squeeze %dma_wait3A_62 : memref<1x800xf32, #tpu.memory_space<hbm>> -> memref<800xf32, #tpu.memory_space<hbm>>
          tpu.wait_dma2 semaphore(%run_scoped3A_45 : memref<!tpu.dma_semaphore, #tpu.memory_space<semaphore_mem>>) src(%dma_wait3A_63 : memref<800xf32, #tpu.memory_space<hbm>>) dst(%dma_wait3A_61 : memref<800xf32, #tpu.memory_space<vmem>>)
          tpu.yield
        }) : () -> ()
        %run_scoped3A_37 = arith.constant 4 : i32
        %run_scoped3A_38 = arith.constant 4 : i32
        "tpu.region"() ({
          %run_scoped3A_45 = tpu.sem_alloc : memref<!tpu.dma_semaphore, #tpu.memory_space<semaphore_mem>>
          %dma_start3A = arith.constant 0 : i32
          %dma_start3A_46 = tpu.memref_slice %arg9[%run_scoped3A_38, %dma_start3A] : memref<5x800xf32, #tpu.memory_space<vmem>> -> memref<1x800xf32, #tpu.memory_space<vmem>>
          %dma_start3A_47 = tpu.memref_squeeze %dma_start3A_46 : memref<1x800xf32, #tpu.memory_space<vmem>> -> memref<800xf32, #tpu.memory_space<vmem>>
          %dma_start3A_48 = tpu.memref_slice %arg3[%run_scoped3A_37, %mul3A_27] : memref<5x100000xf32, #tpu.memory_space<hbm>> -> memref<1x800xf32, #tpu.memory_space<hbm>>
          %dma_start3A_49 = tpu.memref_squeeze %dma_start3A_48 : memref<1x800xf32, #tpu.memory_space<hbm>> -> memref<800xf32, #tpu.memory_space<hbm>>
          %dma_start3A_50 = arith.constant 0 : i32
          %dma_start3A_51 = tpu.memref_slice %arg9[%run_scoped3A_38, %dma_start3A_50] : memref<5x800xf32, #tpu.memory_space<vmem>> -> memref<1x800xf32, #tpu.memory_space<vmem>>
          %dma_start3A_52 = tpu.memref_squeeze %dma_start3A_51 : memref<1x800xf32, #tpu.memory_space<vmem>> -> memref<800xf32, #tpu.memory_space<vmem>>
          %dma_start3A_53 = tpu.memref_slice %arg3[%run_scoped3A_37, %mul3A_27] : memref<5x100000xf32, #tpu.memory_space<hbm>> -> memref<1x800xf32, #tpu.memory_space<hbm>>
          %dma_start3A_54 = tpu.memref_squeeze %dma_start3A_53 : memref<1x800xf32, #tpu.memory_space<hbm>> -> memref<800xf32, #tpu.memory_space<hbm>>
          tpu.enqueue_dma source(%dma_start3A_54 : memref<800xf32, #tpu.memory_space<hbm>>) target(%dma_start3A_52 : memref<800xf32, #tpu.memory_space<vmem>>) target_semaphore(%run_scoped3A_45 : memref<!tpu.dma_semaphore, #tpu.memory_space<semaphore_mem>>)
          %dma_wait3A = arith.constant 0 : i32
          %dma_wait3A_55 = tpu.memref_slice %arg9[%run_scoped3A_38, %dma_wait3A] : memref<5x800xf32, #tpu.memory_space<vmem>> -> memref<1x800xf32, #tpu.memory_space<vmem>>
          %dma_wait3A_56 = tpu.memref_squeeze %dma_wait3A_55 : memref<1x800xf32, #tpu.memory_space<vmem>> -> memref<800xf32, #tpu.memory_space<vmem>>
          %dma_wait3A_57 = tpu.memref_slice %arg3[%run_scoped3A_37, %mul3A_27] : memref<5x100000xf32, #tpu.memory_space<hbm>> -> memref<1x800xf32, #tpu.memory_space<hbm>>
          %dma_wait3A_58 = tpu.memref_squeeze %dma_wait3A_57 : memref<1x800xf32, #tpu.memory_space<hbm>> -> memref<800xf32, #tpu.memory_space<hbm>>
          %dma_wait3A_59 = arith.constant 0 : i32
          %dma_wait3A_60 = tpu.memref_slice %arg9[%run_scoped3A_38, %dma_wait3A_59] : memref<5x800xf32, #tpu.memory_space<vmem>> -> memref<1x800xf32, #tpu.memory_space<vmem>>
          %dma_wait3A_61 = tpu.memref_squeeze %dma_wait3A_60 : memref<1x800xf32, #tpu.memory_space<vmem>> -> memref<800xf32, #tpu.memory_space<vmem>>
          %dma_wait3A_62 = tpu.memref_slice %arg3[%run_scoped3A_37, %mul3A_27] : memref<5x100000xf32, #tpu.memory_space<hbm>> -> memref<1x800xf32, #tpu.memory_space<hbm>>
          %dma_wait3A_63 = tpu.memref_squeeze %dma_wait3A_62 : memref<1x800xf32, #tpu.memory_space<hbm>> -> memref<800xf32, #tpu.memory_space<hbm>>
          tpu.wait_dma2 semaphore(%run_scoped3A_45 : memref<!tpu.dma_semaphore, #tpu.memory_space<semaphore_mem>>) src(%dma_wait3A_63 : memref<800xf32, #tpu.memory_space<hbm>>) dst(%dma_wait3A_61 : memref<800xf32, #tpu.memory_space<vmem>>)
          tpu.yield
        }) : () -> ()
        %scan3A_39 = arith.constant 0 : i32
        %scan3A_40 = arith.constant 0 : i32
        %scan3A_41 = arith.constant 50 : i32
        %scan3A_42 = arith.addi %scan3A_40, %scan3A_41 : i32
        %scan3A_43 = arith.constant 1 : i32
        scf.for %scan3A_45 = %scan3A_40 to %scan3A_42 step %scan3A_43  : i32 {
          %mul3A_46 = arith.constant 16 : i32
          %mul3A_47 = arith.muli %scan3A_45, %mul3A_46 : i32
          %get3A_48 = arith.index_cast %mul3A_47 : i32 to index
          %get3A_49 = tpu.vector_load %arg7[%get3A_48] {strides = array<i32>} : memref<800xf32, #tpu.memory_space<vmem>>, vector<16xf32>,
          %get3A_50 = vector.shape_cast %get3A_49 : vector<16xf32> to vector<16xf32>
          %get3A_51 = arith.index_cast %mul3A_47 : i32 to index
          %get3A_52 = tpu.vector_load %arg8[%get3A_51] {strides = array<i32>} : memref<800xf32, #tpu.memory_space<vmem>>, vector<16xf32>,
          %get3A_53 = vector.shape_cast %get3A_52 : vector<16xf32> to vector<16xf32>
          %add3A_54 = arith.addf %get3A_50, %get3A_53 : vector<16xf32>
          %add3A_55 = arith.constant 1.000000e+00 : f32
          %add3A_56 = vector.broadcast %add3A_55 : f32 to vector<16xf32>
          %add3A_57 = arith.addf %add3A_54, %add3A_56 : vector<16xf32>
          %bitcast_convert_type3A = tpu.bitcast %add3A_57 : vector<16xf32> -> vector<16xi32>
          %broadcast_in_dim3A = arith.constant 1597463007 : i32
          %broadcast_in_dim3A_58 = vector.broadcast %broadcast_in_dim3A : i32 to vector<16xi32>
          %shift_right_arithmetic3A = arith.constant 1 : i32
          %shift_right_arithmetic3A_59 = vector.broadcast %shift_right_arithmetic3A : i32 to vector<16xi32>
          %shift_right_arithmetic3A_60 = arith.shrsi %bitcast_convert_type3A, %shift_right_arithmetic3A_59 : vector<16xi32>
          %sub3A = arith.subi %broadcast_in_dim3A_58, %shift_right_arithmetic3A_60 : vector<16xi32>
          %bitcast_convert_type3A_61 = tpu.bitcast %sub3A : vector<16xi32> -> vector<16xf32>
          %mul3A_62 = arith.constant 5.000000e-01 : f32
          %mul3A_63 = vector.broadcast %mul3A_62 : f32 to vector<16xf32>
          %mul3A_64 = arith.mulf %mul3A_63, %add3A_57 : vector<16xf32>
          %mul3A_65 = arith.mulf %mul3A_64, %bitcast_convert_type3A_61 : vector<16xf32>
          %mul3A_66 = arith.mulf %mul3A_65, %bitcast_convert_type3A_61 : vector<16xf32>
          %sub3A_67 = arith.constant 1.500000e+00 : f32
          %sub3A_68 = vector.broadcast %sub3A_67 : f32 to vector<16xf32>
          %sub3A_69 = arith.subf %sub3A_68, %mul3A_66 : vector<16xf32>
          %mul3A_70 = arith.mulf %bitcast_convert_type3A_61, %sub3A_69 : vector<16xf32>
          %mul3A_71 = arith.constant 5.000000e-01 : f32
          %mul3A_72 = vector.broadcast %mul3A_71 : f32 to vector<16xf32>
          %mul3A_73 = arith.mulf %mul3A_72, %add3A_57 : vector<16xf32>
          %mul3A_74 = arith.mulf %mul3A_73, %mul3A_70 : vector<16xf32>
          %mul3A_75 = arith.mulf %mul3A_74, %mul3A_70 : vector<16xf32>
          %sub3A_76 = arith.constant 1.500000e+00 : f32
          %sub3A_77 = vector.broadcast %sub3A_76 : f32 to vector<16xf32>
          %sub3A_78 = arith.subf %sub3A_77, %mul3A_75 : vector<16xf32>
          %mul3A_79 = arith.mulf %mul3A_70, %sub3A_78 : vector<16xf32>
          %mul3A_80 = arith.constant 5.000000e-01 : f32
          %mul3A_81 = vector.broadcast %mul3A_80 : f32 to vector<16xf32>
          %mul3A_82 = arith.mulf %mul3A_81, %add3A_57 : vector<16xf32>
          %mul3A_83 = arith.mulf %mul3A_82, %mul3A_79 : vector<16xf32>
          %mul3A_84 = arith.mulf %mul3A_83, %mul3A_79 : vector<16xf32>
          %sub3A_85 = arith.constant 1.500000e+00 : f32
          %sub3A_86 = vector.broadcast %sub3A_85 : f32 to vector<16xf32>
          %sub3A_87 = arith.subf %sub3A_86, %mul3A_84 : vector<16xf32>
          %mul3A_88 = arith.mulf %mul3A_79, %sub3A_87 : vector<16xf32>
          %swap3A = arith.index_cast %mul3A_47 : i32 to index
          %swap3A_89 = tpu.vector_load %arg11[%swap3A] {strides = array<i32>} : memref<800xf32, #tpu.memory_space<vmem>>, vector<16xf32>,
          %swap3A_90 = vector.shape_cast %swap3A_89 : vector<16xf32> to vector<16xf32>
          %swap3A_91 = vector.shape_cast %mul3A_88 : vector<16xf32> to vector<16xf32>
          tpu.vector_store %arg11[%swap3A], %swap3A_91 {strides = array<i32>} : memref<800xf32, #tpu.memory_space<vmem>>, vector<16xf32>,
          %get3A_92 = arith.constant 0 : i32
          %get3A_93 = arith.index_cast %get3A_92 : i32 to index
          %get3A_94 = arith.index_cast %mul3A_47 : i32 to index
          %get3A_95 = tpu.vector_load %arg9[%get3A_93, %get3A_94] {strides = array<i32>} : memref<5x800xf32, #tpu.memory_space<vmem>>, vector<1x16xf32>,
          %get3A_96 = vector.shape_cast %get3A_95 : vector<1x16xf32> to vector<16xf32>
          %get3A_97 = arith.constant 1 : i32
          %get3A_98 = arith.index_cast %get3A_97 : i32 to index
          %get3A_99 = arith.index_cast %mul3A_47 : i32 to index
          %get3A_100 = tpu.vector_load %arg9[%get3A_98, %get3A_99] {strides = array<i32>} : memref<5x800xf32, #tpu.memory_space<vmem>>, vector<1x16xf32>,
          %get3A_101 = vector.shape_cast %get3A_100 : vector<1x16xf32> to vector<16xf32>
          %get3A_102 = arith.constant 2 : i32
          %get3A_103 = arith.index_cast %get3A_102 : i32 to index
          %get3A_104 = arith.index_cast %mul3A_47 : i32 to index
          %get3A_105 = tpu.vector_load %arg9[%get3A_103, %get3A_104] {strides = array<i32>} : memref<5x800xf32, #tpu.memory_space<vmem>>, vector<1x16xf32>,
          %get3A_106 = vector.shape_cast %get3A_105 : vector<1x16xf32> to vector<16xf32>
          %get3A_107 = arith.constant 3 : i32
          %get3A_108 = arith.index_cast %get3A_107 : i32 to index
          %get3A_109 = arith.index_cast %mul3A_47 : i32 to index
          %get3A_110 = tpu.vector_load %arg9[%get3A_108, %get3A_109] {strides = array<i32>} : memref<5x800xf32, #tpu.memory_space<vmem>>, vector<1x16xf32>,
          %get3A_111 = vector.shape_cast %get3A_110 : vector<1x16xf32> to vector<16xf32>
          %get3A_112 = arith.constant 4 : i32
          %get3A_113 = arith.index_cast %get3A_112 : i32 to index
          %get3A_114 = arith.index_cast %mul3A_47 : i32 to index
          %get3A_115 = tpu.vector_load %arg9[%get3A_113, %get3A_114] {strides = array<i32>} : memref<5x800xf32, #tpu.memory_space<vmem>>, vector<1x16xf32>,
          %get3A_116 = vector.shape_cast %get3A_115 : vector<1x16xf32> to vector<16xf32>
          %slice3A = vector.extract_strided_slice %get3A_96 {offsets = [0], sizes = [1], strides = [1]} : vector<16xf32> to vector<1xf32>
          %squeeze3A = vector.extract %slice3A[0] : f32 from vector<1xf32>
          %mul3A_117 = vector.broadcast %squeeze3A : f32 to vector<16xf32>
          %mul3A_118 = arith.mulf %mul3A_117, %get3A_2 : vector<16xf32>
          %slice3A_119 = vector.extract_strided_slice %get3A_101 {offsets = [0], sizes = [1], strides = [1]} : vector<16xf32> to vector<1xf32>
          %squeeze3A_120 = vector.extract %slice3A_119[0] : f32 from vector<1xf32>
          %mul3A_121 = vector.broadcast %squeeze3A_120 : f32 to vector<16xf32>
          %mul3A_122 = arith.mulf %mul3A_121, %get3A_5 : vector<16xf32>
          %add3A_123 = arith.addf %mul3A_118, %mul3A_122 : vector<16xf32>
          %slice3A_124 = vector.extract_strided_slice %get3A_106 {offsets = [0], sizes = [1], strides = [1]} : vector<16xf32> to vector<1xf32>
          %squeeze3A_125 = vector.extract %slice3A_124[0] : f32 from vector<1xf32>
          %mul3A_126 = vector.broadcast %squeeze3A_125 : f32 to vector<16xf32>
          %mul3A_127 = arith.mulf %mul3A_126, %get3A_8 : vector<16xf32>
          %add3A_128 = arith.addf %add3A_123, %mul3A_127 : vector<16xf32>
          %slice3A_129 = vector.extract_strided_slice %get3A_111 {offsets = [0], sizes = [1], strides = [1]} : vector<16xf32> to vector<1xf32>
          %squeeze3A_130 = vector.extract %slice3A_129[0] : f32 from vector<1xf32>
          %mul3A_131 = vector.broadcast %squeeze3A_130 : f32 to vector<16xf32>
          %mul3A_132 = arith.mulf %mul3A_131, %get3A_11 : vector<16xf32>
          %add3A_133 = arith.addf %add3A_128, %mul3A_132 : vector<16xf32>
          %slice3A_134 = vector.extract_strided_slice %get3A_116 {offsets = [0], sizes = [1], strides = [1]} : vector<16xf32> to vector<1xf32>
          %squeeze3A_135 = vector.extract %slice3A_134[0] : f32 from vector<1xf32>
          %mul3A_136 = vector.broadcast %squeeze3A_135 : f32 to vector<16xf32>
          %mul3A_137 = arith.mulf %mul3A_136, %get3A_14 : vector<16xf32>
          %add3A_138 = arith.addf %add3A_133, %mul3A_137 : vector<16xf32>
          %slice3A_139 = vector.extract_strided_slice %mul3A_88 {offsets = [0], sizes = [1], strides = [1]} : vector<16xf32> to vector<1xf32>
          %squeeze3A_140 = vector.extract %slice3A_139[0] : f32 from vector<1xf32>
          %mul3A_141 = vector.broadcast %squeeze3A_140 : f32 to vector<16xf32>
          %mul3A_142 = arith.mulf %add3A_138, %mul3A_141 : vector<16xf32>
          %mul3A_143 = arith.constant 16 : i32
          %mul3A_144 = arith.muli %scan3A_45, %mul3A_143 : i32
          %add3A_145 = arith.constant 0 : i32
          %add3A_146 = arith.addi %mul3A_144, %add3A_145 : i32
          %swap3A_147 = arith.index_cast %add3A_146 : i32 to index
          %swap3A_148 = arith.constant 0 : index
          %swap3A_149 = tpu.vector_load %arg10[%swap3A_147, %swap3A_148] {strides = array<i32>} : memref<800x16xf32, #tpu.memory_space<vmem>>, vector<1x16xf32>,
          %swap3A_150 = vector.shape_cast %swap3A_149 : vector<1x16xf32> to vector<16xf32>
          %swap3A_151 = vector.shape_cast %mul3A_142 : vector<16xf32> to vector<1x16xf32>
          tpu.vector_store %arg10[%swap3A_147, %swap3A_148], %swap3A_151 {strides = array<i32>} : memref<800x16xf32, #tpu.memory_space<vmem>>, vector<1x16xf32>,
          %slice3A_152 = vector.extract_strided_slice %get3A_96 {offsets = [1], sizes = [1], strides = [1]} : vector<16xf32> to vector<1xf32>
          %squeeze3A_153 = vector.extract %slice3A_152[0] : f32 from vector<1xf32>
          %mul3A_154 = vector.broadcast %squeeze3A_153 : f32 to vector<16xf32>
          %mul3A_155 = arith.mulf %mul3A_154, %get3A_2 : vector<16xf32>
          %slice3A_156 = vector.extract_strided_slice %get3A_101 {offsets = [1], sizes = [1], strides = [1]} : vector<16xf32> to vector<1xf32>
          %squeeze3A_157 = vector.extract %slice3A_156[0] : f32 from vector<1xf32>
          %mul3A_158 = vector.broadcast %squeeze3A_157 : f32 to vector<16xf32>
          %mul3A_159 = arith.mulf %mul3A_158, %get3A_5 : vector<16xf32>
          %add3A_160 = arith.addf %mul3A_155, %mul3A_159 : vector<16xf32>
          %slice3A_161 = vector.extract_strided_slice %get3A_106 {offsets = [1], sizes = [1], strides = [1]} : vector<16xf32> to vector<1xf32>
          %squeeze3A_162 = vector.extract %slice3A_161[0] : f32 from vector<1xf32>
          %mul3A_163 = vector.broadcast %squeeze3A_162 : f32 to vector<16xf32>
          %mul3A_164 = arith.mulf %mul3A_163, %get3A_8 : vector<16xf32>
          %add3A_165 = arith.addf %add3A_160, %mul3A_164 : vector<16xf32>
          %slice3A_166 = vector.extract_strided_slice %get3A_111 {offsets = [1], sizes = [1], strides = [1]} : vector<16xf32> to vector<1xf32>
          %squeeze3A_167 = vector.extract %slice3A_166[0] : f32 from vector<1xf32>
          %mul3A_168 = vector.broadcast %squeeze3A_167 : f32 to vector<16xf32>
          %mul3A_169 = arith.mulf %mul3A_168, %get3A_11 : vector<16xf32>
          %add3A_170 = arith.addf %add3A_165, %mul3A_169 : vector<16xf32>
          %slice3A_171 = vector.extract_strided_slice %get3A_116 {offsets = [1], sizes = [1], strides = [1]} : vector<16xf32> to vector<1xf32>
          %squeeze3A_172 = vector.extract %slice3A_171[0] : f32 from vector<1xf32>
          %mul3A_173 = vector.broadcast %squeeze3A_172 : f32 to vector<16xf32>
          %mul3A_174 = arith.mulf %mul3A_173, %get3A_14 : vector<16xf32>
          %add3A_175 = arith.addf %add3A_170, %mul3A_174 : vector<16xf32>
          %slice3A_176 = vector.extract_strided_slice %mul3A_88 {offsets = [1], sizes = [1], strides = [1]} : vector<16xf32> to vector<1xf32>
          %squeeze3A_177 = vector.extract %slice3A_176[0] : f32 from vector<1xf32>
          %mul3A_178 = vector.broadcast %squeeze3A_177 : f32 to vector<16xf32>
          %mul3A_179 = arith.mulf %add3A_175, %mul3A_178 : vector<16xf32>
          %mul3A_180 = arith.constant 16 : i32
          %mul3A_181 = arith.muli %scan3A_45, %mul3A_180 : i32
          %add3A_182 = arith.constant 1 : i32
          %add3A_183 = arith.addi %mul3A_181, %add3A_182 : i32
          %swap3A_184 = arith.index_cast %add3A_183 : i32 to index
          %swap3A_185 = arith.constant 0 : index
          %swap3A_186 = tpu.vector_load %arg10[%swap3A_184, %swap3A_185] {strides = array<i32>} : memref<800x16xf32, #tpu.memory_space<vmem>>, vector<1x16xf32>,
          %swap3A_187 = vector.shape_cast %swap3A_186 : vector<1x16xf32> to vector<16xf32>
          %swap3A_188 = vector.shape_cast %mul3A_179 : vector<16xf32> to vector<1x16xf32>
          tpu.vector_store %arg10[%swap3A_184, %swap3A_185], %swap3A_188 {strides = array<i32>} : memref<800x16xf32, #tpu.memory_space<vmem>>, vector<1x16xf32>,
          %slice3A_189 = vector.extract_strided_slice %get3A_96 {offsets = [2], sizes = [1], strides = [1]} : vector<16xf32> to vector<1xf32>
          %squeeze3A_190 = vector.extract %slice3A_189[0] : f32 from vector<1xf32>
          %mul3A_191 = vector.broadcast %squeeze3A_190 : f32 to vector<16xf32>
          %mul3A_192 = arith.mulf %mul3A_191, %get3A_2 : vector<16xf32>
          %slice3A_193 = vector.extract_strided_slice %get3A_101 {offsets = [2], sizes = [1], strides = [1]} : vector<16xf32> to vector<1xf32>
          %squeeze3A_194 = vector.extract %slice3A_193[0] : f32 from vector<1xf32>
          %mul3A_195 = vector.broadcast %squeeze3A_194 : f32 to vector<16xf32>
          %mul3A_196 = arith.mulf %mul3A_195, %get3A_5 : vector<16xf32>
          %add3A_197 = arith.addf %mul3A_192, %mul3A_196 : vector<16xf32>
          %slice3A_198 = vector.extract_strided_slice %get3A_106 {offsets = [2], sizes = [1], strides = [1]} : vector<16xf32> to vector<1xf32>
          %squeeze3A_199 = vector.extract %slice3A_198[0] : f32 from vector<1xf32>
          %mul3A_200 = vector.broadcast %squeeze3A_199 : f32 to vector<16xf32>
          %mul3A_201 = arith.mulf %mul3A_200, %get3A_8 : vector<16xf32>
          %add3A_202 = arith.addf %add3A_197, %mul3A_201 : vector<16xf32>
          %slice3A_203 = vector.extract_strided_slice %get3A_111 {offsets = [2], sizes = [1], strides = [1]} : vector<16xf32> to vector<1xf32>
          %squeeze3A_204 = vector.extract %slice3A_203[0] : f32 from vector<1xf32>
          %mul3A_205 = vector.broadcast %squeeze3A_204 : f32 to vector<16xf32>
          %mul3A_206 = arith.mulf %mul3A_205, %get3A_11 : vector<16xf32>
          %add3A_207 = arith.addf %add3A_202, %mul3A_206 : vector<16xf32>
          %slice3A_208 = vector.extract_strided_slice %get3A_116 {offsets = [2], sizes = [1], strides = [1]} : vector<16xf32> to vector<1xf32>
          %squeeze3A_209 = vector.extract %slice3A_208[0] : f32 from vector<1xf32>
          %mul3A_210 = vector.broadcast %squeeze3A_209 : f32 to vector<16xf32>
          %mul3A_211 = arith.mulf %mul3A_210, %get3A_14 : vector<16xf32>
          %add3A_212 = arith.addf %add3A_207, %mul3A_211 : vector<16xf32>
          %slice3A_213 = vector.extract_strided_slice %mul3A_88 {offsets = [2], sizes = [1], strides = [1]} : vector<16xf32> to vector<1xf32>
          %squeeze3A_214 = vector.extract %slice3A_213[0] : f32 from vector<1xf32>
          %mul3A_215 = vector.broadcast %squeeze3A_214 : f32 to vector<16xf32>
          %mul3A_216 = arith.mulf %add3A_212, %mul3A_215 : vector<16xf32>
          %mul3A_217 = arith.constant 16 : i32
          %mul3A_218 = arith.muli %scan3A_45, %mul3A_217 : i32
          %add3A_219 = arith.constant 2 : i32
          %add3A_220 = arith.addi %mul3A_218, %add3A_219 : i32
          %swap3A_221 = arith.index_cast %add3A_220 : i32 to index
          %swap3A_222 = arith.constant 0 : index
          %swap3A_223 = tpu.vector_load %arg10[%swap3A_221, %swap3A_222] {strides = array<i32>} : memref<800x16xf32, #tpu.memory_space<vmem>>, vector<1x16xf32>,
          %swap3A_224 = vector.shape_cast %swap3A_223 : vector<1x16xf32> to vector<16xf32>
          %swap3A_225 = vector.shape_cast %mul3A_216 : vector<16xf32> to vector<1x16xf32>
          tpu.vector_store %arg10[%swap3A_221, %swap3A_222], %swap3A_225 {strides = array<i32>} : memref<800x16xf32, #tpu.memory_space<vmem>>, vector<1x16xf32>,
          %slice3A_226 = vector.extract_strided_slice %get3A_96 {offsets = [3], sizes = [1], strides = [1]} : vector<16xf32> to vector<1xf32>
          %squeeze3A_227 = vector.extract %slice3A_226[0] : f32 from vector<1xf32>
          %mul3A_228 = vector.broadcast %squeeze3A_227 : f32 to vector<16xf32>
          %mul3A_229 = arith.mulf %mul3A_228, %get3A_2 : vector<16xf32>
          %slice3A_230 = vector.extract_strided_slice %get3A_101 {offsets = [3], sizes = [1], strides = [1]} : vector<16xf32> to vector<1xf32>
          %squeeze3A_231 = vector.extract %slice3A_230[0] : f32 from vector<1xf32>
          %mul3A_232 = vector.broadcast %squeeze3A_231 : f32 to vector<16xf32>
          %mul3A_233 = arith.mulf %mul3A_232, %get3A_5 : vector<16xf32>
          %add3A_234 = arith.addf %mul3A_229, %mul3A_233 : vector<16xf32>
          %slice3A_235 = vector.extract_strided_slice %get3A_106 {offsets = [3], sizes = [1], strides = [1]} : vector<16xf32> to vector<1xf32>
          %squeeze3A_236 = vector.extract %slice3A_235[0] : f32 from vector<1xf32>
          %mul3A_237 = vector.broadcast %squeeze3A_236 : f32 to vector<16xf32>
          %mul3A_238 = arith.mulf %mul3A_237, %get3A_8 : vector<16xf32>
          %add3A_239 = arith.addf %add3A_234, %mul3A_238 : vector<16xf32>
          %slice3A_240 = vector.extract_strided_slice %get3A_111 {offsets = [3], sizes = [1], strides = [1]} : vector<16xf32> to vector<1xf32>
          %squeeze3A_241 = vector.extract %slice3A_240[0] : f32 from vector<1xf32>
          %mul3A_242 = vector.broadcast %squeeze3A_241 : f32 to vector<16xf32>
          %mul3A_243 = arith.mulf %mul3A_242, %get3A_11 : vector<16xf32>
          %add3A_244 = arith.addf %add3A_239, %mul3A_243 : vector<16xf32>
          %slice3A_245 = vector.extract_strided_slice %get3A_116 {offsets = [3], sizes = [1], strides = [1]} : vector<16xf32> to vector<1xf32>
          %squeeze3A_246 = vector.extract %slice3A_245[0] : f32 from vector<1xf32>
          %mul3A_247 = vector.broadcast %squeeze3A_246 : f32 to vector<16xf32>
          %mul3A_248 = arith.mulf %mul3A_247, %get3A_14 : vector<16xf32>
          %add3A_249 = arith.addf %add3A_244, %mul3A_248 : vector<16xf32>
          %slice3A_250 = vector.extract_strided_slice %mul3A_88 {offsets = [3], sizes = [1], strides = [1]} : vector<16xf32> to vector<1xf32>
          %squeeze3A_251 = vector.extract %slice3A_250[0] : f32 from vector<1xf32>
          %mul3A_252 = vector.broadcast %squeeze3A_251 : f32 to vector<16xf32>
          %mul3A_253 = arith.mulf %add3A_249, %mul3A_252 : vector<16xf32>
          %mul3A_254 = arith.constant 16 : i32
          %mul3A_255 = arith.muli %scan3A_45, %mul3A_254 : i32
          %add3A_256 = arith.constant 3 : i32
          %add3A_257 = arith.addi %mul3A_255, %add3A_256 : i32
          %swap3A_258 = arith.index_cast %add3A_257 : i32 to index
          %swap3A_259 = arith.constant 0 : index
          %swap3A_260 = tpu.vector_load %arg10[%swap3A_258, %swap3A_259] {strides = array<i32>} : memref<800x16xf32, #tpu.memory_space<vmem>>, vector<1x16xf32>,
          %swap3A_261 = vector.shape_cast %swap3A_260 : vector<1x16xf32> to vector<16xf32>
          %swap3A_262 = vector.shape_cast %mul3A_253 : vector<16xf32> to vector<1x16xf32>
          tpu.vector_store %arg10[%swap3A_258, %swap3A_259], %swap3A_262 {strides = array<i32>} : memref<800x16xf32, #tpu.memory_space<vmem>>, vector<1x16xf32>,
          %slice3A_263 = vector.extract_strided_slice %get3A_96 {offsets = [4], sizes = [1], strides = [1]} : vector<16xf32> to vector<1xf32>
          %squeeze3A_264 = vector.extract %slice3A_263[0] : f32 from vector<1xf32>
          %mul3A_265 = vector.broadcast %squeeze3A_264 : f32 to vector<16xf32>
          %mul3A_266 = arith.mulf %mul3A_265, %get3A_2 : vector<16xf32>
          %slice3A_267 = vector.extract_strided_slice %get3A_101 {offsets = [4], sizes = [1], strides = [1]} : vector<16xf32> to vector<1xf32>
          %squeeze3A_268 = vector.extract %slice3A_267[0] : f32 from vector<1xf32>
          %mul3A_269 = vector.broadcast %squeeze3A_268 : f32 to vector<16xf32>
          %mul3A_270 = arith.mulf %mul3A_269, %get3A_5 : vector<16xf32>
          %add3A_271 = arith.addf %mul3A_266, %mul3A_270 : vector<16xf32>
          %slice3A_272 = vector.extract_strided_slice %get3A_106 {offsets = [4], sizes = [1], strides = [1]} : vector<16xf32> to vector<1xf32>
          %squeeze3A_273 = vector.extract %slice3A_272[0] : f32 from vector<1xf32>
          %mul3A_274 = vector.broadcast %squeeze3A_273 : f32 to vector<16xf32>
          %mul3A_275 = arith.mulf %mul3A_274, %get3A_8 : vector<16xf32>
          %add3A_276 = arith.addf %add3A_271, %mul3A_275 : vector<16xf32>
          %slice3A_277 = vector.extract_strided_slice %get3A_111 {offsets = [4], sizes = [1], strides = [1]} : vector<16xf32> to vector<1xf32>
          %squeeze3A_278 = vector.extract %slice3A_277[0] : f32 from vector<1xf32>
          %mul3A_279 = vector.broadcast %squeeze3A_278 : f32 to vector<16xf32>
          %mul3A_280 = arith.mulf %mul3A_279, %get3A_11 : vector<16xf32>
          %add3A_281 = arith.addf %add3A_276, %mul3A_280 : vector<16xf32>
          %slice3A_282 = vector.extract_strided_slice %get3A_116 {offsets = [4], sizes = [1], strides = [1]} : vector<16xf32> to vector<1xf32>
          %squeeze3A_283 = vector.extract %slice3A_282[0] : f32 from vector<1xf32>
          %mul3A_284 = vector.broadcast %squeeze3A_283 : f32 to vector<16xf32>
          %mul3A_285 = arith.mulf %mul3A_284, %get3A_14 : vector<16xf32>
          %add3A_286 = arith.addf %add3A_281, %mul3A_285 : vector<16xf32>
          %slice3A_287 = vector.extract_strided_slice %mul3A_88 {offsets = [4], sizes = [1], strides = [1]} : vector<16xf32> to vector<1xf32>
          %squeeze3A_288 = vector.extract %slice3A_287[0] : f32 from vector<1xf32>
          %mul3A_289 = vector.broadcast %squeeze3A_288 : f32 to vector<16xf32>
          %mul3A_290 = arith.mulf %add3A_286, %mul3A_289 : vector<16xf32>
          %mul3A_291 = arith.constant 16 : i32
          %mul3A_292 = arith.muli %scan3A_45, %mul3A_291 : i32
          %add3A_293 = arith.constant 4 : i32
          %add3A_294 = arith.addi %mul3A_292, %add3A_293 : i32
          %swap3A_295 = arith.index_cast %add3A_294 : i32 to index
          %swap3A_296 = arith.constant 0 : index
          %swap3A_297 = tpu.vector_load %arg10[%swap3A_295, %swap3A_296] {strides = array<i32>} : memref<800x16xf32, #tpu.memory_space<vmem>>, vector<1x16xf32>,
          %swap3A_298 = vector.shape_cast %swap3A_297 : vector<1x16xf32> to vector<16xf32>
          %swap3A_299 = vector.shape_cast %mul3A_290 : vector<16xf32> to vector<1x16xf32>
          tpu.vector_store %arg10[%swap3A_295, %swap3A_296], %swap3A_299 {strides = array<i32>} : memref<800x16xf32, #tpu.memory_space<vmem>>, vector<1x16xf32>,
          %slice3A_300 = vector.extract_strided_slice %get3A_96 {offsets = [5], sizes = [1], strides = [1]} : vector<16xf32> to vector<1xf32>
          %squeeze3A_301 = vector.extract %slice3A_300[0] : f32 from vector<1xf32>
          %mul3A_302 = vector.broadcast %squeeze3A_301 : f32 to vector<16xf32>
          %mul3A_303 = arith.mulf %mul3A_302, %get3A_2 : vector<16xf32>
          %slice3A_304 = vector.extract_strided_slice %get3A_101 {offsets = [5], sizes = [1], strides = [1]} : vector<16xf32> to vector<1xf32>
          %squeeze3A_305 = vector.extract %slice3A_304[0] : f32 from vector<1xf32>
          %mul3A_306 = vector.broadcast %squeeze3A_305 : f32 to vector<16xf32>
          %mul3A_307 = arith.mulf %mul3A_306, %get3A_5 : vector<16xf32>
          %add3A_308 = arith.addf %mul3A_303, %mul3A_307 : vector<16xf32>
          %slice3A_309 = vector.extract_strided_slice %get3A_106 {offsets = [5], sizes = [1], strides = [1]} : vector<16xf32> to vector<1xf32>
          %squeeze3A_310 = vector.extract %slice3A_309[0] : f32 from vector<1xf32>
          %mul3A_311 = vector.broadcast %squeeze3A_310 : f32 to vector<16xf32>
          %mul3A_312 = arith.mulf %mul3A_311, %get3A_8 : vector<16xf32>
          %add3A_313 = arith.addf %add3A_308, %mul3A_312 : vector<16xf32>
          %slice3A_314 = vector.extract_strided_slice %get3A_111 {offsets = [5], sizes = [1], strides = [1]} : vector<16xf32> to vector<1xf32>
          %squeeze3A_315 = vector.extract %slice3A_314[0] : f32 from vector<1xf32>
          %mul3A_316 = vector.broadcast %squeeze3A_315 : f32 to vector<16xf32>
          %mul3A_317 = arith.mulf %mul3A_316, %get3A_11 : vector<16xf32>
          %add3A_318 = arith.addf %add3A_313, %mul3A_317 : vector<16xf32>
          %slice3A_319 = vector.extract_strided_slice %get3A_116 {offsets = [5], sizes = [1], strides = [1]} : vector<16xf32> to vector<1xf32>
          %squeeze3A_320 = vector.extract %slice3A_319[0] : f32 from vector<1xf32>
          %mul3A_321 = vector.broadcast %squeeze3A_320 : f32 to vector<16xf32>
          %mul3A_322 = arith.mulf %mul3A_321, %get3A_14 : vector<16xf32>
          %add3A_323 = arith.addf %add3A_318, %mul3A_322 : vector<16xf32>
          %slice3A_324 = vector.extract_strided_slice %mul3A_88 {offsets = [5], sizes = [1], strides = [1]} : vector<16xf32> to vector<1xf32>
          %squeeze3A_325 = vector.extract %slice3A_324[0] : f32 from vector<1xf32>
          %mul3A_326 = vector.broadcast %squeeze3A_325 : f32 to vector<16xf32>
          %mul3A_327 = arith.mulf %add3A_323, %mul3A_326 : vector<16xf32>
          %mul3A_328 = arith.constant 16 : i32
          %mul3A_329 = arith.muli %scan3A_45, %mul3A_328 : i32
          %add3A_330 = arith.constant 5 : i32
          %add3A_331 = arith.addi %mul3A_329, %add3A_330 : i32
          %swap3A_332 = arith.index_cast %add3A_331 : i32 to index
          %swap3A_333 = arith.constant 0 : index
          %swap3A_334 = tpu.vector_load %arg10[%swap3A_332, %swap3A_333] {strides = array<i32>} : memref<800x16xf32, #tpu.memory_space<vmem>>, vector<1x16xf32>,
          %swap3A_335 = vector.shape_cast %swap3A_334 : vector<1x16xf32> to vector<16xf32>
          %swap3A_336 = vector.shape_cast %mul3A_327 : vector<16xf32> to vector<1x16xf32>
          tpu.vector_store %arg10[%swap3A_332, %swap3A_333], %swap3A_336 {strides = array<i32>} : memref<800x16xf32, #tpu.memory_space<vmem>>, vector<1x16xf32>,
          %slice3A_337 = vector.extract_strided_slice %get3A_96 {offsets = [6], sizes = [1], strides = [1]} : vector<16xf32> to vector<1xf32>
          %squeeze3A_338 = vector.extract %slice3A_337[0] : f32 from vector<1xf32>
          %mul3A_339 = vector.broadcast %squeeze3A_338 : f32 to vector<16xf32>
          %mul3A_340 = arith.mulf %mul3A_339, %get3A_2 : vector<16xf32>
          %slice3A_341 = vector.extract_strided_slice %get3A_101 {offsets = [6], sizes = [1], strides = [1]} : vector<16xf32> to vector<1xf32>
          %squeeze3A_342 = vector.extract %slice3A_341[0] : f32 from vector<1xf32>
          %mul3A_343 = vector.broadcast %squeeze3A_342 : f32 to vector<16xf32>
          %mul3A_344 = arith.mulf %mul3A_343, %get3A_5 : vector<16xf32>
          %add3A_345 = arith.addf %mul3A_340, %mul3A_344 : vector<16xf32>
          %slice3A_346 = vector.extract_strided_slice %get3A_106 {offsets = [6], sizes = [1], strides = [1]} : vector<16xf32> to vector<1xf32>
          %squeeze3A_347 = vector.extract %slice3A_346[0] : f32 from vector<1xf32>
          %mul3A_348 = vector.broadcast %squeeze3A_347 : f32 to vector<16xf32>
          %mul3A_349 = arith.mulf %mul3A_348, %get3A_8 : vector<16xf32>
          %add3A_350 = arith.addf %add3A_345, %mul3A_349 : vector<16xf32>
          %slice3A_351 = vector.extract_strided_slice %get3A_111 {offsets = [6], sizes = [1], strides = [1]} : vector<16xf32> to vector<1xf32>
          %squeeze3A_352 = vector.extract %slice3A_351[0] : f32 from vector<1xf32>
          %mul3A_353 = vector.broadcast %squeeze3A_352 : f32 to vector<16xf32>
          %mul3A_354 = arith.mulf %mul3A_353, %get3A_11 : vector<16xf32>
          %add3A_355 = arith.addf %add3A_350, %mul3A_354 : vector<16xf32>
          %slice3A_356 = vector.extract_strided_slice %get3A_116 {offsets = [6], sizes = [1], strides = [1]} : vector<16xf32> to vector<1xf32>
          %squeeze3A_357 = vector.extract %slice3A_356[0] : f32 from vector<1xf32>
          %mul3A_358 = vector.broadcast %squeeze3A_357 : f32 to vector<16xf32>
          %mul3A_359 = arith.mulf %mul3A_358, %get3A_14 : vector<16xf32>
          %add3A_360 = arith.addf %add3A_355, %mul3A_359 : vector<16xf32>
          %slice3A_361 = vector.extract_strided_slice %mul3A_88 {offsets = [6], sizes = [1], strides = [1]} : vector<16xf32> to vector<1xf32>
          %squeeze3A_362 = vector.extract %slice3A_361[0] : f32 from vector<1xf32>
          %mul3A_363 = vector.broadcast %squeeze3A_362 : f32 to vector<16xf32>
          %mul3A_364 = arith.mulf %add3A_360, %mul3A_363 : vector<16xf32>
          %mul3A_365 = arith.constant 16 : i32
          %mul3A_366 = arith.muli %scan3A_45, %mul3A_365 : i32
          %add3A_367 = arith.constant 6 : i32
          %add3A_368 = arith.addi %mul3A_366, %add3A_367 : i32
          %swap3A_369 = arith.index_cast %add3A_368 : i32 to index
          %swap3A_370 = arith.constant 0 : index
          %swap3A_371 = tpu.vector_load %arg10[%swap3A_369, %swap3A_370] {strides = array<i32>} : memref<800x16xf32, #tpu.memory_space<vmem>>, vector<1x16xf32>,
          %swap3A_372 = vector.shape_cast %swap3A_371 : vector<1x16xf32> to vector<16xf32>
          %swap3A_373 = vector.shape_cast %mul3A_364 : vector<16xf32> to vector<1x16xf32>
          tpu.vector_store %arg10[%swap3A_369, %swap3A_370], %swap3A_373 {strides = array<i32>} : memref<800x16xf32, #tpu.memory_space<vmem>>, vector<1x16xf32>,
          %slice3A_374 = vector.extract_strided_slice %get3A_96 {offsets = [7], sizes = [1], strides = [1]} : vector<16xf32> to vector<1xf32>
          %squeeze3A_375 = vector.extract %slice3A_374[0] : f32 from vector<1xf32>
          %mul3A_376 = vector.broadcast %squeeze3A_375 : f32 to vector<16xf32>
          %mul3A_377 = arith.mulf %mul3A_376, %get3A_2 : vector<16xf32>
          %slice3A_378 = vector.extract_strided_slice %get3A_101 {offsets = [7], sizes = [1], strides = [1]} : vector<16xf32> to vector<1xf32>
          %squeeze3A_379 = vector.extract %slice3A_378[0] : f32 from vector<1xf32>
          %mul3A_380 = vector.broadcast %squeeze3A_379 : f32 to vector<16xf32>
          %mul3A_381 = arith.mulf %mul3A_380, %get3A_5 : vector<16xf32>
          %add3A_382 = arith.addf %mul3A_377, %mul3A_381 : vector<16xf32>
          %slice3A_383 = vector.extract_strided_slice %get3A_106 {offsets = [7], sizes = [1], strides = [1]} : vector<16xf32> to vector<1xf32>
          %squeeze3A_384 = vector.extract %slice3A_383[0] : f32 from vector<1xf32>
          %mul3A_385 = vector.broadcast %squeeze3A_384 : f32 to vector<16xf32>
          %mul3A_386 = arith.mulf %mul3A_385, %get3A_8 : vector<16xf32>
          %add3A_387 = arith.addf %add3A_382, %mul3A_386 : vector<16xf32>
          %slice3A_388 = vector.extract_strided_slice %get3A_111 {offsets = [7], sizes = [1], strides = [1]} : vector<16xf32> to vector<1xf32>
          %squeeze3A_389 = vector.extract %slice3A_388[0] : f32 from vector<1xf32>
          %mul3A_390 = vector.broadcast %squeeze3A_389 : f32 to vector<16xf32>
          %mul3A_391 = arith.mulf %mul3A_390, %get3A_11 : vector<16xf32>
          %add3A_392 = arith.addf %add3A_387, %mul3A_391 : vector<16xf32>
          %slice3A_393 = vector.extract_strided_slice %get3A_116 {offsets = [7], sizes = [1], strides = [1]} : vector<16xf32> to vector<1xf32>
          %squeeze3A_394 = vector.extract %slice3A_393[0] : f32 from vector<1xf32>
          %mul3A_395 = vector.broadcast %squeeze3A_394 : f32 to vector<16xf32>
          %mul3A_396 = arith.mulf %mul3A_395, %get3A_14 : vector<16xf32>
          %add3A_397 = arith.addf %add3A_392, %mul3A_396 : vector<16xf32>
          %slice3A_398 = vector.extract_strided_slice %mul3A_88 {offsets = [7], sizes = [1], strides = [1]} : vector<16xf32> to vector<1xf32>
          %squeeze3A_399 = vector.extract %slice3A_398[0] : f32 from vector<1xf32>
          %mul3A_400 = vector.broadcast %squeeze3A_399 : f32 to vector<16xf32>
          %mul3A_401 = arith.mulf %add3A_397, %mul3A_400 : vector<16xf32>
          %mul3A_402 = arith.constant 16 : i32
          %mul3A_403 = arith.muli %scan3A_45, %mul3A_402 : i32
          %add3A_404 = arith.constant 7 : i32
          %add3A_405 = arith.addi %mul3A_403, %add3A_404 : i32
          %swap3A_406 = arith.index_cast %add3A_405 : i32 to index
          %swap3A_407 = arith.constant 0 : index
          %swap3A_408 = tpu.vector_load %arg10[%swap3A_406, %swap3A_407] {strides = array<i32>} : memref<800x16xf32, #tpu.memory_space<vmem>>, vector<1x16xf32>,
          %swap3A_409 = vector.shape_cast %swap3A_408 : vector<1x16xf32> to vector<16xf32>
          %swap3A_410 = vector.shape_cast %mul3A_401 : vector<16xf32> to vector<1x16xf32>
          tpu.vector_store %arg10[%swap3A_406, %swap3A_407], %swap3A_410 {strides = array<i32>} : memref<800x16xf32, #tpu.memory_space<vmem>>, vector<1x16xf32>,
          %slice3A_411 = vector.extract_strided_slice %get3A_96 {offsets = [8], sizes = [1], strides = [1]} : vector<16xf32> to vector<1xf32>
          %squeeze3A_412 = vector.extract %slice3A_411[0] : f32 from vector<1xf32>
          %mul3A_413 = vector.broadcast %squeeze3A_412 : f32 to vector<16xf32>
          %mul3A_414 = arith.mulf %mul3A_413, %get3A_2 : vector<16xf32>
          %slice3A_415 = vector.extract_strided_slice %get3A_101 {offsets = [8], sizes = [1], strides = [1]} : vector<16xf32> to vector<1xf32>
          %squeeze3A_416 = vector.extract %slice3A_415[0] : f32 from vector<1xf32>
          %mul3A_417 = vector.broadcast %squeeze3A_416 : f32 to vector<16xf32>
          %mul3A_418 = arith.mulf %mul3A_417, %get3A_5 : vector<16xf32>
          %add3A_419 = arith.addf %mul3A_414, %mul3A_418 : vector<16xf32>
          %slice3A_420 = vector.extract_strided_slice %get3A_106 {offsets = [8], sizes = [1], strides = [1]} : vector<16xf32> to vector<1xf32>
          %squeeze3A_421 = vector.extract %slice3A_420[0] : f32 from vector<1xf32>
          %mul3A_422 = vector.broadcast %squeeze3A_421 : f32 to vector<16xf32>
          %mul3A_423 = arith.mulf %mul3A_422, %get3A_8 : vector<16xf32>
          %add3A_424 = arith.addf %add3A_419, %mul3A_423 : vector<16xf32>
          %slice3A_425 = vector.extract_strided_slice %get3A_111 {offsets = [8], sizes = [1], strides = [1]} : vector<16xf32> to vector<1xf32>
          %squeeze3A_426 = vector.extract %slice3A_425[0] : f32 from vector<1xf32>
          %mul3A_427 = vector.broadcast %squeeze3A_426 : f32 to vector<16xf32>
          %mul3A_428 = arith.mulf %mul3A_427, %get3A_11 : vector<16xf32>
          %add3A_429 = arith.addf %add3A_424, %mul3A_428 : vector<16xf32>
          %slice3A_430 = vector.extract_strided_slice %get3A_116 {offsets = [8], sizes = [1], strides = [1]} : vector<16xf32> to vector<1xf32>
          %squeeze3A_431 = vector.extract %slice3A_430[0] : f32 from vector<1xf32>
          %mul3A_432 = vector.broadcast %squeeze3A_431 : f32 to vector<16xf32>
          %mul3A_433 = arith.mulf %mul3A_432, %get3A_14 : vector<16xf32>
          %add3A_434 = arith.addf %add3A_429, %mul3A_433 : vector<16xf32>
          %slice3A_435 = vector.extract_strided_slice %mul3A_88 {offsets = [8], sizes = [1], strides = [1]} : vector<16xf32> to vector<1xf32>
          %squeeze3A_436 = vector.extract %slice3A_435[0] : f32 from vector<1xf32>
          %mul3A_437 = vector.broadcast %squeeze3A_436 : f32 to vector<16xf32>
          %mul3A_438 = arith.mulf %add3A_434, %mul3A_437 : vector<16xf32>
          %mul3A_439 = arith.constant 16 : i32
          %mul3A_440 = arith.muli %scan3A_45, %mul3A_439 : i32
          %add3A_441 = arith.constant 8 : i32
          %add3A_442 = arith.addi %mul3A_440, %add3A_441 : i32
          %swap3A_443 = arith.index_cast %add3A_442 : i32 to index
          %swap3A_444 = arith.constant 0 : index
          %swap3A_445 = tpu.vector_load %arg10[%swap3A_443, %swap3A_444] {strides = array<i32>} : memref<800x16xf32, #tpu.memory_space<vmem>>, vector<1x16xf32>,
          %swap3A_446 = vector.shape_cast %swap3A_445 : vector<1x16xf32> to vector<16xf32>
          %swap3A_447 = vector.shape_cast %mul3A_438 : vector<16xf32> to vector<1x16xf32>
          tpu.vector_store %arg10[%swap3A_443, %swap3A_444], %swap3A_447 {strides = array<i32>} : memref<800x16xf32, #tpu.memory_space<vmem>>, vector<1x16xf32>,
          %slice3A_448 = vector.extract_strided_slice %get3A_96 {offsets = [9], sizes = [1], strides = [1]} : vector<16xf32> to vector<1xf32>
          %squeeze3A_449 = vector.extract %slice3A_448[0] : f32 from vector<1xf32>
          %mul3A_450 = vector.broadcast %squeeze3A_449 : f32 to vector<16xf32>
          %mul3A_451 = arith.mulf %mul3A_450, %get3A_2 : vector<16xf32>
          %slice3A_452 = vector.extract_strided_slice %get3A_101 {offsets = [9], sizes = [1], strides = [1]} : vector<16xf32> to vector<1xf32>
          %squeeze3A_453 = vector.extract %slice3A_452[0] : f32 from vector<1xf32>
          %mul3A_454 = vector.broadcast %squeeze3A_453 : f32 to vector<16xf32>
          %mul3A_455 = arith.mulf %mul3A_454, %get3A_5 : vector<16xf32>
          %add3A_456 = arith.addf %mul3A_451, %mul3A_455 : vector<16xf32>
          %slice3A_457 = vector.extract_strided_slice %get3A_106 {offsets = [9], sizes = [1], strides = [1]} : vector<16xf32> to vector<1xf32>
          %squeeze3A_458 = vector.extract %slice3A_457[0] : f32 from vector<1xf32>
          %mul3A_459 = vector.broadcast %squeeze3A_458 : f32 to vector<16xf32>
          %mul3A_460 = arith.mulf %mul3A_459, %get3A_8 : vector<16xf32>
          %add3A_461 = arith.addf %add3A_456, %mul3A_460 : vector<16xf32>
          %slice3A_462 = vector.extract_strided_slice %get3A_111 {offsets = [9], sizes = [1], strides = [1]} : vector<16xf32> to vector<1xf32>
          %squeeze3A_463 = vector.extract %slice3A_462[0] : f32 from vector<1xf32>
          %mul3A_464 = vector.broadcast %squeeze3A_463 : f32 to vector<16xf32>
          %mul3A_465 = arith.mulf %mul3A_464, %get3A_11 : vector<16xf32>
          %add3A_466 = arith.addf %add3A_461, %mul3A_465 : vector<16xf32>
          %slice3A_467 = vector.extract_strided_slice %get3A_116 {offsets = [9], sizes = [1], strides = [1]} : vector<16xf32> to vector<1xf32>
          %squeeze3A_468 = vector.extract %slice3A_467[0] : f32 from vector<1xf32>
          %mul3A_469 = vector.broadcast %squeeze3A_468 : f32 to vector<16xf32>
          %mul3A_470 = arith.mulf %mul3A_469, %get3A_14 : vector<16xf32>
          %add3A_471 = arith.addf %add3A_466, %mul3A_470 : vector<16xf32>
          %slice3A_472 = vector.extract_strided_slice %mul3A_88 {offsets = [9], sizes = [1], strides = [1]} : vector<16xf32> to vector<1xf32>
          %squeeze3A_473 = vector.extract %slice3A_472[0] : f32 from vector<1xf32>
          %mul3A_474 = vector.broadcast %squeeze3A_473 : f32 to vector<16xf32>
          %mul3A_475 = arith.mulf %add3A_471, %mul3A_474 : vector<16xf32>
          %mul3A_476 = arith.constant 16 : i32
          %mul3A_477 = arith.muli %scan3A_45, %mul3A_476 : i32
          %add3A_478 = arith.constant 9 : i32
          %add3A_479 = arith.addi %mul3A_477, %add3A_478 : i32
          %swap3A_480 = arith.index_cast %add3A_479 : i32 to index
          %swap3A_481 = arith.constant 0 : index
          %swap3A_482 = tpu.vector_load %arg10[%swap3A_480, %swap3A_481] {strides = array<i32>} : memref<800x16xf32, #tpu.memory_space<vmem>>, vector<1x16xf32>,
          %swap3A_483 = vector.shape_cast %swap3A_482 : vector<1x16xf32> to vector<16xf32>
          %swap3A_484 = vector.shape_cast %mul3A_475 : vector<16xf32> to vector<1x16xf32>
          tpu.vector_store %arg10[%swap3A_480, %swap3A_481], %swap3A_484 {strides = array<i32>} : memref<800x16xf32, #tpu.memory_space<vmem>>, vector<1x16xf32>,
          %slice3A_485 = vector.extract_strided_slice %get3A_96 {offsets = [10], sizes = [1], strides = [1]} : vector<16xf32> to vector<1xf32>
          %squeeze3A_486 = vector.extract %slice3A_485[0] : f32 from vector<1xf32>
          %mul3A_487 = vector.broadcast %squeeze3A_486 : f32 to vector<16xf32>
          %mul3A_488 = arith.mulf %mul3A_487, %get3A_2 : vector<16xf32>
          %slice3A_489 = vector.extract_strided_slice %get3A_101 {offsets = [10], sizes = [1], strides = [1]} : vector<16xf32> to vector<1xf32>
          %squeeze3A_490 = vector.extract %slice3A_489[0] : f32 from vector<1xf32>
          %mul3A_491 = vector.broadcast %squeeze3A_490 : f32 to vector<16xf32>
          %mul3A_492 = arith.mulf %mul3A_491, %get3A_5 : vector<16xf32>
          %add3A_493 = arith.addf %mul3A_488, %mul3A_492 : vector<16xf32>
          %slice3A_494 = vector.extract_strided_slice %get3A_106 {offsets = [10], sizes = [1], strides = [1]} : vector<16xf32> to vector<1xf32>
          %squeeze3A_495 = vector.extract %slice3A_494[0] : f32 from vector<1xf32>
          %mul3A_496 = vector.broadcast %squeeze3A_495 : f32 to vector<16xf32>
          %mul3A_497 = arith.mulf %mul3A_496, %get3A_8 : vector<16xf32>
          %add3A_498 = arith.addf %add3A_493, %mul3A_497 : vector<16xf32>
          %slice3A_499 = vector.extract_strided_slice %get3A_111 {offsets = [10], sizes = [1], strides = [1]} : vector<16xf32> to vector<1xf32>
          %squeeze3A_500 = vector.extract %slice3A_499[0] : f32 from vector<1xf32>
          %mul3A_501 = vector.broadcast %squeeze3A_500 : f32 to vector<16xf32>
          %mul3A_502 = arith.mulf %mul3A_501, %get3A_11 : vector<16xf32>
          %add3A_503 = arith.addf %add3A_498, %mul3A_502 : vector<16xf32>
          %slice3A_504 = vector.extract_strided_slice %get3A_116 {offsets = [10], sizes = [1], strides = [1]} : vector<16xf32> to vector<1xf32>
          %squeeze3A_505 = vector.extract %slice3A_504[0] : f32 from vector<1xf32>
          %mul3A_506 = vector.broadcast %squeeze3A_505 : f32 to vector<16xf32>
          %mul3A_507 = arith.mulf %mul3A_506, %get3A_14 : vector<16xf32>
          %add3A_508 = arith.addf %add3A_503, %mul3A_507 : vector<16xf32>
          %slice3A_509 = vector.extract_strided_slice %mul3A_88 {offsets = [10], sizes = [1], strides = [1]} : vector<16xf32> to vector<1xf32>
          %squeeze3A_510 = vector.extract %slice3A_509[0] : f32 from vector<1xf32>
          %mul3A_511 = vector.broadcast %squeeze3A_510 : f32 to vector<16xf32>
          %mul3A_512 = arith.mulf %add3A_508, %mul3A_511 : vector<16xf32>
          %mul3A_513 = arith.constant 16 : i32
          %mul3A_514 = arith.muli %scan3A_45, %mul3A_513 : i32
          %add3A_515 = arith.constant 10 : i32
          %add3A_516 = arith.addi %mul3A_514, %add3A_515 : i32
          %swap3A_517 = arith.index_cast %add3A_516 : i32 to index
          %swap3A_518 = arith.constant 0 : index
          %swap3A_519 = tpu.vector_load %arg10[%swap3A_517, %swap3A_518] {strides = array<i32>} : memref<800x16xf32, #tpu.memory_space<vmem>>, vector<1x16xf32>,
          %swap3A_520 = vector.shape_cast %swap3A_519 : vector<1x16xf32> to vector<16xf32>
          %swap3A_521 = vector.shape_cast %mul3A_512 : vector<16xf32> to vector<1x16xf32>
          tpu.vector_store %arg10[%swap3A_517, %swap3A_518], %swap3A_521 {strides = array<i32>} : memref<800x16xf32, #tpu.memory_space<vmem>>, vector<1x16xf32>,
          %slice3A_522 = vector.extract_strided_slice %get3A_96 {offsets = [11], sizes = [1], strides = [1]} : vector<16xf32> to vector<1xf32>
          %squeeze3A_523 = vector.extract %slice3A_522[0] : f32 from vector<1xf32>
          %mul3A_524 = vector.broadcast %squeeze3A_523 : f32 to vector<16xf32>
          %mul3A_525 = arith.mulf %mul3A_524, %get3A_2 : vector<16xf32>
          %slice3A_526 = vector.extract_strided_slice %get3A_101 {offsets = [11], sizes = [1], strides = [1]} : vector<16xf32> to vector<1xf32>
          %squeeze3A_527 = vector.extract %slice3A_526[0] : f32 from vector<1xf32>
          %mul3A_528 = vector.broadcast %squeeze3A_527 : f32 to vector<16xf32>
          %mul3A_529 = arith.mulf %mul3A_528, %get3A_5 : vector<16xf32>
          %add3A_530 = arith.addf %mul3A_525, %mul3A_529 : vector<16xf32>
          %slice3A_531 = vector.extract_strided_slice %get3A_106 {offsets = [11], sizes = [1], strides = [1]} : vector<16xf32> to vector<1xf32>
          %squeeze3A_532 = vector.extract %slice3A_531[0] : f32 from vector<1xf32>
          %mul3A_533 = vector.broadcast %squeeze3A_532 : f32 to vector<16xf32>
          %mul3A_534 = arith.mulf %mul3A_533, %get3A_8 : vector<16xf32>
          %add3A_535 = arith.addf %add3A_530, %mul3A_534 : vector<16xf32>
          %slice3A_536 = vector.extract_strided_slice %get3A_111 {offsets = [11], sizes = [1], strides = [1]} : vector<16xf32> to vector<1xf32>
          %squeeze3A_537 = vector.extract %slice3A_536[0] : f32 from vector<1xf32>
          %mul3A_538 = vector.broadcast %squeeze3A_537 : f32 to vector<16xf32>
          %mul3A_539 = arith.mulf %mul3A_538, %get3A_11 : vector<16xf32>
          %add3A_540 = arith.addf %add3A_535, %mul3A_539 : vector<16xf32>
          %slice3A_541 = vector.extract_strided_slice %get3A_116 {offsets = [11], sizes = [1], strides = [1]} : vector<16xf32> to vector<1xf32>
          %squeeze3A_542 = vector.extract %slice3A_541[0] : f32 from vector<1xf32>
          %mul3A_543 = vector.broadcast %squeeze3A_542 : f32 to vector<16xf32>
          %mul3A_544 = arith.mulf %mul3A_543, %get3A_14 : vector<16xf32>
          %add3A_545 = arith.addf %add3A_540, %mul3A_544 : vector<16xf32>
          %slice3A_546 = vector.extract_strided_slice %mul3A_88 {offsets = [11], sizes = [1], strides = [1]} : vector<16xf32> to vector<1xf32>
          %squeeze3A_547 = vector.extract %slice3A_546[0] : f32 from vector<1xf32>
          %mul3A_548 = vector.broadcast %squeeze3A_547 : f32 to vector<16xf32>
          %mul3A_549 = arith.mulf %add3A_545, %mul3A_548 : vector<16xf32>
          %mul3A_550 = arith.constant 16 : i32
          %mul3A_551 = arith.muli %scan3A_45, %mul3A_550 : i32
          %add3A_552 = arith.constant 11 : i32
          %add3A_553 = arith.addi %mul3A_551, %add3A_552 : i32
          %swap3A_554 = arith.index_cast %add3A_553 : i32 to index
          %swap3A_555 = arith.constant 0 : index
          %swap3A_556 = tpu.vector_load %arg10[%swap3A_554, %swap3A_555] {strides = array<i32>} : memref<800x16xf32, #tpu.memory_space<vmem>>, vector<1x16xf32>,
          %swap3A_557 = vector.shape_cast %swap3A_556 : vector<1x16xf32> to vector<16xf32>
          %swap3A_558 = vector.shape_cast %mul3A_549 : vector<16xf32> to vector<1x16xf32>
          tpu.vector_store %arg10[%swap3A_554, %swap3A_555], %swap3A_558 {strides = array<i32>} : memref<800x16xf32, #tpu.memory_space<vmem>>, vector<1x16xf32>,
          %slice3A_559 = vector.extract_strided_slice %get3A_96 {offsets = [12], sizes = [1], strides = [1]} : vector<16xf32> to vector<1xf32>
          %squeeze3A_560 = vector.extract %slice3A_559[0] : f32 from vector<1xf32>
          %mul3A_561 = vector.broadcast %squeeze3A_560 : f32 to vector<16xf32>
          %mul3A_562 = arith.mulf %mul3A_561, %get3A_2 : vector<16xf32>
          %slice3A_563 = vector.extract_strided_slice %get3A_101 {offsets = [12], sizes = [1], strides = [1]} : vector<16xf32> to vector<1xf32>
          %squeeze3A_564 = vector.extract %slice3A_563[0] : f32 from vector<1xf32>
          %mul3A_565 = vector.broadcast %squeeze3A_564 : f32 to vector<16xf32>
          %mul3A_566 = arith.mulf %mul3A_565, %get3A_5 : vector<16xf32>
          %add3A_567 = arith.addf %mul3A_562, %mul3A_566 : vector<16xf32>
          %slice3A_568 = vector.extract_strided_slice %get3A_106 {offsets = [12], sizes = [1], strides = [1]} : vector<16xf32> to vector<1xf32>
          %squeeze3A_569 = vector.extract %slice3A_568[0] : f32 from vector<1xf32>
          %mul3A_570 = vector.broadcast %squeeze3A_569 : f32 to vector<16xf32>
          %mul3A_571 = arith.mulf %mul3A_570, %get3A_8 : vector<16xf32>
          %add3A_572 = arith.addf %add3A_567, %mul3A_571 : vector<16xf32>
          %slice3A_573 = vector.extract_strided_slice %get3A_111 {offsets = [12], sizes = [1], strides = [1]} : vector<16xf32> to vector<1xf32>
          %squeeze3A_574 = vector.extract %slice3A_573[0] : f32 from vector<1xf32>
          %mul3A_575 = vector.broadcast %squeeze3A_574 : f32 to vector<16xf32>
          %mul3A_576 = arith.mulf %mul3A_575, %get3A_11 : vector<16xf32>
          %add3A_577 = arith.addf %add3A_572, %mul3A_576 : vector<16xf32>
          %slice3A_578 = vector.extract_strided_slice %get3A_116 {offsets = [12], sizes = [1], strides = [1]} : vector<16xf32> to vector<1xf32>
          %squeeze3A_579 = vector.extract %slice3A_578[0] : f32 from vector<1xf32>
          %mul3A_580 = vector.broadcast %squeeze3A_579 : f32 to vector<16xf32>
          %mul3A_581 = arith.mulf %mul3A_580, %get3A_14 : vector<16xf32>
          %add3A_582 = arith.addf %add3A_577, %mul3A_581 : vector<16xf32>
          %slice3A_583 = vector.extract_strided_slice %mul3A_88 {offsets = [12], sizes = [1], strides = [1]} : vector<16xf32> to vector<1xf32>
          %squeeze3A_584 = vector.extract %slice3A_583[0] : f32 from vector<1xf32>
          %mul3A_585 = vector.broadcast %squeeze3A_584 : f32 to vector<16xf32>
          %mul3A_586 = arith.mulf %add3A_582, %mul3A_585 : vector<16xf32>
          %mul3A_587 = arith.constant 16 : i32
          %mul3A_588 = arith.muli %scan3A_45, %mul3A_587 : i32
          %add3A_589 = arith.constant 12 : i32
          %add3A_590 = arith.addi %mul3A_588, %add3A_589 : i32
          %swap3A_591 = arith.index_cast %add3A_590 : i32 to index
          %swap3A_592 = arith.constant 0 : index
          %swap3A_593 = tpu.vector_load %arg10[%swap3A_591, %swap3A_592] {strides = array<i32>} : memref<800x16xf32, #tpu.memory_space<vmem>>, vector<1x16xf32>,
          %swap3A_594 = vector.shape_cast %swap3A_593 : vector<1x16xf32> to vector<16xf32>
          %swap3A_595 = vector.shape_cast %mul3A_586 : vector<16xf32> to vector<1x16xf32>
          tpu.vector_store %arg10[%swap3A_591, %swap3A_592], %swap3A_595 {strides = array<i32>} : memref<800x16xf32, #tpu.memory_space<vmem>>, vector<1x16xf32>,
          %slice3A_596 = vector.extract_strided_slice %get3A_96 {offsets = [13], sizes = [1], strides = [1]} : vector<16xf32> to vector<1xf32>
          %squeeze3A_597 = vector.extract %slice3A_596[0] : f32 from vector<1xf32>
          %mul3A_598 = vector.broadcast %squeeze3A_597 : f32 to vector<16xf32>
          %mul3A_599 = arith.mulf %mul3A_598, %get3A_2 : vector<16xf32>
          %slice3A_600 = vector.extract_strided_slice %get3A_101 {offsets = [13], sizes = [1], strides = [1]} : vector<16xf32> to vector<1xf32>
          %squeeze3A_601 = vector.extract %slice3A_600[0] : f32 from vector<1xf32>
          %mul3A_602 = vector.broadcast %squeeze3A_601 : f32 to vector<16xf32>
          %mul3A_603 = arith.mulf %mul3A_602, %get3A_5 : vector<16xf32>
          %add3A_604 = arith.addf %mul3A_599, %mul3A_603 : vector<16xf32>
          %slice3A_605 = vector.extract_strided_slice %get3A_106 {offsets = [13], sizes = [1], strides = [1]} : vector<16xf32> to vector<1xf32>
          %squeeze3A_606 = vector.extract %slice3A_605[0] : f32 from vector<1xf32>
          %mul3A_607 = vector.broadcast %squeeze3A_606 : f32 to vector<16xf32>
          %mul3A_608 = arith.mulf %mul3A_607, %get3A_8 : vector<16xf32>
          %add3A_609 = arith.addf %add3A_604, %mul3A_608 : vector<16xf32>
          %slice3A_610 = vector.extract_strided_slice %get3A_111 {offsets = [13], sizes = [1], strides = [1]} : vector<16xf32> to vector<1xf32>
          %squeeze3A_611 = vector.extract %slice3A_610[0] : f32 from vector<1xf32>
          %mul3A_612 = vector.broadcast %squeeze3A_611 : f32 to vector<16xf32>
          %mul3A_613 = arith.mulf %mul3A_612, %get3A_11 : vector<16xf32>
          %add3A_614 = arith.addf %add3A_609, %mul3A_613 : vector<16xf32>
          %slice3A_615 = vector.extract_strided_slice %get3A_116 {offsets = [13], sizes = [1], strides = [1]} : vector<16xf32> to vector<1xf32>
          %squeeze3A_616 = vector.extract %slice3A_615[0] : f32 from vector<1xf32>
          %mul3A_617 = vector.broadcast %squeeze3A_616 : f32 to vector<16xf32>
          %mul3A_618 = arith.mulf %mul3A_617, %get3A_14 : vector<16xf32>
          %add3A_619 = arith.addf %add3A_614, %mul3A_618 : vector<16xf32>
          %slice3A_620 = vector.extract_strided_slice %mul3A_88 {offsets = [13], sizes = [1], strides = [1]} : vector<16xf32> to vector<1xf32>
          %squeeze3A_621 = vector.extract %slice3A_620[0] : f32 from vector<1xf32>
          %mul3A_622 = vector.broadcast %squeeze3A_621 : f32 to vector<16xf32>
          %mul3A_623 = arith.mulf %add3A_619, %mul3A_622 : vector<16xf32>
          %mul3A_624 = arith.constant 16 : i32
          %mul3A_625 = arith.muli %scan3A_45, %mul3A_624 : i32
          %add3A_626 = arith.constant 13 : i32
          %add3A_627 = arith.addi %mul3A_625, %add3A_626 : i32
          %swap3A_628 = arith.index_cast %add3A_627 : i32 to index
          %swap3A_629 = arith.constant 0 : index
          %swap3A_630 = tpu.vector_load %arg10[%swap3A_628, %swap3A_629] {strides = array<i32>} : memref<800x16xf32, #tpu.memory_space<vmem>>, vector<1x16xf32>,
          %swap3A_631 = vector.shape_cast %swap3A_630 : vector<1x16xf32> to vector<16xf32>
          %swap3A_632 = vector.shape_cast %mul3A_623 : vector<16xf32> to vector<1x16xf32>
          tpu.vector_store %arg10[%swap3A_628, %swap3A_629], %swap3A_632 {strides = array<i32>} : memref<800x16xf32, #tpu.memory_space<vmem>>, vector<1x16xf32>,
          %slice3A_633 = vector.extract_strided_slice %get3A_96 {offsets = [14], sizes = [1], strides = [1]} : vector<16xf32> to vector<1xf32>
          %squeeze3A_634 = vector.extract %slice3A_633[0] : f32 from vector<1xf32>
          %mul3A_635 = vector.broadcast %squeeze3A_634 : f32 to vector<16xf32>
          %mul3A_636 = arith.mulf %mul3A_635, %get3A_2 : vector<16xf32>
          %slice3A_637 = vector.extract_strided_slice %get3A_101 {offsets = [14], sizes = [1], strides = [1]} : vector<16xf32> to vector<1xf32>
          %squeeze3A_638 = vector.extract %slice3A_637[0] : f32 from vector<1xf32>
          %mul3A_639 = vector.broadcast %squeeze3A_638 : f32 to vector<16xf32>
          %mul3A_640 = arith.mulf %mul3A_639, %get3A_5 : vector<16xf32>
          %add3A_641 = arith.addf %mul3A_636, %mul3A_640 : vector<16xf32>
          %slice3A_642 = vector.extract_strided_slice %get3A_106 {offsets = [14], sizes = [1], strides = [1]} : vector<16xf32> to vector<1xf32>
          %squeeze3A_643 = vector.extract %slice3A_642[0] : f32 from vector<1xf32>
          %mul3A_644 = vector.broadcast %squeeze3A_643 : f32 to vector<16xf32>
          %mul3A_645 = arith.mulf %mul3A_644, %get3A_8 : vector<16xf32>
          %add3A_646 = arith.addf %add3A_641, %mul3A_645 : vector<16xf32>
          %slice3A_647 = vector.extract_strided_slice %get3A_111 {offsets = [14], sizes = [1], strides = [1]} : vector<16xf32> to vector<1xf32>
          %squeeze3A_648 = vector.extract %slice3A_647[0] : f32 from vector<1xf32>
          %mul3A_649 = vector.broadcast %squeeze3A_648 : f32 to vector<16xf32>
          %mul3A_650 = arith.mulf %mul3A_649, %get3A_11 : vector<16xf32>
          %add3A_651 = arith.addf %add3A_646, %mul3A_650 : vector<16xf32>
          %slice3A_652 = vector.extract_strided_slice %get3A_116 {offsets = [14], sizes = [1], strides = [1]} : vector<16xf32> to vector<1xf32>
          %squeeze3A_653 = vector.extract %slice3A_652[0] : f32 from vector<1xf32>
          %mul3A_654 = vector.broadcast %squeeze3A_653 : f32 to vector<16xf32>
          %mul3A_655 = arith.mulf %mul3A_654, %get3A_14 : vector<16xf32>
          %add3A_656 = arith.addf %add3A_651, %mul3A_655 : vector<16xf32>
          %slice3A_657 = vector.extract_strided_slice %mul3A_88 {offsets = [14], sizes = [1], strides = [1]} : vector<16xf32> to vector<1xf32>
          %squeeze3A_658 = vector.extract %slice3A_657[0] : f32 from vector<1xf32>
          %mul3A_659 = vector.broadcast %squeeze3A_658 : f32 to vector<16xf32>
          %mul3A_660 = arith.mulf %add3A_656, %mul3A_659 : vector<16xf32>
          %mul3A_661 = arith.constant 16 : i32
          %mul3A_662 = arith.muli %scan3A_45, %mul3A_661 : i32
          %add3A_663 = arith.constant 14 : i32
          %add3A_664 = arith.addi %mul3A_662, %add3A_663 : i32
          %swap3A_665 = arith.index_cast %add3A_664 : i32 to index
          %swap3A_666 = arith.constant 0 : index
          %swap3A_667 = tpu.vector_load %arg10[%swap3A_665, %swap3A_666] {strides = array<i32>} : memref<800x16xf32, #tpu.memory_space<vmem>>, vector<1x16xf32>,
          %swap3A_668 = vector.shape_cast %swap3A_667 : vector<1x16xf32> to vector<16xf32>
          %swap3A_669 = vector.shape_cast %mul3A_660 : vector<16xf32> to vector<1x16xf32>
          tpu.vector_store %arg10[%swap3A_665, %swap3A_666], %swap3A_669 {strides = array<i32>} : memref<800x16xf32, #tpu.memory_space<vmem>>, vector<1x16xf32>,
          %slice3A_670 = vector.extract_strided_slice %get3A_96 {offsets = [15], sizes = [1], strides = [1]} : vector<16xf32> to vector<1xf32>
          %squeeze3A_671 = vector.extract %slice3A_670[0] : f32 from vector<1xf32>
          %mul3A_672 = vector.broadcast %squeeze3A_671 : f32 to vector<16xf32>
          %mul3A_673 = arith.mulf %mul3A_672, %get3A_2 : vector<16xf32>
          %slice3A_674 = vector.extract_strided_slice %get3A_101 {offsets = [15], sizes = [1], strides = [1]} : vector<16xf32> to vector<1xf32>
          %squeeze3A_675 = vector.extract %slice3A_674[0] : f32 from vector<1xf32>
          %mul3A_676 = vector.broadcast %squeeze3A_675 : f32 to vector<16xf32>
          %mul3A_677 = arith.mulf %mul3A_676, %get3A_5 : vector<16xf32>
          %add3A_678 = arith.addf %mul3A_673, %mul3A_677 : vector<16xf32>
          %slice3A_679 = vector.extract_strided_slice %get3A_106 {offsets = [15], sizes = [1], strides = [1]} : vector<16xf32> to vector<1xf32>
          %squeeze3A_680 = vector.extract %slice3A_679[0] : f32 from vector<1xf32>
          %mul3A_681 = vector.broadcast %squeeze3A_680 : f32 to vector<16xf32>
          %mul3A_682 = arith.mulf %mul3A_681, %get3A_8 : vector<16xf32>
          %add3A_683 = arith.addf %add3A_678, %mul3A_682 : vector<16xf32>
          %slice3A_684 = vector.extract_strided_slice %get3A_111 {offsets = [15], sizes = [1], strides = [1]} : vector<16xf32> to vector<1xf32>
          %squeeze3A_685 = vector.extract %slice3A_684[0] : f32 from vector<1xf32>
          %mul3A_686 = vector.broadcast %squeeze3A_685 : f32 to vector<16xf32>
          %mul3A_687 = arith.mulf %mul3A_686, %get3A_11 : vector<16xf32>
          %add3A_688 = arith.addf %add3A_683, %mul3A_687 : vector<16xf32>
          %slice3A_689 = vector.extract_strided_slice %get3A_116 {offsets = [15], sizes = [1], strides = [1]} : vector<16xf32> to vector<1xf32>
          %squeeze3A_690 = vector.extract %slice3A_689[0] : f32 from vector<1xf32>
          %mul3A_691 = vector.broadcast %squeeze3A_690 : f32 to vector<16xf32>
          %mul3A_692 = arith.mulf %mul3A_691, %get3A_14 : vector<16xf32>
          %add3A_693 = arith.addf %add3A_688, %mul3A_692 : vector<16xf32>
          %slice3A_694 = vector.extract_strided_slice %mul3A_88 {offsets = [15], sizes = [1], strides = [1]} : vector<16xf32> to vector<1xf32>
          %squeeze3A_695 = vector.extract %slice3A_694[0] : f32 from vector<1xf32>
          %mul3A_696 = vector.broadcast %squeeze3A_695 : f32 to vector<16xf32>
          %mul3A_697 = arith.mulf %add3A_693, %mul3A_696 : vector<16xf32>
          %mul3A_698 = arith.constant 16 : i32
          %mul3A_699 = arith.muli %scan3A_45, %mul3A_698 : i32
          %add3A_700 = arith.constant 15 : i32
          %add3A_701 = arith.addi %mul3A_699, %add3A_700 : i32
          %swap3A_702 = arith.index_cast %add3A_701 : i32 to index
          %swap3A_703 = arith.constant 0 : index
          %swap3A_704 = tpu.vector_load %arg10[%swap3A_702, %swap3A_703] {strides = array<i32>} : memref<800x16xf32, #tpu.memory_space<vmem>>, vector<1x16xf32>,
          %swap3A_705 = vector.shape_cast %swap3A_704 : vector<1x16xf32> to vector<16xf32>
          %swap3A_706 = vector.shape_cast %mul3A_697 : vector<16xf32> to vector<1x16xf32>
          tpu.vector_store %arg10[%swap3A_702, %swap3A_703], %swap3A_706 {strides = array<i32>} : memref<800x16xf32, #tpu.memory_space<vmem>>, vector<1x16xf32>,
        }
        %scan3A_44 = arith.constant 50 : i32
        "tpu.region"() ({
          %run_scoped3A_45 = tpu.sem_alloc : memref<!tpu.dma_semaphore, #tpu.memory_space<semaphore_mem>>
          %dma_start3A = tpu.memref_slice %arg6[%mul3A_27] : memref<100000xf32, #tpu.memory_space<hbm>> -> memref<800xf32, #tpu.memory_space<hbm>>
          %dma_start3A_46 = tpu.memref_slice %arg6[%mul3A_27] : memref<100000xf32, #tpu.memory_space<hbm>> -> memref<800xf32, #tpu.memory_space<hbm>>
          tpu.enqueue_dma source(%arg11 : memref<800xf32, #tpu.memory_space<vmem>>) target(%dma_start3A_46 : memref<800xf32, #tpu.memory_space<hbm>>) target_semaphore(%run_scoped3A_45 : memref<!tpu.dma_semaphore, #tpu.memory_space<semaphore_mem>>)
          %dma_wait3A = tpu.memref_slice %arg6[%mul3A_27] : memref<100000xf32, #tpu.memory_space<hbm>> -> memref<800xf32, #tpu.memory_space<hbm>>
          %dma_wait3A_47 = tpu.memref_slice %arg6[%mul3A_27] : memref<100000xf32, #tpu.memory_space<hbm>> -> memref<800xf32, #tpu.memory_space<hbm>>
          tpu.wait_dma2 semaphore(%run_scoped3A_45 : memref<!tpu.dma_semaphore, #tpu.memory_space<semaphore_mem>>) src(%arg11 : memref<800xf32, #tpu.memory_space<vmem>>) dst(%dma_wait3A_47 : memref<800xf32, #tpu.memory_space<hbm>>)
          tpu.yield
        }) : () -> ()
        "tpu.region"() ({
          %run_scoped3A_45 = tpu.sem_alloc : memref<!tpu.dma_semaphore, #tpu.memory_space<semaphore_mem>>
          %dma_start3A = arith.constant 0 : i32
          %dma_start3A_46 = tpu.memref_slice %arg5[%mul3A_27, %dma_start3A] : memref<100000x16xf32, #tpu.memory_space<hbm>> -> memref<800x16xf32, #tpu.memory_space<hbm>>
          %dma_start3A_47 = arith.constant 0 : i32
          %dma_start3A_48 = tpu.memref_slice %arg5[%mul3A_27, %dma_start3A_47] : memref<100000x16xf32, #tpu.memory_space<hbm>> -> memref<800x16xf32, #tpu.memory_space<hbm>>
          tpu.enqueue_dma source(%arg10 : memref<800x16xf32, #tpu.memory_space<vmem>>) target(%dma_start3A_48 : memref<800x16xf32, #tpu.memory_space<hbm>>) target_semaphore(%run_scoped3A_45 : memref<!tpu.dma_semaphore, #tpu.memory_space<semaphore_mem>>)
          %dma_wait3A = arith.constant 0 : i32
          %dma_wait3A_49 = tpu.memref_slice %arg5[%mul3A_27, %dma_wait3A] : memref<100000x16xf32, #tpu.memory_space<hbm>> -> memref<800x16xf32, #tpu.memory_space<hbm>>
          %dma_wait3A_50 = arith.constant 0 : i32
          %dma_wait3A_51 = tpu.memref_slice %arg5[%mul3A_27, %dma_wait3A_50] : memref<100000x16xf32, #tpu.memory_space<hbm>> -> memref<800x16xf32, #tpu.memory_space<hbm>>
          tpu.wait_dma2 semaphore(%run_scoped3A_45 : memref<!tpu.dma_semaphore, #tpu.memory_space<semaphore_mem>>) src(%arg10 : memref<800x16xf32, #tpu.memory_space<vmem>>) dst(%dma_wait3A_51 : memref<800x16xf32, #tpu.memory_space<hbm>>)
          tpu.yield
        }) : () -> ()
      } else {
      }
    }
    %scan3A_19 = arith.constant 4 : i32
    return
  }
}

#map = affine_map<(d0, d1) -> (0)>
module attributes {stable_mosaic.version = 14 : i64} {
  func.func @_sc_degree(%arg0: i32, %arg1: i32, %arg2: memref<6400000xi32, #tpu.memory_space<hbm>>, %arg3: memref<100000xf32, #tpu.memory_space<hbm>>, %arg4: memref<10000xf32, #tpu.memory_space<hbm>>, %arg5: memref<200000xf32, #tpu.memory_space<hbm>>, %arg6: memref<10000xi32, #tpu.memory_space<vmem>>, %arg7: memref<10000xf32, #tpu.memory_space<vmem>>, %arg8: memref<100000xf32, #tpu.memory_space<vmem_shared>>) attributes {dimension_semantics = [#tpu.dimension_semantics<core_parallel>, #tpu.dimension_semantics<subcore_parallel>], iteration_bounds = array<i64: 2, 16>, scalar_prefetch = 0 : i64, scratch_operands = 3 : i64, tpu.core_type = #tpu.core_type<sc_vector_subcore>, window_params = [{transform_indices = #map}, {transform_indices = #map}, {transform_indices = #map}, {transform_indices = #map}]} {
    %mul3A = arith.constant 16 : i32
    %mul3A_0 = arith.muli %arg0, %mul3A : i32
    %add3A = arith.addi %mul3A_0, %arg1 : i32
    %eq3A = arith.constant 0 : i32
    %eq3A_1 = arith.cmpi eq, %arg1, %eq3A : i32
    %convert_element_type3A = arith.extui %eq3A_1 : i1 to i32
    %cond3A = arith.constant 0 : i32
    %cond3A_2 = arith.cmpi ne, %convert_element_type3A, %cond3A : i32
    scf.if %cond3A_2 {
      "tpu.region"() ({
        %run_scoped3A = tpu.sem_alloc : memref<!tpu.dma_semaphore, #tpu.memory_space<semaphore_mem>>
        tpu.enqueue_dma source(%arg3 : memref<100000xf32, #tpu.memory_space<hbm>>) target(%arg8 : memref<100000xf32, #tpu.memory_space<vmem_shared>>) target_semaphore(%run_scoped3A : memref<!tpu.dma_semaphore, #tpu.memory_space<semaphore_mem>>)
        tpu.wait_dma2 semaphore(%run_scoped3A : memref<!tpu.dma_semaphore, #tpu.memory_space<semaphore_mem>>) src(%arg3 : memref<100000xf32, #tpu.memory_space<hbm>>) dst(%arg8 : memref<100000xf32, #tpu.memory_space<vmem_shared>>)
        tpu.yield
      }) : () -> ()
    } else {
    }
    "tpu.region"() ({
      %run_scoped3A = tpu.sem_alloc : memref<!tpu.dma_semaphore, #tpu.memory_space<semaphore_mem>>
      tpu.enqueue_dma source(%arg4 : memref<10000xf32, #tpu.memory_space<hbm>>) target(%arg7 : memref<10000xf32, #tpu.memory_space<vmem>>) target_semaphore(%run_scoped3A : memref<!tpu.dma_semaphore, #tpu.memory_space<semaphore_mem>>)
      tpu.wait_dma2 semaphore(%run_scoped3A : memref<!tpu.dma_semaphore, #tpu.memory_space<semaphore_mem>>) src(%arg4 : memref<10000xf32, #tpu.memory_space<hbm>>) dst(%arg7 : memref<10000xf32, #tpu.memory_space<vmem>>)
      tpu.yield
    }) : () -> ()
    %barrier3A = arith.constant 0 : index
    tpu.barrier barrier_id(%barrier3A)
    %scan3A = arith.constant 0 : i32
    %scan3A_3 = arith.constant 0 : i32
    %scan3A_4 = arith.constant 10 : i32
    %scan3A_5 = arith.addi %scan3A_3, %scan3A_4 : i32
    %scan3A_6 = arith.constant 1 : i32
    scf.for %scan3A_13 = %scan3A_3 to %scan3A_5 step %scan3A_6  : i32 {
      %mul3A_14 = arith.constant 100000 : i32
      %mul3A_15 = arith.muli %add3A, %mul3A_14 : i32
      %add3A_16 = arith.constant 3200000 : i32
      %add3A_17 = arith.addi %add3A_16, %mul3A_15 : i32
      %mul3A_18 = arith.constant 10000 : i32
      %mul3A_19 = arith.muli %scan3A_13, %mul3A_18 : i32
      %add3A_20 = arith.addi %add3A_17, %mul3A_19 : i32
      "tpu.region"() ({
        %run_scoped3A = tpu.sem_alloc : memref<!tpu.dma_semaphore, #tpu.memory_space<semaphore_mem>>
        %dma_start3A = tpu.memref_slice %arg2[%add3A_20] : memref<6400000xi32, #tpu.memory_space<hbm>> -> memref<10000xi32, #tpu.memory_space<hbm>>
        %dma_start3A_21 = tpu.memref_slice %arg2[%add3A_20] : memref<6400000xi32, #tpu.memory_space<hbm>> -> memref<10000xi32, #tpu.memory_space<hbm>>
        tpu.enqueue_dma source(%dma_start3A_21 : memref<10000xi32, #tpu.memory_space<hbm>>) target(%arg6 : memref<10000xi32, #tpu.memory_space<vmem>>) target_semaphore(%run_scoped3A : memref<!tpu.dma_semaphore, #tpu.memory_space<semaphore_mem>>)
        %dma_wait3A = tpu.memref_slice %arg2[%add3A_20] : memref<6400000xi32, #tpu.memory_space<hbm>> -> memref<10000xi32, #tpu.memory_space<hbm>>
        %dma_wait3A_22 = tpu.memref_slice %arg2[%add3A_20] : memref<6400000xi32, #tpu.memory_space<hbm>> -> memref<10000xi32, #tpu.memory_space<hbm>>
        tpu.wait_dma2 semaphore(%run_scoped3A : memref<!tpu.dma_semaphore, #tpu.memory_space<semaphore_mem>>) src(%dma_wait3A_22 : memref<10000xi32, #tpu.memory_space<hbm>>) dst(%arg6 : memref<10000xi32, #tpu.memory_space<vmem>>)
        tpu.yield
      }) : () -> ()
      "tpu.region"() ({
        %run_scoped3A = tpu.sem_alloc : memref<!tpu.dma_semaphore, #tpu.memory_space<semaphore_mem>>
        %dma_start3A = arith.constant 0 : i32
        %dma_start3A_21 = tpu.memref_slice %arg8[%dma_start3A] : memref<100000xf32, #tpu.memory_space<vmem_shared>> -> memref<100000xf32, #tpu.memory_space<vmem_shared>>
        tpu.enqueue_indirect_dma source(%arg7 : memref<10000xf32, #tpu.memory_space<vmem>>) target(%dma_start3A_21 : memref<100000xf32, #tpu.memory_space<vmem_shared>>) offsets(%arg6 : memref<10000xi32, #tpu.memory_space<vmem>>) semaphore(%run_scoped3A : memref<!tpu.dma_semaphore, #tpu.memory_space<semaphore_mem>>) {add = true}
        %dma_wait3A = arith.constant 0 : i32
        %dma_wait3A_22 = tpu.memref_slice %arg8[%dma_wait3A] : memref<100000xf32, #tpu.memory_space<vmem_shared>> -> memref<100000xf32, #tpu.memory_space<vmem_shared>>
        tpu.wait_indirect_dma semaphore(%run_scoped3A : memref<!tpu.dma_semaphore, #tpu.memory_space<semaphore_mem>>) src(%arg7 : memref<10000xf32, #tpu.memory_space<vmem>>) dst(%dma_wait3A_22 : memref<100000xf32, #tpu.memory_space<vmem_shared>>)
        tpu.yield
      }) : () -> ()
    }
    %scan3A_7 = arith.constant 10 : i32
    %barrier3A_8 = arith.constant 0 : index
    tpu.barrier barrier_id(%barrier3A_8)
    %lt3A = arith.constant 10 : i32
    %lt3A_9 = arith.cmpi slt, %arg1, %lt3A : i32
    %convert_element_type3A_10 = arith.extui %lt3A_9 : i1 to i32
    %cond3A_11 = arith.constant 0 : i32
    %cond3A_12 = arith.cmpi ne, %convert_element_type3A_10, %cond3A_11 : i32
    scf.if %cond3A_12 {
      %mul3A_13 = arith.constant 10000 : i32
      %mul3A_14 = arith.muli %arg1, %mul3A_13 : i32
      "tpu.region"() ({
        %run_scoped3A = tpu.sem_alloc : memref<!tpu.dma_semaphore, #tpu.memory_space<semaphore_mem>>
        %dma_start3A = tpu.memref_slice %arg8[%mul3A_14] : memref<100000xf32, #tpu.memory_space<vmem_shared>> -> memref<10000xf32, #tpu.memory_space<vmem_shared>>
        %dma_start3A_20 = tpu.memref_slice %arg8[%mul3A_14] : memref<100000xf32, #tpu.memory_space<vmem_shared>> -> memref<10000xf32, #tpu.memory_space<vmem_shared>>
        tpu.enqueue_dma source(%dma_start3A_20 : memref<10000xf32, #tpu.memory_space<vmem_shared>>) target(%arg7 : memref<10000xf32, #tpu.memory_space<vmem>>) target_semaphore(%run_scoped3A : memref<!tpu.dma_semaphore, #tpu.memory_space<semaphore_mem>>)
        %dma_wait3A = tpu.memref_slice %arg8[%mul3A_14] : memref<100000xf32, #tpu.memory_space<vmem_shared>> -> memref<10000xf32, #tpu.memory_space<vmem_shared>>
        %dma_wait3A_21 = tpu.memref_slice %arg8[%mul3A_14] : memref<100000xf32, #tpu.memory_space<vmem_shared>> -> memref<10000xf32, #tpu.memory_space<vmem_shared>>
        tpu.wait_dma2 semaphore(%run_scoped3A : memref<!tpu.dma_semaphore, #tpu.memory_space<semaphore_mem>>) src(%dma_wait3A_21 : memref<10000xf32, #tpu.memory_space<vmem_shared>>) dst(%arg7 : memref<10000xf32, #tpu.memory_space<vmem>>)
        tpu.yield
      }) : () -> ()
      %mul3A_15 = arith.constant 100000 : i32
      %mul3A_16 = arith.muli %arg0, %mul3A_15 : i32
      %mul3A_17 = arith.constant 10000 : i32
      %mul3A_18 = arith.muli %arg1, %mul3A_17 : i32
      %add3A_19 = arith.addi %mul3A_16, %mul3A_18 : i32
      "tpu.region"() ({
        %run_scoped3A = tpu.sem_alloc : memref<!tpu.dma_semaphore, #tpu.memory_space<semaphore_mem>>
        %dma_start3A = tpu.memref_slice %arg5[%add3A_19] : memref<200000xf32, #tpu.memory_space<hbm>> -> memref<10000xf32, #tpu.memory_space<hbm>>
        %dma_start3A_20 = tpu.memref_slice %arg5[%add3A_19] : memref<200000xf32, #tpu.memory_space<hbm>> -> memref<10000xf32, #tpu.memory_space<hbm>>
        tpu.enqueue_dma source(%arg7 : memref<10000xf32, #tpu.memory_space<vmem>>) target(%dma_start3A_20 : memref<10000xf32, #tpu.memory_space<hbm>>) target_semaphore(%run_scoped3A : memref<!tpu.dma_semaphore, #tpu.memory_space<semaphore_mem>>)
        %dma_wait3A = tpu.memref_slice %arg5[%add3A_19] : memref<200000xf32, #tpu.memory_space<hbm>> -> memref<10000xf32, #tpu.memory_space<hbm>>
        %dma_wait3A_21 = tpu.memref_slice %arg5[%add3A_19] : memref<200000xf32, #tpu.memory_space<hbm>> -> memref<10000xf32, #tpu.memory_space<hbm>>
        tpu.wait_dma2 semaphore(%run_scoped3A : memref<!tpu.dma_semaphore, #tpu.memory_space<semaphore_mem>>) src(%arg7 : memref<10000xf32, #tpu.memory_space<vmem>>) dst(%dma_wait3A_21 : memref<10000xf32, #tpu.memory_space<hbm>>)
        tpu.yield
      }) : () -> ()
    } else {
    }
    return
  }
}

#map = affine_map<(d0, d1) -> (0)>
#map1 = affine_map<(d0, d1) -> (0, 0)>
module attributes {stable_mosaic.version = 14 : i64} {
  func.func @_sc_agg(%arg0: i32, %arg1: i32, %arg2: memref<6400000xi32, #tpu.memory_space<hbm>>, %arg3: memref<100000x16xf32, #tpu.memory_space<hbm>>, %arg4: memref<200000x16xf32, #tpu.memory_space<hbm>>, %arg5: memref<2400xi32, #tpu.memory_space<vmem>>, %arg6: memref<2400xi32, #tpu.memory_space<vmem>>, %arg7: memref<800x16xf32, #tpu.memory_space<vmem>>, %arg8: memref<800x16xf32, #tpu.memory_space<vmem>>, %arg9: memref<!tpu.dma_semaphore, #tpu.memory_space<semaphore_mem>>, %arg10: memref<!tpu.dma_semaphore, #tpu.memory_space<semaphore_mem>>, %arg11: memref<!tpu.dma_semaphore, #tpu.memory_space<semaphore_mem>>, %arg12: memref<!tpu.dma_semaphore, #tpu.memory_space<semaphore_mem>>, %arg13: memref<100000x16xf32, #tpu.memory_space<vmem_shared>>) attributes {dimension_semantics = [#tpu.dimension_semantics<core_parallel>, #tpu.dimension_semantics<subcore_parallel>], iteration_bounds = array<i64: 2, 16>, scalar_prefetch = 0 : i64, scratch_operands = 9 : i64, tpu.core_type = #tpu.core_type<sc_vector_subcore>, window_params = [{transform_indices = #map}, {transform_indices = #map1}, {transform_indices = #map1}]} {
    %mul3A = arith.constant 16 : i32
    %mul3A_0 = arith.muli %arg0, %mul3A : i32
    %add3A = arith.addi %mul3A_0, %arg1 : i32
    %eq3A = arith.constant 0 : i32
    %eq3A_1 = arith.cmpi eq, %arg1, %eq3A : i32
    %convert_element_type3A = arith.extui %eq3A_1 : i1 to i32
    %cond3A = arith.constant 0 : i32
    %cond3A_2 = arith.cmpi ne, %convert_element_type3A, %cond3A : i32
    scf.if %cond3A_2 {
      "tpu.region"() ({
        %run_scoped3A = tpu.sem_alloc : memref<!tpu.dma_semaphore, #tpu.memory_space<semaphore_mem>>
        tpu.enqueue_dma source(%arg3 : memref<100000x16xf32, #tpu.memory_space<hbm>>) target(%arg13 : memref<100000x16xf32, #tpu.memory_space<vmem_shared>>) target_semaphore(%run_scoped3A : memref<!tpu.dma_semaphore, #tpu.memory_space<semaphore_mem>>)
        tpu.wait_dma2 semaphore(%run_scoped3A : memref<!tpu.dma_semaphore, #tpu.memory_space<semaphore_mem>>) src(%arg3 : memref<100000x16xf32, #tpu.memory_space<hbm>>) dst(%arg13 : memref<100000x16xf32, #tpu.memory_space<vmem_shared>>)
        tpu.yield
      }) : () -> ()
    } else {
    }
    %barrier3A = arith.constant 0 : index
    tpu.barrier barrier_id(%barrier3A)
    %scan3A = arith.constant 0 : i32
    %scan3A_3 = arith.constant 0 : i32
    %scan3A_4 = arith.constant 41 : i32
    %scan3A_5 = arith.addi %scan3A_3, %scan3A_4 : i32
    %scan3A_6 = arith.constant 1 : i32
    scf.for %scan3A_83 = %scan3A_3 to %scan3A_5 step %scan3A_6  : i32 {
      %mul3A_84 = arith.constant 100000 : i32
      %mul3A_85 = arith.muli %add3A, %mul3A_84 : i32
      %mul3A_86 = arith.constant 2400 : i32
      %mul3A_87 = arith.muli %scan3A_83, %mul3A_86 : i32
      %add3A_88 = arith.addi %mul3A_85, %mul3A_87 : i32
      %dma_start3A_89 = arith.constant 0 : i32
      %dma_start3A_90 = tpu.memref_slice %arg5[%dma_start3A_89] : memref<2400xi32, #tpu.memory_space<vmem>> -> memref<2400xi32, #tpu.memory_space<vmem>>
      %dma_start3A_91 = tpu.memref_slice %arg2[%add3A_88] : memref<6400000xi32, #tpu.memory_space<hbm>> -> memref<2400xi32, #tpu.memory_space<hbm>>
      %dma_start3A_92 = arith.constant 0 : i32
      %dma_start3A_93 = tpu.memref_slice %arg5[%dma_start3A_92] : memref<2400xi32, #tpu.memory_space<vmem>> -> memref<2400xi32, #tpu.memory_space<vmem>>
      %dma_start3A_94 = tpu.memref_slice %arg2[%add3A_88] : memref<6400000xi32, #tpu.memory_space<hbm>> -> memref<2400xi32, #tpu.memory_space<hbm>>
      tpu.enqueue_dma source(%dma_start3A_94 : memref<2400xi32, #tpu.memory_space<hbm>>) target(%dma_start3A_93 : memref<2400xi32, #tpu.memory_space<vmem>>) target_semaphore(%arg11 : memref<!tpu.dma_semaphore, #tpu.memory_space<semaphore_mem>>)
      %add3A_95 = arith.constant 3200000 : i32
      %add3A_96 = arith.addi %add3A_95, %add3A_88 : i32
      %dma_start3A_97 = arith.constant 0 : i32
      %dma_start3A_98 = tpu.memref_slice %arg6[%dma_start3A_97] : memref<2400xi32, #tpu.memory_space<vmem>> -> memref<2400xi32, #tpu.memory_space<vmem>>
      %dma_start3A_99 = tpu.memref_slice %arg2[%add3A_96] : memref<6400000xi32, #tpu.memory_space<hbm>> -> memref<2400xi32, #tpu.memory_space<hbm>>
      %dma_start3A_100 = arith.constant 0 : i32
      %dma_start3A_101 = tpu.memref_slice %arg6[%dma_start3A_100] : memref<2400xi32, #tpu.memory_space<vmem>> -> memref<2400xi32, #tpu.memory_space<vmem>>
      %dma_start3A_102 = tpu.memref_slice %arg2[%add3A_96] : memref<6400000xi32, #tpu.memory_space<hbm>> -> memref<2400xi32, #tpu.memory_space<hbm>>
      tpu.enqueue_dma source(%dma_start3A_102 : memref<2400xi32, #tpu.memory_space<hbm>>) target(%dma_start3A_101 : memref<2400xi32, #tpu.memory_space<vmem>>) target_semaphore(%arg12 : memref<!tpu.dma_semaphore, #tpu.memory_space<semaphore_mem>>)
      %dma_wait3A_103 = arith.constant 0 : i32
      %dma_wait3A_104 = tpu.memref_slice %arg5[%dma_wait3A_103] : memref<2400xi32, #tpu.memory_space<vmem>> -> memref<2400xi32, #tpu.memory_space<vmem>>
      %dma_wait3A_105 = tpu.memref_slice %arg2[%add3A_88] : memref<6400000xi32, #tpu.memory_space<hbm>> -> memref<2400xi32, #tpu.memory_space<hbm>>
      %dma_wait3A_106 = arith.constant 0 : i32
      %dma_wait3A_107 = tpu.memref_slice %arg5[%dma_wait3A_106] : memref<2400xi32, #tpu.memory_space<vmem>> -> memref<2400xi32, #tpu.memory_space<vmem>>
      %dma_wait3A_108 = tpu.memref_slice %arg2[%add3A_88] : memref<6400000xi32, #tpu.memory_space<hbm>> -> memref<2400xi32, #tpu.memory_space<hbm>>
      tpu.wait_dma2 semaphore(%arg11 : memref<!tpu.dma_semaphore, #tpu.memory_space<semaphore_mem>>) src(%dma_wait3A_108 : memref<2400xi32, #tpu.memory_space<hbm>>) dst(%dma_wait3A_107 : memref<2400xi32, #tpu.memory_space<vmem>>)
      %dma_wait3A_109 = arith.constant 0 : i32
      %dma_wait3A_110 = tpu.memref_slice %arg6[%dma_wait3A_109] : memref<2400xi32, #tpu.memory_space<vmem>> -> memref<2400xi32, #tpu.memory_space<vmem>>
      %dma_wait3A_111 = tpu.memref_slice %arg2[%add3A_96] : memref<6400000xi32, #tpu.memory_space<hbm>> -> memref<2400xi32, #tpu.memory_space<hbm>>
      %dma_wait3A_112 = arith.constant 0 : i32
      %dma_wait3A_113 = tpu.memref_slice %arg6[%dma_wait3A_112] : memref<2400xi32, #tpu.memory_space<vmem>> -> memref<2400xi32, #tpu.memory_space<vmem>>
      %dma_wait3A_114 = tpu.memref_slice %arg2[%add3A_96] : memref<6400000xi32, #tpu.memory_space<hbm>> -> memref<2400xi32, #tpu.memory_space<hbm>>
      tpu.wait_dma2 semaphore(%arg12 : memref<!tpu.dma_semaphore, #tpu.memory_space<semaphore_mem>>) src(%dma_wait3A_114 : memref<2400xi32, #tpu.memory_space<hbm>>) dst(%dma_wait3A_113 : memref<2400xi32, #tpu.memory_space<vmem>>)
      %dma_start3A_115 = arith.constant 0 : i32
      %dma_start3A_116 = tpu.memref_slice %arg5[%dma_start3A_115] : memref<2400xi32, #tpu.memory_space<vmem>> -> memref<800xi32, #tpu.memory_space<vmem>>
      %dma_start3A_117 = arith.constant 0 : i32
      %dma_start3A_118 = arith.constant 0 : i32
      %dma_start3A_119 = tpu.memref_slice %arg3[%dma_start3A_117, %dma_start3A_118] : memref<100000x16xf32, #tpu.memory_space<hbm>> -> memref<100000x16xf32, #tpu.memory_space<hbm>>
      tpu.enqueue_indirect_dma source(%dma_start3A_119 : memref<100000x16xf32, #tpu.memory_space<hbm>>) target(%arg7 : memref<800x16xf32, #tpu.memory_space<vmem>>) offsets(%dma_start3A_116 : memref<800xi32, #tpu.memory_space<vmem>>) semaphore(%arg9 : memref<!tpu.dma_semaphore, #tpu.memory_space<semaphore_mem>>)
      %dma_start3A_120 = arith.constant 800 : i32
      %dma_start3A_121 = tpu.memref_slice %arg5[%dma_start3A_120] : memref<2400xi32, #tpu.memory_space<vmem>> -> memref<800xi32, #tpu.memory_space<vmem>>
      %dma_start3A_122 = arith.constant 0 : i32
      %dma_start3A_123 = arith.constant 0 : i32
      %dma_start3A_124 = tpu.memref_slice %arg3[%dma_start3A_122, %dma_start3A_123] : memref<100000x16xf32, #tpu.memory_space<hbm>> -> memref<100000x16xf32, #tpu.memory_space<hbm>>
      tpu.enqueue_indirect_dma source(%dma_start3A_124 : memref<100000x16xf32, #tpu.memory_space<hbm>>) target(%arg8 : memref<800x16xf32, #tpu.memory_space<vmem>>) offsets(%dma_start3A_121 : memref<800xi32, #tpu.memory_space<vmem>>) semaphore(%arg10 : memref<!tpu.dma_semaphore, #tpu.memory_space<semaphore_mem>>)
      %dma_wait3A_125 = arith.constant 0 : i32
      %dma_wait3A_126 = tpu.memref_slice %arg5[%dma_wait3A_125] : memref<2400xi32, #tpu.memory_space<vmem>> -> memref<800xi32, #tpu.memory_space<vmem>>
      %dma_wait3A_127 = arith.constant 0 : i32
      %dma_wait3A_128 = arith.constant 0 : i32
      %dma_wait3A_129 = tpu.memref_slice %arg3[%dma_wait3A_127, %dma_wait3A_128] : memref<100000x16xf32, #tpu.memory_space<hbm>> -> memref<100000x16xf32, #tpu.memory_space<hbm>>
      tpu.wait_indirect_dma semaphore(%arg9 : memref<!tpu.dma_semaphore, #tpu.memory_space<semaphore_mem>>) src(%dma_wait3A_129 : memref<100000x16xf32, #tpu.memory_space<hbm>>) dst(%arg7 : memref<800x16xf32, #tpu.memory_space<vmem>>)
      %dma_start3A_130 = arith.constant 0 : i32
      %dma_start3A_131 = tpu.memref_slice %arg6[%dma_start3A_130] : memref<2400xi32, #tpu.memory_space<vmem>> -> memref<800xi32, #tpu.memory_space<vmem>>
      %dma_start3A_132 = arith.constant 0 : i32
      %dma_start3A_133 = arith.constant 0 : i32
      %dma_start3A_134 = tpu.memref_slice %arg13[%dma_start3A_132, %dma_start3A_133] : memref<100000x16xf32, #tpu.memory_space<vmem_shared>> -> memref<100000x16xf32, #tpu.memory_space<vmem_shared>>
      tpu.enqueue_indirect_dma source(%arg7 : memref<800x16xf32, #tpu.memory_space<vmem>>) target(%dma_start3A_134 : memref<100000x16xf32, #tpu.memory_space<vmem_shared>>) offsets(%dma_start3A_131 : memref<800xi32, #tpu.memory_space<vmem>>) semaphore(%arg11 : memref<!tpu.dma_semaphore, #tpu.memory_space<semaphore_mem>>) {add = true}
      %dma_wait3A_135 = arith.constant 0 : i32
      %dma_wait3A_136 = tpu.memref_slice %arg6[%dma_wait3A_135] : memref<2400xi32, #tpu.memory_space<vmem>> -> memref<800xi32, #tpu.memory_space<vmem>>
      %dma_wait3A_137 = arith.constant 0 : i32
      %dma_wait3A_138 = arith.constant 0 : i32
      %dma_wait3A_139 = tpu.memref_slice %arg13[%dma_wait3A_137, %dma_wait3A_138] : memref<100000x16xf32, #tpu.memory_space<vmem_shared>> -> memref<100000x16xf32, #tpu.memory_space<vmem_shared>>
      tpu.wait_indirect_dma semaphore(%arg11 : memref<!tpu.dma_semaphore, #tpu.memory_space<semaphore_mem>>) src(%arg7 : memref<800x16xf32, #tpu.memory_space<vmem>>) dst(%dma_wait3A_139 : memref<100000x16xf32, #tpu.memory_space<vmem_shared>>)
      %dma_start3A_140 = arith.constant 1600 : i32
      %dma_start3A_141 = tpu.memref_slice %arg5[%dma_start3A_140] : memref<2400xi32, #tpu.memory_space<vmem>> -> memref<800xi32, #tpu.memory_space<vmem>>
      %dma_start3A_142 = arith.constant 0 : i32
      %dma_start3A_143 = arith.constant 0 : i32
      %dma_start3A_144 = tpu.memref_slice %arg3[%dma_start3A_142, %dma_start3A_143] : memref<100000x16xf32, #tpu.memory_space<hbm>> -> memref<100000x16xf32, #tpu.memory_space<hbm>>
      tpu.enqueue_indirect_dma source(%dma_start3A_144 : memref<100000x16xf32, #tpu.memory_space<hbm>>) target(%arg7 : memref<800x16xf32, #tpu.memory_space<vmem>>) offsets(%dma_start3A_141 : memref<800xi32, #tpu.memory_space<vmem>>) semaphore(%arg9 : memref<!tpu.dma_semaphore, #tpu.memory_space<semaphore_mem>>)
      %dma_wait3A_145 = arith.constant 800 : i32
      %dma_wait3A_146 = tpu.memref_slice %arg5[%dma_wait3A_145] : memref<2400xi32, #tpu.memory_space<vmem>> -> memref<800xi32, #tpu.memory_space<vmem>>
      %dma_wait3A_147 = arith.constant 0 : i32
      %dma_wait3A_148 = arith.constant 0 : i32
      %dma_wait3A_149 = tpu.memref_slice %arg3[%dma_wait3A_147, %dma_wait3A_148] : memref<100000x16xf32, #tpu.memory_space<hbm>> -> memref<100000x16xf32, #tpu.memory_space<hbm>>
      tpu.wait_indirect_dma semaphore(%arg10 : memref<!tpu.dma_semaphore, #tpu.memory_space<semaphore_mem>>) src(%dma_wait3A_149 : memref<100000x16xf32, #tpu.memory_space<hbm>>) dst(%arg8 : memref<800x16xf32, #tpu.memory_space<vmem>>)
      %dma_start3A_150 = arith.constant 800 : i32
      %dma_start3A_151 = tpu.memref_slice %arg6[%dma_start3A_150] : memref<2400xi32, #tpu.memory_space<vmem>> -> memref<800xi32, #tpu.memory_space<vmem>>
      %dma_start3A_152 = arith.constant 0 : i32
      %dma_start3A_153 = arith.constant 0 : i32
      %dma_start3A_154 = tpu.memref_slice %arg13[%dma_start3A_152, %dma_start3A_153] : memref<100000x16xf32, #tpu.memory_space<vmem_shared>> -> memref<100000x16xf32, #tpu.memory_space<vmem_shared>>
      tpu.enqueue_indirect_dma source(%arg8 : memref<800x16xf32, #tpu.memory_space<vmem>>) target(%dma_start3A_154 : memref<100000x16xf32, #tpu.memory_space<vmem_shared>>) offsets(%dma_start3A_151 : memref<800xi32, #tpu.memory_space<vmem>>) semaphore(%arg12 : memref<!tpu.dma_semaphore, #tpu.memory_space<semaphore_mem>>) {add = true}
      %dma_wait3A_155 = arith.constant 1600 : i32
      %dma_wait3A_156 = tpu.memref_slice %arg5[%dma_wait3A_155] : memref<2400xi32, #tpu.memory_space<vmem>> -> memref<800xi32, #tpu.memory_space<vmem>>
      %dma_wait3A_157 = arith.constant 0 : i32
      %dma_wait3A_158 = arith.constant 0 : i32
      %dma_wait3A_159 = tpu.memref_slice %arg3[%dma_wait3A_157, %dma_wait3A_158] : memref<100000x16xf32, #tpu.memory_space<hbm>> -> memref<100000x16xf32, #tpu.memory_space<hbm>>
      tpu.wait_indirect_dma semaphore(%arg9 : memref<!tpu.dma_semaphore, #tpu.memory_space<semaphore_mem>>) src(%dma_wait3A_159 : memref<100000x16xf32, #tpu.memory_space<hbm>>) dst(%arg7 : memref<800x16xf32, #tpu.memory_space<vmem>>)
      %dma_start3A_160 = arith.constant 1600 : i32
      %dma_start3A_161 = tpu.memref_slice %arg6[%dma_start3A_160] : memref<2400xi32, #tpu.memory_space<vmem>> -> memref<800xi32, #tpu.memory_space<vmem>>
      %dma_start3A_162 = arith.constant 0 : i32
      %dma_start3A_163 = arith.constant 0 : i32
      %dma_start3A_164 = tpu.memref_slice %arg13[%dma_start3A_162, %dma_start3A_163] : memref<100000x16xf32, #tpu.memory_space<vmem_shared>> -> memref<100000x16xf32, #tpu.memory_space<vmem_shared>>
      tpu.enqueue_indirect_dma source(%arg7 : memref<800x16xf32, #tpu.memory_space<vmem>>) target(%dma_start3A_164 : memref<100000x16xf32, #tpu.memory_space<vmem_shared>>) offsets(%dma_start3A_161 : memref<800xi32, #tpu.memory_space<vmem>>) semaphore(%arg11 : memref<!tpu.dma_semaphore, #tpu.memory_space<semaphore_mem>>) {add = true}
      %dma_wait3A_165 = arith.constant 1600 : i32
      %dma_wait3A_166 = tpu.memref_slice %arg6[%dma_wait3A_165] : memref<2400xi32, #tpu.memory_space<vmem>> -> memref<800xi32, #tpu.memory_space<vmem>>
      %dma_wait3A_167 = arith.constant 0 : i32
      %dma_wait3A_168 = arith.constant 0 : i32
      %dma_wait3A_169 = tpu.memref_slice %arg13[%dma_wait3A_167, %dma_wait3A_168] : memref<100000x16xf32, #tpu.memory_space<vmem_shared>> -> memref<100000x16xf32, #tpu.memory_space<vmem_shared>>
      tpu.wait_indirect_dma semaphore(%arg11 : memref<!tpu.dma_semaphore, #tpu.memory_space<semaphore_mem>>) src(%arg7 : memref<800x16xf32, #tpu.memory_space<vmem>>) dst(%dma_wait3A_169 : memref<100000x16xf32, #tpu.memory_space<vmem_shared>>)
      %dma_wait3A_170 = arith.constant 800 : i32
      %dma_wait3A_171 = tpu.memref_slice %arg6[%dma_wait3A_170] : memref<2400xi32, #tpu.memory_space<vmem>> -> memref<800xi32, #tpu.memory_space<vmem>>
      %dma_wait3A_172 = arith.constant 0 : i32
      %dma_wait3A_173 = arith.constant 0 : i32
      %dma_wait3A_174 = tpu.memref_slice %arg13[%dma_wait3A_172, %dma_wait3A_173] : memref<100000x16xf32, #tpu.memory_space<vmem_shared>> -> memref<100000x16xf32, #tpu.memory_space<vmem_shared>>
      tpu.wait_indirect_dma semaphore(%arg12 : memref<!tpu.dma_semaphore, #tpu.memory_space<semaphore_mem>>) src(%arg8 : memref<800x16xf32, #tpu.memory_space<vmem>>) dst(%dma_wait3A_174 : memref<100000x16xf32, #tpu.memory_space<vmem_shared>>)
    }
    %scan3A_7 = arith.constant 41 : i32
    %mul3A_8 = arith.constant 100000 : i32
    %mul3A_9 = arith.muli %add3A, %mul3A_8 : i32
    %add3A_10 = arith.constant 98400 : i32
    %add3A_11 = arith.addi %mul3A_9, %add3A_10 : i32
    %dma_start3A = arith.constant 0 : i32
    %dma_start3A_12 = tpu.memref_slice %arg5[%dma_start3A] : memref<2400xi32, #tpu.memory_space<vmem>> -> memref<1600xi32, #tpu.memory_space<vmem>>
    %dma_start3A_13 = tpu.memref_slice %arg2[%add3A_11] : memref<6400000xi32, #tpu.memory_space<hbm>> -> memref<1600xi32, #tpu.memory_space<hbm>>
    %dma_start3A_14 = arith.constant 0 : i32
    %dma_start3A_15 = tpu.memref_slice %arg5[%dma_start3A_14] : memref<2400xi32, #tpu.memory_space<vmem>> -> memref<1600xi32, #tpu.memory_space<vmem>>
    %dma_start3A_16 = tpu.memref_slice %arg2[%add3A_11] : memref<6400000xi32, #tpu.memory_space<hbm>> -> memref<1600xi32, #tpu.memory_space<hbm>>
    tpu.enqueue_dma source(%dma_start3A_16 : memref<1600xi32, #tpu.memory_space<hbm>>) target(%dma_start3A_15 : memref<1600xi32, #tpu.memory_space<vmem>>) target_semaphore(%arg11 : memref<!tpu.dma_semaphore, #tpu.memory_space<semaphore_mem>>)
    %add3A_17 = arith.constant 3200000 : i32
    %add3A_18 = arith.addi %add3A_17, %add3A_11 : i32
    %dma_start3A_19 = arith.constant 0 : i32
    %dma_start3A_20 = tpu.memref_slice %arg6[%dma_start3A_19] : memref<2400xi32, #tpu.memory_space<vmem>> -> memref<1600xi32, #tpu.memory_space<vmem>>
    %dma_start3A_21 = tpu.memref_slice %arg2[%add3A_18] : memref<6400000xi32, #tpu.memory_space<hbm>> -> memref<1600xi32, #tpu.memory_space<hbm>>
    %dma_start3A_22 = arith.constant 0 : i32
    %dma_start3A_23 = tpu.memref_slice %arg6[%dma_start3A_22] : memref<2400xi32, #tpu.memory_space<vmem>> -> memref<1600xi32, #tpu.memory_space<vmem>>
    %dma_start3A_24 = tpu.memref_slice %arg2[%add3A_18] : memref<6400000xi32, #tpu.memory_space<hbm>> -> memref<1600xi32, #tpu.memory_space<hbm>>
    tpu.enqueue_dma source(%dma_start3A_24 : memref<1600xi32, #tpu.memory_space<hbm>>) target(%dma_start3A_23 : memref<1600xi32, #tpu.memory_space<vmem>>) target_semaphore(%arg12 : memref<!tpu.dma_semaphore, #tpu.memory_space<semaphore_mem>>)
    %dma_wait3A = arith.constant 0 : i32
    %dma_wait3A_25 = tpu.memref_slice %arg5[%dma_wait3A] : memref<2400xi32, #tpu.memory_space<vmem>> -> memref<1600xi32, #tpu.memory_space<vmem>>
    %dma_wait3A_26 = tpu.memref_slice %arg2[%add3A_11] : memref<6400000xi32, #tpu.memory_space<hbm>> -> memref<1600xi32, #tpu.memory_space<hbm>>
    %dma_wait3A_27 = arith.constant 0 : i32
    %dma_wait3A_28 = tpu.memref_slice %arg5[%dma_wait3A_27] : memref<2400xi32, #tpu.memory_space<vmem>> -> memref<1600xi32, #tpu.memory_space<vmem>>
    %dma_wait3A_29 = tpu.memref_slice %arg2[%add3A_11] : memref<6400000xi32, #tpu.memory_space<hbm>> -> memref<1600xi32, #tpu.memory_space<hbm>>
    tpu.wait_dma2 semaphore(%arg11 : memref<!tpu.dma_semaphore, #tpu.memory_space<semaphore_mem>>) src(%dma_wait3A_29 : memref<1600xi32, #tpu.memory_space<hbm>>) dst(%dma_wait3A_28 : memref<1600xi32, #tpu.memory_space<vmem>>)
    %dma_wait3A_30 = arith.constant 0 : i32
    %dma_wait3A_31 = tpu.memref_slice %arg6[%dma_wait3A_30] : memref<2400xi32, #tpu.memory_space<vmem>> -> memref<1600xi32, #tpu.memory_space<vmem>>
    %dma_wait3A_32 = tpu.memref_slice %arg2[%add3A_18] : memref<6400000xi32, #tpu.memory_space<hbm>> -> memref<1600xi32, #tpu.memory_space<hbm>>
    %dma_wait3A_33 = arith.constant 0 : i32
    %dma_wait3A_34 = tpu.memref_slice %arg6[%dma_wait3A_33] : memref<2400xi32, #tpu.memory_space<vmem>> -> memref<1600xi32, #tpu.memory_space<vmem>>
    %dma_wait3A_35 = tpu.memref_slice %arg2[%add3A_18] : memref<6400000xi32, #tpu.memory_space<hbm>> -> memref<1600xi32, #tpu.memory_space<hbm>>
    tpu.wait_dma2 semaphore(%arg12 : memref<!tpu.dma_semaphore, #tpu.memory_space<semaphore_mem>>) src(%dma_wait3A_35 : memref<1600xi32, #tpu.memory_space<hbm>>) dst(%dma_wait3A_34 : memref<1600xi32, #tpu.memory_space<vmem>>)
    %dma_start3A_36 = arith.constant 0 : i32
    %dma_start3A_37 = tpu.memref_slice %arg5[%dma_start3A_36] : memref<2400xi32, #tpu.memory_space<vmem>> -> memref<800xi32, #tpu.memory_space<vmem>>
    %dma_start3A_38 = arith.constant 0 : i32
    %dma_start3A_39 = arith.constant 0 : i32
    %dma_start3A_40 = tpu.memref_slice %arg3[%dma_start3A_38, %dma_start3A_39] : memref<100000x16xf32, #tpu.memory_space<hbm>> -> memref<100000x16xf32, #tpu.memory_space<hbm>>
    tpu.enqueue_indirect_dma source(%dma_start3A_40 : memref<100000x16xf32, #tpu.memory_space<hbm>>) target(%arg7 : memref<800x16xf32, #tpu.memory_space<vmem>>) offsets(%dma_start3A_37 : memref<800xi32, #tpu.memory_space<vmem>>) semaphore(%arg9 : memref<!tpu.dma_semaphore, #tpu.memory_space<semaphore_mem>>)
    %dma_start3A_41 = arith.constant 800 : i32
    %dma_start3A_42 = tpu.memref_slice %arg5[%dma_start3A_41] : memref<2400xi32, #tpu.memory_space<vmem>> -> memref<800xi32, #tpu.memory_space<vmem>>
    %dma_start3A_43 = arith.constant 0 : i32
    %dma_start3A_44 = arith.constant 0 : i32
    %dma_start3A_45 = tpu.memref_slice %arg3[%dma_start3A_43, %dma_start3A_44] : memref<100000x16xf32, #tpu.memory_space<hbm>> -> memref<100000x16xf32, #tpu.memory_space<hbm>>
    tpu.enqueue_indirect_dma source(%dma_start3A_45 : memref<100000x16xf32, #tpu.memory_space<hbm>>) target(%arg8 : memref<800x16xf32, #tpu.memory_space<vmem>>) offsets(%dma_start3A_42 : memref<800xi32, #tpu.memory_space<vmem>>) semaphore(%arg10 : memref<!tpu.dma_semaphore, #tpu.memory_space<semaphore_mem>>)
    %dma_wait3A_46 = arith.constant 0 : i32
    %dma_wait3A_47 = tpu.memref_slice %arg5[%dma_wait3A_46] : memref<2400xi32, #tpu.memory_space<vmem>> -> memref<800xi32, #tpu.memory_space<vmem>>
    %dma_wait3A_48 = arith.constant 0 : i32
    %dma_wait3A_49 = arith.constant 0 : i32
    %dma_wait3A_50 = tpu.memref_slice %arg3[%dma_wait3A_48, %dma_wait3A_49] : memref<100000x16xf32, #tpu.memory_space<hbm>> -> memref<100000x16xf32, #tpu.memory_space<hbm>>
    tpu.wait_indirect_dma semaphore(%arg9 : memref<!tpu.dma_semaphore, #tpu.memory_space<semaphore_mem>>) src(%dma_wait3A_50 : memref<100000x16xf32, #tpu.memory_space<hbm>>) dst(%arg7 : memref<800x16xf32, #tpu.memory_space<vmem>>)
    %dma_start3A_51 = arith.constant 0 : i32
    %dma_start3A_52 = tpu.memref_slice %arg6[%dma_start3A_51] : memref<2400xi32, #tpu.memory_space<vmem>> -> memref<800xi32, #tpu.memory_space<vmem>>
    %dma_start3A_53 = arith.constant 0 : i32
    %dma_start3A_54 = arith.constant 0 : i32
    %dma_start3A_55 = tpu.memref_slice %arg13[%dma_start3A_53, %dma_start3A_54] : memref<100000x16xf32, #tpu.memory_space<vmem_shared>> -> memref<100000x16xf32, #tpu.memory_space<vmem_shared>>
    tpu.enqueue_indirect_dma source(%arg7 : memref<800x16xf32, #tpu.memory_space<vmem>>) target(%dma_start3A_55 : memref<100000x16xf32, #tpu.memory_space<vmem_shared>>) offsets(%dma_start3A_52 : memref<800xi32, #tpu.memory_space<vmem>>) semaphore(%arg11 : memref<!tpu.dma_semaphore, #tpu.memory_space<semaphore_mem>>) {add = true}
    %dma_wait3A_56 = arith.constant 800 : i32
    %dma_wait3A_57 = tpu.memref_slice %arg5[%dma_wait3A_56] : memref<2400xi32, #tpu.memory_space<vmem>> -> memref<800xi32, #tpu.memory_space<vmem>>
    %dma_wait3A_58 = arith.constant 0 : i32
    %dma_wait3A_59 = arith.constant 0 : i32
    %dma_wait3A_60 = tpu.memref_slice %arg3[%dma_wait3A_58, %dma_wait3A_59] : memref<100000x16xf32, #tpu.memory_space<hbm>> -> memref<100000x16xf32, #tpu.memory_space<hbm>>
    tpu.wait_indirect_dma semaphore(%arg10 : memref<!tpu.dma_semaphore, #tpu.memory_space<semaphore_mem>>) src(%dma_wait3A_60 : memref<100000x16xf32, #tpu.memory_space<hbm>>) dst(%arg8 : memref<800x16xf32, #tpu.memory_space<vmem>>)
    %dma_start3A_61 = arith.constant 800 : i32
    %dma_start3A_62 = tpu.memref_slice %arg6[%dma_start3A_61] : memref<2400xi32, #tpu.memory_space<vmem>> -> memref<800xi32, #tpu.memory_space<vmem>>
    %dma_start3A_63 = arith.constant 0 : i32
    %dma_start3A_64 = arith.constant 0 : i32
    %dma_start3A_65 = tpu.memref_slice %arg13[%dma_start3A_63, %dma_start3A_64] : memref<100000x16xf32, #tpu.memory_space<vmem_shared>> -> memref<100000x16xf32, #tpu.memory_space<vmem_shared>>
    tpu.enqueue_indirect_dma source(%arg8 : memref<800x16xf32, #tpu.memory_space<vmem>>) target(%dma_start3A_65 : memref<100000x16xf32, #tpu.memory_space<vmem_shared>>) offsets(%dma_start3A_62 : memref<800xi32, #tpu.memory_space<vmem>>) semaphore(%arg12 : memref<!tpu.dma_semaphore, #tpu.memory_space<semaphore_mem>>) {add = true}
    %dma_wait3A_66 = arith.constant 0 : i32
    %dma_wait3A_67 = tpu.memref_slice %arg6[%dma_wait3A_66] : memref<2400xi32, #tpu.memory_space<vmem>> -> memref<800xi32, #tpu.memory_space<vmem>>
    %dma_wait3A_68 = arith.constant 0 : i32
    %dma_wait3A_69 = arith.constant 0 : i32
    %dma_wait3A_70 = tpu.memref_slice %arg13[%dma_wait3A_68, %dma_wait3A_69] : memref<100000x16xf32, #tpu.memory_space<vmem_shared>> -> memref<100000x16xf32, #tpu.memory_space<vmem_shared>>
    tpu.wait_indirect_dma semaphore(%arg11 : memref<!tpu.dma_semaphore, #tpu.memory_space<semaphore_mem>>) src(%arg7 : memref<800x16xf32, #tpu.memory_space<vmem>>) dst(%dma_wait3A_70 : memref<100000x16xf32, #tpu.memory_space<vmem_shared>>)
    %dma_wait3A_71 = arith.constant 800 : i32
    %dma_wait3A_72 = tpu.memref_slice %arg6[%dma_wait3A_71] : memref<2400xi32, #tpu.memory_space<vmem>> -> memref<800xi32, #tpu.memory_space<vmem>>
    %dma_wait3A_73 = arith.constant 0 : i32
    %dma_wait3A_74 = arith.constant 0 : i32
    %dma_wait3A_75 = tpu.memref_slice %arg13[%dma_wait3A_73, %dma_wait3A_74] : memref<100000x16xf32, #tpu.memory_space<vmem_shared>> -> memref<100000x16xf32, #tpu.memory_space<vmem_shared>>
    tpu.wait_indirect_dma semaphore(%arg12 : memref<!tpu.dma_semaphore, #tpu.memory_space<semaphore_mem>>) src(%arg8 : memref<800x16xf32, #tpu.memory_space<vmem>>) dst(%dma_wait3A_75 : memref<100000x16xf32, #tpu.memory_space<vmem_shared>>)
    %barrier3A_76 = arith.constant 0 : index
    tpu.barrier barrier_id(%barrier3A_76)
    %scan3A_77 = arith.constant 0 : i32
    %scan3A_78 = arith.constant 0 : i32
    %scan3A_79 = arith.constant 8 : i32
    %scan3A_80 = arith.addi %scan3A_78, %scan3A_79 : i32
    %scan3A_81 = arith.constant 1 : i32
    scf.for %scan3A_83 = %scan3A_78 to %scan3A_80 step %scan3A_81  : i32 {
      %mul3A_84 = arith.constant 16 : i32
      %mul3A_85 = arith.muli %scan3A_83, %mul3A_84 : i32
      %add3A_86 = arith.addi %arg1, %mul3A_85 : i32
      %lt3A = arith.constant 125 : i32
      %lt3A_87 = arith.cmpi slt, %add3A_86, %lt3A : i32
      %convert_element_type3A_88 = arith.extui %lt3A_87 : i1 to i32
      %cond3A_89 = arith.constant 0 : i32
      %cond3A_90 = arith.cmpi ne, %convert_element_type3A_88, %cond3A_89 : i32
      scf.if %cond3A_90 {
        %mul3A_91 = arith.constant 800 : i32
        %mul3A_92 = arith.muli %add3A_86, %mul3A_91 : i32
        "tpu.region"() ({
          %run_scoped3A = tpu.sem_alloc : memref<!tpu.dma_semaphore, #tpu.memory_space<semaphore_mem>>
          %dma_start3A_98 = arith.constant 0 : i32
          %dma_start3A_99 = tpu.memref_slice %arg13[%mul3A_92, %dma_start3A_98] : memref<100000x16xf32, #tpu.memory_space<vmem_shared>> -> memref<800x16xf32, #tpu.memory_space<vmem_shared>>
          %dma_start3A_100 = arith.constant 0 : i32
          %dma_start3A_101 = tpu.memref_slice %arg13[%mul3A_92, %dma_start3A_100] : memref<100000x16xf32, #tpu.memory_space<vmem_shared>> -> memref<800x16xf32, #tpu.memory_space<vmem_shared>>
          tpu.enqueue_dma source(%dma_start3A_101 : memref<800x16xf32, #tpu.memory_space<vmem_shared>>) target(%arg7 : memref<800x16xf32, #tpu.memory_space<vmem>>) target_semaphore(%run_scoped3A : memref<!tpu.dma_semaphore, #tpu.memory_space<semaphore_mem>>)
          %dma_wait3A_102 = arith.constant 0 : i32
          %dma_wait3A_103 = tpu.memref_slice %arg13[%mul3A_92, %dma_wait3A_102] : memref<100000x16xf32, #tpu.memory_space<vmem_shared>> -> memref<800x16xf32, #tpu.memory_space<vmem_shared>>
          %dma_wait3A_104 = arith.constant 0 : i32
          %dma_wait3A_105 = tpu.memref_slice %arg13[%mul3A_92, %dma_wait3A_104] : memref<100000x16xf32, #tpu.memory_space<vmem_shared>> -> memref<800x16xf32, #tpu.memory_space<vmem_shared>>
          tpu.wait_dma2 semaphore(%run_scoped3A : memref<!tpu.dma_semaphore, #tpu.memory_space<semaphore_mem>>) src(%dma_wait3A_105 : memref<800x16xf32, #tpu.memory_space<vmem_shared>>) dst(%arg7 : memref<800x16xf32, #tpu.memory_space<vmem>>)
          tpu.yield
        }) : () -> ()
        %mul3A_93 = arith.constant 100000 : i32
        %mul3A_94 = arith.muli %arg0, %mul3A_93 : i32
        %mul3A_95 = arith.constant 800 : i32
        %mul3A_96 = arith.muli %add3A_86, %mul3A_95 : i32
        %add3A_97 = arith.addi %mul3A_94, %mul3A_96 : i32
        "tpu.region"() ({
          %run_scoped3A = tpu.sem_alloc : memref<!tpu.dma_semaphore, #tpu.memory_space<semaphore_mem>>
          %dma_start3A_98 = arith.constant 0 : i32
          %dma_start3A_99 = tpu.memref_slice %arg4[%add3A_97, %dma_start3A_98] : memref<200000x16xf32, #tpu.memory_space<hbm>> -> memref<800x16xf32, #tpu.memory_space<hbm>>
          %dma_start3A_100 = arith.constant 0 : i32
          %dma_start3A_101 = tpu.memref_slice %arg4[%add3A_97, %dma_start3A_100] : memref<200000x16xf32, #tpu.memory_space<hbm>> -> memref<800x16xf32, #tpu.memory_space<hbm>>
          tpu.enqueue_dma source(%arg7 : memref<800x16xf32, #tpu.memory_space<vmem>>) target(%dma_start3A_101 : memref<800x16xf32, #tpu.memory_space<hbm>>) target_semaphore(%run_scoped3A : memref<!tpu.dma_semaphore, #tpu.memory_space<semaphore_mem>>)
          %dma_wait3A_102 = arith.constant 0 : i32
          %dma_wait3A_103 = tpu.memref_slice %arg4[%add3A_97, %dma_wait3A_102] : memref<200000x16xf32, #tpu.memory_space<hbm>> -> memref<800x16xf32, #tpu.memory_space<hbm>>
          %dma_wait3A_104 = arith.constant 0 : i32
          %dma_wait3A_105 = tpu.memref_slice %arg4[%add3A_97, %dma_wait3A_104] : memref<200000x16xf32, #tpu.memory_space<hbm>> -> memref<800x16xf32, #tpu.memory_space<hbm>>
          tpu.wait_dma2 semaphore(%run_scoped3A : memref<!tpu.dma_semaphore, #tpu.memory_space<semaphore_mem>>) src(%arg7 : memref<800x16xf32, #tpu.memory_space<vmem>>) dst(%dma_wait3A_105 : memref<800x16xf32, #tpu.memory_space<hbm>>)
          tpu.yield
        }) : () -> ()
      } else {
      }
    }
    %scan3A_82 = arith.constant 8 : i32
    return
  }
}

#map = affine_map<(d0, d1) -> (0)>
module attributes {stable_mosaic.version = 14 : i64} {
  func.func @_sc_dnorm(%arg0: i32, %arg1: i32, %arg2: memref<6400000xi32, #tpu.memory_space<hbm>>, %arg3: memref<100000xf32, #tpu.memory_space<hbm>>, %arg4: memref<200000xf32, #tpu.memory_space<hbm>>, %arg5: memref<25000xi32, #tpu.memory_space<vmem>>, %arg6: memref<25000xi32, #tpu.memory_space<vmem>>, %arg7: memref<12504xf32, #tpu.memory_space<vmem>>, %arg8: memref<12504xf32, #tpu.memory_space<vmem>>, %arg9: memref<!tpu.dma_semaphore, #tpu.memory_space<semaphore_mem>>, %arg10: memref<!tpu.dma_semaphore, #tpu.memory_space<semaphore_mem>>, %arg11: memref<!tpu.dma_semaphore, #tpu.memory_space<semaphore_mem>>, %arg12: memref<!tpu.dma_semaphore, #tpu.memory_space<semaphore_mem>>, %arg13: memref<100000xf32, #tpu.memory_space<vmem_shared>>, %arg14: memref<100000xf32, #tpu.memory_space<vmem_shared>>) attributes {dimension_semantics = [#tpu.dimension_semantics<core_parallel>, #tpu.dimension_semantics<subcore_parallel>], iteration_bounds = array<i64: 2, 16>, scalar_prefetch = 0 : i64, scratch_operands = 10 : i64, tpu.core_type = #tpu.core_type<sc_vector_subcore>, window_params = [{transform_indices = #map}, {transform_indices = #map}, {transform_indices = #map}]} {
    %mul3A = arith.constant 16 : i32
    %mul3A_0 = arith.muli %arg0, %mul3A : i32
    %add3A = arith.addi %mul3A_0, %arg1 : i32
    %eq3A = arith.constant 0 : i32
    %eq3A_1 = arith.cmpi eq, %arg1, %eq3A : i32
    %convert_element_type3A = arith.extui %eq3A_1 : i1 to i32
    %cond3A = arith.constant 0 : i32
    %cond3A_2 = arith.cmpi ne, %convert_element_type3A, %cond3A : i32
    scf.if %cond3A_2 {
      "tpu.region"() ({
        %run_scoped3A = tpu.sem_alloc : memref<!tpu.dma_semaphore, #tpu.memory_space<semaphore_mem>>
        tpu.enqueue_dma source(%arg3 : memref<100000xf32, #tpu.memory_space<hbm>>) target(%arg13 : memref<100000xf32, #tpu.memory_space<vmem_shared>>) target_semaphore(%run_scoped3A : memref<!tpu.dma_semaphore, #tpu.memory_space<semaphore_mem>>)
        tpu.wait_dma2 semaphore(%run_scoped3A : memref<!tpu.dma_semaphore, #tpu.memory_space<semaphore_mem>>) src(%arg3 : memref<100000xf32, #tpu.memory_space<hbm>>) dst(%arg13 : memref<100000xf32, #tpu.memory_space<vmem_shared>>)
        tpu.yield
      }) : () -> ()
      "tpu.region"() ({
        %run_scoped3A = tpu.sem_alloc : memref<!tpu.dma_semaphore, #tpu.memory_space<semaphore_mem>>
        tpu.enqueue_dma source(%arg3 : memref<100000xf32, #tpu.memory_space<hbm>>) target(%arg14 : memref<100000xf32, #tpu.memory_space<vmem_shared>>) target_semaphore(%run_scoped3A : memref<!tpu.dma_semaphore, #tpu.memory_space<semaphore_mem>>)
        tpu.wait_dma2 semaphore(%run_scoped3A : memref<!tpu.dma_semaphore, #tpu.memory_space<semaphore_mem>>) src(%arg3 : memref<100000xf32, #tpu.memory_space<hbm>>) dst(%arg14 : memref<100000xf32, #tpu.memory_space<vmem_shared>>)
        tpu.yield
      }) : () -> ()
    } else {
    }
    %barrier3A = arith.constant 0 : index
    tpu.barrier barrier_id(%barrier3A)
    %scan3A = arith.constant 0 : i32
    %scan3A_3 = arith.constant 0 : i32
    %scan3A_4 = arith.constant 4 : i32
    %scan3A_5 = arith.addi %scan3A_3, %scan3A_4 : i32
    %scan3A_6 = arith.constant 1 : i32
    scf.for %scan3A_15 = %scan3A_3 to %scan3A_5 step %scan3A_6  : i32 {
      %mul3A_16 = arith.constant 100000 : i32
      %mul3A_17 = arith.muli %add3A, %mul3A_16 : i32
      %mul3A_18 = arith.constant 25000 : i32
      %mul3A_19 = arith.muli %scan3A_15, %mul3A_18 : i32
      %add3A_20 = arith.addi %mul3A_17, %mul3A_19 : i32
      %dma_start3A = tpu.memref_slice %arg2[%add3A_20] : memref<6400000xi32, #tpu.memory_space<hbm>> -> memref<25000xi32, #tpu.memory_space<hbm>>
      %dma_start3A_21 = tpu.memref_slice %arg2[%add3A_20] : memref<6400000xi32, #tpu.memory_space<hbm>> -> memref<25000xi32, #tpu.memory_space<hbm>>
      tpu.enqueue_dma source(%dma_start3A_21 : memref<25000xi32, #tpu.memory_space<hbm>>) target(%arg5 : memref<25000xi32, #tpu.memory_space<vmem>>) target_semaphore(%arg11 : memref<!tpu.dma_semaphore, #tpu.memory_space<semaphore_mem>>)
      %add3A_22 = arith.constant 3200000 : i32
      %add3A_23 = arith.addi %add3A_22, %add3A_20 : i32
      %dma_start3A_24 = tpu.memref_slice %arg2[%add3A_23] : memref<6400000xi32, #tpu.memory_space<hbm>> -> memref<25000xi32, #tpu.memory_space<hbm>>
      %dma_start3A_25 = tpu.memref_slice %arg2[%add3A_23] : memref<6400000xi32, #tpu.memory_space<hbm>> -> memref<25000xi32, #tpu.memory_space<hbm>>
      tpu.enqueue_dma source(%dma_start3A_25 : memref<25000xi32, #tpu.memory_space<hbm>>) target(%arg6 : memref<25000xi32, #tpu.memory_space<vmem>>) target_semaphore(%arg12 : memref<!tpu.dma_semaphore, #tpu.memory_space<semaphore_mem>>)
      %dma_wait3A = tpu.memref_slice %arg2[%add3A_20] : memref<6400000xi32, #tpu.memory_space<hbm>> -> memref<25000xi32, #tpu.memory_space<hbm>>
      %dma_wait3A_26 = tpu.memref_slice %arg2[%add3A_20] : memref<6400000xi32, #tpu.memory_space<hbm>> -> memref<25000xi32, #tpu.memory_space<hbm>>
      tpu.wait_dma2 semaphore(%arg11 : memref<!tpu.dma_semaphore, #tpu.memory_space<semaphore_mem>>) src(%dma_wait3A_26 : memref<25000xi32, #tpu.memory_space<hbm>>) dst(%arg5 : memref<25000xi32, #tpu.memory_space<vmem>>)
      %dma_wait3A_27 = tpu.memref_slice %arg2[%add3A_23] : memref<6400000xi32, #tpu.memory_space<hbm>> -> memref<25000xi32, #tpu.memory_space<hbm>>
      %dma_wait3A_28 = tpu.memref_slice %arg2[%add3A_23] : memref<6400000xi32, #tpu.memory_space<hbm>> -> memref<25000xi32, #tpu.memory_space<hbm>>
      tpu.wait_dma2 semaphore(%arg12 : memref<!tpu.dma_semaphore, #tpu.memory_space<semaphore_mem>>) src(%dma_wait3A_28 : memref<25000xi32, #tpu.memory_space<hbm>>) dst(%arg6 : memref<25000xi32, #tpu.memory_space<vmem>>)
      %dma_start3A_29 = arith.constant 0 : i32
      %dma_start3A_30 = tpu.memref_slice %arg7[%dma_start3A_29] : memref<12504xf32, #tpu.memory_space<vmem>> -> memref<12504xf32, #tpu.memory_space<vmem>>
      %dma_start3A_31 = arith.constant 0 : i32
      %dma_start3A_32 = tpu.memref_slice %arg6[%dma_start3A_31] : memref<25000xi32, #tpu.memory_space<vmem>> -> memref<12504xi32, #tpu.memory_space<vmem>>
      %dma_start3A_33 = arith.constant 0 : i32
      %dma_start3A_34 = tpu.memref_slice %arg14[%dma_start3A_33] : memref<100000xf32, #tpu.memory_space<vmem_shared>> -> memref<100000xf32, #tpu.memory_space<vmem_shared>>
      tpu.enqueue_indirect_dma source(%dma_start3A_34 : memref<100000xf32, #tpu.memory_space<vmem_shared>>) target(%dma_start3A_30 : memref<12504xf32, #tpu.memory_space<vmem>>) offsets(%dma_start3A_32 : memref<12504xi32, #tpu.memory_space<vmem>>) semaphore(%arg9 : memref<!tpu.dma_semaphore, #tpu.memory_space<semaphore_mem>>)
      %dma_start3A_35 = arith.constant 0 : i32
      %dma_start3A_36 = tpu.memref_slice %arg8[%dma_start3A_35] : memref<12504xf32, #tpu.memory_space<vmem>> -> memref<12496xf32, #tpu.memory_space<vmem>>
      %dma_start3A_37 = arith.constant 12504 : i32
      %dma_start3A_38 = tpu.memref_slice %arg6[%dma_start3A_37] : memref<25000xi32, #tpu.memory_space<vmem>> -> memref<12496xi32, #tpu.memory_space<vmem>>
      %dma_start3A_39 = arith.constant 0 : i32
      %dma_start3A_40 = tpu.memref_slice %arg14[%dma_start3A_39] : memref<100000xf32, #tpu.memory_space<vmem_shared>> -> memref<100000xf32, #tpu.memory_space<vmem_shared>>
      tpu.enqueue_indirect_dma source(%dma_start3A_40 : memref<100000xf32, #tpu.memory_space<vmem_shared>>) target(%dma_start3A_36 : memref<12496xf32, #tpu.memory_space<vmem>>) offsets(%dma_start3A_38 : memref<12496xi32, #tpu.memory_space<vmem>>) semaphore(%arg10 : memref<!tpu.dma_semaphore, #tpu.memory_space<semaphore_mem>>)
      %dma_wait3A_41 = arith.constant 0 : i32
      %dma_wait3A_42 = tpu.memref_slice %arg7[%dma_wait3A_41] : memref<12504xf32, #tpu.memory_space<vmem>> -> memref<12504xf32, #tpu.memory_space<vmem>>
      %dma_wait3A_43 = arith.constant 0 : i32
      %dma_wait3A_44 = tpu.memref_slice %arg6[%dma_wait3A_43] : memref<25000xi32, #tpu.memory_space<vmem>> -> memref<12504xi32, #tpu.memory_space<vmem>>
      %dma_wait3A_45 = arith.constant 0 : i32
      %dma_wait3A_46 = tpu.memref_slice %arg14[%dma_wait3A_45] : memref<100000xf32, #tpu.memory_space<vmem_shared>> -> memref<100000xf32, #tpu.memory_space<vmem_shared>>
      tpu.wait_indirect_dma semaphore(%arg9 : memref<!tpu.dma_semaphore, #tpu.memory_space<semaphore_mem>>) src(%dma_wait3A_46 : memref<100000xf32, #tpu.memory_space<vmem_shared>>) dst(%dma_wait3A_42 : memref<12504xf32, #tpu.memory_space<vmem>>)
      %dma_start3A_47 = arith.constant 0 : i32
      %dma_start3A_48 = tpu.memref_slice %arg7[%dma_start3A_47] : memref<12504xf32, #tpu.memory_space<vmem>> -> memref<12504xf32, #tpu.memory_space<vmem>>
      %dma_start3A_49 = arith.constant 0 : i32
      %dma_start3A_50 = tpu.memref_slice %arg5[%dma_start3A_49] : memref<25000xi32, #tpu.memory_space<vmem>> -> memref<12504xi32, #tpu.memory_space<vmem>>
      %dma_start3A_51 = arith.constant 0 : i32
      %dma_start3A_52 = tpu.memref_slice %arg13[%dma_start3A_51] : memref<100000xf32, #tpu.memory_space<vmem_shared>> -> memref<100000xf32, #tpu.memory_space<vmem_shared>>
      tpu.enqueue_indirect_dma source(%dma_start3A_48 : memref<12504xf32, #tpu.memory_space<vmem>>) target(%dma_start3A_52 : memref<100000xf32, #tpu.memory_space<vmem_shared>>) offsets(%dma_start3A_50 : memref<12504xi32, #tpu.memory_space<vmem>>) semaphore(%arg11 : memref<!tpu.dma_semaphore, #tpu.memory_space<semaphore_mem>>) {add = true}
      %dma_wait3A_53 = arith.constant 0 : i32
      %dma_wait3A_54 = tpu.memref_slice %arg8[%dma_wait3A_53] : memref<12504xf32, #tpu.memory_space<vmem>> -> memref<12496xf32, #tpu.memory_space<vmem>>
      %dma_wait3A_55 = arith.constant 12504 : i32
      %dma_wait3A_56 = tpu.memref_slice %arg6[%dma_wait3A_55] : memref<25000xi32, #tpu.memory_space<vmem>> -> memref<12496xi32, #tpu.memory_space<vmem>>
      %dma_wait3A_57 = arith.constant 0 : i32
      %dma_wait3A_58 = tpu.memref_slice %arg14[%dma_wait3A_57] : memref<100000xf32, #tpu.memory_space<vmem_shared>> -> memref<100000xf32, #tpu.memory_space<vmem_shared>>
      tpu.wait_indirect_dma semaphore(%arg10 : memref<!tpu.dma_semaphore, #tpu.memory_space<semaphore_mem>>) src(%dma_wait3A_58 : memref<100000xf32, #tpu.memory_space<vmem_shared>>) dst(%dma_wait3A_54 : memref<12496xf32, #tpu.memory_space<vmem>>)
      %dma_start3A_59 = arith.constant 0 : i32
      %dma_start3A_60 = tpu.memref_slice %arg8[%dma_start3A_59] : memref<12504xf32, #tpu.memory_space<vmem>> -> memref<12496xf32, #tpu.memory_space<vmem>>
      %dma_start3A_61 = arith.constant 12504 : i32
      %dma_start3A_62 = tpu.memref_slice %arg5[%dma_start3A_61] : memref<25000xi32, #tpu.memory_space<vmem>> -> memref<12496xi32, #tpu.memory_space<vmem>>
      %dma_start3A_63 = arith.constant 0 : i32
      %dma_start3A_64 = tpu.memref_slice %arg13[%dma_start3A_63] : memref<100000xf32, #tpu.memory_space<vmem_shared>> -> memref<100000xf32, #tpu.memory_space<vmem_shared>>
      tpu.enqueue_indirect_dma source(%dma_start3A_60 : memref<12496xf32, #tpu.memory_space<vmem>>) target(%dma_start3A_64 : memref<100000xf32, #tpu.memory_space<vmem_shared>>) offsets(%dma_start3A_62 : memref<12496xi32, #tpu.memory_space<vmem>>) semaphore(%arg12 : memref<!tpu.dma_semaphore, #tpu.memory_space<semaphore_mem>>) {add = true}
      %dma_wait3A_65 = arith.constant 0 : i32
      %dma_wait3A_66 = tpu.memref_slice %arg7[%dma_wait3A_65] : memref<12504xf32, #tpu.memory_space<vmem>> -> memref<12504xf32, #tpu.memory_space<vmem>>
      %dma_wait3A_67 = arith.constant 0 : i32
      %dma_wait3A_68 = tpu.memref_slice %arg5[%dma_wait3A_67] : memref<25000xi32, #tpu.memory_space<vmem>> -> memref<12504xi32, #tpu.memory_space<vmem>>
      %dma_wait3A_69 = arith.constant 0 : i32
      %dma_wait3A_70 = tpu.memref_slice %arg13[%dma_wait3A_69] : memref<100000xf32, #tpu.memory_space<vmem_shared>> -> memref<100000xf32, #tpu.memory_space<vmem_shared>>
      tpu.wait_indirect_dma semaphore(%arg11 : memref<!tpu.dma_semaphore, #tpu.memory_space<semaphore_mem>>) src(%dma_wait3A_66 : memref<12504xf32, #tpu.memory_space<vmem>>) dst(%dma_wait3A_70 : memref<100000xf32, #tpu.memory_space<vmem_shared>>)
      %dma_wait3A_71 = arith.constant 0 : i32
      %dma_wait3A_72 = tpu.memref_slice %arg8[%dma_wait3A_71] : memref<12504xf32, #tpu.memory_space<vmem>> -> memref<12496xf32, #tpu.memory_space<vmem>>
      %dma_wait3A_73 = arith.constant 12504 : i32
      %dma_wait3A_74 = tpu.memref_slice %arg5[%dma_wait3A_73] : memref<25000xi32, #tpu.memory_space<vmem>> -> memref<12496xi32, #tpu.memory_space<vmem>>
      %dma_wait3A_75 = arith.constant 0 : i32
      %dma_wait3A_76 = tpu.memref_slice %arg13[%dma_wait3A_75] : memref<100000xf32, #tpu.memory_space<vmem_shared>> -> memref<100000xf32, #tpu.memory_space<vmem_shared>>
      tpu.wait_indirect_dma semaphore(%arg12 : memref<!tpu.dma_semaphore, #tpu.memory_space<semaphore_mem>>) src(%dma_wait3A_72 : memref<12496xf32, #tpu.memory_space<vmem>>) dst(%dma_wait3A_76 : memref<100000xf32, #tpu.memory_space<vmem_shared>>)
    }
    %scan3A_7 = arith.constant 4 : i32
    %barrier3A_8 = arith.constant 0 : index
    tpu.barrier barrier_id(%barrier3A_8)
    %scan3A_9 = arith.constant 0 : i32
    %scan3A_10 = arith.constant 0 : i32
    %scan3A_11 = arith.constant 2 : i32
    %scan3A_12 = arith.addi %scan3A_10, %scan3A_11 : i32
    %scan3A_13 = arith.constant 1 : i32
    scf.for %scan3A_15 = %scan3A_10 to %scan3A_12 step %scan3A_13  : i32 {
      %mul3A_16 = arith.constant 16 : i32
      %mul3A_17 = arith.muli %scan3A_15, %mul3A_16 : i32
      %add3A_18 = arith.addi %arg1, %mul3A_17 : i32
      %lt3A = arith.constant 20 : i32
      %lt3A_19 = arith.cmpi slt, %add3A_18, %lt3A : i32
      %convert_element_type3A_20 = arith.extui %lt3A_19 : i1 to i32
      %cond3A_21 = arith.constant 0 : i32
      %cond3A_22 = arith.cmpi ne, %convert_element_type3A_20, %cond3A_21 : i32
      scf.if %cond3A_22 {
        %mul3A_23 = arith.constant 5000 : i32
        %mul3A_24 = arith.muli %add3A_18, %mul3A_23 : i32
        "tpu.region"() ({
          %run_scoped3A = tpu.sem_alloc : memref<!tpu.dma_semaphore, #tpu.memory_space<semaphore_mem>>
          %dma_start3A = arith.constant 0 : i32
          %dma_start3A_30 = tpu.memref_slice %arg7[%dma_start3A] : memref<12504xf32, #tpu.memory_space<vmem>> -> memref<5000xf32, #tpu.memory_space<vmem>>
          %dma_start3A_31 = tpu.memref_slice %arg13[%mul3A_24] : memref<100000xf32, #tpu.memory_space<vmem_shared>> -> memref<5000xf32, #tpu.memory_space<vmem_shared>>
          %dma_start3A_32 = arith.constant 0 : i32
          %dma_start3A_33 = tpu.memref_slice %arg7[%dma_start3A_32] : memref<12504xf32, #tpu.memory_space<vmem>> -> memref<5000xf32, #tpu.memory_space<vmem>>
          %dma_start3A_34 = tpu.memref_slice %arg13[%mul3A_24] : memref<100000xf32, #tpu.memory_space<vmem_shared>> -> memref<5000xf32, #tpu.memory_space<vmem_shared>>
          tpu.enqueue_dma source(%dma_start3A_34 : memref<5000xf32, #tpu.memory_space<vmem_shared>>) target(%dma_start3A_33 : memref<5000xf32, #tpu.memory_space<vmem>>) target_semaphore(%run_scoped3A : memref<!tpu.dma_semaphore, #tpu.memory_space<semaphore_mem>>)
          %dma_wait3A = arith.constant 0 : i32
          %dma_wait3A_35 = tpu.memref_slice %arg7[%dma_wait3A] : memref<12504xf32, #tpu.memory_space<vmem>> -> memref<5000xf32, #tpu.memory_space<vmem>>
          %dma_wait3A_36 = tpu.memref_slice %arg13[%mul3A_24] : memref<100000xf32, #tpu.memory_space<vmem_shared>> -> memref<5000xf32, #tpu.memory_space<vmem_shared>>
          %dma_wait3A_37 = arith.constant 0 : i32
          %dma_wait3A_38 = tpu.memref_slice %arg7[%dma_wait3A_37] : memref<12504xf32, #tpu.memory_space<vmem>> -> memref<5000xf32, #tpu.memory_space<vmem>>
          %dma_wait3A_39 = tpu.memref_slice %arg13[%mul3A_24] : memref<100000xf32, #tpu.memory_space<vmem_shared>> -> memref<5000xf32, #tpu.memory_space<vmem_shared>>
          tpu.wait_dma2 semaphore(%run_scoped3A : memref<!tpu.dma_semaphore, #tpu.memory_space<semaphore_mem>>) src(%dma_wait3A_39 : memref<5000xf32, #tpu.memory_space<vmem_shared>>) dst(%dma_wait3A_38 : memref<5000xf32, #tpu.memory_space<vmem>>)
          tpu.yield
        }) : () -> ()
        %mul3A_25 = arith.constant 100000 : i32
        %mul3A_26 = arith.muli %arg0, %mul3A_25 : i32
        %mul3A_27 = arith.constant 5000 : i32
        %mul3A_28 = arith.muli %add3A_18, %mul3A_27 : i32
        %add3A_29 = arith.addi %mul3A_26, %mul3A_28 : i32
        "tpu.region"() ({
          %run_scoped3A = tpu.sem_alloc : memref<!tpu.dma_semaphore, #tpu.memory_space<semaphore_mem>>
          %dma_start3A = arith.constant 0 : i32
          %dma_start3A_30 = tpu.memref_slice %arg7[%dma_start3A] : memref<12504xf32, #tpu.memory_space<vmem>> -> memref<5000xf32, #tpu.memory_space<vmem>>
          %dma_start3A_31 = tpu.memref_slice %arg4[%add3A_29] : memref<200000xf32, #tpu.memory_space<hbm>> -> memref<5000xf32, #tpu.memory_space<hbm>>
          %dma_start3A_32 = tpu.memref_slice %arg4[%add3A_29] : memref<200000xf32, #tpu.memory_space<hbm>> -> memref<5000xf32, #tpu.memory_space<hbm>>
          %dma_start3A_33 = arith.constant 0 : i32
          %dma_start3A_34 = tpu.memref_slice %arg7[%dma_start3A_33] : memref<12504xf32, #tpu.memory_space<vmem>> -> memref<5000xf32, #tpu.memory_space<vmem>>
          tpu.enqueue_dma source(%dma_start3A_34 : memref<5000xf32, #tpu.memory_space<vmem>>) target(%dma_start3A_32 : memref<5000xf32, #tpu.memory_space<hbm>>) target_semaphore(%run_scoped3A : memref<!tpu.dma_semaphore, #tpu.memory_space<semaphore_mem>>)
          %dma_wait3A = arith.constant 0 : i32
          %dma_wait3A_35 = tpu.memref_slice %arg7[%dma_wait3A] : memref<12504xf32, #tpu.memory_space<vmem>> -> memref<5000xf32, #tpu.memory_space<vmem>>
          %dma_wait3A_36 = tpu.memref_slice %arg4[%add3A_29] : memref<200000xf32, #tpu.memory_space<hbm>> -> memref<5000xf32, #tpu.memory_space<hbm>>
          %dma_wait3A_37 = tpu.memref_slice %arg4[%add3A_29] : memref<200000xf32, #tpu.memory_space<hbm>> -> memref<5000xf32, #tpu.memory_space<hbm>>
          %dma_wait3A_38 = arith.constant 0 : i32
          %dma_wait3A_39 = tpu.memref_slice %arg7[%dma_wait3A_38] : memref<12504xf32, #tpu.memory_space<vmem>> -> memref<5000xf32, #tpu.memory_space<vmem>>
          tpu.wait_dma2 semaphore(%run_scoped3A : memref<!tpu.dma_semaphore, #tpu.memory_space<semaphore_mem>>) src(%dma_wait3A_39 : memref<5000xf32, #tpu.memory_space<vmem>>) dst(%dma_wait3A_37 : memref<5000xf32, #tpu.memory_space<hbm>>)
          tpu.yield
        }) : () -> ()
      } else {
      }
    }
    %scan3A_14 = arith.constant 2 : i32
    return
  }
}

#map = affine_map<(d0, d1) -> (0, 0)>
#map1 = affine_map<(d0, d1) -> (0)>
module attributes {stable_mosaic.version = 14 : i64} {
  func.func @_sc_final(%arg0: i32, %arg1: i32, %arg2: memref<200000x16xf32, #tpu.memory_space<hbm>>, %arg3: memref<200000xf32, #tpu.memory_space<hbm>>, %arg4: memref<100000x16xf32, #tpu.memory_space<hbm>>, %arg5: memref<100000xf32, #tpu.memory_space<hbm>>, %arg6: memref<16xf32, #tpu.memory_space<hbm>>, %arg7: memref<512xf32, #tpu.memory_space<hbm>>, %arg8: memref<800x16xf32, #tpu.memory_space<vmem>>, %arg9: memref<800x16xf32, #tpu.memory_space<vmem>>, %arg10: memref<800x16xf32, #tpu.memory_space<vmem>>, %arg11: memref<800xf32, #tpu.memory_space<vmem>>, %arg12: memref<800xf32, #tpu.memory_space<vmem>>, %arg13: memref<800xf32, #tpu.memory_space<vmem>>, %arg14: memref<16xf32, #tpu.memory_space<vmem>>, %arg15: memref<16xf32, #tpu.memory_space<vmem>>) attributes {dimension_semantics = [#tpu.dimension_semantics<core_parallel>, #tpu.dimension_semantics<subcore_parallel>], iteration_bounds = array<i64: 2, 16>, scalar_prefetch = 0 : i64, scratch_operands = 8 : i64, tpu.core_type = #tpu.core_type<sc_vector_subcore>, window_params = [{transform_indices = #map}, {transform_indices = #map1}, {transform_indices = #map}, {transform_indices = #map1}, {transform_indices = #map1}, {transform_indices = #map1}]} {
    %mul3A = arith.constant 16 : i32
    %mul3A_0 = arith.muli %arg0, %mul3A : i32
    %add3A = arith.addi %mul3A_0, %arg1 : i32
    "tpu.region"() ({
      %run_scoped3A = tpu.sem_alloc : memref<!tpu.dma_semaphore, #tpu.memory_space<semaphore_mem>>
      tpu.enqueue_dma source(%arg6 : memref<16xf32, #tpu.memory_space<hbm>>) target(%arg14 : memref<16xf32, #tpu.memory_space<vmem>>) target_semaphore(%run_scoped3A : memref<!tpu.dma_semaphore, #tpu.memory_space<semaphore_mem>>)
      tpu.wait_dma2 semaphore(%run_scoped3A : memref<!tpu.dma_semaphore, #tpu.memory_space<semaphore_mem>>) src(%arg6 : memref<16xf32, #tpu.memory_space<hbm>>) dst(%arg14 : memref<16xf32, #tpu.memory_space<vmem>>)
      tpu.yield
    }) : () -> ()
    %broadcast_in_dim3A = arith.constant 0.000000e+00 : f32
    %broadcast_in_dim3A_1 = vector.broadcast %broadcast_in_dim3A : f32 to vector<16xf32>
    %swap3A = arith.constant 0 : index
    %swap3A_2 = tpu.vector_load %arg15[%swap3A] {strides = array<i32>} : memref<16xf32, #tpu.memory_space<vmem>>, vector<16xf32>,
    %swap3A_3 = vector.shape_cast %swap3A_2 : vector<16xf32> to vector<16xf32>
    %swap3A_4 = vector.shape_cast %broadcast_in_dim3A_1 : vector<16xf32> to vector<16xf32>
    tpu.vector_store %arg15[%swap3A], %swap3A_4 {strides = array<i32>} : memref<16xf32, #tpu.memory_space<vmem>>, vector<16xf32>,
    %scan3A = arith.constant 0 : i32
    %scan3A_5 = arith.constant 0 : i32
    %scan3A_6 = arith.constant 4 : i32
    %scan3A_7 = arith.addi %scan3A_5, %scan3A_6 : i32
    %scan3A_8 = arith.constant 1 : i32
    scf.for %scan3A_12 = %scan3A_5 to %scan3A_7 step %scan3A_8  : i32 {
      %mul3A_13 = arith.constant 32 : i32
      %mul3A_14 = arith.muli %scan3A_12, %mul3A_13 : i32
      %add3A_15 = arith.addi %add3A, %mul3A_14 : i32
      %lt3A = arith.constant 125 : i32
      %lt3A_16 = arith.cmpi slt, %add3A_15, %lt3A : i32
      %convert_element_type3A = arith.extui %lt3A_16 : i1 to i32
      %cond3A = arith.constant 0 : i32
      %cond3A_17 = arith.cmpi ne, %convert_element_type3A, %cond3A : i32
      scf.if %cond3A_17 {
        %mul3A_18 = arith.constant 800 : i32
        %mul3A_19 = arith.muli %add3A_15, %mul3A_18 : i32
        "tpu.region"() ({
          %run_scoped3A = tpu.sem_alloc : memref<!tpu.dma_semaphore, #tpu.memory_space<semaphore_mem>>
          %dma_start3A = arith.constant 0 : i32
          %dma_start3A_39 = tpu.memref_slice %arg2[%mul3A_19, %dma_start3A] : memref<200000x16xf32, #tpu.memory_space<hbm>> -> memref<800x16xf32, #tpu.memory_space<hbm>>
          %dma_start3A_40 = arith.constant 0 : i32
          %dma_start3A_41 = tpu.memref_slice %arg2[%mul3A_19, %dma_start3A_40] : memref<200000x16xf32, #tpu.memory_space<hbm>> -> memref<800x16xf32, #tpu.memory_space<hbm>>
          tpu.enqueue_dma source(%dma_start3A_41 : memref<800x16xf32, #tpu.memory_space<hbm>>) target(%arg8 : memref<800x16xf32, #tpu.memory_space<vmem>>) target_semaphore(%run_scoped3A : memref<!tpu.dma_semaphore, #tpu.memory_space<semaphore_mem>>)
          %dma_wait3A = arith.constant 0 : i32
          %dma_wait3A_42 = tpu.memref_slice %arg2[%mul3A_19, %dma_wait3A] : memref<200000x16xf32, #tpu.memory_space<hbm>> -> memref<800x16xf32, #tpu.memory_space<hbm>>
          %dma_wait3A_43 = arith.constant 0 : i32
          %dma_wait3A_44 = tpu.memref_slice %arg2[%mul3A_19, %dma_wait3A_43] : memref<200000x16xf32, #tpu.memory_space<hbm>> -> memref<800x16xf32, #tpu.memory_space<hbm>>
          tpu.wait_dma2 semaphore(%run_scoped3A : memref<!tpu.dma_semaphore, #tpu.memory_space<semaphore_mem>>) src(%dma_wait3A_44 : memref<800x16xf32, #tpu.memory_space<hbm>>) dst(%arg8 : memref<800x16xf32, #tpu.memory_space<vmem>>)
          tpu.yield
        }) : () -> ()
        %add3A_20 = arith.constant 100000 : i32
        %add3A_21 = arith.addi %add3A_20, %mul3A_19 : i32
        "tpu.region"() ({
          %run_scoped3A = tpu.sem_alloc : memref<!tpu.dma_semaphore, #tpu.memory_space<semaphore_mem>>
          %dma_start3A = arith.constant 0 : i32
          %dma_start3A_39 = tpu.memref_slice %arg2[%add3A_21, %dma_start3A] : memref<200000x16xf32, #tpu.memory_space<hbm>> -> memref<800x16xf32, #tpu.memory_space<hbm>>
          %dma_start3A_40 = arith.constant 0 : i32
          %dma_start3A_41 = tpu.memref_slice %arg2[%add3A_21, %dma_start3A_40] : memref<200000x16xf32, #tpu.memory_space<hbm>> -> memref<800x16xf32, #tpu.memory_space<hbm>>
          tpu.enqueue_dma source(%dma_start3A_41 : memref<800x16xf32, #tpu.memory_space<hbm>>) target(%arg9 : memref<800x16xf32, #tpu.memory_space<vmem>>) target_semaphore(%run_scoped3A : memref<!tpu.dma_semaphore, #tpu.memory_space<semaphore_mem>>)
          %dma_wait3A = arith.constant 0 : i32
          %dma_wait3A_42 = tpu.memref_slice %arg2[%add3A_21, %dma_wait3A] : memref<200000x16xf32, #tpu.memory_space<hbm>> -> memref<800x16xf32, #tpu.memory_space<hbm>>
          %dma_wait3A_43 = arith.constant 0 : i32
          %dma_wait3A_44 = tpu.memref_slice %arg2[%add3A_21, %dma_wait3A_43] : memref<200000x16xf32, #tpu.memory_space<hbm>> -> memref<800x16xf32, #tpu.memory_space<hbm>>
          tpu.wait_dma2 semaphore(%run_scoped3A : memref<!tpu.dma_semaphore, #tpu.memory_space<semaphore_mem>>) src(%dma_wait3A_44 : memref<800x16xf32, #tpu.memory_space<hbm>>) dst(%arg9 : memref<800x16xf32, #tpu.memory_space<vmem>>)
          tpu.yield
        }) : () -> ()
        "tpu.region"() ({
          %run_scoped3A = tpu.sem_alloc : memref<!tpu.dma_semaphore, #tpu.memory_space<semaphore_mem>>
          %dma_start3A = arith.constant 0 : i32
          %dma_start3A_39 = tpu.memref_slice %arg4[%mul3A_19, %dma_start3A] : memref<100000x16xf32, #tpu.memory_space<hbm>> -> memref<800x16xf32, #tpu.memory_space<hbm>>
          %dma_start3A_40 = arith.constant 0 : i32
          %dma_start3A_41 = tpu.memref_slice %arg4[%mul3A_19, %dma_start3A_40] : memref<100000x16xf32, #tpu.memory_space<hbm>> -> memref<800x16xf32, #tpu.memory_space<hbm>>
          tpu.enqueue_dma source(%dma_start3A_41 : memref<800x16xf32, #tpu.memory_space<hbm>>) target(%arg10 : memref<800x16xf32, #tpu.memory_space<vmem>>) target_semaphore(%run_scoped3A : memref<!tpu.dma_semaphore, #tpu.memory_space<semaphore_mem>>)
          %dma_wait3A = arith.constant 0 : i32
          %dma_wait3A_42 = tpu.memref_slice %arg4[%mul3A_19, %dma_wait3A] : memref<100000x16xf32, #tpu.memory_space<hbm>> -> memref<800x16xf32, #tpu.memory_space<hbm>>
          %dma_wait3A_43 = arith.constant 0 : i32
          %dma_wait3A_44 = tpu.memref_slice %arg4[%mul3A_19, %dma_wait3A_43] : memref<100000x16xf32, #tpu.memory_space<hbm>> -> memref<800x16xf32, #tpu.memory_space<hbm>>
          tpu.wait_dma2 semaphore(%run_scoped3A : memref<!tpu.dma_semaphore, #tpu.memory_space<semaphore_mem>>) src(%dma_wait3A_44 : memref<800x16xf32, #tpu.memory_space<hbm>>) dst(%arg10 : memref<800x16xf32, #tpu.memory_space<vmem>>)
          tpu.yield
        }) : () -> ()
        "tpu.region"() ({
          %run_scoped3A = tpu.sem_alloc : memref<!tpu.dma_semaphore, #tpu.memory_space<semaphore_mem>>
          %dma_start3A = tpu.memref_slice %arg5[%mul3A_19] : memref<100000xf32, #tpu.memory_space<hbm>> -> memref<800xf32, #tpu.memory_space<hbm>>
          %dma_start3A_39 = tpu.memref_slice %arg5[%mul3A_19] : memref<100000xf32, #tpu.memory_space<hbm>> -> memref<800xf32, #tpu.memory_space<hbm>>
          tpu.enqueue_dma source(%dma_start3A_39 : memref<800xf32, #tpu.memory_space<hbm>>) target(%arg11 : memref<800xf32, #tpu.memory_space<vmem>>) target_semaphore(%run_scoped3A : memref<!tpu.dma_semaphore, #tpu.memory_space<semaphore_mem>>)
          %dma_wait3A = tpu.memref_slice %arg5[%mul3A_19] : memref<100000xf32, #tpu.memory_space<hbm>> -> memref<800xf32, #tpu.memory_space<hbm>>
          %dma_wait3A_40 = tpu.memref_slice %arg5[%mul3A_19] : memref<100000xf32, #tpu.memory_space<hbm>> -> memref<800xf32, #tpu.memory_space<hbm>>
          tpu.wait_dma2 semaphore(%run_scoped3A : memref<!tpu.dma_semaphore, #tpu.memory_space<semaphore_mem>>) src(%dma_wait3A_40 : memref<800xf32, #tpu.memory_space<hbm>>) dst(%arg11 : memref<800xf32, #tpu.memory_space<vmem>>)
          tpu.yield
        }) : () -> ()
        "tpu.region"() ({
          %run_scoped3A = tpu.sem_alloc : memref<!tpu.dma_semaphore, #tpu.memory_space<semaphore_mem>>
          %dma_start3A = tpu.memref_slice %arg3[%mul3A_19] : memref<200000xf32, #tpu.memory_space<hbm>> -> memref<800xf32, #tpu.memory_space<hbm>>
          %dma_start3A_39 = tpu.memref_slice %arg3[%mul3A_19] : memref<200000xf32, #tpu.memory_space<hbm>> -> memref<800xf32, #tpu.memory_space<hbm>>
          tpu.enqueue_dma source(%dma_start3A_39 : memref<800xf32, #tpu.memory_space<hbm>>) target(%arg12 : memref<800xf32, #tpu.memory_space<vmem>>) target_semaphore(%run_scoped3A : memref<!tpu.dma_semaphore, #tpu.memory_space<semaphore_mem>>)
          %dma_wait3A = tpu.memref_slice %arg3[%mul3A_19] : memref<200000xf32, #tpu.memory_space<hbm>> -> memref<800xf32, #tpu.memory_space<hbm>>
          %dma_wait3A_40 = tpu.memref_slice %arg3[%mul3A_19] : memref<200000xf32, #tpu.memory_space<hbm>> -> memref<800xf32, #tpu.memory_space<hbm>>
          tpu.wait_dma2 semaphore(%run_scoped3A : memref<!tpu.dma_semaphore, #tpu.memory_space<semaphore_mem>>) src(%dma_wait3A_40 : memref<800xf32, #tpu.memory_space<hbm>>) dst(%arg12 : memref<800xf32, #tpu.memory_space<vmem>>)
          tpu.yield
        }) : () -> ()
        %add3A_22 = arith.constant 100000 : i32
        %add3A_23 = arith.addi %add3A_22, %mul3A_19 : i32
        "tpu.region"() ({
          %run_scoped3A = tpu.sem_alloc : memref<!tpu.dma_semaphore, #tpu.memory_space<semaphore_mem>>
          %dma_start3A = tpu.memref_slice %arg3[%add3A_23] : memref<200000xf32, #tpu.memory_space<hbm>> -> memref<800xf32, #tpu.memory_space<hbm>>
          %dma_start3A_39 = tpu.memref_slice %arg3[%add3A_23] : memref<200000xf32, #tpu.memory_space<hbm>> -> memref<800xf32, #tpu.memory_space<hbm>>
          tpu.enqueue_dma source(%dma_start3A_39 : memref<800xf32, #tpu.memory_space<hbm>>) target(%arg13 : memref<800xf32, #tpu.memory_space<vmem>>) target_semaphore(%run_scoped3A : memref<!tpu.dma_semaphore, #tpu.memory_space<semaphore_mem>>)
          %dma_wait3A = tpu.memref_slice %arg3[%add3A_23] : memref<200000xf32, #tpu.memory_space<hbm>> -> memref<800xf32, #tpu.memory_space<hbm>>
          %dma_wait3A_40 = tpu.memref_slice %arg3[%add3A_23] : memref<200000xf32, #tpu.memory_space<hbm>> -> memref<800xf32, #tpu.memory_space<hbm>>
          tpu.wait_dma2 semaphore(%run_scoped3A : memref<!tpu.dma_semaphore, #tpu.memory_space<semaphore_mem>>) src(%dma_wait3A_40 : memref<800xf32, #tpu.memory_space<hbm>>) dst(%arg13 : memref<800xf32, #tpu.memory_space<vmem>>)
          tpu.yield
        }) : () -> ()
        %get3A = arith.constant 0 : index
        %get3A_24 = tpu.vector_load %arg14[%get3A] {strides = array<i32>} : memref<16xf32, #tpu.memory_space<vmem>>, vector<16xf32>,
        %get3A_25 = vector.shape_cast %get3A_24 : vector<16xf32> to vector<16xf32>
        %get3A_26 = arith.constant 0 : index
        %get3A_27 = tpu.vector_load %arg15[%get3A_26] {strides = array<i32>} : memref<16xf32, #tpu.memory_space<vmem>>, vector<16xf32>,
        %get3A_28 = vector.shape_cast %get3A_27 : vector<16xf32> to vector<16xf32>
        %scan3A_29 = arith.constant 0 : i32
        %scan3A_30 = arith.constant 50 : i32
        %scan3A_31 = arith.addi %scan3A_29, %scan3A_30 : i32
        %scan3A_32 = arith.constant 1 : i32
        %scan3A_33 = scf.for %scan3A_39 = %scan3A_29 to %scan3A_31 step %scan3A_32 iter_args(%scan3A_40 = %get3A_28) -> (vector<16xf32>)  : i32 {
          %mul3A_41 = arith.constant 16 : i32
          %mul3A_42 = arith.muli %scan3A_39, %mul3A_41 : i32
          %get3A_43 = arith.index_cast %mul3A_42 : i32 to index
          %get3A_44 = tpu.vector_load %arg11[%get3A_43] {strides = array<i32>} : memref<800xf32, #tpu.memory_space<vmem>>, vector<16xf32>,
          %get3A_45 = vector.shape_cast %get3A_44 : vector<16xf32> to vector<16xf32>
          %get3A_46 = arith.index_cast %mul3A_42 : i32 to index
          %get3A_47 = tpu.vector_load %arg12[%get3A_46] {strides = array<i32>} : memref<800xf32, #tpu.memory_space<vmem>>, vector<16xf32>,
          %get3A_48 = vector.shape_cast %get3A_47 : vector<16xf32> to vector<16xf32>
          %get3A_49 = arith.index_cast %mul3A_42 : i32 to index
          %get3A_50 = tpu.vector_load %arg13[%get3A_49] {strides = array<i32>} : memref<800xf32, #tpu.memory_space<vmem>>, vector<16xf32>,
          %get3A_51 = vector.shape_cast %get3A_50 : vector<16xf32> to vector<16xf32>
          %add3A_52 = arith.addf %get3A_48, %get3A_51 : vector<16xf32>
          %sub3A = arith.subf %add3A_52, %get3A_45 : vector<16xf32>
          %mul3A_53 = arith.mulf %get3A_45, %sub3A : vector<16xf32>
          %mul3A_54 = arith.constant 16 : i32
          %mul3A_55 = arith.muli %scan3A_39, %mul3A_54 : i32
          %add3A_56 = arith.constant 0 : i32
          %add3A_57 = arith.addi %mul3A_55, %add3A_56 : i32
          %get3A_58 = arith.index_cast %add3A_57 : i32 to index
          %get3A_59 = arith.constant 0 : index
          %get3A_60 = tpu.vector_load %arg8[%get3A_58, %get3A_59] {strides = array<i32>} : memref<800x16xf32, #tpu.memory_space<vmem>>, vector<1x16xf32>,
          %get3A_61 = vector.shape_cast %get3A_60 : vector<1x16xf32> to vector<16xf32>
          %mul3A_62 = arith.constant 16 : i32
          %mul3A_63 = arith.muli %scan3A_39, %mul3A_62 : i32
          %add3A_64 = arith.constant 0 : i32
          %add3A_65 = arith.addi %mul3A_63, %add3A_64 : i32
          %get3A_66 = arith.index_cast %add3A_65 : i32 to index
          %get3A_67 = arith.constant 0 : index
          %get3A_68 = tpu.vector_load %arg9[%get3A_66, %get3A_67] {strides = array<i32>} : memref<800x16xf32, #tpu.memory_space<vmem>>, vector<1x16xf32>,
          %get3A_69 = vector.shape_cast %get3A_68 : vector<1x16xf32> to vector<16xf32>
          %add3A_70 = arith.addf %get3A_61, %get3A_69 : vector<16xf32>
          %mul3A_71 = arith.constant 16 : i32
          %mul3A_72 = arith.muli %scan3A_39, %mul3A_71 : i32
          %add3A_73 = arith.constant 0 : i32
          %add3A_74 = arith.addi %mul3A_72, %add3A_73 : i32
          %get3A_75 = arith.index_cast %add3A_74 : i32 to index
          %get3A_76 = arith.constant 0 : index
          %get3A_77 = tpu.vector_load %arg10[%get3A_75, %get3A_76] {strides = array<i32>} : memref<800x16xf32, #tpu.memory_space<vmem>>, vector<1x16xf32>,
          %get3A_78 = vector.shape_cast %get3A_77 : vector<1x16xf32> to vector<16xf32>
          %sub3A_79 = arith.subf %add3A_70, %get3A_78 : vector<16xf32>
          %slice3A = vector.extract_strided_slice %get3A_45 {offsets = [0], sizes = [1], strides = [1]} : vector<16xf32> to vector<1xf32>
          %squeeze3A = vector.extract %slice3A[0] : f32 from vector<1xf32>
          %mul3A_80 = vector.broadcast %squeeze3A : f32 to vector<16xf32>
          %mul3A_81 = arith.mulf %mul3A_80, %sub3A_79 : vector<16xf32>
          %add3A_82 = arith.addf %get3A_25, %mul3A_81 : vector<16xf32>
          %max3A = arith.constant 0.000000e+00 : f32
          %max3A_83 = vector.broadcast %max3A : f32 to vector<16xf32>
          %max3A_84 = arith.maximumf %add3A_82, %max3A_83 : vector<16xf32>
          %slice3A_85 = vector.extract_strided_slice %mul3A_53 {offsets = [0], sizes = [1], strides = [1]} : vector<16xf32> to vector<1xf32>
          %squeeze3A_86 = vector.extract %slice3A_85[0] : f32 from vector<1xf32>
          %mul3A_87 = vector.broadcast %squeeze3A_86 : f32 to vector<16xf32>
          %mul3A_88 = arith.mulf %max3A_84, %mul3A_87 : vector<16xf32>
          %add3A_89 = arith.addf %scan3A_40, %mul3A_88 : vector<16xf32>
          %mul3A_90 = arith.constant 16 : i32
          %mul3A_91 = arith.muli %scan3A_39, %mul3A_90 : i32
          %add3A_92 = arith.constant 1 : i32
          %add3A_93 = arith.addi %mul3A_91, %add3A_92 : i32
          %get3A_94 = arith.index_cast %add3A_93 : i32 to index
          %get3A_95 = arith.constant 0 : index
          %get3A_96 = tpu.vector_load %arg8[%get3A_94, %get3A_95] {strides = array<i32>} : memref<800x16xf32, #tpu.memory_space<vmem>>, vector<1x16xf32>,
          %get3A_97 = vector.shape_cast %get3A_96 : vector<1x16xf32> to vector<16xf32>
          %mul3A_98 = arith.constant 16 : i32
          %mul3A_99 = arith.muli %scan3A_39, %mul3A_98 : i32
          %add3A_100 = arith.constant 1 : i32
          %add3A_101 = arith.addi %mul3A_99, %add3A_100 : i32
          %get3A_102 = arith.index_cast %add3A_101 : i32 to index
          %get3A_103 = arith.constant 0 : index
          %get3A_104 = tpu.vector_load %arg9[%get3A_102, %get3A_103] {strides = array<i32>} : memref<800x16xf32, #tpu.memory_space<vmem>>, vector<1x16xf32>,
          %get3A_105 = vector.shape_cast %get3A_104 : vector<1x16xf32> to vector<16xf32>
          %add3A_106 = arith.addf %get3A_97, %get3A_105 : vector<16xf32>
          %mul3A_107 = arith.constant 16 : i32
          %mul3A_108 = arith.muli %scan3A_39, %mul3A_107 : i32
          %add3A_109 = arith.constant 1 : i32
          %add3A_110 = arith.addi %mul3A_108, %add3A_109 : i32
          %get3A_111 = arith.index_cast %add3A_110 : i32 to index
          %get3A_112 = arith.constant 0 : index
          %get3A_113 = tpu.vector_load %arg10[%get3A_111, %get3A_112] {strides = array<i32>} : memref<800x16xf32, #tpu.memory_space<vmem>>, vector<1x16xf32>,
          %get3A_114 = vector.shape_cast %get3A_113 : vector<1x16xf32> to vector<16xf32>
          %sub3A_115 = arith.subf %add3A_106, %get3A_114 : vector<16xf32>
          %slice3A_116 = vector.extract_strided_slice %get3A_45 {offsets = [1], sizes = [1], strides = [1]} : vector<16xf32> to vector<1xf32>
          %squeeze3A_117 = vector.extract %slice3A_116[0] : f32 from vector<1xf32>
          %mul3A_118 = vector.broadcast %squeeze3A_117 : f32 to vector<16xf32>
          %mul3A_119 = arith.mulf %mul3A_118, %sub3A_115 : vector<16xf32>
          %add3A_120 = arith.addf %get3A_25, %mul3A_119 : vector<16xf32>
          %max3A_121 = arith.constant 0.000000e+00 : f32
          %max3A_122 = vector.broadcast %max3A_121 : f32 to vector<16xf32>
          %max3A_123 = arith.maximumf %add3A_120, %max3A_122 : vector<16xf32>
          %slice3A_124 = vector.extract_strided_slice %mul3A_53 {offsets = [1], sizes = [1], strides = [1]} : vector<16xf32> to vector<1xf32>
          %squeeze3A_125 = vector.extract %slice3A_124[0] : f32 from vector<1xf32>
          %mul3A_126 = vector.broadcast %squeeze3A_125 : f32 to vector<16xf32>
          %mul3A_127 = arith.mulf %max3A_123, %mul3A_126 : vector<16xf32>
          %add3A_128 = arith.addf %add3A_89, %mul3A_127 : vector<16xf32>
          %mul3A_129 = arith.constant 16 : i32
          %mul3A_130 = arith.muli %scan3A_39, %mul3A_129 : i32
          %add3A_131 = arith.constant 2 : i32
          %add3A_132 = arith.addi %mul3A_130, %add3A_131 : i32
          %get3A_133 = arith.index_cast %add3A_132 : i32 to index
          %get3A_134 = arith.constant 0 : index
          %get3A_135 = tpu.vector_load %arg8[%get3A_133, %get3A_134] {strides = array<i32>} : memref<800x16xf32, #tpu.memory_space<vmem>>, vector<1x16xf32>,
          %get3A_136 = vector.shape_cast %get3A_135 : vector<1x16xf32> to vector<16xf32>
          %mul3A_137 = arith.constant 16 : i32
          %mul3A_138 = arith.muli %scan3A_39, %mul3A_137 : i32
          %add3A_139 = arith.constant 2 : i32
          %add3A_140 = arith.addi %mul3A_138, %add3A_139 : i32
          %get3A_141 = arith.index_cast %add3A_140 : i32 to index
          %get3A_142 = arith.constant 0 : index
          %get3A_143 = tpu.vector_load %arg9[%get3A_141, %get3A_142] {strides = array<i32>} : memref<800x16xf32, #tpu.memory_space<vmem>>, vector<1x16xf32>,
          %get3A_144 = vector.shape_cast %get3A_143 : vector<1x16xf32> to vector<16xf32>
          %add3A_145 = arith.addf %get3A_136, %get3A_144 : vector<16xf32>
          %mul3A_146 = arith.constant 16 : i32
          %mul3A_147 = arith.muli %scan3A_39, %mul3A_146 : i32
          %add3A_148 = arith.constant 2 : i32
          %add3A_149 = arith.addi %mul3A_147, %add3A_148 : i32
          %get3A_150 = arith.index_cast %add3A_149 : i32 to index
          %get3A_151 = arith.constant 0 : index
          %get3A_152 = tpu.vector_load %arg10[%get3A_150, %get3A_151] {strides = array<i32>} : memref<800x16xf32, #tpu.memory_space<vmem>>, vector<1x16xf32>,
          %get3A_153 = vector.shape_cast %get3A_152 : vector<1x16xf32> to vector<16xf32>
          %sub3A_154 = arith.subf %add3A_145, %get3A_153 : vector<16xf32>
          %slice3A_155 = vector.extract_strided_slice %get3A_45 {offsets = [2], sizes = [1], strides = [1]} : vector<16xf32> to vector<1xf32>
          %squeeze3A_156 = vector.extract %slice3A_155[0] : f32 from vector<1xf32>
          %mul3A_157 = vector.broadcast %squeeze3A_156 : f32 to vector<16xf32>
          %mul3A_158 = arith.mulf %mul3A_157, %sub3A_154 : vector<16xf32>
          %add3A_159 = arith.addf %get3A_25, %mul3A_158 : vector<16xf32>
          %max3A_160 = arith.constant 0.000000e+00 : f32
          %max3A_161 = vector.broadcast %max3A_160 : f32 to vector<16xf32>
          %max3A_162 = arith.maximumf %add3A_159, %max3A_161 : vector<16xf32>
          %slice3A_163 = vector.extract_strided_slice %mul3A_53 {offsets = [2], sizes = [1], strides = [1]} : vector<16xf32> to vector<1xf32>
          %squeeze3A_164 = vector.extract %slice3A_163[0] : f32 from vector<1xf32>
          %mul3A_165 = vector.broadcast %squeeze3A_164 : f32 to vector<16xf32>
          %mul3A_166 = arith.mulf %max3A_162, %mul3A_165 : vector<16xf32>
          %add3A_167 = arith.addf %add3A_128, %mul3A_166 : vector<16xf32>
          %mul3A_168 = arith.constant 16 : i32
          %mul3A_169 = arith.muli %scan3A_39, %mul3A_168 : i32
          %add3A_170 = arith.constant 3 : i32
          %add3A_171 = arith.addi %mul3A_169, %add3A_170 : i32
          %get3A_172 = arith.index_cast %add3A_171 : i32 to index
          %get3A_173 = arith.constant 0 : index
          %get3A_174 = tpu.vector_load %arg8[%get3A_172, %get3A_173] {strides = array<i32>} : memref<800x16xf32, #tpu.memory_space<vmem>>, vector<1x16xf32>,
          %get3A_175 = vector.shape_cast %get3A_174 : vector<1x16xf32> to vector<16xf32>
          %mul3A_176 = arith.constant 16 : i32
          %mul3A_177 = arith.muli %scan3A_39, %mul3A_176 : i32
          %add3A_178 = arith.constant 3 : i32
          %add3A_179 = arith.addi %mul3A_177, %add3A_178 : i32
          %get3A_180 = arith.index_cast %add3A_179 : i32 to index
          %get3A_181 = arith.constant 0 : index
          %get3A_182 = tpu.vector_load %arg9[%get3A_180, %get3A_181] {strides = array<i32>} : memref<800x16xf32, #tpu.memory_space<vmem>>, vector<1x16xf32>,
          %get3A_183 = vector.shape_cast %get3A_182 : vector<1x16xf32> to vector<16xf32>
          %add3A_184 = arith.addf %get3A_175, %get3A_183 : vector<16xf32>
          %mul3A_185 = arith.constant 16 : i32
          %mul3A_186 = arith.muli %scan3A_39, %mul3A_185 : i32
          %add3A_187 = arith.constant 3 : i32
          %add3A_188 = arith.addi %mul3A_186, %add3A_187 : i32
          %get3A_189 = arith.index_cast %add3A_188 : i32 to index
          %get3A_190 = arith.constant 0 : index
          %get3A_191 = tpu.vector_load %arg10[%get3A_189, %get3A_190] {strides = array<i32>} : memref<800x16xf32, #tpu.memory_space<vmem>>, vector<1x16xf32>,
          %get3A_192 = vector.shape_cast %get3A_191 : vector<1x16xf32> to vector<16xf32>
          %sub3A_193 = arith.subf %add3A_184, %get3A_192 : vector<16xf32>
          %slice3A_194 = vector.extract_strided_slice %get3A_45 {offsets = [3], sizes = [1], strides = [1]} : vector<16xf32> to vector<1xf32>
          %squeeze3A_195 = vector.extract %slice3A_194[0] : f32 from vector<1xf32>
          %mul3A_196 = vector.broadcast %squeeze3A_195 : f32 to vector<16xf32>
          %mul3A_197 = arith.mulf %mul3A_196, %sub3A_193 : vector<16xf32>
          %add3A_198 = arith.addf %get3A_25, %mul3A_197 : vector<16xf32>
          %max3A_199 = arith.constant 0.000000e+00 : f32
          %max3A_200 = vector.broadcast %max3A_199 : f32 to vector<16xf32>
          %max3A_201 = arith.maximumf %add3A_198, %max3A_200 : vector<16xf32>
          %slice3A_202 = vector.extract_strided_slice %mul3A_53 {offsets = [3], sizes = [1], strides = [1]} : vector<16xf32> to vector<1xf32>
          %squeeze3A_203 = vector.extract %slice3A_202[0] : f32 from vector<1xf32>
          %mul3A_204 = vector.broadcast %squeeze3A_203 : f32 to vector<16xf32>
          %mul3A_205 = arith.mulf %max3A_201, %mul3A_204 : vector<16xf32>
          %add3A_206 = arith.addf %add3A_167, %mul3A_205 : vector<16xf32>
          %mul3A_207 = arith.constant 16 : i32
          %mul3A_208 = arith.muli %scan3A_39, %mul3A_207 : i32
          %add3A_209 = arith.constant 4 : i32
          %add3A_210 = arith.addi %mul3A_208, %add3A_209 : i32
          %get3A_211 = arith.index_cast %add3A_210 : i32 to index
          %get3A_212 = arith.constant 0 : index
          %get3A_213 = tpu.vector_load %arg8[%get3A_211, %get3A_212] {strides = array<i32>} : memref<800x16xf32, #tpu.memory_space<vmem>>, vector<1x16xf32>,
          %get3A_214 = vector.shape_cast %get3A_213 : vector<1x16xf32> to vector<16xf32>
          %mul3A_215 = arith.constant 16 : i32
          %mul3A_216 = arith.muli %scan3A_39, %mul3A_215 : i32
          %add3A_217 = arith.constant 4 : i32
          %add3A_218 = arith.addi %mul3A_216, %add3A_217 : i32
          %get3A_219 = arith.index_cast %add3A_218 : i32 to index
          %get3A_220 = arith.constant 0 : index
          %get3A_221 = tpu.vector_load %arg9[%get3A_219, %get3A_220] {strides = array<i32>} : memref<800x16xf32, #tpu.memory_space<vmem>>, vector<1x16xf32>,
          %get3A_222 = vector.shape_cast %get3A_221 : vector<1x16xf32> to vector<16xf32>
          %add3A_223 = arith.addf %get3A_214, %get3A_222 : vector<16xf32>
          %mul3A_224 = arith.constant 16 : i32
          %mul3A_225 = arith.muli %scan3A_39, %mul3A_224 : i32
          %add3A_226 = arith.constant 4 : i32
          %add3A_227 = arith.addi %mul3A_225, %add3A_226 : i32
          %get3A_228 = arith.index_cast %add3A_227 : i32 to index
          %get3A_229 = arith.constant 0 : index
          %get3A_230 = tpu.vector_load %arg10[%get3A_228, %get3A_229] {strides = array<i32>} : memref<800x16xf32, #tpu.memory_space<vmem>>, vector<1x16xf32>,
          %get3A_231 = vector.shape_cast %get3A_230 : vector<1x16xf32> to vector<16xf32>
          %sub3A_232 = arith.subf %add3A_223, %get3A_231 : vector<16xf32>
          %slice3A_233 = vector.extract_strided_slice %get3A_45 {offsets = [4], sizes = [1], strides = [1]} : vector<16xf32> to vector<1xf32>
          %squeeze3A_234 = vector.extract %slice3A_233[0] : f32 from vector<1xf32>
          %mul3A_235 = vector.broadcast %squeeze3A_234 : f32 to vector<16xf32>
          %mul3A_236 = arith.mulf %mul3A_235, %sub3A_232 : vector<16xf32>
          %add3A_237 = arith.addf %get3A_25, %mul3A_236 : vector<16xf32>
          %max3A_238 = arith.constant 0.000000e+00 : f32
          %max3A_239 = vector.broadcast %max3A_238 : f32 to vector<16xf32>
          %max3A_240 = arith.maximumf %add3A_237, %max3A_239 : vector<16xf32>
          %slice3A_241 = vector.extract_strided_slice %mul3A_53 {offsets = [4], sizes = [1], strides = [1]} : vector<16xf32> to vector<1xf32>
          %squeeze3A_242 = vector.extract %slice3A_241[0] : f32 from vector<1xf32>
          %mul3A_243 = vector.broadcast %squeeze3A_242 : f32 to vector<16xf32>
          %mul3A_244 = arith.mulf %max3A_240, %mul3A_243 : vector<16xf32>
          %add3A_245 = arith.addf %add3A_206, %mul3A_244 : vector<16xf32>
          %mul3A_246 = arith.constant 16 : i32
          %mul3A_247 = arith.muli %scan3A_39, %mul3A_246 : i32
          %add3A_248 = arith.constant 5 : i32
          %add3A_249 = arith.addi %mul3A_247, %add3A_248 : i32
          %get3A_250 = arith.index_cast %add3A_249 : i32 to index
          %get3A_251 = arith.constant 0 : index
          %get3A_252 = tpu.vector_load %arg8[%get3A_250, %get3A_251] {strides = array<i32>} : memref<800x16xf32, #tpu.memory_space<vmem>>, vector<1x16xf32>,
          %get3A_253 = vector.shape_cast %get3A_252 : vector<1x16xf32> to vector<16xf32>
          %mul3A_254 = arith.constant 16 : i32
          %mul3A_255 = arith.muli %scan3A_39, %mul3A_254 : i32
          %add3A_256 = arith.constant 5 : i32
          %add3A_257 = arith.addi %mul3A_255, %add3A_256 : i32
          %get3A_258 = arith.index_cast %add3A_257 : i32 to index
          %get3A_259 = arith.constant 0 : index
          %get3A_260 = tpu.vector_load %arg9[%get3A_258, %get3A_259] {strides = array<i32>} : memref<800x16xf32, #tpu.memory_space<vmem>>, vector<1x16xf32>,
          %get3A_261 = vector.shape_cast %get3A_260 : vector<1x16xf32> to vector<16xf32>
          %add3A_262 = arith.addf %get3A_253, %get3A_261 : vector<16xf32>
          %mul3A_263 = arith.constant 16 : i32
          %mul3A_264 = arith.muli %scan3A_39, %mul3A_263 : i32
          %add3A_265 = arith.constant 5 : i32
          %add3A_266 = arith.addi %mul3A_264, %add3A_265 : i32
          %get3A_267 = arith.index_cast %add3A_266 : i32 to index
          %get3A_268 = arith.constant 0 : index
          %get3A_269 = tpu.vector_load %arg10[%get3A_267, %get3A_268] {strides = array<i32>} : memref<800x16xf32, #tpu.memory_space<vmem>>, vector<1x16xf32>,
          %get3A_270 = vector.shape_cast %get3A_269 : vector<1x16xf32> to vector<16xf32>
          %sub3A_271 = arith.subf %add3A_262, %get3A_270 : vector<16xf32>
          %slice3A_272 = vector.extract_strided_slice %get3A_45 {offsets = [5], sizes = [1], strides = [1]} : vector<16xf32> to vector<1xf32>
          %squeeze3A_273 = vector.extract %slice3A_272[0] : f32 from vector<1xf32>
          %mul3A_274 = vector.broadcast %squeeze3A_273 : f32 to vector<16xf32>
          %mul3A_275 = arith.mulf %mul3A_274, %sub3A_271 : vector<16xf32>
          %add3A_276 = arith.addf %get3A_25, %mul3A_275 : vector<16xf32>
          %max3A_277 = arith.constant 0.000000e+00 : f32
          %max3A_278 = vector.broadcast %max3A_277 : f32 to vector<16xf32>
          %max3A_279 = arith.maximumf %add3A_276, %max3A_278 : vector<16xf32>
          %slice3A_280 = vector.extract_strided_slice %mul3A_53 {offsets = [5], sizes = [1], strides = [1]} : vector<16xf32> to vector<1xf32>
          %squeeze3A_281 = vector.extract %slice3A_280[0] : f32 from vector<1xf32>
          %mul3A_282 = vector.broadcast %squeeze3A_281 : f32 to vector<16xf32>
          %mul3A_283 = arith.mulf %max3A_279, %mul3A_282 : vector<16xf32>
          %add3A_284 = arith.addf %add3A_245, %mul3A_283 : vector<16xf32>
          %mul3A_285 = arith.constant 16 : i32
          %mul3A_286 = arith.muli %scan3A_39, %mul3A_285 : i32
          %add3A_287 = arith.constant 6 : i32
          %add3A_288 = arith.addi %mul3A_286, %add3A_287 : i32
          %get3A_289 = arith.index_cast %add3A_288 : i32 to index
          %get3A_290 = arith.constant 0 : index
          %get3A_291 = tpu.vector_load %arg8[%get3A_289, %get3A_290] {strides = array<i32>} : memref<800x16xf32, #tpu.memory_space<vmem>>, vector<1x16xf32>,
          %get3A_292 = vector.shape_cast %get3A_291 : vector<1x16xf32> to vector<16xf32>
          %mul3A_293 = arith.constant 16 : i32
          %mul3A_294 = arith.muli %scan3A_39, %mul3A_293 : i32
          %add3A_295 = arith.constant 6 : i32
          %add3A_296 = arith.addi %mul3A_294, %add3A_295 : i32
          %get3A_297 = arith.index_cast %add3A_296 : i32 to index
          %get3A_298 = arith.constant 0 : index
          %get3A_299 = tpu.vector_load %arg9[%get3A_297, %get3A_298] {strides = array<i32>} : memref<800x16xf32, #tpu.memory_space<vmem>>, vector<1x16xf32>,
          %get3A_300 = vector.shape_cast %get3A_299 : vector<1x16xf32> to vector<16xf32>
          %add3A_301 = arith.addf %get3A_292, %get3A_300 : vector<16xf32>
          %mul3A_302 = arith.constant 16 : i32
          %mul3A_303 = arith.muli %scan3A_39, %mul3A_302 : i32
          %add3A_304 = arith.constant 6 : i32
          %add3A_305 = arith.addi %mul3A_303, %add3A_304 : i32
          %get3A_306 = arith.index_cast %add3A_305 : i32 to index
          %get3A_307 = arith.constant 0 : index
          %get3A_308 = tpu.vector_load %arg10[%get3A_306, %get3A_307] {strides = array<i32>} : memref<800x16xf32, #tpu.memory_space<vmem>>, vector<1x16xf32>,
          %get3A_309 = vector.shape_cast %get3A_308 : vector<1x16xf32> to vector<16xf32>
          %sub3A_310 = arith.subf %add3A_301, %get3A_309 : vector<16xf32>
          %slice3A_311 = vector.extract_strided_slice %get3A_45 {offsets = [6], sizes = [1], strides = [1]} : vector<16xf32> to vector<1xf32>
          %squeeze3A_312 = vector.extract %slice3A_311[0] : f32 from vector<1xf32>
          %mul3A_313 = vector.broadcast %squeeze3A_312 : f32 to vector<16xf32>
          %mul3A_314 = arith.mulf %mul3A_313, %sub3A_310 : vector<16xf32>
          %add3A_315 = arith.addf %get3A_25, %mul3A_314 : vector<16xf32>
          %max3A_316 = arith.constant 0.000000e+00 : f32
          %max3A_317 = vector.broadcast %max3A_316 : f32 to vector<16xf32>
          %max3A_318 = arith.maximumf %add3A_315, %max3A_317 : vector<16xf32>
          %slice3A_319 = vector.extract_strided_slice %mul3A_53 {offsets = [6], sizes = [1], strides = [1]} : vector<16xf32> to vector<1xf32>
          %squeeze3A_320 = vector.extract %slice3A_319[0] : f32 from vector<1xf32>
          %mul3A_321 = vector.broadcast %squeeze3A_320 : f32 to vector<16xf32>
          %mul3A_322 = arith.mulf %max3A_318, %mul3A_321 : vector<16xf32>
          %add3A_323 = arith.addf %add3A_284, %mul3A_322 : vector<16xf32>
          %mul3A_324 = arith.constant 16 : i32
          %mul3A_325 = arith.muli %scan3A_39, %mul3A_324 : i32
          %add3A_326 = arith.constant 7 : i32
          %add3A_327 = arith.addi %mul3A_325, %add3A_326 : i32
          %get3A_328 = arith.index_cast %add3A_327 : i32 to index
          %get3A_329 = arith.constant 0 : index
          %get3A_330 = tpu.vector_load %arg8[%get3A_328, %get3A_329] {strides = array<i32>} : memref<800x16xf32, #tpu.memory_space<vmem>>, vector<1x16xf32>,
          %get3A_331 = vector.shape_cast %get3A_330 : vector<1x16xf32> to vector<16xf32>
          %mul3A_332 = arith.constant 16 : i32
          %mul3A_333 = arith.muli %scan3A_39, %mul3A_332 : i32
          %add3A_334 = arith.constant 7 : i32
          %add3A_335 = arith.addi %mul3A_333, %add3A_334 : i32
          %get3A_336 = arith.index_cast %add3A_335 : i32 to index
          %get3A_337 = arith.constant 0 : index
          %get3A_338 = tpu.vector_load %arg9[%get3A_336, %get3A_337] {strides = array<i32>} : memref<800x16xf32, #tpu.memory_space<vmem>>, vector<1x16xf32>,
          %get3A_339 = vector.shape_cast %get3A_338 : vector<1x16xf32> to vector<16xf32>
          %add3A_340 = arith.addf %get3A_331, %get3A_339 : vector<16xf32>
          %mul3A_341 = arith.constant 16 : i32
          %mul3A_342 = arith.muli %scan3A_39, %mul3A_341 : i32
          %add3A_343 = arith.constant 7 : i32
          %add3A_344 = arith.addi %mul3A_342, %add3A_343 : i32
          %get3A_345 = arith.index_cast %add3A_344 : i32 to index
          %get3A_346 = arith.constant 0 : index
          %get3A_347 = tpu.vector_load %arg10[%get3A_345, %get3A_346] {strides = array<i32>} : memref<800x16xf32, #tpu.memory_space<vmem>>, vector<1x16xf32>,
          %get3A_348 = vector.shape_cast %get3A_347 : vector<1x16xf32> to vector<16xf32>
          %sub3A_349 = arith.subf %add3A_340, %get3A_348 : vector<16xf32>
          %slice3A_350 = vector.extract_strided_slice %get3A_45 {offsets = [7], sizes = [1], strides = [1]} : vector<16xf32> to vector<1xf32>
          %squeeze3A_351 = vector.extract %slice3A_350[0] : f32 from vector<1xf32>
          %mul3A_352 = vector.broadcast %squeeze3A_351 : f32 to vector<16xf32>
          %mul3A_353 = arith.mulf %mul3A_352, %sub3A_349 : vector<16xf32>
          %add3A_354 = arith.addf %get3A_25, %mul3A_353 : vector<16xf32>
          %max3A_355 = arith.constant 0.000000e+00 : f32
          %max3A_356 = vector.broadcast %max3A_355 : f32 to vector<16xf32>
          %max3A_357 = arith.maximumf %add3A_354, %max3A_356 : vector<16xf32>
          %slice3A_358 = vector.extract_strided_slice %mul3A_53 {offsets = [7], sizes = [1], strides = [1]} : vector<16xf32> to vector<1xf32>
          %squeeze3A_359 = vector.extract %slice3A_358[0] : f32 from vector<1xf32>
          %mul3A_360 = vector.broadcast %squeeze3A_359 : f32 to vector<16xf32>
          %mul3A_361 = arith.mulf %max3A_357, %mul3A_360 : vector<16xf32>
          %add3A_362 = arith.addf %add3A_323, %mul3A_361 : vector<16xf32>
          %mul3A_363 = arith.constant 16 : i32
          %mul3A_364 = arith.muli %scan3A_39, %mul3A_363 : i32
          %add3A_365 = arith.constant 8 : i32
          %add3A_366 = arith.addi %mul3A_364, %add3A_365 : i32
          %get3A_367 = arith.index_cast %add3A_366 : i32 to index
          %get3A_368 = arith.constant 0 : index
          %get3A_369 = tpu.vector_load %arg8[%get3A_367, %get3A_368] {strides = array<i32>} : memref<800x16xf32, #tpu.memory_space<vmem>>, vector<1x16xf32>,
          %get3A_370 = vector.shape_cast %get3A_369 : vector<1x16xf32> to vector<16xf32>
          %mul3A_371 = arith.constant 16 : i32
          %mul3A_372 = arith.muli %scan3A_39, %mul3A_371 : i32
          %add3A_373 = arith.constant 8 : i32
          %add3A_374 = arith.addi %mul3A_372, %add3A_373 : i32
          %get3A_375 = arith.index_cast %add3A_374 : i32 to index
          %get3A_376 = arith.constant 0 : index
          %get3A_377 = tpu.vector_load %arg9[%get3A_375, %get3A_376] {strides = array<i32>} : memref<800x16xf32, #tpu.memory_space<vmem>>, vector<1x16xf32>,
          %get3A_378 = vector.shape_cast %get3A_377 : vector<1x16xf32> to vector<16xf32>
          %add3A_379 = arith.addf %get3A_370, %get3A_378 : vector<16xf32>
          %mul3A_380 = arith.constant 16 : i32
          %mul3A_381 = arith.muli %scan3A_39, %mul3A_380 : i32
          %add3A_382 = arith.constant 8 : i32
          %add3A_383 = arith.addi %mul3A_381, %add3A_382 : i32
          %get3A_384 = arith.index_cast %add3A_383 : i32 to index
          %get3A_385 = arith.constant 0 : index
          %get3A_386 = tpu.vector_load %arg10[%get3A_384, %get3A_385] {strides = array<i32>} : memref<800x16xf32, #tpu.memory_space<vmem>>, vector<1x16xf32>,
          %get3A_387 = vector.shape_cast %get3A_386 : vector<1x16xf32> to vector<16xf32>
          %sub3A_388 = arith.subf %add3A_379, %get3A_387 : vector<16xf32>
          %slice3A_389 = vector.extract_strided_slice %get3A_45 {offsets = [8], sizes = [1], strides = [1]} : vector<16xf32> to vector<1xf32>
          %squeeze3A_390 = vector.extract %slice3A_389[0] : f32 from vector<1xf32>
          %mul3A_391 = vector.broadcast %squeeze3A_390 : f32 to vector<16xf32>
          %mul3A_392 = arith.mulf %mul3A_391, %sub3A_388 : vector<16xf32>
          %add3A_393 = arith.addf %get3A_25, %mul3A_392 : vector<16xf32>
          %max3A_394 = arith.constant 0.000000e+00 : f32
          %max3A_395 = vector.broadcast %max3A_394 : f32 to vector<16xf32>
          %max3A_396 = arith.maximumf %add3A_393, %max3A_395 : vector<16xf32>
          %slice3A_397 = vector.extract_strided_slice %mul3A_53 {offsets = [8], sizes = [1], strides = [1]} : vector<16xf32> to vector<1xf32>
          %squeeze3A_398 = vector.extract %slice3A_397[0] : f32 from vector<1xf32>
          %mul3A_399 = vector.broadcast %squeeze3A_398 : f32 to vector<16xf32>
          %mul3A_400 = arith.mulf %max3A_396, %mul3A_399 : vector<16xf32>
          %add3A_401 = arith.addf %add3A_362, %mul3A_400 : vector<16xf32>
          %mul3A_402 = arith.constant 16 : i32
          %mul3A_403 = arith.muli %scan3A_39, %mul3A_402 : i32
          %add3A_404 = arith.constant 9 : i32
          %add3A_405 = arith.addi %mul3A_403, %add3A_404 : i32
          %get3A_406 = arith.index_cast %add3A_405 : i32 to index
          %get3A_407 = arith.constant 0 : index
          %get3A_408 = tpu.vector_load %arg8[%get3A_406, %get3A_407] {strides = array<i32>} : memref<800x16xf32, #tpu.memory_space<vmem>>, vector<1x16xf32>,
          %get3A_409 = vector.shape_cast %get3A_408 : vector<1x16xf32> to vector<16xf32>
          %mul3A_410 = arith.constant 16 : i32
          %mul3A_411 = arith.muli %scan3A_39, %mul3A_410 : i32
          %add3A_412 = arith.constant 9 : i32
          %add3A_413 = arith.addi %mul3A_411, %add3A_412 : i32
          %get3A_414 = arith.index_cast %add3A_413 : i32 to index
          %get3A_415 = arith.constant 0 : index
          %get3A_416 = tpu.vector_load %arg9[%get3A_414, %get3A_415] {strides = array<i32>} : memref<800x16xf32, #tpu.memory_space<vmem>>, vector<1x16xf32>,
          %get3A_417 = vector.shape_cast %get3A_416 : vector<1x16xf32> to vector<16xf32>
          %add3A_418 = arith.addf %get3A_409, %get3A_417 : vector<16xf32>
          %mul3A_419 = arith.constant 16 : i32
          %mul3A_420 = arith.muli %scan3A_39, %mul3A_419 : i32
          %add3A_421 = arith.constant 9 : i32
          %add3A_422 = arith.addi %mul3A_420, %add3A_421 : i32
          %get3A_423 = arith.index_cast %add3A_422 : i32 to index
          %get3A_424 = arith.constant 0 : index
          %get3A_425 = tpu.vector_load %arg10[%get3A_423, %get3A_424] {strides = array<i32>} : memref<800x16xf32, #tpu.memory_space<vmem>>, vector<1x16xf32>,
          %get3A_426 = vector.shape_cast %get3A_425 : vector<1x16xf32> to vector<16xf32>
          %sub3A_427 = arith.subf %add3A_418, %get3A_426 : vector<16xf32>
          %slice3A_428 = vector.extract_strided_slice %get3A_45 {offsets = [9], sizes = [1], strides = [1]} : vector<16xf32> to vector<1xf32>
          %squeeze3A_429 = vector.extract %slice3A_428[0] : f32 from vector<1xf32>
          %mul3A_430 = vector.broadcast %squeeze3A_429 : f32 to vector<16xf32>
          %mul3A_431 = arith.mulf %mul3A_430, %sub3A_427 : vector<16xf32>
          %add3A_432 = arith.addf %get3A_25, %mul3A_431 : vector<16xf32>
          %max3A_433 = arith.constant 0.000000e+00 : f32
          %max3A_434 = vector.broadcast %max3A_433 : f32 to vector<16xf32>
          %max3A_435 = arith.maximumf %add3A_432, %max3A_434 : vector<16xf32>
          %slice3A_436 = vector.extract_strided_slice %mul3A_53 {offsets = [9], sizes = [1], strides = [1]} : vector<16xf32> to vector<1xf32>
          %squeeze3A_437 = vector.extract %slice3A_436[0] : f32 from vector<1xf32>
          %mul3A_438 = vector.broadcast %squeeze3A_437 : f32 to vector<16xf32>
          %mul3A_439 = arith.mulf %max3A_435, %mul3A_438 : vector<16xf32>
          %add3A_440 = arith.addf %add3A_401, %mul3A_439 : vector<16xf32>
          %mul3A_441 = arith.constant 16 : i32
          %mul3A_442 = arith.muli %scan3A_39, %mul3A_441 : i32
          %add3A_443 = arith.constant 10 : i32
          %add3A_444 = arith.addi %mul3A_442, %add3A_443 : i32
          %get3A_445 = arith.index_cast %add3A_444 : i32 to index
          %get3A_446 = arith.constant 0 : index
          %get3A_447 = tpu.vector_load %arg8[%get3A_445, %get3A_446] {strides = array<i32>} : memref<800x16xf32, #tpu.memory_space<vmem>>, vector<1x16xf32>,
          %get3A_448 = vector.shape_cast %get3A_447 : vector<1x16xf32> to vector<16xf32>
          %mul3A_449 = arith.constant 16 : i32
          %mul3A_450 = arith.muli %scan3A_39, %mul3A_449 : i32
          %add3A_451 = arith.constant 10 : i32
          %add3A_452 = arith.addi %mul3A_450, %add3A_451 : i32
          %get3A_453 = arith.index_cast %add3A_452 : i32 to index
          %get3A_454 = arith.constant 0 : index
          %get3A_455 = tpu.vector_load %arg9[%get3A_453, %get3A_454] {strides = array<i32>} : memref<800x16xf32, #tpu.memory_space<vmem>>, vector<1x16xf32>,
          %get3A_456 = vector.shape_cast %get3A_455 : vector<1x16xf32> to vector<16xf32>
          %add3A_457 = arith.addf %get3A_448, %get3A_456 : vector<16xf32>
          %mul3A_458 = arith.constant 16 : i32
          %mul3A_459 = arith.muli %scan3A_39, %mul3A_458 : i32
          %add3A_460 = arith.constant 10 : i32
          %add3A_461 = arith.addi %mul3A_459, %add3A_460 : i32
          %get3A_462 = arith.index_cast %add3A_461 : i32 to index
          %get3A_463 = arith.constant 0 : index
          %get3A_464 = tpu.vector_load %arg10[%get3A_462, %get3A_463] {strides = array<i32>} : memref<800x16xf32, #tpu.memory_space<vmem>>, vector<1x16xf32>,
          %get3A_465 = vector.shape_cast %get3A_464 : vector<1x16xf32> to vector<16xf32>
          %sub3A_466 = arith.subf %add3A_457, %get3A_465 : vector<16xf32>
          %slice3A_467 = vector.extract_strided_slice %get3A_45 {offsets = [10], sizes = [1], strides = [1]} : vector<16xf32> to vector<1xf32>
          %squeeze3A_468 = vector.extract %slice3A_467[0] : f32 from vector<1xf32>
          %mul3A_469 = vector.broadcast %squeeze3A_468 : f32 to vector<16xf32>
          %mul3A_470 = arith.mulf %mul3A_469, %sub3A_466 : vector<16xf32>
          %add3A_471 = arith.addf %get3A_25, %mul3A_470 : vector<16xf32>
          %max3A_472 = arith.constant 0.000000e+00 : f32
          %max3A_473 = vector.broadcast %max3A_472 : f32 to vector<16xf32>
          %max3A_474 = arith.maximumf %add3A_471, %max3A_473 : vector<16xf32>
          %slice3A_475 = vector.extract_strided_slice %mul3A_53 {offsets = [10], sizes = [1], strides = [1]} : vector<16xf32> to vector<1xf32>
          %squeeze3A_476 = vector.extract %slice3A_475[0] : f32 from vector<1xf32>
          %mul3A_477 = vector.broadcast %squeeze3A_476 : f32 to vector<16xf32>
          %mul3A_478 = arith.mulf %max3A_474, %mul3A_477 : vector<16xf32>
          %add3A_479 = arith.addf %add3A_440, %mul3A_478 : vector<16xf32>
          %mul3A_480 = arith.constant 16 : i32
          %mul3A_481 = arith.muli %scan3A_39, %mul3A_480 : i32
          %add3A_482 = arith.constant 11 : i32
          %add3A_483 = arith.addi %mul3A_481, %add3A_482 : i32
          %get3A_484 = arith.index_cast %add3A_483 : i32 to index
          %get3A_485 = arith.constant 0 : index
          %get3A_486 = tpu.vector_load %arg8[%get3A_484, %get3A_485] {strides = array<i32>} : memref<800x16xf32, #tpu.memory_space<vmem>>, vector<1x16xf32>,
          %get3A_487 = vector.shape_cast %get3A_486 : vector<1x16xf32> to vector<16xf32>
          %mul3A_488 = arith.constant 16 : i32
          %mul3A_489 = arith.muli %scan3A_39, %mul3A_488 : i32
          %add3A_490 = arith.constant 11 : i32
          %add3A_491 = arith.addi %mul3A_489, %add3A_490 : i32
          %get3A_492 = arith.index_cast %add3A_491 : i32 to index
          %get3A_493 = arith.constant 0 : index
          %get3A_494 = tpu.vector_load %arg9[%get3A_492, %get3A_493] {strides = array<i32>} : memref<800x16xf32, #tpu.memory_space<vmem>>, vector<1x16xf32>,
          %get3A_495 = vector.shape_cast %get3A_494 : vector<1x16xf32> to vector<16xf32>
          %add3A_496 = arith.addf %get3A_487, %get3A_495 : vector<16xf32>
          %mul3A_497 = arith.constant 16 : i32
          %mul3A_498 = arith.muli %scan3A_39, %mul3A_497 : i32
          %add3A_499 = arith.constant 11 : i32
          %add3A_500 = arith.addi %mul3A_498, %add3A_499 : i32
          %get3A_501 = arith.index_cast %add3A_500 : i32 to index
          %get3A_502 = arith.constant 0 : index
          %get3A_503 = tpu.vector_load %arg10[%get3A_501, %get3A_502] {strides = array<i32>} : memref<800x16xf32, #tpu.memory_space<vmem>>, vector<1x16xf32>,
          %get3A_504 = vector.shape_cast %get3A_503 : vector<1x16xf32> to vector<16xf32>
          %sub3A_505 = arith.subf %add3A_496, %get3A_504 : vector<16xf32>
          %slice3A_506 = vector.extract_strided_slice %get3A_45 {offsets = [11], sizes = [1], strides = [1]} : vector<16xf32> to vector<1xf32>
          %squeeze3A_507 = vector.extract %slice3A_506[0] : f32 from vector<1xf32>
          %mul3A_508 = vector.broadcast %squeeze3A_507 : f32 to vector<16xf32>
          %mul3A_509 = arith.mulf %mul3A_508, %sub3A_505 : vector<16xf32>
          %add3A_510 = arith.addf %get3A_25, %mul3A_509 : vector<16xf32>
          %max3A_511 = arith.constant 0.000000e+00 : f32
          %max3A_512 = vector.broadcast %max3A_511 : f32 to vector<16xf32>
          %max3A_513 = arith.maximumf %add3A_510, %max3A_512 : vector<16xf32>
          %slice3A_514 = vector.extract_strided_slice %mul3A_53 {offsets = [11], sizes = [1], strides = [1]} : vector<16xf32> to vector<1xf32>
          %squeeze3A_515 = vector.extract %slice3A_514[0] : f32 from vector<1xf32>
          %mul3A_516 = vector.broadcast %squeeze3A_515 : f32 to vector<16xf32>
          %mul3A_517 = arith.mulf %max3A_513, %mul3A_516 : vector<16xf32>
          %add3A_518 = arith.addf %add3A_479, %mul3A_517 : vector<16xf32>
          %mul3A_519 = arith.constant 16 : i32
          %mul3A_520 = arith.muli %scan3A_39, %mul3A_519 : i32
          %add3A_521 = arith.constant 12 : i32
          %add3A_522 = arith.addi %mul3A_520, %add3A_521 : i32
          %get3A_523 = arith.index_cast %add3A_522 : i32 to index
          %get3A_524 = arith.constant 0 : index
          %get3A_525 = tpu.vector_load %arg8[%get3A_523, %get3A_524] {strides = array<i32>} : memref<800x16xf32, #tpu.memory_space<vmem>>, vector<1x16xf32>,
          %get3A_526 = vector.shape_cast %get3A_525 : vector<1x16xf32> to vector<16xf32>
          %mul3A_527 = arith.constant 16 : i32
          %mul3A_528 = arith.muli %scan3A_39, %mul3A_527 : i32
          %add3A_529 = arith.constant 12 : i32
          %add3A_530 = arith.addi %mul3A_528, %add3A_529 : i32
          %get3A_531 = arith.index_cast %add3A_530 : i32 to index
          %get3A_532 = arith.constant 0 : index
          %get3A_533 = tpu.vector_load %arg9[%get3A_531, %get3A_532] {strides = array<i32>} : memref<800x16xf32, #tpu.memory_space<vmem>>, vector<1x16xf32>,
          %get3A_534 = vector.shape_cast %get3A_533 : vector<1x16xf32> to vector<16xf32>
          %add3A_535 = arith.addf %get3A_526, %get3A_534 : vector<16xf32>
          %mul3A_536 = arith.constant 16 : i32
          %mul3A_537 = arith.muli %scan3A_39, %mul3A_536 : i32
          %add3A_538 = arith.constant 12 : i32
          %add3A_539 = arith.addi %mul3A_537, %add3A_538 : i32
          %get3A_540 = arith.index_cast %add3A_539 : i32 to index
          %get3A_541 = arith.constant 0 : index
          %get3A_542 = tpu.vector_load %arg10[%get3A_540, %get3A_541] {strides = array<i32>} : memref<800x16xf32, #tpu.memory_space<vmem>>, vector<1x16xf32>,
          %get3A_543 = vector.shape_cast %get3A_542 : vector<1x16xf32> to vector<16xf32>
          %sub3A_544 = arith.subf %add3A_535, %get3A_543 : vector<16xf32>
          %slice3A_545 = vector.extract_strided_slice %get3A_45 {offsets = [12], sizes = [1], strides = [1]} : vector<16xf32> to vector<1xf32>
          %squeeze3A_546 = vector.extract %slice3A_545[0] : f32 from vector<1xf32>
          %mul3A_547 = vector.broadcast %squeeze3A_546 : f32 to vector<16xf32>
          %mul3A_548 = arith.mulf %mul3A_547, %sub3A_544 : vector<16xf32>
          %add3A_549 = arith.addf %get3A_25, %mul3A_548 : vector<16xf32>
          %max3A_550 = arith.constant 0.000000e+00 : f32
          %max3A_551 = vector.broadcast %max3A_550 : f32 to vector<16xf32>
          %max3A_552 = arith.maximumf %add3A_549, %max3A_551 : vector<16xf32>
          %slice3A_553 = vector.extract_strided_slice %mul3A_53 {offsets = [12], sizes = [1], strides = [1]} : vector<16xf32> to vector<1xf32>
          %squeeze3A_554 = vector.extract %slice3A_553[0] : f32 from vector<1xf32>
          %mul3A_555 = vector.broadcast %squeeze3A_554 : f32 to vector<16xf32>
          %mul3A_556 = arith.mulf %max3A_552, %mul3A_555 : vector<16xf32>
          %add3A_557 = arith.addf %add3A_518, %mul3A_556 : vector<16xf32>
          %mul3A_558 = arith.constant 16 : i32
          %mul3A_559 = arith.muli %scan3A_39, %mul3A_558 : i32
          %add3A_560 = arith.constant 13 : i32
          %add3A_561 = arith.addi %mul3A_559, %add3A_560 : i32
          %get3A_562 = arith.index_cast %add3A_561 : i32 to index
          %get3A_563 = arith.constant 0 : index
          %get3A_564 = tpu.vector_load %arg8[%get3A_562, %get3A_563] {strides = array<i32>} : memref<800x16xf32, #tpu.memory_space<vmem>>, vector<1x16xf32>,
          %get3A_565 = vector.shape_cast %get3A_564 : vector<1x16xf32> to vector<16xf32>
          %mul3A_566 = arith.constant 16 : i32
          %mul3A_567 = arith.muli %scan3A_39, %mul3A_566 : i32
          %add3A_568 = arith.constant 13 : i32
          %add3A_569 = arith.addi %mul3A_567, %add3A_568 : i32
          %get3A_570 = arith.index_cast %add3A_569 : i32 to index
          %get3A_571 = arith.constant 0 : index
          %get3A_572 = tpu.vector_load %arg9[%get3A_570, %get3A_571] {strides = array<i32>} : memref<800x16xf32, #tpu.memory_space<vmem>>, vector<1x16xf32>,
          %get3A_573 = vector.shape_cast %get3A_572 : vector<1x16xf32> to vector<16xf32>
          %add3A_574 = arith.addf %get3A_565, %get3A_573 : vector<16xf32>
          %mul3A_575 = arith.constant 16 : i32
          %mul3A_576 = arith.muli %scan3A_39, %mul3A_575 : i32
          %add3A_577 = arith.constant 13 : i32
          %add3A_578 = arith.addi %mul3A_576, %add3A_577 : i32
          %get3A_579 = arith.index_cast %add3A_578 : i32 to index
          %get3A_580 = arith.constant 0 : index
          %get3A_581 = tpu.vector_load %arg10[%get3A_579, %get3A_580] {strides = array<i32>} : memref<800x16xf32, #tpu.memory_space<vmem>>, vector<1x16xf32>,
          %get3A_582 = vector.shape_cast %get3A_581 : vector<1x16xf32> to vector<16xf32>
          %sub3A_583 = arith.subf %add3A_574, %get3A_582 : vector<16xf32>
          %slice3A_584 = vector.extract_strided_slice %get3A_45 {offsets = [13], sizes = [1], strides = [1]} : vector<16xf32> to vector<1xf32>
          %squeeze3A_585 = vector.extract %slice3A_584[0] : f32 from vector<1xf32>
          %mul3A_586 = vector.broadcast %squeeze3A_585 : f32 to vector<16xf32>
          %mul3A_587 = arith.mulf %mul3A_586, %sub3A_583 : vector<16xf32>
          %add3A_588 = arith.addf %get3A_25, %mul3A_587 : vector<16xf32>
          %max3A_589 = arith.constant 0.000000e+00 : f32
          %max3A_590 = vector.broadcast %max3A_589 : f32 to vector<16xf32>
          %max3A_591 = arith.maximumf %add3A_588, %max3A_590 : vector<16xf32>
          %slice3A_592 = vector.extract_strided_slice %mul3A_53 {offsets = [13], sizes = [1], strides = [1]} : vector<16xf32> to vector<1xf32>
          %squeeze3A_593 = vector.extract %slice3A_592[0] : f32 from vector<1xf32>
          %mul3A_594 = vector.broadcast %squeeze3A_593 : f32 to vector<16xf32>
          %mul3A_595 = arith.mulf %max3A_591, %mul3A_594 : vector<16xf32>
          %add3A_596 = arith.addf %add3A_557, %mul3A_595 : vector<16xf32>
          %mul3A_597 = arith.constant 16 : i32
          %mul3A_598 = arith.muli %scan3A_39, %mul3A_597 : i32
          %add3A_599 = arith.constant 14 : i32
          %add3A_600 = arith.addi %mul3A_598, %add3A_599 : i32
          %get3A_601 = arith.index_cast %add3A_600 : i32 to index
          %get3A_602 = arith.constant 0 : index
          %get3A_603 = tpu.vector_load %arg8[%get3A_601, %get3A_602] {strides = array<i32>} : memref<800x16xf32, #tpu.memory_space<vmem>>, vector<1x16xf32>,
          %get3A_604 = vector.shape_cast %get3A_603 : vector<1x16xf32> to vector<16xf32>
          %mul3A_605 = arith.constant 16 : i32
          %mul3A_606 = arith.muli %scan3A_39, %mul3A_605 : i32
          %add3A_607 = arith.constant 14 : i32
          %add3A_608 = arith.addi %mul3A_606, %add3A_607 : i32
          %get3A_609 = arith.index_cast %add3A_608 : i32 to index
          %get3A_610 = arith.constant 0 : index
          %get3A_611 = tpu.vector_load %arg9[%get3A_609, %get3A_610] {strides = array<i32>} : memref<800x16xf32, #tpu.memory_space<vmem>>, vector<1x16xf32>,
          %get3A_612 = vector.shape_cast %get3A_611 : vector<1x16xf32> to vector<16xf32>
          %add3A_613 = arith.addf %get3A_604, %get3A_612 : vector<16xf32>
          %mul3A_614 = arith.constant 16 : i32
          %mul3A_615 = arith.muli %scan3A_39, %mul3A_614 : i32
          %add3A_616 = arith.constant 14 : i32
          %add3A_617 = arith.addi %mul3A_615, %add3A_616 : i32
          %get3A_618 = arith.index_cast %add3A_617 : i32 to index
          %get3A_619 = arith.constant 0 : index
          %get3A_620 = tpu.vector_load %arg10[%get3A_618, %get3A_619] {strides = array<i32>} : memref<800x16xf32, #tpu.memory_space<vmem>>, vector<1x16xf32>,
          %get3A_621 = vector.shape_cast %get3A_620 : vector<1x16xf32> to vector<16xf32>
          %sub3A_622 = arith.subf %add3A_613, %get3A_621 : vector<16xf32>
          %slice3A_623 = vector.extract_strided_slice %get3A_45 {offsets = [14], sizes = [1], strides = [1]} : vector<16xf32> to vector<1xf32>
          %squeeze3A_624 = vector.extract %slice3A_623[0] : f32 from vector<1xf32>
          %mul3A_625 = vector.broadcast %squeeze3A_624 : f32 to vector<16xf32>
          %mul3A_626 = arith.mulf %mul3A_625, %sub3A_622 : vector<16xf32>
          %add3A_627 = arith.addf %get3A_25, %mul3A_626 : vector<16xf32>
          %max3A_628 = arith.constant 0.000000e+00 : f32
          %max3A_629 = vector.broadcast %max3A_628 : f32 to vector<16xf32>
          %max3A_630 = arith.maximumf %add3A_627, %max3A_629 : vector<16xf32>
          %slice3A_631 = vector.extract_strided_slice %mul3A_53 {offsets = [14], sizes = [1], strides = [1]} : vector<16xf32> to vector<1xf32>
          %squeeze3A_632 = vector.extract %slice3A_631[0] : f32 from vector<1xf32>
          %mul3A_633 = vector.broadcast %squeeze3A_632 : f32 to vector<16xf32>
          %mul3A_634 = arith.mulf %max3A_630, %mul3A_633 : vector<16xf32>
          %add3A_635 = arith.addf %add3A_596, %mul3A_634 : vector<16xf32>
          %mul3A_636 = arith.constant 16 : i32
          %mul3A_637 = arith.muli %scan3A_39, %mul3A_636 : i32
          %add3A_638 = arith.constant 15 : i32
          %add3A_639 = arith.addi %mul3A_637, %add3A_638 : i32
          %get3A_640 = arith.index_cast %add3A_639 : i32 to index
          %get3A_641 = arith.constant 0 : index
          %get3A_642 = tpu.vector_load %arg8[%get3A_640, %get3A_641] {strides = array<i32>} : memref<800x16xf32, #tpu.memory_space<vmem>>, vector<1x16xf32>,
          %get3A_643 = vector.shape_cast %get3A_642 : vector<1x16xf32> to vector<16xf32>
          %mul3A_644 = arith.constant 16 : i32
          %mul3A_645 = arith.muli %scan3A_39, %mul3A_644 : i32
          %add3A_646 = arith.constant 15 : i32
          %add3A_647 = arith.addi %mul3A_645, %add3A_646 : i32
          %get3A_648 = arith.index_cast %add3A_647 : i32 to index
          %get3A_649 = arith.constant 0 : index
          %get3A_650 = tpu.vector_load %arg9[%get3A_648, %get3A_649] {strides = array<i32>} : memref<800x16xf32, #tpu.memory_space<vmem>>, vector<1x16xf32>,
          %get3A_651 = vector.shape_cast %get3A_650 : vector<1x16xf32> to vector<16xf32>
          %add3A_652 = arith.addf %get3A_643, %get3A_651 : vector<16xf32>
          %mul3A_653 = arith.constant 16 : i32
          %mul3A_654 = arith.muli %scan3A_39, %mul3A_653 : i32
          %add3A_655 = arith.constant 15 : i32
          %add3A_656 = arith.addi %mul3A_654, %add3A_655 : i32
          %get3A_657 = arith.index_cast %add3A_656 : i32 to index
          %get3A_658 = arith.constant 0 : index
          %get3A_659 = tpu.vector_load %arg10[%get3A_657, %get3A_658] {strides = array<i32>} : memref<800x16xf32, #tpu.memory_space<vmem>>, vector<1x16xf32>,
          %get3A_660 = vector.shape_cast %get3A_659 : vector<1x16xf32> to vector<16xf32>
          %sub3A_661 = arith.subf %add3A_652, %get3A_660 : vector<16xf32>
          %slice3A_662 = vector.extract_strided_slice %get3A_45 {offsets = [15], sizes = [1], strides = [1]} : vector<16xf32> to vector<1xf32>
          %squeeze3A_663 = vector.extract %slice3A_662[0] : f32 from vector<1xf32>
          %mul3A_664 = vector.broadcast %squeeze3A_663 : f32 to vector<16xf32>
          %mul3A_665 = arith.mulf %mul3A_664, %sub3A_661 : vector<16xf32>
          %add3A_666 = arith.addf %get3A_25, %mul3A_665 : vector<16xf32>
          %max3A_667 = arith.constant 0.000000e+00 : f32
          %max3A_668 = vector.broadcast %max3A_667 : f32 to vector<16xf32>
          %max3A_669 = arith.maximumf %add3A_666, %max3A_668 : vector<16xf32>
          %slice3A_670 = vector.extract_strided_slice %mul3A_53 {offsets = [15], sizes = [1], strides = [1]} : vector<16xf32> to vector<1xf32>
          %squeeze3A_671 = vector.extract %slice3A_670[0] : f32 from vector<1xf32>
          %mul3A_672 = vector.broadcast %squeeze3A_671 : f32 to vector<16xf32>
          %mul3A_673 = arith.mulf %max3A_669, %mul3A_672 : vector<16xf32>
          %add3A_674 = arith.addf %add3A_635, %mul3A_673 : vector<16xf32>
          scf.yield %add3A_674 : vector<16xf32>
        }
        %scan3A_34 = arith.constant 50 : i32
        %swap3A_35 = arith.constant 0 : index
        %swap3A_36 = tpu.vector_load %arg15[%swap3A_35] {strides = array<i32>} : memref<16xf32, #tpu.memory_space<vmem>>, vector<16xf32>,
        %swap3A_37 = vector.shape_cast %swap3A_36 : vector<16xf32> to vector<16xf32>
        %swap3A_38 = vector.shape_cast %scan3A_33 : vector<16xf32> to vector<16xf32>
        tpu.vector_store %arg15[%swap3A_35], %swap3A_38 {strides = array<i32>} : memref<16xf32, #tpu.memory_space<vmem>>, vector<16xf32>,
      } else {
      }
    }
    %scan3A_9 = arith.constant 4 : i32
    %mul3A_10 = arith.constant 16 : i32
    %mul3A_11 = arith.muli %add3A, %mul3A_10 : i32
    "tpu.region"() ({
      %run_scoped3A = tpu.sem_alloc : memref<!tpu.dma_semaphore, #tpu.memory_space<semaphore_mem>>
      %dma_start3A = tpu.memref_slice %arg7[%mul3A_11] : memref<512xf32, #tpu.memory_space<hbm>> -> memref<16xf32, #tpu.memory_space<hbm>>
      %dma_start3A_12 = tpu.memref_slice %arg7[%mul3A_11] : memref<512xf32, #tpu.memory_space<hbm>> -> memref<16xf32, #tpu.memory_space<hbm>>
      tpu.enqueue_dma source(%arg15 : memref<16xf32, #tpu.memory_space<vmem>>) target(%dma_start3A_12 : memref<16xf32, #tpu.memory_space<hbm>>) target_semaphore(%run_scoped3A : memref<!tpu.dma_semaphore, #tpu.memory_space<semaphore_mem>>)
      %dma_wait3A = tpu.memref_slice %arg7[%mul3A_11] : memref<512xf32, #tpu.memory_space<hbm>> -> memref<16xf32, #tpu.memory_space<hbm>>
      %dma_wait3A_13 = tpu.memref_slice %arg7[%mul3A_11] : memref<512xf32, #tpu.memory_space<hbm>> -> memref<16xf32, #tpu.memory_space<hbm>>
      tpu.wait_dma2 semaphore(%run_scoped3A : memref<!tpu.dma_semaphore, #tpu.memory_space<semaphore_mem>>) src(%arg15 : memref<16xf32, #tpu.memory_space<vmem>>) dst(%dma_wait3A_13 : memref<16xf32, #tpu.memory_space<hbm>>)
      tpu.yield
    }) : () -> ()
    return
  }
}

module attributes {stable_mosaic.version = 14 : i64} {
  func.func @_tc_head_body(%arg0: memref<32x16xf32, #tpu.memory_space<vmem>>, %arg1: memref<16x64xf32, #tpu.memory_space<vmem>>, %arg2: memref<64xf32, #tpu.memory_space<vmem>>, %arg3: memref<64x10xf32, #tpu.memory_space<vmem>>, %arg4: memref<10xf32, #tpu.memory_space<vmem>>, %arg5: memref<1x10xf32, #tpu.memory_space<vmem>>) attributes {dimension_semantics = [], scalar_prefetch = 0 : i64, scratch_operands = 0 : i64, tpu.core_type = #tpu.core_type<tc>} {
    %get3A = arith.constant 0 : index
    %get3A_0 = arith.constant 0 : index
    %get3A_1 = vector.load %arg0[%get3A, %get3A_0] : memref<32x16xf32, #tpu.memory_space<vmem>>, vector<32x16xf32>
    %reduce_sum3A = arith.constant dense<0.000000e+00> : vector<16xf32>
    %reduce_sum3A_2 = vector.multi_reduction <add>, %get3A_1, %reduce_sum3A [0] : vector<32x16xf32> to vector<16xf32>
    %broadcast_in_dim3A = vector.shape_cast %reduce_sum3A_2 : vector<16xf32> to vector<1x16xf32>
    %get3A_3 = arith.constant 0 : index
    %get3A_4 = arith.constant 0 : index
    %get3A_5 = vector.load %arg1[%get3A_3, %get3A_4] : memref<16x64xf32, #tpu.memory_space<vmem>>, vector<16x64xf32>
    %dot_general3A = arith.constant dense<0.000000e+00> : vector<1x64xf32>
    %dot_general3A_6 = tpu.matmul %broadcast_in_dim3A, %get3A_5, %dot_general3A {dimension_numbers = #tpu.dot_dimension_numbers<[1], [0], [0], [1], [0, 0, 1, 1], [], []>, transpose_lhs_hint = false} : vector<1x16xf32>, vector<16x64xf32>, vector<1x64xf32> -> vector<1x64xf32>
    %get3A_7 = arith.constant 0 : index
    %get3A_8 = vector.load %arg2[%get3A_7] : memref<64xf32, #tpu.memory_space<vmem>>, vector<64xf32>
    %broadcast_in_dim3A_9 = vector.shape_cast %get3A_8 : vector<64xf32> to vector<1x64xf32>
    %mul3A = arith.constant 1.000000e+05 : f32
    %mul3A_10 = vector.broadcast %mul3A : f32 to vector<1x64xf32>
    %mul3A_11 = arith.mulf %mul3A_10, %broadcast_in_dim3A_9 : vector<1x64xf32>
    %add3A = arith.addf %dot_general3A_6, %mul3A_11 : vector<1x64xf32>
    %mul3A_12 = arith.constant 9.99999974E-6 : f32
    %mul3A_13 = vector.broadcast %mul3A_12 : f32 to vector<1x64xf32>
    %mul3A_14 = arith.mulf %add3A, %mul3A_13 : vector<1x64xf32>
    %get3A_15 = arith.constant 0 : index
    %get3A_16 = arith.constant 0 : index
    %get3A_17 = vector.load %arg3[%get3A_15, %get3A_16] : memref<64x10xf32, #tpu.memory_space<vmem>>, vector<64x10xf32>
    %dot_general3A_18 = arith.constant dense<0.000000e+00> : vector<1x10xf32>
    %dot_general3A_19 = tpu.matmul %mul3A_14, %get3A_17, %dot_general3A_18 {dimension_numbers = #tpu.dot_dimension_numbers<[1], [0], [0], [1], [0, 0, 1, 1], [], []>, transpose_lhs_hint = false} : vector<1x64xf32>, vector<64x10xf32>, vector<1x10xf32> -> vector<1x10xf32>
    %get3A_20 = arith.constant 0 : index
    %get3A_21 = vector.load %arg4[%get3A_20] : memref<10xf32, #tpu.memory_space<vmem>>, vector<10xf32>
    %broadcast_in_dim3A_22 = vector.shape_cast %get3A_21 : vector<10xf32> to vector<1x10xf32>
    %add3A_23 = arith.addf %dot_general3A_19, %broadcast_in_dim3A_22 : vector<1x10xf32>
    %swap3A = arith.constant 0 : index
    %swap3A_24 = arith.constant 0 : index
    %swap3A_25 = vector.load %arg5[%swap3A, %swap3A_24] : memref<1x10xf32, #tpu.memory_space<vmem>>, vector<1x10xf32>
    tpu.vector_store %arg5[%swap3A, %swap3A_24], %add3A_23 {strides = array<i32>} : memref<1x10xf32, #tpu.memory_space<vmem>>, vector<1x10xf32>,
    return
  }
}

</mosaic_0001>

<sc_bundles>
// kernel: kernel.11.cloned.1.call-start
scs
__scs_entry_jumppad:
0x0: {  	(pc) =	sbr.rel $0x88, $3  }
0x1: {  	(tag) =	ssettag $0x0;
	lr =	simm.s32 $0x1  }
0x2: {  	[smem:$0x3F99] =	sst lr;
	_ =	strace $0xD0000000  }
0x3: {  	_ = 	snop  }
0x4: {  	_ = 	snop  }
0x5: {  	_ = 	snop  }
0x6: {  	_ = 	snop  }
0x7: {  	_ = 	snop  }
__scs_overlays_trampoline_lowered:
0x8: {  	[smem:$0x3FA8] =	sst s0  }
0x9: {  	[smem:$0x3FA9] =	sst s1  }
0xa: {  	[smem:$0x3FAA] =	sst s2  }
0xb: {  	[smem:$0x3FAB] =	sst s3  }
0xc: {  	[smem:$0x3FAC] =	sst s4  }
0xd: {  	[smem:$0x3FAD] =	sst s5  }
0xe: {  	[smem:$0x3FAE] =	sst s6  }
0xf: {  	[smem:$0x3FAF] =	sst s7  }
0x10: {  	[smem:$0x3FB0] =	sst s8  }
0x11: {  	[smem:$0x3FB1] =	sst s9;
	s0 =	simm.s32 @!p0 $0x0  }
0x12: {  	s1 =	sld [smem:$0x3F97];
	s0 =	simm.s32 @p0 $0x1  }
0x13: {  	[smem:$0x3FB2] =	sst s0;
	s0 =	simm.s32 @!p1 $0x0  }
0x14: {  	s2 =	sld [smem:$0x3F96];
	s0 =	simm.s32 @p1 $0x1  }
0x15: {  	[smem:$0x3FB3] =	sst s0;
	s0 =	simm.s32 @!p2 $0x0  }
0x16: {  	s3 =	sld [smem:$0x3FDB];
	s0 =	simm.s32 @p2 $0x1  }
0x17: {  	s4 =	simm.s32 $0x1BF5;
	[smem:$0x3FB5] =	sst s0  }
0x18: {  	s0 =	sld [smem:$0x3F98];
	_ =	swait.ge [sflag:s4], $0x0  }
0x19: {  	s7 =	sld [smem:$0x3F99]  }
0x1a: {  	s8 =	sadd.s32 $0xFFFFE003, lr  }
0x1b: {  	s9 =	sadd.s32 $0xFFFFFEF7, lr;
	s5 =	simm.s32 $0xFFFFFFFF;
	p2 =	slt.u32 s8, $0xFFFFF086  }
0x1c: {  	p1 =	slt.u32 s9, $0xF7A;
	s5 =	simm.s32 @!p2 $0x0  }
0x1d: {  	s5 =	simm.s32 @p1 $0x1;
	p0 =	seq.s32 s7, s2  }
0x1e: {  	s7 =	smul.u32 @!p0 $0xF7A, s2;
	p2 =	seq.s32 @!p0 s5, $0x0  }
0x1f: {  	s9 =	smul.u32 $0xF7A, s1;
	s8 =	simm.s32 @!p0 $0x1BF5;
	p2 =	por !p2, p0  }
0x20: {  	[sflag:s8] =	ssyncset.s32 @!p0 $0xFFFFF086;
	s6 =	sadd.s32 @!p0 s3, s7;
	s7 =	simm.s32 @!p0 $0x108  }
0x21: {  	s3 =	sadd.s32 s3, s9;
	s6 =	sadd.s32 @!p0 $0x88, s6;
	s7 =	simm.s32 @p2 $0x1082  }
0x22: {  	[simem:s7], [sflag:s8] =	dma.local @!p0 [hbm:s6], $0xF7A  }
0x23: {  	s9 =	sor.u32 $0xD0000000, s2;
	s6 =	simm.s32 $0x108;
	_ =	swait.ge @!p0 [sflag:s8], $0x0  }
0x24: {  	s3 =	sadd.s32 $0x88, s3;
	s6 =	simm.s32 @!p1 $0x1082;
	[sflag:s4] =	ssyncset.s32 $0xFFFFF086  }
0x25: {  	[simem:s6], [sflag:s4] =	dma.local [hbm:s3], $0xF7A  }
0x26: {  	[smem:$0x3F99] =	sst s1;
	(tag) =	ssettag s2;
	_ =	strace s9  }
0x27: {  	s1 =	sld [smem:$0x3FA9]  }
0x28: {  	s2 =	sld [smem:$0x3FAA]  }
0x29: {  	s4 =	sld [smem:$0x3FAC]  }
0x2a: {  	p0 =	seq.s32 s5, $0x0;
	s5 =	sld [smem:$0x3FAD]  }
0x2b: {  	s6 =	sld [smem:$0x3FAE]  }
0x2c: {  	s7 =	sld [smem:$0x3FAF]  }
0x2d: {  	s3 =	simm.s32 $0x108;
	s8 =	sld [smem:$0x3FB0]  }
0x2e: {  	s3 =	simm.s32 @!p0 $0x1082;
	s9 =	sld [smem:$0x3FB1]  }
0x2f: {  	lr =	sadd.s32 s0, s3;
	s0 =	sld [smem:$0x3FA8]  }
0x30: {  	s3 =	sld [smem:$0x3FAB]  }
0x31: {  	[smem:$0x3FB4] =	sst s10  }
0x32: {  	s10 =	sld [smem:$0x3FB2];
	_ =	sdelay $0x3  }
0x33: {  	p0 =	seq.s32 s10, $0x1;
	s10 =	sld [smem:$0x3FB4];
	_ =	sdelay $0x3  }
0x34: {  	[smem:$0x3FB4] =	sst s10  }
0x35: {  	s10 =	sld [smem:$0x3FB3];
	_ =	sdelay $0x3  }
0x36: {  	p1 =	seq.s32 s10, $0x1;
	s10 =	sld [smem:$0x3FB4];
	_ =	sdelay $0x3  }
0x37: {  	[smem:$0x3FB4] =	sst s10  }
0x38: {  	s10 =	sld [smem:$0x3FB5]  }
0x39: {  	_ = 	snop;
	(pc) =	sbr.ind lr, $3  }
0x3a: {  	_ = 	snop  }
0x3b: {  	_ = 	snop  }
0x3c: {  	p2 =	seq.s32 s10, $0x1;
	s10 =	sld [smem:$0x3FB4]  }
0x3d: {  	_ =	shalt  }
0x3e: {  	_ =	shalt  }
0x3f: {  	_ =	shalt  }
0x40: {  	_ =	shalt  }
0x41: {  	_ =	shalt  }
0x42: {  	_ =	shalt  }
0x43: {  	_ =	shalt  }
0x44: {  	_ =	shalt  }
0x45: {  	_ =	shalt  }
0x46: {  	_ =	shalt  }
0x47: {  	_ =	shalt  }
0x48: {  	_ =	shalt  }
0x49: {  	_ =	shalt  }
0x4a: {  	_ =	shalt  }
0x4b: {  	_ =	shalt  }
0x4c: {  	_ =	shalt  }
0x4d: {  	_ =	shalt  }
0x4e: {  	_ =	shalt  }
0x4f: {  	_ =	shalt  }
0x50: {  	_ =	shalt  }
0x51: {  	_ =	shalt  }
0x52: {  	_ =	shalt  }
0x53: {  	_ =	shalt  }
0x54: {  	_ =	shalt  }
0x55: {  	_ =	shalt  }
0x56: {  	_ =	shalt  }
0x57: {  	_ =	shalt  }
0x58: {  	_ =	shalt  }
0x59: {  	_ =	shalt  }
0x5a: {  	_ =	shalt  }
0x5b: {  	_ =	shalt  }
0x5c: {  	_ =	shalt  }
0x5d: {  	_ =	shalt  }
0x5e: {  	_ =	shalt  }
0x5f: {  	_ =	shalt  }
0x60: {  	_ =	shalt  }
0x61: {  	_ =	shalt  }
0x62: {  	_ =	shalt  }
0x63: {  	_ =	shalt  }
0x64: {  	_ =	shalt  }
0x65: {  	_ =	shalt  }
0x66: {  	_ =	shalt  }
0x67: {  	_ =	shalt  }
0x68: {  	_ =	shalt  }
0x69: {  	_ =	shalt  }
0x6a: {  	_ =	shalt  }
0x6b: {  	_ =	shalt  }
0x6c: {  	_ =	shalt  }
0x6d: {  	_ =	shalt  }
0x6e: {  	_ =	shalt  }
0x6f: {  	_ =	shalt  }
0x70: {  	_ =	shalt  }
0x71: {  	_ =	shalt  }
0x72: {  	_ =	shalt  }
0x73: {  	_ =	shalt  }
0x74: {  	_ =	shalt  }
0x75: {  	_ =	shalt  }
0x76: {  	_ =	shalt  }
0x77: {  	_ =	shalt  }
0x78: {  	_ =	shalt  }
0x79: {  	_ =	shalt  }
0x7a: {  	_ =	shalt  }
0x7b: {  	_ =	shalt  }
0x7c: {  	_ =	shalt  }
0x7d: {  	_ =	shalt  }
0x7e: {  	_ =	shalt  }
0x7f: {  	_ =	shalt  }
0x80: {  	_ =	shalt  }
0x81: {  	_ =	shalt  }
0x82: {  	_ =	shalt  }
0x83: {  	_ =	shalt  }
0x84: {  	_ =	shalt  }
0x85: {  	_ =	shalt  }
0x86: {  	_ =	shalt  }
0x87: {  	_ =	shalt  }
.Lfunc_end0:
.L_simem_size_0:
called_computation.1_lowered:
.L_overlay_start_0:
0x88: {  	s2 =	sld [smem:$0x3FD9]  }
0x89: {  	s3 =	sld [smem:$0x3FFE];
	_ =	sdelay $0x1  }
0x8a: {  	s1 =	srdreg.scid  }
0x8b: {  	s0 =	sand.u32 $0x1, s1  }
0x8c: {  	s17 =	sshll.u32 s0, $0xA;
	s2 =	sadd.s32 s3, s2  }
0x8d: {  	s2 =	sadd.s32 s2, s17  }
0x8e: {  	[smem:$0x3FC0] =	sst s2  }
0x8f: {  	_ = 	snop  }
0x90: {  	s2 =	sld [smem:$0x3FD0];
	(tm) =	ssettm $0x1  }
0x91: {  	s18 =	sld [smem:$0x3FFB];
	_ =	sdelay $0x3  }
0x92: {  	_ =	strace s18  }
0x93: {  	s3 =	sld [smem:$0x3FFC];
	_ =	sdelay $0x3  }
0x94: {  	_ =	strace s3  }
0x95: {  	s3 =	sld [smem:$0x3FFD];
	_ =	sdelay $0x3  }
0x96: {  	_ =	strace s3  }
0x97: {  	_ =	strace $0x8FFFFFFF  }
0x98: {  	s19 =	sld [smem:$0x3FDB];
	_ =	sdelay $0x1  }
0x99: {  	s4 =	simm.s32 $_scs_section_size  }
0x9a: {  	s5 =	simm.s32 $_size__tile_overlayer_lowered;
	s6 =	simm.s32 $_tile_overlayer_lowered  }
0x9b: {  	s22 =	simm.s32 $0x1BFF;
	s21 =	sshll.u32 s6, $0x1;
	s3 =	sadd.s32 s4, s19  }
0x9c: {  	s7 =	simm.s32 $0x0;
	s20 =	sshll.u32 s5, $0x1;
	s5 =	sadd.s32 s21, s3  }
0x9d: {  	[timem:s7], [sflag:s22] =	dma.local [hbm:s5], s20  }
0x9e: {  	_ =	swait.ge [sflag:s22], s20  }
0x9f: {  	s4 =	ssub.s32 $0x0, s20;
	[sflag:s22] =	ssyncset.done $0x0  }
0xa0: {  	[sflag:s22] =	ssyncadd.s32 s4;
	_ =	sdelay $0x1  }
0xa1: {  	s23 =	simm.s32 $0x1B8B  }
0xa2: {  	_ =	swait.ge [sflag:s23], $0x1  }
0xa3: {  	[sflag:s23] =	ssyncset.done $0x0  }
0xa4: {  	s25 =	simm.s32 $0x1B8E;
	s24 =	sld [smem:$0x3FFE];
	[sflag:s23] =	ssyncadd.s32 $0xFFFFFFFF  }
0xa5: {  	s26 =	simm.s32 $execute0_lowered;
	[smem:$0x3FD2] =	sst s25  }
0xa6: {  	s5 =	sshll.u32 s26, $0x1;
	_ =	strace $0x80000049;
	[dreg:$0x1] =	wrdreg $0xFFFFFFFF  }
0xa7: {  	s28 =	simm.s32 $_size_execute0_lowered;
	s3 =	sadd.s32 s3, s5;
	[dreg:$0x0] =	wrdreg $0x0  }
0xa8: {  	s5 =	sshll.u32 s28, $0x1;
	[dreg:$0x2] =	wrdreg s3  }
0xa9: {  	[dreg:$0x3] =	wrdreg s5  }
0xaa: {  	[dreg:$0x4] =	wrdreg $0xC0  }
0xab: {  	_ =	task [dreg:s7], $0x5FFFF  }
0xac: {  	[dreg:$0x1] =	wrdreg $0xFFFFFFFF  }
0xad: {  	[dreg:$0x0] =	wrdreg $0x60  }
0xae: {  	[dreg:$0x2] =	wrdreg s24  }
0xaf: {  	[dreg:$0x3] =	wrdreg s2  }
0xb0: {  	[dreg:$0x4] =	wrdreg $0x9  }
0xb1: {  	_ =	task.clear_ibuf [dreg:s7], $0x5FFFF;
	_ =	strace $0x90000049  }
0xb2: {  	s29 =	simm.s32 $0x9;
	_ =	strace $0x8000004B  }
0xb3: {  	_ =	swait.ge [sflag:s29], $0x1  }
0xb4: {  	[sflag:s29] =	ssyncadd.s32 $0xFFFFFFFF  }
0xb5: {  	_ =	strace $0x9000004B  }
0xb6: {  	_ =	sfence  }
0xb7: {  	s30 =	sld [smem:$0x0];
	_ =	sdelay $0x2  }
0xb8: {  	s31 =	sshll.u32 s1, $0xD;
	s1 =	sshrl.u32 s1, $0x2  }
0xb9: {  	s3 =	sand.u32 $0x4000, s31;
	s1 =	sadd.s32 s1, s30  }
0xba: {  	s0 =	sor.u32 s3, s0;
	s1 =	sshll.u32 s1, $0x11  }
0xbb: {  	s0 =	sor.u32 s1, s0  }
0xbc: {  	s0 =	sadd.s32 $0x8F2B, s0  }
0xbd: {  	[sflag:s0] =	ssyncadd.remote.s32 $0x1  }
0xbe: {  	_ =	sfence.sel $0xFFFF  }
0xbf: {  	[dreg:$0x0] =	wrdreg $0xFFFFFFFF;
	(pc) =	sbr.abs _section_cstart, $3  }
0xc0: {  	[dreg:$0x1] =	wrdreg $0xFFFFFFFF  }
0xc1: {  	_ =	task.clear_ibuf [dreg:s7], $0x2FFFF;
	_ =	strace $0x9FFFFFFF  }
0xc2: {  	(tm) =	ssettm $0x7FFFFFFF  }
0xc3: {  	_ =	shalt  }
tec
execute0_lowered:
.L_overlay_start_1:
0x0: {  	(tag) =	ssettag $0x1  }
0x1: {  	s5 =	rddreg [dreg:$0x0]  }
0x2: {  	s1 =	rddreg [dreg:$0x1]  }
0x3: {  	s0 =	rddreg [dreg:$0x2];
	s2 =	simm.s32 $0x0  }
0x4: {  	s3 =	srdreg.scid;
	s11 =	simm.s32 $0x1;
	s12 =	simm.s32 $0x2  }
0x5: {  	s13 =	simm.s32 $0x320;
	s14 =	simm.s32 $0x640;
	s15 =	simm.s32 $0x960  }
0x6: {  	s16 =	simm.s32 $0xC80;
	s17 =	simm.s32 $0xFA0;
	s18 =	simm.s32 $0x12C0  }
0x7: {  	s19 =	simm.s32 $0x47E0;
	s20 =	simm.s32 $0x15E0;
	s21 =	simm.s32 $0x0  }
.Ltmp0:
0x8: {  	[smem:$0x7FF] =	sst s2;
	s8 =	sand.u32 $0x1, s3;
	(pc) =	sbr.rel .LBB2_1-.Ltmp0, $4  }
0x9: {  	s3 =	sadd.s32 $0xC9200, s5;
	s4 =	sadd.s32 $0xCF400, s5;
	s9 =	ssub.s32 $0x2, s8  }
0xa: {  	s6 =	sadd.s32 $0xDEA00, s5;
	s7 =	sadd.s32 $0xC5A00, s5;
	s10 =	sshrl.u32 s9, $0x1  }
0xb: {  	s5 =	stileid.u32;
	_ =	strace $0x8000004A;
	s9 =	ssub.s32 s9, s10  }
0xc: {  	s8 =	sshll.u32 s8, $0x4;
	s10 =	simm.s32 $0x4B00;
	s9 =	smax.u32 s9, $0x1  }
.LBB2_7:
0xd: {  	s21 =	sadd.s32 $0x1, s21  }
0xe: {  	p0 =	sne.s32 s21, s9  }
.Ltmp1:
0xf: {  	_ = 	snop;
	(pc) =	sbr.rel @!p0 .LBB2_8-.Ltmp1, $1  }
0x10: {  	_ =	sdelay $0x3  }
.LBB2_1:
0x11: {  	[tilespmem:s10], [sflag:$0x1] =	stream.linear.gather [hbm4b:s1+s2], $0x50, $0x38;
	[tilespmem:$0x4B50] =	vst v63  }
0x12: {  	_ =	swait.ge [sflag:s11], $0x50  }
0x13: {  	[sflag:s11] =	ssyncset.done $0x0  }
0x14: {  	[sflag:s11] =	ssyncadd.s32 $0xFFFFFFB0  }
.Ltmp2:
0x15: {  	v0 =	vld [tilespmem:$0x4B00];
	(pc) =	sbr.rel .LBB2_2-.Ltmp2, $4  }
0x16: {  	v1 =	vld [tilespmem:$0x4B10]  }
0x17: {  	v2 =	vld [tilespmem:$0x4B20]  }
0x18: {  	v3 =	vld [tilespmem:$0x4B30]  }
0x19: {  	s22 =	simm.s32 $0x0;
	v4 =	vld [tilespmem:$0x4B40]  }
.LBB2_6:
0x1a: {  	s22 =	sadd.s32 $0x1, s22  }
0x1b: {  	p0 =	sne.s32 s22, $0x4  }
.Ltmp3:
0x1c: {  	_ = 	snop;
	(pc) =	sbr.rel @!p0 .LBB2_7-.Ltmp3, $1  }
0x1d: {  	_ =	sdelay $0x3  }
.LBB2_2:
0x1e: {  	s23 =	sshll.u32 s22, $0x5  }
0x1f: {  	s23 =	sor.u32 s23, s8  }
0x20: {  	s23 =	sor.u32 s5, s23  }
0x21: {  	p0 =	sgt.u32 s23, $0x7C  }
.Ltmp4:
0x22: {  	_ = 	snop;
	(pc) =	sbr.rel @p0 .LBB2_6-.Ltmp4, $1  }
0x23: {  	_ =	sdelay $0x3  }
0x24: {  	s24 =	smul.u32 $0x320, s23;
	_ =	sdelay $0x1  }
0x25: {  	s24 =	sshrl.u32 s24, $0x3  }
0x26: {  	s25 =	simm.s32 $0x0;
	s26 =	sadd.s32 s3, s24  }
0x27: {  	[tilespmem:s25], [sflag:$0x2] =	stream.linear.gather [hbm4b:s26+s25], $0x320, $0x38;
	[tilespmem:$0x4B50] =	vst v63  }
0x28: {  	_ =	swait.ge [sflag:s12], $0x320  }
0x29: {  	s30 =	sadd.s32 $0x30D4, s24;
	[sflag:s12] =	ssyncset.done $0x0  }
0x2a: {  	s28 =	sadd.s32 s3, s30;
	[sflag:s12] =	ssyncadd.s32 $0xFFFFFCE0  }
0x2b: {  	[tilespmem:s13], [sflag:$0x2] =	stream.linear.gather [hbm4b:s28+s25], $0x320, $0x38;
	[tilespmem:$0x4B50] =	vst v63  }
0x2c: {  	_ =	swait.ge [sflag:s12], $0x320  }
0x2d: {  	[sflag:s12] =	ssyncset.done $0x0  }
0x2e: {  	s31 =	sadd.s32 s4, s24;
	[sflag:s12] =	ssyncadd.s32 $0xFFFFFCE0  }
0x2f: {  	[tilespmem:s14], [sflag:$0x2] =	stream.linear.gather [hbm4b:s31+s25], $0x320, $0x38;
	[tilespmem:$0x4B50] =	vst v63  }
0x30: {  	_ =	swait.ge [sflag:s12], $0x320  }
0x31: {  	[sflag:s12] =	ssyncset.done $0x0  }
0x32: {  	s26 =	sadd.s32 s4, s30;
	[sflag:s12] =	ssyncadd.s32 $0xFFFFFCE0  }
0x33: {  	[tilespmem:s15], [sflag:$0x2] =	stream.linear.gather [hbm4b:s26+s25], $0x320, $0x38;
	[tilespmem:$0x4B50] =	vst v63  }
0x34: {  	_ =	swait.ge [sflag:s12], $0x320  }
0x35: {  	[sflag:s12] =	ssyncset.done $0x0  }
0x36: {  	s29 =	sadd.s32 $0x61A8, s31;
	[sflag:s12] =	ssyncadd.s32 $0xFFFFFCE0  }
0x37: {  	[tilespmem:s16], [sflag:$0x2] =	stream.linear.gather [hbm4b:s29+s25], $0x320, $0x38;
	[tilespmem:$0x4B50] =	vst v63  }
0x38: {  	_ =	swait.ge [sflag:s12], $0x320  }
0x39: {  	[sflag:s12] =	ssyncset.done $0x0  }
0x3a: {  	s30 =	sadd.s32 $0x927C, s31;
	[sflag:s12] =	ssyncadd.s32 $0xFFFFFCE0  }
0x3b: {  	[tilespmem:s17], [sflag:$0x2] =	stream.linear.gather [hbm4b:s30+s25], $0x320, $0x38;
	[tilespmem:$0x4B50] =	vst v63  }
0x3c: {  	_ =	swait.ge [sflag:s12], $0x320  }
0x3d: {  	[sflag:s12] =	ssyncset.done $0x0  }
0x3e: {  	s31 =	sadd.s32 $0xC350, s31;
	[sflag:s12] =	ssyncadd.s32 $0xFFFFFCE0  }
0x3f: {  	[tilespmem:s18], [sflag:$0x2] =	stream.linear.gather [hbm4b:s31+s25], $0x320, $0x38;
	[tilespmem:$0x4B50] =	vst v63  }
0x40: {  	_ =	swait.ge [sflag:s12], $0x320  }
0x41: {  	[sflag:s12] =	ssyncset.done $0x0  }
0x42: {  	s26 =	simm.s32 $0x1660;
	[sflag:s12] =	ssyncadd.s32 $0xFFFFFCE0  }
.LBB2_4:
0x43: {  	s28 =	sshra.s32 s25, $0x2  }
0x44: {  	v5 =	vld [tilespmem:s28+$0x0]  }
0x45: {  	v6 =	vld [tilespmem:s28+$0x320]  }
0x46: {  	v10 =	vld [tilespmem:s28+$0x640]  }
0x47: {  	v9 =	vld [tilespmem:s28+$0x960]  }
0x48: {  	v8 =	vld [tilespmem:s28+$0xC80];
	_ =	sdelay $0x2  }
0x49: {  	v5 =	vadd.f32 v6, v5  }
0x4a: {  	v12 =	vbroadcast v10, $0x0  }
0x4b: {  	v56 =	vbroadcast v9, $0x0;
	v13 =	vbroadcast v8, $0x0;
	v5 =	vadd.f32 $1.000000000e+00, v5  }
0x4c: {  	v16 =	vbroadcast v10, $0x1;
	v18 =	vbroadcast v9, $0x1  }
0x4d: {  	v19 =	vbroadcast v8, $0x1;
	v6 =	vshra.s32 v5, $0x1;
	v5 =	vmul.f32 $5.000000000e-01, v5  }
0x4e: {  	v60 =	vbroadcast v10, $0x2;
	v62 =	vbroadcast v9, $0x2;
	v6 =	vsub.s32 $0x5F3759DF, v6  }
0x4f: {  	v24 =	vbroadcast v10, $0x3;
	v7 =	vmul.f32 v6, v5  }
0x50: {  	v26 =	vbroadcast v9, $0x3;
	v27 =	vbroadcast v8, $0x2  }
0x51: {  	v29 =	vbroadcast v8, $0x3;
	v7 =	vmul.f32 v6, v7  }
0x52: {  	v42 =	vbroadcast v10, $0x4;
	v44 =	vbroadcast v9, $0x4  }
0x53: {  	v45 =	vbroadcast v8, $0x4;
	v21 =	vbroadcast v10, $0x5;
	v7 =	vsub.f32 $1.500000000e+00, v7  }
0x54: {  	v22 =	vbroadcast v9, $0x5;
	v23 =	vbroadcast v8, $0x5  }
0x55: {  	v52 =	vbroadcast v10, $0x6;
	v6 =	vmul.f32 v6, v7  }
0x56: {  	v55 =	vmul.f32 v12, v0;
	v12 =	vmul.f32 v56, v1  }
0x57: {  	v13 =	vmul.f32 v13, v2;
	v7 =	vmul.f32 v6, v5  }
0x58: {  	v16 =	vmul.f32 v16, v0;
	v57 =	vmul.f32 v18, v1  }
0x59: {  	v19 =	vmul.f32 v19, v2;
	v7 =	vmul.f32 v7, v6  }
0x5a: {  	v63 =	vmul.f32 v60, v0;
	v25 =	vmul.f32 v62, v1  }
0x5b: {  	v18 =	vmul.f32 v24, v0;
	v28 =	vmul.f32 v26, v1;
	v7 =	vsub.f32 $1.500000000e+00, v7  }
0x5c: {  	v31 =	vmul.f32 v29, v2;
	v43 =	vmul.f32 v42, v0  }
0x5d: {  	v49 =	vmul.f32 v21, v0;
	v11 =	vmul.f32 v7, v6;
	v7 =	vld [tilespmem:s28+$0xFA0]  }
0x5e: {  	v22 =	vmul.f32 v22, v1;
	v23 =	vmul.f32 v23, v2;
	v6 =	vld [tilespmem:s28+$0x12C0]  }
0x5f: {  	v24 =	vbroadcast v9, $0x6;
	v54 =	vmul.f32 v52, v0  }
0x60: {  	v60 =	vbroadcast v8, $0x7;
	v5 =	vmul.f32 v11, v5  }
0x61: {  	v26 =	vbroadcast v9, $0x9;
	v56 =	vmul.f32 v24, v1  }
0x62: {  	v62 =	vmul.f32 v60, v2;
	v5 =	vmul.f32 v5, v11  }
0x63: {  	v14 =	vbroadcast v7, $0x0;
	v15 =	vbroadcast v6, $0x0  }
0x64: {  	v58 =	vbroadcast v7, $0x1;
	v20 =	vbroadcast v6, $0x1  }
0x65: {  	v30 =	vbroadcast v7, $0x2;
	v32 =	vbroadcast v7, $0x3  }
0x66: {  	v34 =	vbroadcast v6, $0x2;
	v36 =	vbroadcast v6, $0x3  }
0x67: {  	v46 =	vbroadcast v7, $0x4;
	v47 =	vbroadcast v6, $0x4  }
0x68: {  	v50 =	vbroadcast v7, $0x5;
	v53 =	vbroadcast v6, $0x5  }
0x69: {  	v29 =	vbroadcast v6, $0x6;
	v42 =	vbroadcast v6, $0x8  }
0x6a: {  	v14 =	vmul.f32 v14, v3;
	v15 =	vmul.f32 v15, v4  }
0x6b: {  	v59 =	vmul.f32 v58, v3;
	v61 =	vmul.f32 v20, v4  }
0x6c: {  	v33 =	vmul.f32 v30, v3;
	v35 =	vmul.f32 v32, v3  }
0x6d: {  	v5 =	vsub.f32 $1.500000000e+00, v5;
	v37 =	vmul.f32 v34, v4;
	v38 =	vmul.f32 v36, v4  }
0x6e: {  	v51 =	vmul.f32 v50, v3;
	v58 =	vbroadcast v8, $0x6  }
0x6f: {  	v32 =	vmul.f32 v29, v4;
	v5 =	vmul.f32 v5, v11;
	v11 =	vadd.f32 v12, v55  }
0x70: {  	v12 =	vadd.f32 v57, v16;
	v55 =	vbroadcast v10, $0x7;
	v57 =	vbroadcast v9, $0x7  }
0x71: {  	v17 =	vbroadcast v5, $0x0;
	v11 =	vadd.f32 v13, v11;
	v39 =	vbroadcast v5, $0x1  }
0x72: {  	v12 =	vadd.f32 v19, v12;
	v40 =	vbroadcast v5, $0x2;
	v41 =	vbroadcast v5, $0x3  }
0x73: {  	v13 =	vadd.f32 v28, v18;
	v18 =	vmul.f32 v46, v3;
	v19 =	vmul.f32 v47, v4  }
0x74: {  	v48 =	vbroadcast v5, $0x4;
	v21 =	vmul.f32 v55, v0  }
0x75: {  	v34 =	vbroadcast v5, $0x5;
	v36 =	vbroadcast v5, $0x7  }
0x76: {  	v47 =	vbroadcast v10, $0xA;
	v11 =	vadd.f32 v14, v11;
	v12 =	vadd.f32 v59, v12  }
0x77: {  	v14 =	vadd.f32 v25, v63;
	v59 =	vmul.f32 v57, v1;
	v63 =	vbroadcast v7, $0x7  }
0x78: {  	v13 =	vadd.f32 v31, v13;
	v31 =	vbroadcast v6, $0x7;
	v25 =	vbroadcast v5, $0x8  }
0x79: {  	v50 =	vmul.f32 v47, v0;
	v57 =	vbroadcast v7, $0xA  }
0x7a: {  	v47 =	vbroadcast v9, $0xE;
	v11 =	vadd.f32 v15, v11;
	v15 =	vmul.f32 v27, v2  }
0x7b: {  	v12 =	vadd.f32 v61, v12;
	v61 =	vbroadcast v7, $0x6;
	v30 =	vmul.f32 v63, v3  }
0x7c: {  	v13 =	vadd.f32 v35, v13;
	v35 =	vbroadcast v5, $0x6;
	v27 =	vbroadcast v8, $0x9  }
0x7d: {  	v60 =	vmul.f32 v57, v3;
	v63 =	vbroadcast v6, $0xB  }
0x7e: {  	v11 =	vmul.f32 v17, v11;
	v17 =	vmul.f32 v45, v2  }
0x7f: {  	v14 =	vadd.f32 v15, v14;
	v28 =	vmul.f32 v61, v3;
	v45 =	vbroadcast v7, $0x9  }
0x80: {  	v27 =	vmul.f32 v27, v2;
	v61 =	vbroadcast v6, $0xA  }
0x81: {  	v14 =	vadd.f32 v33, v14;
	v33 =	vmul.f32 v31, v4;
	v46 =	vmul.f32 v45, v3  }
0x82: {  	v16 =	vadd.f32 v38, v13;
	v29 =	vmul.f32 v61, v4;
	v31 =	vmul.f32 v63, v4  }
0x83: {  	v45 =	vbroadcast v10, $0xE;
	v63 =	vbroadcast v5, $0xE  }
0x84: {  	v15 =	vadd.f32 v37, v14;
	v14 =	vmul.f32 v39, v12;
	v12 =	vmul.f32 v41, v16  }
0x85: {  	v16 =	vmul.f32 v44, v1;
	v37 =	vbroadcast v10, $0x8  }
0x86: {  	v39 =	vbroadcast v9, $0x8;
	v41 =	vbroadcast v7, $0x8  }
0x87: {  	v44 =	vmul.f32 v26, v1;
	v13 =	vmul.f32 v40, v15;
	v15 =	vadd.f32 v16, v43  }
0x88: {  	v16 =	vadd.f32 v22, v49;
	v22 =	vmul.f32 v53, v4;
	v38 =	vmul.f32 v37, v0  }
0x89: {  	v40 =	vbroadcast v8, $0x8;
	v20 =	vmul.f32 v39, v1  }
0x8a: {  	v43 =	vbroadcast v10, $0x9;
	v49 =	vbroadcast v9, $0xA  }
0x8b: {  	v53 =	vbroadcast v9, $0xB;
	v37 =	vbroadcast v7, $0xC  }
0x8c: {  	v39 =	vbroadcast v9, $0xD;
	v15 =	vadd.f32 v17, v15;
	v16 =	vadd.f32 v23, v16  }
0x8d: {  	v17 =	vadd.f32 v59, v21;
	v21 =	vmul.f32 v40, v2;
	v23 =	vmul.f32 v42, v4  }
0x8e: {  	v24 =	vmul.f32 v43, v0;
	v52 =	vmul.f32 v49, v1  }
0x8f: {  	v55 =	vmul.f32 v53, v1;
	v59 =	vbroadcast v7, $0xB  }
0x90: {  	v43 =	vbroadcast v6, $0xD;
	v49 =	vmul.f32 v45, v0;
	v15 =	vadd.f32 v18, v15  }
0x91: {  	v16 =	vadd.f32 v51, v16;
	v18 =	vadd.f32 v56, v54;
	v51 =	vbroadcast v10, $0xB  }
0x92: {  	v17 =	vadd.f32 v62, v17;
	v54 =	vbroadcast v8, $0xA;
	v56 =	vbroadcast v8, $0xB  }
0x93: {  	v62 =	vmul.f32 v59, v3;
	v15 =	vadd.f32 v19, v15;
	v19 =	vmul.f32 v58, v2  }
0x94: {  	v16 =	vadd.f32 v22, v16;
	v22 =	vmul.f32 v41, v3;
	v26 =	vmul.f32 v51, v0  }
0x95: {  	v17 =	vadd.f32 v30, v17;
	v58 =	vmul.f32 v56, v2;
	v30 =	vbroadcast v5, $0x9  }
0x96: {  	v41 =	vbroadcast v7, $0xD;
	v51 =	vmul.f32 v47, v1  }
0x97: {  	v18 =	vadd.f32 v19, v18;
	v15 =	vmul.f32 v48, v15;
	v17 =	vadd.f32 v33, v17  }
0x98: {  	v16 =	vmul.f32 v34, v16;
	v19 =	vadd.f32 v20, v38;
	v33 =	vbroadcast v5, $0xB  }
0x99: {  	v20 =	vadd.f32 v44, v24;
	v34 =	vbroadcast v10, $0xC;
	v38 =	vbroadcast v10, $0xD  }
0x9a: {  	v44 =	vmul.f32 v41, v3;
	v10 =	vbroadcast v10, $0xF;
	v18 =	vadd.f32 v28, v18  }
0x9b: {  	v17 =	vmul.f32 v36, v17;
	v28 =	vbroadcast v6, $0x9;
	v19 =	vadd.f32 v21, v19  }
0x9c: {  	v21 =	vadd.f32 v55, v26;
	v36 =	vbroadcast v8, $0xC;
	v26 =	vmul.f32 v37, v3  }
0x9d: {  	v20 =	vadd.f32 v27, v20;
	v27 =	vmul.f32 v38, v0;
	v10 =	vmul.f32 v10, v0  }
0x9e: {  	v55 =	vbroadcast v7, $0xE;
	v7 =	vbroadcast v7, $0xF;
	v18 =	vadd.f32 v32, v18  }
0x9f: {  	v48 =	vmul.f32 v28, v4;
	v19 =	vadd.f32 v22, v19;
	v32 =	vbroadcast v5, $0xA  }
0xa0: {  	v20 =	vadd.f32 v46, v20;
	v28 =	vmul.f32 v39, v1;
	v46 =	vmul.f32 v43, v4  }
0xa1: {  	v22 =	vadd.f32 v52, v50;
	v52 =	vbroadcast v8, $0xE;
	v57 =	vmul.f32 v55, v3  }
0xa2: {  	v21 =	vadd.f32 v58, v21;
	v58 =	vbroadcast v6, $0xE;
	v7 =	vmul.f32 v7, v3  }
0xa3: {  	v18 =	vmul.f32 v35, v18;
	v19 =	vadd.f32 v23, v19;
	v23 =	vmul.f32 v54, v2  }
0xa4: {  	[tilespmem:s28+$0x47E0] =	vst v5;
	v20 =	vadd.f32 v48, v20;
	v35 =	vbroadcast v9, $0xC;
	v9 =	vbroadcast v9, $0xF  }
0xa5: {  	[tilespmem:s26+$0xFFFFFFA0] =	vst v13;
	v21 =	vadd.f32 v62, v21;
	v13 =	vmul.f32 v52, v2;
	v61 =	vmul.f32 v58, v4  }
0xa6: {  	v27 =	vadd.f32 v28, v27;
	v62 =	vbroadcast v5, $0xD;
	v19 =	vmul.f32 v25, v19  }
0xa7: {  	v22 =	vadd.f32 v23, v22;
	v20 =	vmul.f32 v30, v20;
	v23 =	vmul.f32 v34, v0  }
0xa8: {  	v54 =	vadd.f32 v51, v49;
	v24 =	vmul.f32 v35, v1;
	v25 =	vmul.f32 v36, v2  }
0xa9: {  	[tilespmem:s26+$0xFFFFFF80] =	vst v11;
	v21 =	vadd.f32 v31, v21;
	v30 =	vbroadcast v8, $0xD;
	v9 =	vmul.f32 v9, v1  }
0xaa: {  	[tilespmem:s26+$0xFFFFFF90] =	vst v14;
	v8 =	vbroadcast v8, $0xF;
	v56 =	vadd.f32 v13, v54;
	v22 =	vadd.f32 v60, v22  }
0xab: {  	[tilespmem:s26+$0xFFFFFFB0] =	vst v12;
	v21 =	vmul.f32 v33, v21;
	v23 =	vadd.f32 v24, v23;
	v42 =	vmul.f32 v30, v2  }
0xac: {  	[tilespmem:s26+$0xFFFFFFC0] =	vst v15;
	v9 =	vadd.f32 v9, v10;
	v8 =	vmul.f32 v8, v2;
	v59 =	vadd.f32 v57, v56  }
0xad: {  	[tilespmem:s26+$0xFFFFFFD0] =	vst v16;
	v22 =	vadd.f32 v29, v22;
	v29 =	vbroadcast v6, $0xC;
	v23 =	vadd.f32 v25, v23  }
0xae: {  	[tilespmem:s26+$0xFFFFFFF0] =	vst v17;
	v27 =	vadd.f32 v42, v27;
	v8 =	vadd.f32 v8, v9;
	v6 =	vbroadcast v6, $0xF  }
0xaf: {  	[tilespmem:s26+$0xFFFFFFE0] =	vst v18;
	v9 =	vadd.f32 v61, v59;
	v40 =	vmul.f32 v29, v4;
	v48 =	vadd.f32 v26, v23  }
0xb0: {  	[tilespmem:s26+$0x0] =	vst v19;
	v50 =	vadd.f32 v44, v27;
	v7 =	vadd.f32 v7, v8;
	v6 =	vmul.f32 v6, v4  }
0xb1: {  	v60 =	vbroadcast v5, $0xC;
	[tilespmem:s26+$0x10] =	vst v20;
	v22 =	vmul.f32 v32, v22;
	v11 =	vadd.f32 v40, v48  }
0xb2: {  	p0 =	sne.s32 s25, $0xC40;
	[tilespmem:s26+$0x30] =	vst v21;
	v53 =	vadd.f32 v46, v50;
	v6 =	vadd.f32 v6, v7;
	v7 =	vmul.f32 v63, v9  }
.Ltmp5:
0xb3: {  	v5 =	vbroadcast v5, $0xF;
	[tilespmem:s26+$0x20] =	vst v22;
	v10 =	vmul.f32 v60, v11;
	(pc) =	sbr.rel @p0 .LBB2_4-.Ltmp5, $4  }
0xb4: {  	v8 =	vmul.f32 v62, v53;
	[tilespmem:s26+$0x60] =	vst v7  }
0xb5: {  	v5 =	vmul.f32 v5, v6;
	[tilespmem:s26+$0x40] =	vst v10  }
0xb6: {  	[tilespmem:s26+$0x50] =	vst v8  }
0xb7: {  	s25 =	sadd.s32 $0x40, s25;
	[tilespmem:s26+$0x70] =	vst v5;
	s26 =	sadd.s32 $0x100, s26  }
0xb8: {  	s24 =	sadd.s32 s7, s24  }
0xb9: {  	[hbm4b:s24+s2] =	stream.linear.scatter [tilespmem:s19], [sflag:$0x2], $0x320, $0x38;
	[tilespmem:$0x4B50] =	vst v63  }
0xba: {  	s23 =	smul.u32 $0x640, s23;
	_ =	swait.ge [sflag:s12], $0x320  }
0xbb: {  	[sflag:s12] =	ssyncset.done $0x0  }
.Ltmp6:
0xbc: {  	s23 =	sadd.s32 s6, s23;
	[sflag:s12] =	ssyncadd.s32 $0xFFFFFCE0;
	(pc) =	sbr.rel .LBB2_6-.Ltmp6, $4  }
0xbd: {  	[hbm4b:s23+s2] =	stream.linear.scatter [tilespmem:s20], [sflag:$0x1], $0x3200, $0x38;
	[tilespmem:$0x4B50] =	vst v63  }
0xbe: {  	_ =	swait.ge [sflag:s11], $0x3200  }
0xbf: {  	[sflag:s11] =	ssyncset.done $0x0  }
0xc0: {  	[sflag:s11] =	ssyncadd.s32 $0xFFFFCE00  }
.LBB2_8:
0xc1: {  	_ =	sfence.sel $0x180000  }
0xc2: {  	[bflag:$0x0] =	sbarrier.arrive $0xFFFF  }
0xc3: {  	p0 =	sne.s32 s5, $0x0;
	_ =	strace $0x9000004A  }
0xc4: {  	s0 =	sadd.s32 @!p0 $0x100000, s0;
	[bflag:$0x2] =	sbarrier.arrive $0xFFFF  }
0xc5: {  	[sflag:s0] =	ssyncadd.tile.s32 @!p0 $0x1;
	_ =	shalt  }
.Lfunc_end2:
_tile_overlayer_lowered:
.L_overlay_start_2:
0xc6: {  	(tag) =	ssettag $0x2  }
0xc7: {  	s0 =	rddreg [dreg:$0x0];
	s2 =	stileid.u32  }
0xc8: {  	s1 =	rddreg [dreg:$0x1];
	p0 =	sne.s32 s2, $0x0  }
0xc9: {  	s3 =	rddreg [dreg:$0x2];
	[bflag:$0x3] =	sbarrier.arrive $0xFFFF;
	s2 =	simm.s32 @!p0 $0x1C01  }
0xca: {  	[timem:s3], [sflag:s2] =	dma.local @!p0 [hbm:s0], s1  }
0xcb: {  	s0 =	simm.s32 @!p0 $0x1  }
0xcc: {  	_ =	swait.ge @!p0 [sflag:s0], s1  }
0xcd: {  	s1 =	ssub.s32 @!p0 $0x0, s1;
	[sflag:s0] =	ssyncset.done @!p0 $0x0  }
0xce: {  	[sflag:s0] =	ssyncadd.s32 @!p0 s1  }
0xcf: {  	[bflag:$0x3] =	sbarrier.arrive $0xFFFF  }
0xd0: {  	_ =	shalt  }

// kernel: kernel.14.cloned.1.call-start
scs
__scs_entry_jumppad:
0x0: {  	(pc) =	sbr.rel $0x88, $3  }
0x1: {  	(tag) =	ssettag $0x0;
	lr =	simm.s32 $0x1  }
0x2: {  	[smem:$0x3F99] =	sst lr;
	_ =	strace $0xD0000000  }
0x3: {  	_ = 	snop  }
0x4: {  	_ = 	snop  }
0x5: {  	_ = 	snop  }
0x6: {  	_ = 	snop  }
0x7: {  	_ = 	snop  }
__scs_overlays_trampoline_lowered:
0x8: {  	[smem:$0x3FA8] =	sst s0  }
0x9: {  	[smem:$0x3FA9] =	sst s1  }
0xa: {  	[smem:$0x3FAA] =	sst s2  }
0xb: {  	[smem:$0x3FAB] =	sst s3  }
0xc: {  	[smem:$0x3FAC] =	sst s4  }
0xd: {  	[smem:$0x3FAD] =	sst s5  }
0xe: {  	[smem:$0x3FAE] =	sst s6  }
0xf: {  	[smem:$0x3FAF] =	sst s7  }
0x10: {  	[smem:$0x3FB0] =	sst s8  }
0x11: {  	[smem:$0x3FB1] =	sst s9;
	s0 =	simm.s32 @!p0 $0x0  }
0x12: {  	s1 =	sld [smem:$0x3F97];
	s0 =	simm.s32 @p0 $0x1  }
0x13: {  	[smem:$0x3FB2] =	sst s0;
	s0 =	simm.s32 @!p1 $0x0  }
0x14: {  	s2 =	sld [smem:$0x3F96];
	s0 =	simm.s32 @p1 $0x1  }
0x15: {  	[smem:$0x3FB3] =	sst s0;
	s0 =	simm.s32 @!p2 $0x0  }
0x16: {  	s3 =	sld [smem:$0x3FDB];
	s0 =	simm.s32 @p2 $0x1  }
0x17: {  	s4 =	simm.s32 $0x1BF5;
	[smem:$0x3FB5] =	sst s0  }
0x18: {  	s0 =	sld [smem:$0x3F98];
	_ =	swait.ge [sflag:s4], $0x0  }
0x19: {  	s7 =	sld [smem:$0x3F99]  }
0x1a: {  	s8 =	sadd.s32 $0xFFFFE003, lr  }
0x1b: {  	s9 =	sadd.s32 $0xFFFFFEF7, lr;
	s5 =	simm.s32 $0xFFFFFFFF;
	p2 =	slt.u32 s8, $0xFFFFF086  }
0x1c: {  	p1 =	slt.u32 s9, $0xF7A;
	s5 =	simm.s32 @!p2 $0x0  }
0x1d: {  	s5 =	simm.s32 @p1 $0x1;
	p0 =	seq.s32 s7, s2  }
0x1e: {  	s7 =	smul.u32 @!p0 $0xF7A, s2;
	p2 =	seq.s32 @!p0 s5, $0x0  }
0x1f: {  	s9 =	smul.u32 $0xF7A, s1;
	s8 =	simm.s32 @!p0 $0x1BF5;
	p2 =	por !p2, p0  }
0x20: {  	[sflag:s8] =	ssyncset.s32 @!p0 $0xFFFFF086;
	s6 =	sadd.s32 @!p0 s3, s7;
	s7 =	simm.s32 @!p0 $0x108  }
0x21: {  	s3 =	sadd.s32 s3, s9;
	s6 =	sadd.s32 @!p0 $0x88, s6;
	s7 =	simm.s32 @p2 $0x1082  }
0x22: {  	[simem:s7], [sflag:s8] =	dma.local @!p0 [hbm:s6], $0xF7A  }
0x23: {  	s9 =	sor.u32 $0xD0000000, s2;
	s6 =	simm.s32 $0x108;
	_ =	swait.ge @!p0 [sflag:s8], $0x0  }
0x24: {  	s3 =	sadd.s32 $0x88, s3;
	s6 =	simm.s32 @!p1 $0x1082;
	[sflag:s4] =	ssyncset.s32 $0xFFFFF086  }
0x25: {  	[simem:s6], [sflag:s4] =	dma.local [hbm:s3], $0xF7A  }
0x26: {  	[smem:$0x3F99] =	sst s1;
	(tag) =	ssettag s2;
	_ =	strace s9  }
0x27: {  	s1 =	sld [smem:$0x3FA9]  }
0x28: {  	s2 =	sld [smem:$0x3FAA]  }
0x29: {  	s4 =	sld [smem:$0x3FAC]  }
0x2a: {  	p0 =	seq.s32 s5, $0x0;
	s5 =	sld [smem:$0x3FAD]  }
0x2b: {  	s6 =	sld [smem:$0x3FAE]  }
0x2c: {  	s7 =	sld [smem:$0x3FAF]  }
0x2d: {  	s3 =	simm.s32 $0x108;
	s8 =	sld [smem:$0x3FB0]  }
0x2e: {  	s3 =	simm.s32 @!p0 $0x1082;
	s9 =	sld [smem:$0x3FB1]  }
0x2f: {  	lr =	sadd.s32 s0, s3;
	s0 =	sld [smem:$0x3FA8]  }
0x30: {  	s3 =	sld [smem:$0x3FAB]  }
0x31: {  	[smem:$0x3FB4] =	sst s10  }
0x32: {  	s10 =	sld [smem:$0x3FB2];
	_ =	sdelay $0x3  }
0x33: {  	p0 =	seq.s32 s10, $0x1;
	s10 =	sld [smem:$0x3FB4];
	_ =	sdelay $0x3  }
0x34: {  	[smem:$0x3FB4] =	sst s10  }
0x35: {  	s10 =	sld [smem:$0x3FB3];
	_ =	sdelay $0x3  }
0x36: {  	p1 =	seq.s32 s10, $0x1;
	s10 =	sld [smem:$0x3FB4];
	_ =	sdelay $0x3  }
0x37: {  	[smem:$0x3FB4] =	sst s10  }
0x38: {  	s10 =	sld [smem:$0x3FB5]  }
0x39: {  	_ = 	snop;
	(pc) =	sbr.ind lr, $3  }
0x3a: {  	_ = 	snop  }
0x3b: {  	_ = 	snop  }
0x3c: {  	p2 =	seq.s32 s10, $0x1;
	s10 =	sld [smem:$0x3FB4]  }
0x3d: {  	_ =	shalt  }
0x3e: {  	_ =	shalt  }
0x3f: {  	_ =	shalt  }
0x40: {  	_ =	shalt  }
0x41: {  	_ =	shalt  }
0x42: {  	_ =	shalt  }
0x43: {  	_ =	shalt  }
0x44: {  	_ =	shalt  }
0x45: {  	_ =	shalt  }
0x46: {  	_ =	shalt  }
0x47: {  	_ =	shalt  }
0x48: {  	_ =	shalt  }
0x49: {  	_ =	shalt  }
0x4a: {  	_ =	shalt  }
0x4b: {  	_ =	shalt  }
0x4c: {  	_ =	shalt  }
0x4d: {  	_ =	shalt  }
0x4e: {  	_ =	shalt  }
0x4f: {  	_ =	shalt  }
0x50: {  	_ =	shalt  }
0x51: {  	_ =	shalt  }
0x52: {  	_ =	shalt  }
0x53: {  	_ =	shalt  }
0x54: {  	_ =	shalt  }
0x55: {  	_ =	shalt  }
0x56: {  	_ =	shalt  }
0x57: {  	_ =	shalt  }
0x58: {  	_ =	shalt  }
0x59: {  	_ =	shalt  }
0x5a: {  	_ =	shalt  }
0x5b: {  	_ =	shalt  }
0x5c: {  	_ =	shalt  }
0x5d: {  	_ =	shalt  }
0x5e: {  	_ =	shalt  }
0x5f: {  	_ =	shalt  }
0x60: {  	_ =	shalt  }
0x61: {  	_ =	shalt  }
0x62: {  	_ =	shalt  }
0x63: {  	_ =	shalt  }
0x64: {  	_ =	shalt  }
0x65: {  	_ =	shalt  }
0x66: {  	_ =	shalt  }
0x67: {  	_ =	shalt  }
0x68: {  	_ =	shalt  }
0x69: {  	_ =	shalt  }
0x6a: {  	_ =	shalt  }
0x6b: {  	_ =	shalt  }
0x6c: {  	_ =	shalt  }
0x6d: {  	_ =	shalt  }
0x6e: {  	_ =	shalt  }
0x6f: {  	_ =	shalt  }
0x70: {  	_ =	shalt  }
0x71: {  	_ =	shalt  }
0x72: {  	_ =	shalt  }
0x73: {  	_ =	shalt  }
0x74: {  	_ =	shalt  }
0x75: {  	_ =	shalt  }
0x76: {  	_ =	shalt  }
0x77: {  	_ =	shalt  }
0x78: {  	_ =	shalt  }
0x79: {  	_ =	shalt  }
0x7a: {  	_ =	shalt  }
0x7b: {  	_ =	shalt  }
0x7c: {  	_ =	shalt  }
0x7d: {  	_ =	shalt  }
0x7e: {  	_ =	shalt  }
0x7f: {  	_ =	shalt  }
0x80: {  	_ =	shalt  }
0x81: {  	_ =	shalt  }
0x82: {  	_ =	shalt  }
0x83: {  	_ =	shalt  }
0x84: {  	_ =	shalt  }
0x85: {  	_ =	shalt  }
0x86: {  	_ =	shalt  }
0x87: {  	_ =	shalt  }
.Lfunc_end0:
.L_simem_size_0:
called_computation.2_lowered:
.L_overlay_start_0:
0x88: {  	s2 =	sld [smem:$0x3FD9]  }
0x89: {  	s3 =	sld [smem:$0x3FFE];
	_ =	sdelay $0x1  }
0x8a: {  	s1 =	srdreg.scid  }
0x8b: {  	s0 =	sand.u32 $0x1, s1  }
0x8c: {  	s17 =	sshll.u32 s0, $0xA;
	s2 =	sadd.s32 s3, s2  }
0x8d: {  	s2 =	sadd.s32 s2, s17  }
0x8e: {  	[smem:$0x3FC0] =	sst s2  }
0x8f: {  	_ = 	snop  }
0x90: {  	(tm) =	ssettm $0x1  }
0x91: {  	s18 =	sld [smem:$0x3FFB];
	_ =	sdelay $0x3  }
0x92: {  	_ =	strace s18  }
0x93: {  	s2 =	sld [smem:$0x3FFC];
	_ =	sdelay $0x3  }
0x94: {  	_ =	strace s2  }
0x95: {  	s2 =	sld [smem:$0x3FFD];
	_ =	sdelay $0x3  }
0x96: {  	_ =	strace s2  }
0x97: {  	_ =	strace $0x8FFFFFFF  }
0x98: {  	s19 =	sld [smem:$0x3FDB];
	_ =	sdelay $0x1  }
0x99: {  	s20 =	simm.s32 $_scs_section_size  }
0x9a: {  	s4 =	simm.s32 $_size__tile_overlayer_lowered;
	s5 =	simm.s32 $_tile_overlayer_lowered  }
0x9b: {  	s6 =	simm.s32 $0x1BFF;
	s21 =	sshll.u32 s5, $0x1;
	s3 =	sadd.s32 s20, s19  }
0x9c: {  	s22 =	simm.s32 $0x0;
	s4 =	sshll.u32 s4, $0x1;
	s5 =	sadd.s32 s21, s3  }
0x9d: {  	[timem:s22], [sflag:s6] =	dma.local [hbm:s5], s4  }
0x9e: {  	_ =	swait.ge [sflag:s6], s4  }
0x9f: {  	s4 =	ssub.s32 $0x0, s4;
	[sflag:s6] =	ssyncset.done $0x0  }
0xa0: {  	[sflag:s6] =	ssyncadd.s32 s4;
	_ =	sdelay $0x1  }
0xa1: {  	s23 =	simm.s32 $0x1B8B  }
0xa2: {  	_ =	swait.ge [sflag:s23], $0x1  }
0xa3: {  	[sflag:s23] =	ssyncset.done $0x0  }
0xa4: {  	[sflag:s23] =	ssyncadd.s32 $0xFFFFFFFF  }
0xa5: {  	s4 =	sld [smem:$0x0]  }
0xa6: {  	s5 =	sand.u32 $0xFFFFFFFE, s1  }
0xa7: {  	p0 =	sne.s32 s1, s5  }
0xa8: {  	s5 =	sshll.u32 @p0 s5, $0xE  }
0xa9: {  	s5 =	sadd.s32 @p0 $0x11B8D, s5;
	s6 =	sshll.u32 @p0 s4, $0x11  }
0xaa: {  	s5 =	sor.u32 @p0 s6, s5  }
0xab: {  	[sflag:s5] =	ssyncadd.remote.s32 @p0 $0x1;
	_ =	sdelay $0x1  }
0xac: {  	s5 =	simm.s32 @p0 $0x1B8D  }
0xad: {  	_ =	swait.eq @p0 [sflag:s5], $0x1  }
0xae: {  	[sflag:s5] =	ssyncadd.s32 @p0 $0xFFFFFFFF  }
0xaf: {  	s6 =	sshll.u32 @!p0 s1, $0xE  }
0xb0: {  	s6 =	sor.u32 @!p0 $0x4000, s6;
	s5 =	simm.s32 @!p0 $0x1B8D  }
0xb1: {  	s4 =	sshll.u32 @!p0 s4, $0x11;
	s6 =	sadd.s32 @!p0 $0x11B8D, s6;
	_ =	swait.eq @!p0 [sflag:s5], $0x1  }
0xb2: {  	s4 =	sor.u32 @!p0 s4, s6;
	[sflag:s5] =	ssyncadd.s32 @!p0 $0xFFFFFFFF  }
0xb3: {  	s25 =	simm.s32 $0x1B8E;
	s24 =	sld [smem:$0x3FFE];
	[sflag:s4] =	ssyncadd.remote.s32 @!p0 $0x1  }
0xb4: {  	s26 =	simm.s32 $execute0_lowered;
	[smem:$0x3FD2] =	sst s25  }
0xb5: {  	s5 =	sshll.u32 s26, $0x1;
	_ =	strace $0x8000004F;
	[dreg:$0x1] =	wrdreg $0xFFFFFFFF  }
0xb6: {  	s28 =	simm.s32 $_size_execute0_lowered;
	s3 =	sadd.s32 s3, s5;
	[dreg:$0x0] =	wrdreg $0x0  }
0xb7: {  	s5 =	sshll.u32 s28, $0x1;
	[dreg:$0x2] =	wrdreg s3  }
0xb8: {  	[dreg:$0x3] =	wrdreg s5  }
0xb9: {  	[dreg:$0x4] =	wrdreg $0xC0  }
0xba: {  	_ =	task [dreg:s22], $0x5FFFF  }
0xbb: {  	[dreg:$0x1] =	wrdreg $0xFFFFFFFF  }
0xbc: {  	[dreg:$0x0] =	wrdreg $0x60  }
0xbd: {  	[dreg:$0x2] =	wrdreg s24  }
0xbe: {  	[dreg:$0x3] =	wrdreg $0x76C00  }
0xbf: {  	[dreg:$0x4] =	wrdreg $0x9  }
0xc0: {  	_ =	task.clear_ibuf [dreg:s22], $0x5FFFF;
	_ =	strace $0x9000004F  }
0xc1: {  	s29 =	simm.s32 $0x9;
	_ =	strace $0x80000051  }
0xc2: {  	_ =	swait.ge [sflag:s29], $0x1  }
0xc3: {  	[sflag:s29] =	ssyncadd.s32 $0xFFFFFFFF  }
0xc4: {  	_ =	strace $0x90000051  }
0xc5: {  	_ =	sfence  }
0xc6: {  	s30 =	sld [smem:$0x0];
	_ =	sdelay $0x2  }
0xc7: {  	s31 =	sshll.u32 s1, $0xD;
	s1 =	sshrl.u32 s1, $0x2  }
0xc8: {  	s4 =	sand.u32 $0x4000, s31;
	s1 =	sadd.s32 s1, s30  }
0xc9: {  	s0 =	sor.u32 s4, s0;
	s1 =	sshll.u32 s1, $0x11  }
0xca: {  	s0 =	sor.u32 s1, s0  }
0xcb: {  	s0 =	sadd.s32 $0x8F2B, s0  }
0xcc: {  	[sflag:s0] =	ssyncadd.remote.s32 $0x1  }
0xcd: {  	_ =	sfence.sel $0xFFFF  }
0xce: {  	[dreg:$0x0] =	wrdreg $0xFFFFFFFF;
	(pc) =	sbr.abs _section_cstart, $3  }
0xcf: {  	[dreg:$0x1] =	wrdreg $0xFFFFFFFF  }
0xd0: {  	_ =	task.clear_ibuf [dreg:s22], $0x2FFFF;
	_ =	strace $0x9FFFFFFF  }
0xd1: {  	(tm) =	ssettm $0x7FFFFFFF  }
tec
execute0_lowered:
.L_overlay_start_1:
0x0: {  	(tag) =	ssettag $0x1  }
0x1: {  	s0 =	srdreg.scid  }
0x2: {  	s4 =	rddreg [dreg:$0x0];
	s5 =	sand.u32 $0x1, s0  }
0x3: {  	s0 =	stileid.u32;
	s6 =	smul.u32 $0x30D40, s5  }
0x4: {  	s1 =	rddreg [dreg:$0x1];
	s2 =	simm.s32 $0x0;
	s9 =	smul.u32 $0xC800, s0  }
0x5: {  	s28 =	simm.s32 $0x4;
	s29 =	simm.s32 $0x320;
	s10 =	smul.u32 $0x640, s0  }
0x6: {  	s3 =	sshll.u32 s5, $0x4;
	s12 =	ssub.s32 $0x2, s5;
	s5 =	smul.u32 $0x186A00, s5  }
0x7: {  	s30 =	simm.s32 $0x12C0;
	s11 =	sor.u32 $0x10, s0;
	s23 =	smul.u32 $0x186A0, s0  }
0x8: {  	s31 =	simm.s32 $0x44C0;
	s14 =	sor.u32 $0x20, s0;
	s21 =	smul.u32 $0x640, s11  }
0x9: {  	[smem:$0x7FF] =	sst s2;
	s15 =	sor.u32 $0x30, s0;
	s13 =	smul.u32 $0x640, s14  }
0xa: {  	s8 =	sadd.s32 $0x2400, s4;
	s18 =	sor.u32 $0x40, s0;
	s17 =	smul.u32 $0x640, s15  }
0xb: {  	_ =	strace $0x80000050;
	s19 =	sor.u32 $0x50, s0;
	s22 =	smul.u32 $0x640, s18  }
0xc: {  	s25 =	sor.u32 $0x70, s0;
	p0 =	sne.s32 s0, $0x0;
	s20 =	smul.u32 $0x640, s19  }
0xd: {  	s3 =	sor.u32 s0, s3;
	s16 =	sshrl.u32 s12, $0x1;
	s26 =	smul.u32 $0x640, s25  }
0xe: {  	s7 =	smul.u32 $0x186A0, s3;
	s3 =	sadd.s32 $0xDEA00, s4;
	s4 =	sadd.s32 s6, s4  }
0xf: {  	s16 =	ssub.s32 s12, s16;
	s5 =	sadd.s32 s23, s5;
	s4 =	sadd.s32 $0x10F800, s4  }
0x10: {  	s7 =	sshrl.u32 s7, $0x3;
	s10 =	sadd.s32 s4, s10;
	s6 =	sadd.s32 s4, s21  }
0x11: {  	s13 =	sadd.s32 s4, s13;
	s17 =	sadd.s32 s4, s17;
	[dreg:$0x3] =	wrdreg s10  }
0x12: {  	s12 =	sadd.s32 s4, s22;
	s21 =	sshrl.u32 s5, $0x3;
	[dreg:$0x4] =	wrdreg s6  }
0x13: {  	s5 =	sadd.s32 $0x30D400, s5;
	s22 =	smul.u32 $0xC800, s11;
	[dreg:$0x5] =	wrdreg s13  }
0x14: {  	s11 =	smul.u32 $0xC800, s15;
	s7 =	sadd.s32 s8, s7;
	[dreg:$0x6] =	wrdreg s17  }
0x15: {  	s6 =	sor.u32 $0x60, s0;
	[dreg:$0x7] =	wrdreg s12;
	s17 =	sadd.s32 s4, s20  }
0x16: {  	s12 =	sadd.s32 s21, s8;
	s23 =	sshrl.u32 s5, $0x3;
	s24 =	smul.u32 $0x640, s6  }
0x17: {  	s13 =	sadd.s32 s23, s8;
	s8 =	smax.u32 s16, $0x1;
	s16 =	smul.u32 $0xC800, s18  }
0x18: {  	p1 =	sgt.u32 s25, $0x7C;
	[dreg:$0x8] =	wrdreg s17;
	s17 =	smul.u32 $0xC800, s19  }
0x19: {  	s10 =	simm.s32 $0x0;
	s15 =	sshrl.u32 s22, $0x2;
	s6 =	smul.u32 $0xC800, s6  }
0x1a: {  	s5 =	sshrl.u32 s11, $0x2;
	s23 =	smul.u32 $0xC800, s25;
	s25 =	simm.s32 $0x960  }
0x1b: {  	[dreg:$0xd] =	wrdreg s8;
	s18 =	sadd.s32 s15, s1;
	s8 =	simm.s32 $0x6  }
0x1c: {  	s20 =	sadd.s32 s4, s24;
	s4 =	sadd.s32 s4, s26;
	s24 =	sadd.s32 $0x300C, s7  }
0x1d: {  	s26 =	smul.u32 $0xC800, s14;
	s7 =	sadd.s32 $0x64A8C, s7;
	[dreg:$0x9] =	wrdreg s20  }
0x1e: {  	s14 =	sshrl.u32 s9, $0x2;
	s22 =	sshrl.u32 s16, $0x2;
	[dreg:$0xa] =	wrdreg s4  }
0x1f: {  	s0 =	sshrl.u32 s23, $0x2;
	s9 =	simm.s32 $0x5;
	[dreg:$0xb] =	wrdreg s24  }
0x20: {  	[dreg:$0xc] =	wrdreg s7;
	s7 =	sadd.s32 s14, s1;
	s20 =	sadd.s32 s5, s1  }
0x21: {  	s21 =	sadd.s32 s22, s1;
	s24 =	sshrl.u32 s17, $0x2;
	s5 =	simm.s32 $0x2  }
0x22: {  	[dreg:$0xe] =	wrdreg s7;
	s4 =	sshrl.u32 s26, $0x2;
	s26 =	sshrl.u32 s6, $0x2  }
0x23: {  	s22 =	sadd.s32 s24, s1;
	s24 =	sadd.s32 s0, s1;
	s0 =	simm.s32 $0x1  }
0x24: {  	s6 =	simm.s32 $0xC80;
	s7 =	simm.s32 $0xFA0;
	s19 =	sadd.s32 s4, s1  }
0x25: {  	s23 =	sadd.s32 s26, s1;
	s26 =	simm.s32 $0x3;
	s4 =	simm.s32 $0x640  }
.LBB2_1:
0x26: {  	s11 =	sshrl.u32 @!p0 s1, $0x3;
	s14 =	simm.s32 @!p0 $0x1C05  }
0x27: {  	[spmem:s11], [sflag:s14] =	dma.local @!p0 [hbm:s3], $0x30D40  }
0x28: {  	s11 =	simm.s32 @!p0 $0x5  }
0x29: {  	_ =	swait.ge @!p0 [sflag:s11], $0x30D40  }
0x2a: {  	[sflag:s11] =	ssyncset.done @!p0 $0x0  }
0x2b: {  	[sflag:s11] =	ssyncadd.s32 @!p0 $0xFFFCF2C0  }
0x2c: {  	s16 =	sadd.s32 $0x0, s12;
	[bflag:$0x0] =	sbarrier.arrive $0xFFFF  }
0x2d: {  	[tilespmem:s2], [sflag:$0x3] =	stream.linear.gather [hbm4b:s16+s2], $0x960, $0x38;
	[tilespmem:$0x1FD60] =	vst v63  }
0x2e: {  	s17 =	sadd.s32 $0x0, s13  }
0x2f: {  	[tilespmem:s25], [sflag:$0x4] =	stream.linear.gather [hbm4b:s17+s2], $0x960, $0x38;
	[tilespmem:$0x1FD60] =	vst v63  }
0x30: {  	_ =	swait.ge [sflag:s26], $0x960  }
0x31: {  	[sflag:s26] =	ssyncset.done $0x0  }
0x32: {  	[sflag:s26] =	ssyncadd.s32 $0xFFFFF6A0  }
0x33: {  	_ =	swait.ge [sflag:s28], $0x960  }
0x34: {  	[sflag:s28] =	ssyncset.done $0x0  }
0x35: {  	[sflag:s28] =	ssyncadd.s32 $0xFFFFF6A0  }
0x36: {  	[tilespmem:s30], [sflag:$0x1] =	stream.indirect.gather [hbm4b:s3+s29], $0x10, s2, s29, $0xb8;
	[tilespmem:$0x1FD60] =	vst v63  }
0x37: {  	_ = 	snop  }
0x38: {  	[tilespmem:s31], [sflag:$0x2] =	stream.indirect.gather [hbm4b:s3+s29], $0x10, s29, s29, $0xb8;
	[tilespmem:$0x1FD60] =	vst v63  }
0x39: {  	_ =	swait.ge [sflag:s0], $0x3200  }
0x3a: {  	[sflag:s0] =	ssyncset.done $0x0  }
0x3b: {  	[sflag:s0] =	ssyncadd.s32 $0xFFFFCE00  }
0x3c: {  	[spmem:s1] =	stream.indirect.scatter.add.f32 [tilespmem:s30], [sflag:$0x3], $0x10, s25, s29, $0xb8;
	[tilespmem:$0x1FD60] =	vst v63  }
0x3d: {  	_ =	swait.ge [sflag:s26], $0x3200  }
0x3e: {  	[sflag:s26] =	ssyncset.done $0x0  }
0x3f: {  	[sflag:s26] =	ssyncadd.s32 $0xFFFFCE00  }
0x40: {  	[tilespmem:s30], [sflag:$0x1] =	stream.indirect.gather [hbm4b:s3+s29], $0x10, s4, s29, $0xb8;
	[tilespmem:$0x1FD60] =	vst v63  }
0x41: {  	_ =	swait.ge [sflag:s5], $0x3200  }
0x42: {  	[sflag:s5] =	ssyncset.done $0x0  }
0x43: {  	[sflag:s5] =	ssyncadd.s32 $0xFFFFCE00  }
0x44: {  	[spmem:s1] =	stream.indirect.scatter.add.f32 [tilespmem:s31], [sflag:$0x4], $0x10, s6, s29, $0xb8;
	[tilespmem:$0x1FD60] =	vst v63  }
0x45: {  	_ =	swait.ge [sflag:s0], $0x3200  }
0x46: {  	[sflag:s0] =	ssyncset.done $0x0  }
0x47: {  	[sflag:s0] =	ssyncadd.s32 $0xFFFFCE00  }
0x48: {  	[spmem:s1] =	stream.indirect.scatter.add.f32 [tilespmem:s30], [sflag:$0x3], $0x10, s7, s29, $0xb8;
	[tilespmem:$0x1FD60] =	vst v63  }
0x49: {  	_ =	swait.ge [sflag:s26], $0x3200  }
0x4a: {  	[sflag:s26] =	ssyncset.done $0x0  }
0x4b: {  	[sflag:s26] =	ssyncadd.s32 $0xFFFFCE00  }
0x4c: {  	_ =	swait.ge [sflag:s28], $0x3200  }
0x4d: {  	s14 =	simm.s32 $0x258;
	s11 =	simm.s32 $0x12C;
	[sflag:s28] =	ssyncset.done $0x0  }
.LBB2_2:
0x4e: {  	s16 =	sadd.s32 s11, s12  }
0x4f: {  	[sflag:s28] =	ssyncadd.s32 $0xFFFFCE00;
	s17 =	smov.u32 s14;
	s15 =	sadd.s32 $0x12C, s14  }
0x50: {  	[tilespmem:s2], [sflag:$0x3] =	stream.linear.gather [hbm4b:s16+s2], $0x960, $0x38;
	[tilespmem:$0x1FD60] =	vst v63  }
0x51: {  	p2 =	sne.s32 s14, $0x2EE0;
	s14 =	sadd.s32 s11, s13;
	s11 =	smov.u32 s17  }
0x52: {  	[tilespmem:s25], [sflag:$0x4] =	stream.linear.gather [hbm4b:s14+s2], $0x960, $0x38;
	[tilespmem:$0x1FD60] =	vst v63  }
0x53: {  	_ =	swait.ge [sflag:s26], $0x960  }
0x54: {  	[sflag:s26] =	ssyncset.done $0x0  }
0x55: {  	[sflag:s26] =	ssyncadd.s32 $0xFFFFF6A0  }
0x56: {  	_ =	swait.ge [sflag:s28], $0x960  }
0x57: {  	[sflag:s28] =	ssyncset.done $0x0  }
0x58: {  	[sflag:s28] =	ssyncadd.s32 $0xFFFFF6A0  }
0x59: {  	[tilespmem:s30], [sflag:$0x1] =	stream.indirect.gather [hbm4b:s3+s29], $0x10, s2, s29, $0xb8;
	[tilespmem:$0x1FD60] =	vst v63  }
0x5a: {  	_ = 	snop  }
0x5b: {  	[tilespmem:s31], [sflag:$0x2] =	stream.indirect.gather [hbm4b:s3+s29], $0x10, s29, s29, $0xb8;
	[tilespmem:$0x1FD60] =	vst v63  }
0x5c: {  	_ =	swait.ge [sflag:s0], $0x3200  }
0x5d: {  	[sflag:s0] =	ssyncset.done $0x0  }
0x5e: {  	[sflag:s0] =	ssyncadd.s32 $0xFFFFCE00  }
0x5f: {  	[spmem:s1] =	stream.indirect.scatter.add.f32 [tilespmem:s30], [sflag:$0x3], $0x10, s25, s29, $0xb8;
	[tilespmem:$0x1FD60] =	vst v63  }
0x60: {  	_ =	swait.ge [sflag:s26], $0x3200  }
0x61: {  	[sflag:s26] =	ssyncset.done $0x0  }
0x62: {  	[sflag:s26] =	ssyncadd.s32 $0xFFFFCE00  }
0x63: {  	[tilespmem:s30], [sflag:$0x1] =	stream.indirect.gather [hbm4b:s3+s29], $0x10, s4, s29, $0xb8;
	[tilespmem:$0x1FD60] =	vst v63  }
0x64: {  	_ =	swait.ge [sflag:s5], $0x3200  }
0x65: {  	[sflag:s5] =	ssyncset.done $0x0  }
0x66: {  	[sflag:s5] =	ssyncadd.s32 $0xFFFFCE00  }
0x67: {  	[spmem:s1] =	stream.indirect.scatter.add.f32 [tilespmem:s31], [sflag:$0x4], $0x10, s6, s29, $0xb8;
	[tilespmem:$0x1FD60] =	vst v63  }
0x68: {  	_ =	swait.ge [sflag:s0], $0x3200  }
0x69: {  	[sflag:s0] =	ssyncset.done $0x0  }
0x6a: {  	[sflag:s0] =	ssyncadd.s32 $0xFFFFCE00  }
0x6b: {  	[spmem:s1] =	stream.indirect.scatter.add.f32 [tilespmem:s30], [sflag:$0x3], $0x10, s7, s29, $0xb8;
	[tilespmem:$0x1FD60] =	vst v63  }
.Ltmp0:
0x6c: {  	_ =	swait.ge [sflag:s26], $0x3200;
	(pc) =	sbr.rel @p2 .LBB2_2-.Ltmp0, $4  }
0x6d: {  	[sflag:s26] =	ssyncset.done $0x0  }
0x6e: {  	[sflag:s26] =	ssyncadd.s32 $0xFFFFCE00  }
0x6f: {  	_ =	swait.ge [sflag:s28], $0x3200  }
0x70: {  	s14 =	smov.u32 s15;
	[sflag:s28] =	ssyncset.done $0x0  }
0x71: {  	s14 =	sadd.s32 s11, s12;
	[sflag:s28] =	ssyncadd.s32 $0xFFFFCE00  }
0x72: {  	[tilespmem:s2], [sflag:$0x3] =	stream.linear.gather [hbm4b:s14+s2], $0x960, $0x38;
	[tilespmem:$0x1FD60] =	vst v63  }
0x73: {  	s14 =	sadd.s32 s11, s13  }
0x74: {  	[tilespmem:s25], [sflag:$0x4] =	stream.linear.gather [hbm4b:s14+s2], $0x960, $0x38;
	[tilespmem:$0x1FD60] =	vst v63  }
0x75: {  	_ =	swait.ge [sflag:s26], $0x960  }
0x76: {  	[sflag:s26] =	ssyncset.done $0x0  }
0x77: {  	[sflag:s26] =	ssyncadd.s32 $0xFFFFF6A0  }
0x78: {  	_ =	swait.ge [sflag:s28], $0x960  }
0x79: {  	[sflag:s28] =	ssyncset.done $0x0  }
0x7a: {  	[sflag:s28] =	ssyncadd.s32 $0xFFFFF6A0  }
0x7b: {  	[tilespmem:s30], [sflag:$0x1] =	stream.indirect.gather [hbm4b:s3+s29], $0x10, s2, s29, $0xb8;
	[tilespmem:$0x1FD60] =	vst v63  }
0x7c: {  	_ = 	snop  }
0x7d: {  	[tilespmem:s31], [sflag:$0x2] =	stream.indirect.gather [hbm4b:s3+s29], $0x10, s29, s29, $0xb8;
	[tilespmem:$0x1FD60] =	vst v63  }
0x7e: {  	_ =	swait.ge [sflag:s0], $0x3200  }
0x7f: {  	[sflag:s0] =	ssyncset.done $0x0  }
0x80: {  	[sflag:s0] =	ssyncadd.s32 $0xFFFFCE00  }
0x81: {  	[spmem:s1] =	stream.indirect.scatter.add.f32 [tilespmem:s30], [sflag:$0x3], $0x10, s25, s29, $0xb8;
	[tilespmem:$0x1FD60] =	vst v63  }
0x82: {  	_ =	swait.ge [sflag:s26], $0x3200  }
0x83: {  	[sflag:s26] =	ssyncset.done $0x0  }
0x84: {  	[sflag:s26] =	ssyncadd.s32 $0xFFFFCE00  }
0x85: {  	[tilespmem:s30], [sflag:$0x1] =	stream.indirect.gather [hbm4b:s3+s29], $0x10, s4, s29, $0xb8;
	[tilespmem:$0x1FD60] =	vst v63  }
0x86: {  	_ =	swait.ge [sflag:s5], $0x3200  }
0x87: {  	[sflag:s5] =	ssyncset.done $0x0  }
0x88: {  	[sflag:s5] =	ssyncadd.s32 $0xFFFFCE00  }
0x89: {  	[spmem:s1] =	stream.indirect.scatter.add.f32 [tilespmem:s31], [sflag:$0x4], $0x10, s6, s29, $0xb8;
	[tilespmem:$0x1FD60] =	vst v63  }
0x8a: {  	_ =	swait.ge [sflag:s0], $0x3200  }
0x8b: {  	[sflag:s0] =	ssyncset.done $0x0  }
0x8c: {  	[sflag:s0] =	ssyncadd.s32 $0xFFFFCE00  }
0x8d: {  	[spmem:s1] =	stream.indirect.scatter.add.f32 [tilespmem:s30], [sflag:$0x3], $0x10, s7, s29, $0xb8;
	[tilespmem:$0x1FD60] =	vst v63  }
0x8e: {  	_ =	swait.ge [sflag:s26], $0x3200  }
0x8f: {  	[sflag:s26] =	ssyncset.done $0x0  }
0x90: {  	[sflag:s26] =	ssyncadd.s32 $0xFFFFCE00  }
0x91: {  	_ =	swait.ge [sflag:s28], $0x3200  }
0x92: {  	[sflag:s28] =	ssyncset.done $0x0  }
0x93: {  	s15 =	rddreg [dreg:$0xb];
	[sflag:s28] =	ssyncadd.s32 $0xFFFFCE00  }
0x94: {  	[tilespmem:s2], [sflag:$0x3] =	stream.linear.gather [hbm4b:s15+s2], $0x640, $0x38;
	[tilespmem:$0x1FD60] =	vst v63  }
0x95: {  	s16 =	rddreg [dreg:$0xc]  }
0x96: {  	[tilespmem:s25], [sflag:$0x4] =	stream.linear.gather [hbm4b:s16+s2], $0x640, $0x38;
	[tilespmem:$0x1FD60] =	vst v63  }
0x97: {  	_ =	swait.ge [sflag:s26], $0x640  }
0x98: {  	[sflag:s26] =	ssyncset.done $0x0  }
0x99: {  	[sflag:s26] =	ssyncadd.s32 $0xFFFFF9C0  }
0x9a: {  	_ =	swait.ge [sflag:s28], $0x640  }
0x9b: {  	[sflag:s28] =	ssyncset.done $0x0  }
0x9c: {  	[sflag:s28] =	ssyncadd.s32 $0xFFFFF9C0  }
0x9d: {  	[tilespmem:s30], [sflag:$0x1] =	stream.indirect.gather [hbm4b:s3+s29], $0x10, s2, s29, $0xb8;
	[tilespmem:$0x1FD60] =	vst v63  }
0x9e: {  	_ = 	snop  }
0x9f: {  	[tilespmem:s31], [sflag:$0x2] =	stream.indirect.gather [hbm4b:s3+s29], $0x10, s29, s29, $0xb8;
	[tilespmem:$0x1FD60] =	vst v63  }
0xa0: {  	_ =	swait.ge [sflag:s0], $0x3200  }
0xa1: {  	[sflag:s0] =	ssyncset.done $0x0  }
0xa2: {  	[sflag:s0] =	ssyncadd.s32 $0xFFFFCE00  }
0xa3: {  	[spmem:s1] =	stream.indirect.scatter.add.f32 [tilespmem:s30], [sflag:$0x3], $0x10, s25, s29, $0xb8;
	[tilespmem:$0x1FD60] =	vst v63  }
0xa4: {  	_ =	swait.ge [sflag:s5], $0x3200  }
0xa5: {  	[sflag:s5] =	ssyncset.done $0x0  }
0xa6: {  	[sflag:s5] =	ssyncadd.s32 $0xFFFFCE00  }
0xa7: {  	[spmem:s1] =	stream.indirect.scatter.add.f32 [tilespmem:s31], [sflag:$0x4], $0x10, s6, s29, $0xb8;
	[tilespmem:$0x1FD60] =	vst v63  }
0xa8: {  	_ =	swait.ge [sflag:s26], $0x3200  }
0xa9: {  	[sflag:s26] =	ssyncset.done $0x0  }
0xaa: {  	[sflag:s26] =	ssyncadd.s32 $0xFFFFCE00  }
0xab: {  	_ =	swait.ge [sflag:s28], $0x3200  }
0xac: {  	[sflag:s28] =	ssyncset.done $0x0  }
0xad: {  	[sflag:s28] =	ssyncadd.s32 $0xFFFFCE00  }
0xae: {  	[bflag:$0x0] =	sbarrier.arrive $0xFFFF  }
0xaf: {  	s17 =	rddreg [dreg:$0xe]  }
0xb0: {  	[tilespmem:s30], [sflag:$0x6] =	stream.linear.gather [spmem:s17], $0x3200, $0x38;
	[tilespmem:$0x1FD60] =	vst v63  }
0xb1: {  	_ =	swait.ge [sflag:s8], $0x3200  }
0xb2: {  	[sflag:s8] =	ssyncset.done $0x0  }
0xb3: {  	s14 =	rddreg [dreg:$0x3];
	[sflag:s8] =	ssyncadd.s32 $0xFFFFCE00  }
0xb4: {  	[hbm4b:s14+s2] =	stream.linear.scatter [tilespmem:s30], [sflag:$0x5], $0x3200, $0x38;
	[tilespmem:$0x1FD60] =	vst v63  }
0xb5: {  	_ =	swait.ge [sflag:s9], $0x3200  }
0xb6: {  	[sflag:s9] =	ssyncset.done $0x0  }
0xb7: {  	[sflag:s9] =	ssyncadd.s32 $0xFFFFCE00  }
0xb8: {  	[tilespmem:s30], [sflag:$0x6] =	stream.linear.gather [spmem:s18], $0x3200, $0x38;
	[tilespmem:$0x1FD60] =	vst v63  }
0xb9: {  	_ =	swait.ge [sflag:s8], $0x3200  }
0xba: {  	[sflag:s8] =	ssyncset.done $0x0  }
0xbb: {  	s15 =	rddreg [dreg:$0x4];
	[sflag:s8] =	ssyncadd.s32 $0xFFFFCE00  }
0xbc: {  	[hbm4b:s15+s2] =	stream.linear.scatter [tilespmem:s30], [sflag:$0x5], $0x3200, $0x38;
	[tilespmem:$0x1FD60] =	vst v63  }
0xbd: {  	_ =	swait.ge [sflag:s9], $0x3200  }
0xbe: {  	[sflag:s9] =	ssyncset.done $0x0  }
0xbf: {  	[sflag:s9] =	ssyncadd.s32 $0xFFFFCE00  }
0xc0: {  	[tilespmem:s30], [sflag:$0x6] =	stream.linear.gather [spmem:s19], $0x3200, $0x38;
	[tilespmem:$0x1FD60] =	vst v63  }
0xc1: {  	_ =	swait.ge [sflag:s8], $0x3200  }
0xc2: {  	[sflag:s8] =	ssyncset.done $0x0  }
0xc3: {  	s16 =	rddreg [dreg:$0x5];
	[sflag:s8] =	ssyncadd.s32 $0xFFFFCE00  }
0xc4: {  	[hbm4b:s16+s2] =	stream.linear.scatter [tilespmem:s30], [sflag:$0x5], $0x3200, $0x38;
	[tilespmem:$0x1FD60] =	vst v63  }
0xc5: {  	_ =	swait.ge [sflag:s9], $0x3200  }
0xc6: {  	[sflag:s9] =	ssyncset.done $0x0  }
0xc7: {  	[sflag:s9] =	ssyncadd.s32 $0xFFFFCE00  }
0xc8: {  	[tilespmem:s30], [sflag:$0x6] =	stream.linear.gather [spmem:s20], $0x3200, $0x38;
	[tilespmem:$0x1FD60] =	vst v63  }
0xc9: {  	_ =	swait.ge [sflag:s8], $0x3200  }
0xca: {  	[sflag:s8] =	ssyncset.done $0x0  }
0xcb: {  	s17 =	rddreg [dreg:$0x6];
	[sflag:s8] =	ssyncadd.s32 $0xFFFFCE00  }
0xcc: {  	[hbm4b:s17+s2] =	stream.linear.scatter [tilespmem:s30], [sflag:$0x5], $0x3200, $0x38;
	[tilespmem:$0x1FD60] =	vst v63  }
0xcd: {  	_ =	swait.ge [sflag:s9], $0x3200  }
0xce: {  	[sflag:s9] =	ssyncset.done $0x0  }
0xcf: {  	[sflag:s9] =	ssyncadd.s32 $0xFFFFCE00  }
0xd0: {  	[tilespmem:s30], [sflag:$0x6] =	stream.linear.gather [spmem:s21], $0x3200, $0x38;
	[tilespmem:$0x1FD60] =	vst v63  }
0xd1: {  	_ =	swait.ge [sflag:s8], $0x3200  }
0xd2: {  	[sflag:s8] =	ssyncset.done $0x0  }
0xd3: {  	s14 =	rddreg [dreg:$0x7];
	[sflag:s8] =	ssyncadd.s32 $0xFFFFCE00  }
0xd4: {  	[hbm4b:s14+s2] =	stream.linear.scatter [tilespmem:s30], [sflag:$0x5], $0x3200, $0x38;
	[tilespmem:$0x1FD60] =	vst v63  }
0xd5: {  	_ =	swait.ge [sflag:s9], $0x3200  }
0xd6: {  	[sflag:s9] =	ssyncset.done $0x0  }
0xd7: {  	[sflag:s9] =	ssyncadd.s32 $0xFFFFCE00  }
0xd8: {  	[tilespmem:s30], [sflag:$0x6] =	stream.linear.gather [spmem:s22], $0x3200, $0x38;
	[tilespmem:$0x1FD60] =	vst v63  }
0xd9: {  	_ =	swait.ge [sflag:s8], $0x3200  }
0xda: {  	[sflag:s8] =	ssyncset.done $0x0  }
0xdb: {  	s15 =	rddreg [dreg:$0x8];
	[sflag:s8] =	ssyncadd.s32 $0xFFFFCE00  }
0xdc: {  	[hbm4b:s15+s2] =	stream.linear.scatter [tilespmem:s30], [sflag:$0x5], $0x3200, $0x38;
	[tilespmem:$0x1FD60] =	vst v63  }
0xdd: {  	_ =	swait.ge [sflag:s9], $0x3200  }
0xde: {  	[sflag:s9] =	ssyncset.done $0x0  }
0xdf: {  	[sflag:s9] =	ssyncadd.s32 $0xFFFFCE00  }
0xe0: {  	[tilespmem:s30], [sflag:$0x6] =	stream.linear.gather [spmem:s23], $0x3200, $0x38;
	[tilespmem:$0x1FD60] =	vst v63  }
0xe1: {  	_ =	swait.ge [sflag:s8], $0x3200  }
0xe2: {  	[sflag:s8] =	ssyncset.done $0x0  }
0xe3: {  	s16 =	rddreg [dreg:$0x9];
	[sflag:s8] =	ssyncadd.s32 $0xFFFFCE00  }
0xe4: {  	[hbm4b:s16+s2] =	stream.linear.scatter [tilespmem:s30], [sflag:$0x5], $0x3200, $0x38;
	[tilespmem:$0x1FD60] =	vst v63  }
0xe5: {  	_ =	swait.ge [sflag:s9], $0x3200  }
0xe6: {  	[sflag:s9] =	ssyncset.done $0x0  }
0xe7: {  	s11 =	simm.s32 @!p1 $0x12C0;
	s14 =	simm.s32 @!p1 $0x6;
	[sflag:s9] =	ssyncadd.s32 $0xFFFFCE00  }
0xe8: {  	[tilespmem:s11], [sflag:$0x6] =	stream.linear.gather @!p1 [spmem:s24], $0x3200, $0x38;
	[tilespmem:$0x1FD60] =	vst v63  }
0xe9: {  	_ =	swait.ge @!p1 [sflag:s14], $0x3200  }
0xea: {  	[sflag:s14] =	ssyncset.done @!p1 $0x0  }
0xeb: {  	s15 =	rddreg [dreg:$0xa];
	[sflag:s14] =	ssyncadd.s32 @!p1 $0xFFFFCE00;
	s14 =	simm.s32 @!p1 $0x0  }
0xec: {  	[hbm4b:s15+s14] =	stream.linear.scatter @!p1 [tilespmem:s11], [sflag:$0x5], $0x3200, $0x38;
	[tilespmem:$0x1FD60] =	vst v63  }
0xed: {  	s11 =	simm.s32 @!p1 $0x5  }
0xee: {  	_ =	swait.ge @!p1 [sflag:s11], $0x3200  }
0xef: {  	s10 =	sadd.s32 $0x1, s10;
	s17 =	rddreg [dreg:$0xd]  }
0xf0: {  	p2 =	sne.s32 s10, s17  }
.Ltmp1:
0xf1: {  	_ = 	snop;
	(pc) =	sbr.rel @p2 .LBB2_1-.Ltmp1, $3  }
0xf2: {  	_ =	sdelay $0x1  }
0xf3: {  	[sflag:s11] =	ssyncset.done @!p1 $0x0  }
0xf4: {  	[sflag:s11] =	ssyncadd.s32 @!p1 $0xFFFFCE00  }
0xf5: {  	_ =	sfence.sel $0x180000  }
0xf6: {  	[bflag:$0x0] =	sbarrier.arrive $0xFFFF  }
0xf7: {  	_ =	strace $0x90000050  }
0xf8: {  	[bflag:$0x2] =	sbarrier.arrive $0xFFFF  }
0xf9: {  	s0 =	rddreg [dreg:$0x2]  }
0xfa: {  	s0 =	sadd.s32 @!p0 $0x100000, s0  }
0xfb: {  	[sflag:s0] =	ssyncadd.tile.s32 @!p0 $0x1;
	_ =	shalt  }
.Lfunc_end2:
_tile_overlayer_lowered:
.L_overlay_start_2:
0xfc: {  	(tag) =	ssettag $0x2  }
0xfd: {  	s0 =	rddreg [dreg:$0x0];
	s2 =	stileid.u32  }
0xfe: {  	s1 =	rddreg [dreg:$0x1];
	p0 =	sne.s32 s2, $0x0  }
0xff: {  	s3 =	rddreg [dreg:$0x2];
	[bflag:$0x3] =	sbarrier.arrive $0xFFFF;
	s2 =	simm.s32 @!p0 $0x1C05  }
0x100: {  	[timem:s3], [sflag:s2] =	dma.local @!p0 [hbm:s0], s1  }
0x101: {  	s0 =	simm.s32 @!p0 $0x5  }
0x102: {  	_ =	swait.ge @!p0 [sflag:s0], s1  }
0x103: {  	s1 =	ssub.s32 @!p0 $0x0, s1;
	[sflag:s0] =	ssyncset.done @!p0 $0x0  }
0x104: {  	[sflag:s0] =	ssyncadd.s32 @!p0 s1  }
0x105: {  	[bflag:$0x3] =	sbarrier.arrive $0xFFFF  }
0x106: {  	_ =	shalt  }

// kernel: kernel.17.cloned.1.call-start
scs
__scs_entry_jumppad:
0x0: {  	(pc) =	sbr.rel $0x88, $3  }
0x1: {  	(tag) =	ssettag $0x0;
	lr =	simm.s32 $0x1  }
0x2: {  	[smem:$0x3F99] =	sst lr;
	_ =	strace $0xD0000000  }
0x3: {  	_ = 	snop  }
0x4: {  	_ = 	snop  }
0x5: {  	_ = 	snop  }
0x6: {  	_ = 	snop  }
0x7: {  	_ = 	snop  }
__scs_overlays_trampoline_lowered:
0x8: {  	[smem:$0x3FA8] =	sst s0  }
0x9: {  	[smem:$0x3FA9] =	sst s1  }
0xa: {  	[smem:$0x3FAA] =	sst s2  }
0xb: {  	[smem:$0x3FAB] =	sst s3  }
0xc: {  	[smem:$0x3FAC] =	sst s4  }
0xd: {  	[smem:$0x3FAD] =	sst s5  }
0xe: {  	[smem:$0x3FAE] =	sst s6  }
0xf: {  	[smem:$0x3FAF] =	sst s7  }
0x10: {  	[smem:$0x3FB0] =	sst s8  }
0x11: {  	[smem:$0x3FB1] =	sst s9;
	s0 =	simm.s32 @!p0 $0x0  }
0x12: {  	s1 =	sld [smem:$0x3F97];
	s0 =	simm.s32 @p0 $0x1  }
0x13: {  	[smem:$0x3FB2] =	sst s0;
	s0 =	simm.s32 @!p1 $0x0  }
0x14: {  	s2 =	sld [smem:$0x3F96];
	s0 =	simm.s32 @p1 $0x1  }
0x15: {  	[smem:$0x3FB3] =	sst s0;
	s0 =	simm.s32 @!p2 $0x0  }
0x16: {  	s3 =	sld [smem:$0x3FDB];
	s0 =	simm.s32 @p2 $0x1  }
0x17: {  	s4 =	simm.s32 $0x1BF5;
	[smem:$0x3FB5] =	sst s0  }
0x18: {  	s0 =	sld [smem:$0x3F98];
	_ =	swait.ge [sflag:s4], $0x0  }
0x19: {  	s7 =	sld [smem:$0x3F99]  }
0x1a: {  	s8 =	sadd.s32 $0xFFFFE003, lr  }
0x1b: {  	s9 =	sadd.s32 $0xFFFFFEF7, lr;
	s5 =	simm.s32 $0xFFFFFFFF;
	p2 =	slt.u32 s8, $0xFFFFF086  }
0x1c: {  	p1 =	slt.u32 s9, $0xF7A;
	s5 =	simm.s32 @!p2 $0x0  }
0x1d: {  	s5 =	simm.s32 @p1 $0x1;
	p0 =	seq.s32 s7, s2  }
0x1e: {  	s7 =	smul.u32 @!p0 $0xF7A, s2;
	p2 =	seq.s32 @!p0 s5, $0x0  }
0x1f: {  	s9 =	smul.u32 $0xF7A, s1;
	s8 =	simm.s32 @!p0 $0x1BF5;
	p2 =	por !p2, p0  }
0x20: {  	[sflag:s8] =	ssyncset.s32 @!p0 $0xFFFFF086;
	s6 =	sadd.s32 @!p0 s3, s7;
	s7 =	simm.s32 @!p0 $0x108  }
0x21: {  	s3 =	sadd.s32 s3, s9;
	s6 =	sadd.s32 @!p0 $0x88, s6;
	s7 =	simm.s32 @p2 $0x1082  }
0x22: {  	[simem:s7], [sflag:s8] =	dma.local @!p0 [hbm:s6], $0xF7A  }
0x23: {  	s9 =	sor.u32 $0xD0000000, s2;
	s6 =	simm.s32 $0x108;
	_ =	swait.ge @!p0 [sflag:s8], $0x0  }
0x24: {  	s3 =	sadd.s32 $0x88, s3;
	s6 =	simm.s32 @!p1 $0x1082;
	[sflag:s4] =	ssyncset.s32 $0xFFFFF086  }
0x25: {  	[simem:s6], [sflag:s4] =	dma.local [hbm:s3], $0xF7A  }
0x26: {  	[smem:$0x3F99] =	sst s1;
	(tag) =	ssettag s2;
	_ =	strace s9  }
0x27: {  	s1 =	sld [smem:$0x3FA9]  }
0x28: {  	s2 =	sld [smem:$0x3FAA]  }
0x29: {  	s4 =	sld [smem:$0x3FAC]  }
0x2a: {  	p0 =	seq.s32 s5, $0x0;
	s5 =	sld [smem:$0x3FAD]  }
0x2b: {  	s6 =	sld [smem:$0x3FAE]  }
0x2c: {  	s7 =	sld [smem:$0x3FAF]  }
0x2d: {  	s3 =	simm.s32 $0x108;
	s8 =	sld [smem:$0x3FB0]  }
0x2e: {  	s3 =	simm.s32 @!p0 $0x1082;
	s9 =	sld [smem:$0x3FB1]  }
0x2f: {  	lr =	sadd.s32 s0, s3;
	s0 =	sld [smem:$0x3FA8]  }
0x30: {  	s3 =	sld [smem:$0x3FAB]  }
0x31: {  	[smem:$0x3FB4] =	sst s10  }
0x32: {  	s10 =	sld [smem:$0x3FB2];
	_ =	sdelay $0x3  }
0x33: {  	p0 =	seq.s32 s10, $0x1;
	s10 =	sld [smem:$0x3FB4];
	_ =	sdelay $0x3  }
0x34: {  	[smem:$0x3FB4] =	sst s10  }
0x35: {  	s10 =	sld [smem:$0x3FB3];
	_ =	sdelay $0x3  }
0x36: {  	p1 =	seq.s32 s10, $0x1;
	s10 =	sld [smem:$0x3FB4];
	_ =	sdelay $0x3  }
0x37: {  	[smem:$0x3FB4] =	sst s10  }
0x38: {  	s10 =	sld [smem:$0x3FB5]  }
0x39: {  	_ = 	snop;
	(pc) =	sbr.ind lr, $3  }
0x3a: {  	_ = 	snop  }
0x3b: {  	_ = 	snop  }
0x3c: {  	p2 =	seq.s32 s10, $0x1;
	s10 =	sld [smem:$0x3FB4]  }
0x3d: {  	_ =	shalt  }
0x3e: {  	_ =	shalt  }
0x3f: {  	_ =	shalt  }
0x40: {  	_ =	shalt  }
0x41: {  	_ =	shalt  }
0x42: {  	_ =	shalt  }
0x43: {  	_ =	shalt  }
0x44: {  	_ =	shalt  }
0x45: {  	_ =	shalt  }
0x46: {  	_ =	shalt  }
0x47: {  	_ =	shalt  }
0x48: {  	_ =	shalt  }
0x49: {  	_ =	shalt  }
0x4a: {  	_ =	shalt  }
0x4b: {  	_ =	shalt  }
0x4c: {  	_ =	shalt  }
0x4d: {  	_ =	shalt  }
0x4e: {  	_ =	shalt  }
0x4f: {  	_ =	shalt  }
0x50: {  	_ =	shalt  }
0x51: {  	_ =	shalt  }
0x52: {  	_ =	shalt  }
0x53: {  	_ =	shalt  }
0x54: {  	_ =	shalt  }
0x55: {  	_ =	shalt  }
0x56: {  	_ =	shalt  }
0x57: {  	_ =	shalt  }
0x58: {  	_ =	shalt  }
0x59: {  	_ =	shalt  }
0x5a: {  	_ =	shalt  }
0x5b: {  	_ =	shalt  }
0x5c: {  	_ =	shalt  }
0x5d: {  	_ =	shalt  }
0x5e: {  	_ =	shalt  }
0x5f: {  	_ =	shalt  }
0x60: {  	_ =	shalt  }
0x61: {  	_ =	shalt  }
0x62: {  	_ =	shalt  }
0x63: {  	_ =	shalt  }
0x64: {  	_ =	shalt  }
0x65: {  	_ =	shalt  }
0x66: {  	_ =	shalt  }
0x67: {  	_ =	shalt  }
0x68: {  	_ =	shalt  }
0x69: {  	_ =	shalt  }
0x6a: {  	_ =	shalt  }
0x6b: {  	_ =	shalt  }
0x6c: {  	_ =	shalt  }
0x6d: {  	_ =	shalt  }
0x6e: {  	_ =	shalt  }
0x6f: {  	_ =	shalt  }
0x70: {  	_ =	shalt  }
0x71: {  	_ =	shalt  }
0x72: {  	_ =	shalt  }
0x73: {  	_ =	shalt  }
0x74: {  	_ =	shalt  }
0x75: {  	_ =	shalt  }
0x76: {  	_ =	shalt  }
0x77: {  	_ =	shalt  }
0x78: {  	_ =	shalt  }
0x79: {  	_ =	shalt  }
0x7a: {  	_ =	shalt  }
0x7b: {  	_ =	shalt  }
0x7c: {  	_ =	shalt  }
0x7d: {  	_ =	shalt  }
0x7e: {  	_ =	shalt  }
0x7f: {  	_ =	shalt  }
0x80: {  	_ =	shalt  }
0x81: {  	_ =	shalt  }
0x82: {  	_ =	shalt  }
0x83: {  	_ =	shalt  }
0x84: {  	_ =	shalt  }
0x85: {  	_ =	shalt  }
0x86: {  	_ =	shalt  }
0x87: {  	_ =	shalt  }
.Lfunc_end0:
.L_simem_size_0:
called_computation.3_lowered:
.L_overlay_start_0:
0x88: {  	s2 =	sld [smem:$0x3FD9]  }
0x89: {  	s3 =	sld [smem:$0x3FFE];
	_ =	sdelay $0x1  }
0x8a: {  	s1 =	srdreg.scid  }
0x8b: {  	s0 =	sand.u32 $0x1, s1  }
0x8c: {  	s16 =	sshll.u32 s0, $0xA;
	s2 =	sadd.s32 s3, s2  }
0x8d: {  	s2 =	sadd.s32 s2, s16  }
0x8e: {  	[smem:$0x3FC0] =	sst s2  }
0x8f: {  	_ = 	snop  }
0x90: {  	(tm) =	ssettm $0x1  }
0x91: {  	s17 =	sld [smem:$0x3FFB];
	_ =	sdelay $0x3  }
0x92: {  	_ =	strace s17  }
0x93: {  	s2 =	sld [smem:$0x3FFC];
	_ =	sdelay $0x3  }
0x94: {  	_ =	strace s2  }
0x95: {  	s2 =	sld [smem:$0x3FFD];
	_ =	sdelay $0x3  }
0x96: {  	_ =	strace s2  }
0x97: {  	_ =	strace $0x8FFFFFFF  }
0x98: {  	s18 =	sld [smem:$0x3FDB];
	_ =	sdelay $0x1  }
0x99: {  	s19 =	simm.s32 $_scs_section_size  }
0x9a: {  	s4 =	simm.s32 $_size__tile_overlayer_lowered;
	s5 =	simm.s32 $_tile_overlayer_lowered  }
0x9b: {  	s22 =	simm.s32 $0x1BFF;
	s21 =	sshll.u32 s5, $0x1;
	s2 =	sadd.s32 s19, s18  }
0x9c: {  	s6 =	simm.s32 $0x0;
	s20 =	sshll.u32 s4, $0x1;
	s4 =	sadd.s32 s21, s2  }
0x9d: {  	[timem:s6], [sflag:s22] =	dma.local [hbm:s4], s20  }
0x9e: {  	_ =	swait.ge [sflag:s22], s20  }
0x9f: {  	s3 =	ssub.s32 $0x0, s20;
	[sflag:s22] =	ssyncset.done $0x0  }
0xa0: {  	[sflag:s22] =	ssyncadd.s32 s3;
	_ =	sdelay $0x1  }
0xa1: {  	s23 =	simm.s32 $0x1B8B  }
0xa2: {  	_ =	swait.ge [sflag:s23], $0x1  }
0xa3: {  	[sflag:s23] =	ssyncset.done $0x0  }
0xa4: {  	s25 =	simm.s32 $0x1B8E;
	s24 =	sld [smem:$0x3FFE];
	[sflag:s23] =	ssyncadd.s32 $0xFFFFFFFF  }
0xa5: {  	s26 =	simm.s32 $execute0_lowered;
	[smem:$0x3FD2] =	sst s25  }
0xa6: {  	s4 =	sshll.u32 s26, $0x1;
	_ =	strace $0x8000004C;
	[dreg:$0x1] =	wrdreg $0xFFFFFFFF  }
0xa7: {  	s28 =	simm.s32 $_size_execute0_lowered;
	s2 =	sadd.s32 s2, s4;
	[dreg:$0x0] =	wrdreg $0x0  }
0xa8: {  	s4 =	sshll.u32 s28, $0x1;
	[dreg:$0x2] =	wrdreg s2  }
0xa9: {  	[dreg:$0x3] =	wrdreg s4  }
0xaa: {  	[dreg:$0x4] =	wrdreg $0xC0  }
0xab: {  	_ =	task [dreg:s6], $0x5FFFF  }
0xac: {  	[dreg:$0x1] =	wrdreg $0xFFFFFFFF  }
0xad: {  	[dreg:$0x0] =	wrdreg $0x60  }
0xae: {  	[dreg:$0x2] =	wrdreg s24  }
0xaf: {  	[dreg:$0x3] =	wrdreg $0x125000  }
0xb0: {  	[dreg:$0x4] =	wrdreg $0x13D700  }
0xb1: {  	[dreg:$0x5] =	wrdreg $0xA  }
0xb2: {  	_ =	task.clear_ibuf [dreg:s6], $0x6FFFF;
	_ =	strace $0x9000004C  }
0xb3: {  	s29 =	simm.s32 $0xA;
	_ =	strace $0x8000004E  }
0xb4: {  	_ =	swait.ge [sflag:s29], $0x1  }
0xb5: {  	[sflag:s29] =	ssyncadd.s32 $0xFFFFFFFF  }
0xb6: {  	_ =	strace $0x9000004E  }
0xb7: {  	_ =	sfence  }
0xb8: {  	s30 =	sld [smem:$0x0];
	_ =	sdelay $0x2  }
0xb9: {  	s31 =	sshll.u32 s1, $0xD;
	s1 =	sshrl.u32 s1, $0x2  }
0xba: {  	s3 =	sand.u32 $0x4000, s31;
	s1 =	sadd.s32 s1, s30  }
0xbb: {  	s0 =	sor.u32 s3, s0;
	s1 =	sshll.u32 s1, $0x11  }
0xbc: {  	s0 =	sor.u32 s1, s0  }
0xbd: {  	s0 =	sadd.s32 $0x8F2B, s0  }
0xbe: {  	[sflag:s0] =	ssyncadd.remote.s32 $0x1  }
0xbf: {  	_ =	sfence.sel $0xFFFF  }
0xc0: {  	[dreg:$0x0] =	wrdreg $0xFFFFFFFF;
	(pc) =	sbr.abs _section_cstart, $3  }
0xc1: {  	[dreg:$0x1] =	wrdreg $0xFFFFFFFF  }
0xc2: {  	_ =	task.clear_ibuf [dreg:s6], $0x2FFFF;
	_ =	strace $0x9FFFFFFF  }
0xc3: {  	(tm) =	ssettm $0x7FFFFFFF  }
tec
execute0_lowered:
.L_overlay_start_1:
0x0: {  	(tag) =	ssettag $0x1  }
0x1: {  	s0 =	rddreg [dreg:$0x0]  }
0x2: {  	s2 =	rddreg [dreg:$0x1]  }
0x3: {  	s1 =	srdreg.scid;
	s3 =	rddreg [dreg:$0x2]  }
0x4: {  	s8 =	stileid.u32;
	s25 =	rddreg [dreg:$0x3]  }
0x5: {  	s13 =	simm.s32 $0x30D8;
	s15 =	simm.s32 $0x30D0;
	p2 =	por $0x0, $0x0  }
0x6: {  	s4 =	sand.u32 $0x1, s1;
	s1 =	simm.s32 $0x0;
	s6 =	sadd.s32 $0x2400, s0  }
0x7: {  	s22 =	sadd.s32 $0xC5A00, s0;
	s0 =	sadd.s32 $0xC8C00, s0;
	s26 =	smul.u32 $0x1388, s8  }
0x8: {  	s28 =	sor.u32 $0x10, s8;
	p0 =	sne.s32 s8, $0x0;
	s5 =	sshll.u32 s4, $0x4  }
0x9: {  	[smem:$0x7FF] =	sst s1;
	s9 =	ssub.s32 $0x2, s4;
	s4 =	smul.u32 $0x186A0, s4  }
0xa: {  	s12 =	smul.u32 $0x1388, s28;
	p1 =	sgt.u32 s28, $0x13;
	s5 =	sor.u32 s8, s5  }
0xb: {  	_ =	strace $0x8000004D;
	s18 =	sshrl.u32 s9, $0x1;
	s8 =	simm.s32 $0xC350  }
0xc: {  	s5 =	smul.u32 $0x186A0, s5;
	s9 =	ssub.s32 s9, s18;
	s30 =	sadd.s32 s4, s26  }
0xd: {  	s4 =	sadd.s32 s4, s12;
	s18 =	simm.s32 $0x2;
	s31 =	sshrl.u32 s30, $0x3  }
0xe: {  	s4 =	sshrl.u32 s4, $0x3;
	s7 =	sshrl.u32 s5, $0x3;
	s11 =	sadd.s32 $0x3135A8, s5  }
0xf: {  	s16 =	sadd.s32 $0x61A8, s5;
	s24 =	sadd.s32 $0x124F8, s5;
	s5 =	sadd.s32 $0x31F8F8, s5  }
0x10: {  	s4 =	sadd.s32 s0, s4;
	s21 =	sadd.s32 s6, s7;
	s7 =	sshrl.u32 s16, $0x3  }
0x11: {  	s17 =	sshrl.u32 s11, $0x3;
	s11 =	smax.u32 s9, $0x1;
	s5 =	sshrl.u32 s5, $0x3  }
0x12: {  	s9 =	simm.s32 $0x4;
	s16 =	simm.s32 $0xF428;
	s10 =	sadd.s32 $0x61A80, s21  }
0x13: {  	s7 =	sadd.s32 s6, s7;
	s19 =	sadd.s32 s6, s17;
	s20 =	sadd.s32 $0x186A, s21  }
0x14: {  	s14 =	sadd.s32 s6, s5;
	[dreg:$0x5] =	wrdreg s7;
	s7 =	sshrl.u32 s24, $0x3  }
0x15: {  	s7 =	sadd.s32 s6, s7;
	s6 =	sadd.s32 s0, s31;
	s0 =	sadd.s32 $0xFFFFFFFF, s11  }
0x16: {  	s23 =	sadd.s32 $0x632EA, s21;
	[dreg:$0x4] =	wrdreg s10;
	p3 =	sne.s32 s0, $0x0  }
.Ltmp0:
0x17: {  	s5 =	sadd.s32 s12, s2;
	[dreg:$0x6] =	wrdreg s19;
	(pc) =	sbr.rel @!p3 .LBB2_5-.Ltmp0, $4  }
0x18: {  	s17 =	simm.s32 $0x61A8;
	s12 =	simm.s32 $0x6;
	[dreg:$0x7] =	wrdreg s20  }
0x19: {  	[dreg:$0x8] =	wrdreg s23;
	s24 =	sshrl.u32 @!p0 s2, $0x3;
	s23 =	sshrl.u32 @!p0 s3, $0x3  }
0x1a: {  	s10 =	simm.s32 $0x3;
	s19 =	simm.s32 $0x9280;
	s20 =	simm.s32 $0x1  }
0x1b: {  	s11 =	simm.s32 $0x5;
	[dreg:$0x9] =	wrdreg s7;
	s7 =	sadd.s32 s26, s2  }
0x1c: {  	s25 =	simm.s32 @!p0 $0x1C05;
	s26 =	simm.s32 @!p0 $0x5  }
0x1d: {  	[spmem:s24], [sflag:s25] =	dma.local @!p0 [hbm:s22], $0x30D4  }
0x1e: {  	_ =	swait.ge @!p0 [sflag:s26], $0x30D4  }
0x1f: {  	[sflag:s26] =	ssyncset.done @!p0 $0x0  }
0x20: {  	[sflag:s26] =	ssyncadd.s32 @!p0 $0xFFFFCF2C  }
0x21: {  	[spmem:s23], [sflag:s25] =	dma.local @!p0 [hbm:s22], $0x30D4  }
0x22: {  	_ =	swait.ge @!p0 [sflag:s26], $0x30D4  }
0x23: {  	[sflag:s26] =	ssyncset.done @!p0 $0x0  }
0x24: {  	[sflag:s26] =	ssyncadd.s32 @!p0 $0xFFFFCF2C  }
0x25: {  	[bflag:$0x0] =	sbarrier.arrive $0xFFFF  }
0x26: {  	[tilespmem:s1], [sflag:$0x3] =	stream.linear.gather [hbm4b:s21+s1], $0x61A8, $0x38;
	[tilespmem:$0x155E0] =	vst v63  }
0x27: {  	s28 =	rddreg [dreg:$0x4]  }
0x28: {  	[tilespmem:s17], [sflag:$0x4] =	stream.linear.gather [hbm4b:s28+s1], $0x61A8, $0x38;
	[tilespmem:$0x155E0] =	vst v63  }
0x29: {  	_ =	swait.ge [sflag:s10], $0x61A8  }
0x2a: {  	[sflag:s10] =	ssyncset.done $0x0  }
0x2b: {  	[sflag:s10] =	ssyncadd.s32 $0xFFFF9E58  }
0x2c: {  	_ =	swait.ge [sflag:s9], $0x61A8  }
0x2d: {  	[sflag:s9] =	ssyncset.done $0x0  }
0x2e: {  	[sflag:s9] =	ssyncadd.s32 $0xFFFF9E58  }
0x2f: {  	[tilespmem:s8], [sflag:$0x1] =	stream.indirect.gather [spmem:s3], $0x1, s17, s13, $0xb8;
	[tilespmem:$0x155E0] =	vst v63  }
0x30: {  	_ = 	snop  }
0x31: {  	[tilespmem:s16], [sflag:$0x2] =	stream.indirect.gather [spmem:s3], $0x1, s19, s15, $0xb8;
	[tilespmem:$0x155E0] =	vst v63  }
0x32: {  	_ =	swait.ge [sflag:s20], $0x30D8  }
0x33: {  	[sflag:s20] =	ssyncset.done $0x0  }
0x34: {  	[sflag:s20] =	ssyncadd.s32 $0xFFFFCF28  }
0x35: {  	[spmem:s2] =	stream.indirect.scatter.add.f32 [tilespmem:s8], [sflag:$0x3], $0x1, s1, s13, $0xb8;
	[tilespmem:$0x155E0] =	vst v63  }
0x36: {  	_ =	swait.ge [sflag:s18], $0x30D0  }
0x37: {  	[sflag:s18] =	ssyncset.done $0x0  }
0x38: {  	[sflag:s18] =	ssyncadd.s32 $0xFFFFCF30  }
0x39: {  	[spmem:s2] =	stream.indirect.scatter.add.f32 [tilespmem:s16], [sflag:$0x4], $0x1, s13, s15, $0xb8;
	[tilespmem:$0x155E0] =	vst v63  }
0x3a: {  	_ =	swait.ge [sflag:s10], $0x30D8  }
0x3b: {  	[sflag:s10] =	ssyncset.done $0x0  }
0x3c: {  	[sflag:s10] =	ssyncadd.s32 $0xFFFFCF28  }
0x3d: {  	_ =	swait.ge [sflag:s9], $0x30D0  }
0x3e: {  	[sflag:s9] =	ssyncset.done $0x0  }
0x3f: {  	s28 =	rddreg [dreg:$0x5];
	[sflag:s9] =	ssyncadd.s32 $0xFFFFCF30  }
0x40: {  	[tilespmem:s1], [sflag:$0x3] =	stream.linear.gather [hbm4b:s28+s1], $0x61A8, $0x38;
	[tilespmem:$0x155E0] =	vst v63  }
0x41: {  	s29 =	rddreg [dreg:$0x6]  }
0x42: {  	[tilespmem:s17], [sflag:$0x4] =	stream.linear.gather [hbm4b:s29+s1], $0x61A8, $0x38;
	[tilespmem:$0x155E0] =	vst v63  }
0x43: {  	_ =	swait.ge [sflag:s10], $0x61A8  }
0x44: {  	[sflag:s10] =	ssyncset.done $0x0  }
0x45: {  	[sflag:s10] =	ssyncadd.s32 $0xFFFF9E58  }
0x46: {  	_ =	swait.ge [sflag:s9], $0x61A8  }
0x47: {  	[sflag:s9] =	ssyncset.done $0x0  }
0x48: {  	[sflag:s9] =	ssyncadd.s32 $0xFFFF9E58  }
0x49: {  	[tilespmem:s8], [sflag:$0x1] =	stream.indirect.gather [spmem:s3], $0x1, s17, s13, $0xb8;
	[tilespmem:$0x155E0] =	vst v63  }
0x4a: {  	_ = 	snop  }
0x4b: {  	[tilespmem:s16], [sflag:$0x2] =	stream.indirect.gather [spmem:s3], $0x1, s19, s15, $0xb8;
	[tilespmem:$0x155E0] =	vst v63  }
0x4c: {  	_ =	swait.ge [sflag:s20], $0x30D8  }
0x4d: {  	[sflag:s20] =	ssyncset.done $0x0  }
0x4e: {  	[sflag:s20] =	ssyncadd.s32 $0xFFFFCF28  }
0x4f: {  	[spmem:s2] =	stream.indirect.scatter.add.f32 [tilespmem:s8], [sflag:$0x3], $0x1, s1, s13, $0xb8;
	[tilespmem:$0x155E0] =	vst v63  }
0x50: {  	_ =	swait.ge [sflag:s18], $0x30D0  }
0x51: {  	[sflag:s18] =	ssyncset.done $0x0  }
0x52: {  	[sflag:s18] =	ssyncadd.s32 $0xFFFFCF30  }
0x53: {  	[spmem:s2] =	stream.indirect.scatter.add.f32 [tilespmem:s16], [sflag:$0x4], $0x1, s13, s15, $0xb8;
	[tilespmem:$0x155E0] =	vst v63  }
0x54: {  	_ =	swait.ge [sflag:s10], $0x30D8  }
0x55: {  	[sflag:s10] =	ssyncset.done $0x0  }
0x56: {  	[sflag:s10] =	ssyncadd.s32 $0xFFFFCF28  }
0x57: {  	_ =	swait.ge [sflag:s9], $0x30D0  }
0x58: {  	[sflag:s9] =	ssyncset.done $0x0  }
0x59: {  	s28 =	rddreg [dreg:$0x7];
	[sflag:s9] =	ssyncadd.s32 $0xFFFFCF30  }
0x5a: {  	[tilespmem:s1], [sflag:$0x3] =	stream.linear.gather [hbm4b:s28+s1], $0x61A8, $0x38;
	[tilespmem:$0x155E0] =	vst v63  }
0x5b: {  	s29 =	rddreg [dreg:$0x8]  }
0x5c: {  	[tilespmem:s17], [sflag:$0x4] =	stream.linear.gather [hbm4b:s29+s1], $0x61A8, $0x38;
	[tilespmem:$0x155E0] =	vst v63  }
0x5d: {  	_ =	swait.ge [sflag:s10], $0x61A8  }
0x5e: {  	[sflag:s10] =	ssyncset.done $0x0  }
0x5f: {  	[sflag:s10] =	ssyncadd.s32 $0xFFFF9E58  }
0x60: {  	_ =	swait.ge [sflag:s9], $0x61A8  }
0x61: {  	[sflag:s9] =	ssyncset.done $0x0  }
0x62: {  	[sflag:s9] =	ssyncadd.s32 $0xFFFF9E58  }
0x63: {  	[tilespmem:s8], [sflag:$0x1] =	stream.indirect.gather [spmem:s3], $0x1, s17, s13, $0xb8;
	[tilespmem:$0x155E0] =	vst v63  }
0x64: {  	_ = 	snop  }
0x65: {  	[tilespmem:s16], [sflag:$0x2] =	stream.indirect.gather [spmem:s3], $0x1, s19, s15, $0xb8;
	[tilespmem:$0x155E0] =	vst v63  }
0x66: {  	_ =	swait.ge [sflag:s20], $0x30D8  }
0x67: {  	[sflag:s20] =	ssyncset.done $0x0  }
0x68: {  	[sflag:s20] =	ssyncadd.s32 $0xFFFFCF28  }
0x69: {  	[spmem:s2] =	stream.indirect.scatter.add.f32 [tilespmem:s8], [sflag:$0x3], $0x1, s1, s13, $0xb8;
	[tilespmem:$0x155E0] =	vst v63  }
0x6a: {  	_ =	swait.ge [sflag:s18], $0x30D0  }
0x6b: {  	[sflag:s18] =	ssyncset.done $0x0  }
0x6c: {  	[sflag:s18] =	ssyncadd.s32 $0xFFFFCF30  }
0x6d: {  	[spmem:s2] =	stream.indirect.scatter.add.f32 [tilespmem:s16], [sflag:$0x4], $0x1, s13, s15, $0xb8;
	[tilespmem:$0x155E0] =	vst v63  }
0x6e: {  	_ =	swait.ge [sflag:s10], $0x30D8  }
0x6f: {  	[sflag:s10] =	ssyncset.done $0x0  }
0x70: {  	[sflag:s10] =	ssyncadd.s32 $0xFFFFCF28  }
0x71: {  	_ =	swait.ge [sflag:s9], $0x30D0  }
0x72: {  	[sflag:s9] =	ssyncset.done $0x0  }
0x73: {  	s28 =	rddreg [dreg:$0x9];
	[sflag:s9] =	ssyncadd.s32 $0xFFFFCF30  }
0x74: {  	[tilespmem:s1], [sflag:$0x3] =	stream.linear.gather [hbm4b:s28+s1], $0x61A8, $0x38;
	[tilespmem:$0x155E0] =	vst v63  }
0x75: {  	_ = 	snop  }
0x76: {  	[tilespmem:s17], [sflag:$0x4] =	stream.linear.gather [hbm4b:s14+s1], $0x61A8, $0x38;
	[tilespmem:$0x155E0] =	vst v63  }
0x77: {  	_ =	swait.ge [sflag:s10], $0x61A8  }
0x78: {  	[sflag:s10] =	ssyncset.done $0x0  }
0x79: {  	[sflag:s10] =	ssyncadd.s32 $0xFFFF9E58  }
0x7a: {  	_ =	swait.ge [sflag:s9], $0x61A8  }
0x7b: {  	[sflag:s9] =	ssyncset.done $0x0  }
0x7c: {  	[sflag:s9] =	ssyncadd.s32 $0xFFFF9E58  }
0x7d: {  	[tilespmem:s8], [sflag:$0x1] =	stream.indirect.gather [spmem:s3], $0x1, s17, s13, $0xb8;
	[tilespmem:$0x155E0] =	vst v63  }
0x7e: {  	_ = 	snop  }
0x7f: {  	[tilespmem:s16], [sflag:$0x2] =	stream.indirect.gather [spmem:s3], $0x1, s19, s15, $0xb8;
	[tilespmem:$0x155E0] =	vst v63  }
0x80: {  	_ =	swait.ge [sflag:s20], $0x30D8  }
0x81: {  	[sflag:s20] =	ssyncset.done $0x0  }
0x82: {  	[sflag:s20] =	ssyncadd.s32 $0xFFFFCF28  }
0x83: {  	[spmem:s2] =	stream.indirect.scatter.add.f32 [tilespmem:s8], [sflag:$0x3], $0x1, s1, s13, $0xb8;
	[tilespmem:$0x155E0] =	vst v63  }
0x84: {  	_ =	swait.ge [sflag:s18], $0x30D0  }
0x85: {  	[sflag:s18] =	ssyncset.done $0x0  }
0x86: {  	[sflag:s18] =	ssyncadd.s32 $0xFFFFCF30  }
0x87: {  	[spmem:s2] =	stream.indirect.scatter.add.f32 [tilespmem:s16], [sflag:$0x4], $0x1, s13, s15, $0xb8;
	[tilespmem:$0x155E0] =	vst v63  }
0x88: {  	_ =	swait.ge [sflag:s10], $0x30D8  }
0x89: {  	[sflag:s10] =	ssyncset.done $0x0  }
0x8a: {  	[sflag:s10] =	ssyncadd.s32 $0xFFFFCF28  }
0x8b: {  	_ =	swait.ge [sflag:s9], $0x30D0  }
0x8c: {  	[sflag:s9] =	ssyncset.done $0x0  }
0x8d: {  	[sflag:s9] =	ssyncadd.s32 $0xFFFFCF30  }
0x8e: {  	[bflag:$0x0] =	sbarrier.arrive $0xFFFF  }
0x8f: {  	[tilespmem:s8], [sflag:$0x6] =	stream.linear.gather [spmem:s7], $0x1388, $0x38;
	[tilespmem:$0x155E0] =	vst v63  }
0x90: {  	_ =	swait.ge [sflag:s12], $0x1388  }
0x91: {  	[sflag:s12] =	ssyncset.done $0x0  }
0x92: {  	[sflag:s12] =	ssyncadd.s32 $0xFFFFEC78  }
0x93: {  	[hbm4b:s6+s1] =	stream.linear.scatter [tilespmem:s8], [sflag:$0x5], $0x1388, $0x38;
	[tilespmem:$0x155E0] =	vst v63  }
0x94: {  	_ =	swait.ge [sflag:s11], $0x1388  }
0x95: {  	s30 =	simm.s32 @!p1 $0x6;
	[sflag:s11] =	ssyncset.done $0x0  }
0x96: {  	s31 =	sadd.s32 $0xFFFFFFFF, s0;
	s28 =	simm.s32 @!p1 $0xC350;
	[sflag:s11] =	ssyncadd.s32 $0xFFFFEC78  }
0x97: {  	[tilespmem:s28], [sflag:$0x6] =	stream.linear.gather @!p1 [spmem:s5], $0x1388, $0x38;
	[tilespmem:$0x155E0] =	vst v63  }
0x98: {  	p3 =	sne.s32 s31, $0x0;
	_ =	swait.ge @!p1 [sflag:s30], $0x1388  }
.Ltmp1:
0x99: {  	[sflag:s30] =	ssyncset.done @!p1 $0x0;
	(pc) =	sbr.rel @!p3 .LBB2_2-.Ltmp1, $4  }
0x9a: {  	s0 =	simm.s32 @!p1 $0x0;
	s29 =	simm.s32 @!p1 $0x5;
	[sflag:s30] =	ssyncadd.s32 @!p1 $0xFFFFEC78  }
0x9b: {  	[hbm4b:s4+s0] =	stream.linear.scatter @!p1 [tilespmem:s28], [sflag:$0x5], $0x1388, $0x38;
	[tilespmem:$0x155E0] =	vst v63  }
0x9c: {  	_ =	swait.ge @!p1 [sflag:s29], $0x1388  }
0x9d: {  	p2 =	por $0x1, $0x1;
	[sflag:s29] =	ssyncset.done @!p1 $0x0  }
.LBB2_3:
0x9e: {  	[sflag:s29] =	ssyncadd.s32 @!p1 $0xFFFFEC78;
	s0 =	simm.s32 @!p0 $0x1C05  }
0x9f: {  	[spmem:s24], [sflag:s0] =	dma.local @!p0 [hbm:s22], $0x30D4  }
0xa0: {  	_ =	swait.ge @!p0 [sflag:s26], $0x30D4  }
0xa1: {  	[sflag:s26] =	ssyncset.done @!p0 $0x0  }
0xa2: {  	[sflag:s26] =	ssyncadd.s32 @!p0 $0xFFFFCF2C  }
0xa3: {  	[spmem:s23], [sflag:s0] =	dma.local @!p0 [hbm:s22], $0x30D4  }
0xa4: {  	_ =	swait.ge @!p0 [sflag:s26], $0x30D4  }
0xa5: {  	[sflag:s26] =	ssyncset.done @!p0 $0x0  }
0xa6: {  	[sflag:s26] =	ssyncadd.s32 @!p0 $0xFFFFCF2C  }
0xa7: {  	[bflag:$0x0] =	sbarrier.arrive $0xFFFF  }
0xa8: {  	[tilespmem:s1], [sflag:$0x3] =	stream.linear.gather [hbm4b:s21+s1], $0x61A8, $0x38;
	[tilespmem:$0x155E0] =	vst v63  }
0xa9: {  	s25 =	rddreg [dreg:$0x4]  }
0xaa: {  	[tilespmem:s17], [sflag:$0x4] =	stream.linear.gather [hbm4b:s25+s1], $0x61A8, $0x38;
	[tilespmem:$0x155E0] =	vst v63  }
0xab: {  	_ =	swait.ge [sflag:s10], $0x61A8  }
0xac: {  	[sflag:s10] =	ssyncset.done $0x0  }
0xad: {  	[sflag:s10] =	ssyncadd.s32 $0xFFFF9E58  }
0xae: {  	_ =	swait.ge [sflag:s9], $0x61A8  }
0xaf: {  	[sflag:s9] =	ssyncset.done $0x0  }
0xb0: {  	[sflag:s9] =	ssyncadd.s32 $0xFFFF9E58  }
0xb1: {  	[tilespmem:s8], [sflag:$0x1] =	stream.indirect.gather [spmem:s3], $0x1, s17, s13, $0xb8;
	[tilespmem:$0x155E0] =	vst v63  }
0xb2: {  	_ = 	snop  }
0xb3: {  	[tilespmem:s16], [sflag:$0x2] =	stream.indirect.gather [spmem:s3], $0x1, s19, s15, $0xb8;
	[tilespmem:$0x155E0] =	vst v63  }
0xb4: {  	_ =	swait.ge [sflag:s20], $0x30D8  }
0xb5: {  	[sflag:s20] =	ssyncset.done $0x0  }
0xb6: {  	[sflag:s20] =	ssyncadd.s32 $0xFFFFCF28  }
0xb7: {  	[spmem:s2] =	stream.indirect.scatter.add.f32 [tilespmem:s8], [sflag:$0x3], $0x1, s1, s13, $0xb8;
	[tilespmem:$0x155E0] =	vst v63  }
0xb8: {  	_ =	swait.ge [sflag:s18], $0x30D0  }
0xb9: {  	[sflag:s18] =	ssyncset.done $0x0  }
0xba: {  	[sflag:s18] =	ssyncadd.s32 $0xFFFFCF30  }
0xbb: {  	[spmem:s2] =	stream.indirect.scatter.add.f32 [tilespmem:s16], [sflag:$0x4], $0x1, s13, s15, $0xb8;
	[tilespmem:$0x155E0] =	vst v63  }
0xbc: {  	_ =	swait.ge [sflag:s10], $0x30D8  }
0xbd: {  	[sflag:s10] =	ssyncset.done $0x0  }
0xbe: {  	s25 =	smov.u32 s24;
	[sflag:s10] =	ssyncadd.s32 $0xFFFFCF28  }
0xbf: {  	s24 =	smov.u32 s23;
	s23 =	smov.u32 s21;
	_ =	swait.ge [sflag:s9], $0x30D0  }
0xc0: {  	s21 =	smov.u32 s14;
	s14 =	smov.u32 s7;
	[sflag:s9] =	ssyncset.done $0x0  }
0xc1: {  	s7 =	smov.u32 s6;
	s0 =	rddreg [dreg:$0x5];
	[sflag:s9] =	ssyncadd.s32 $0xFFFFCF30  }
0xc2: {  	[tilespmem:s1], [sflag:$0x3] =	stream.linear.gather [hbm4b:s0+s1], $0x61A8, $0x38;
	[tilespmem:$0x155E0] =	vst v63  }
0xc3: {  	s6 =	smov.u32 s5;
	s5 =	smov.u32 s4;
	s4 =	rddreg [dreg:$0x6]  }
0xc4: {  	[tilespmem:s17], [sflag:$0x4] =	stream.linear.gather [hbm4b:s4+s1], $0x61A8, $0x38;
	[tilespmem:$0x155E0] =	vst v63  }
0xc5: {  	_ =	swait.ge [sflag:s10], $0x61A8  }
0xc6: {  	[sflag:s10] =	ssyncset.done $0x0  }
0xc7: {  	[sflag:s10] =	ssyncadd.s32 $0xFFFF9E58  }
0xc8: {  	_ =	swait.ge [sflag:s9], $0x61A8  }
0xc9: {  	[sflag:s9] =	ssyncset.done $0x0  }
0xca: {  	[sflag:s9] =	ssyncadd.s32 $0xFFFF9E58  }
0xcb: {  	[tilespmem:s8], [sflag:$0x1] =	stream.indirect.gather [spmem:s3], $0x1, s17, s13, $0xb8;
	[tilespmem:$0x155E0] =	vst v63  }
0xcc: {  	_ = 	snop  }
0xcd: {  	[tilespmem:s16], [sflag:$0x2] =	stream.indirect.gather [spmem:s3], $0x1, s19, s15, $0xb8;
	[tilespmem:$0x155E0] =	vst v63  }
0xce: {  	_ =	swait.ge [sflag:s20], $0x30D8  }
0xcf: {  	[sflag:s20] =	ssyncset.done $0x0  }
0xd0: {  	[sflag:s20] =	ssyncadd.s32 $0xFFFFCF28  }
0xd1: {  	[spmem:s2] =	stream.indirect.scatter.add.f32 [tilespmem:s8], [sflag:$0x3], $0x1, s1, s13, $0xb8;
	[tilespmem:$0x155E0] =	vst v63  }
0xd2: {  	_ =	swait.ge [sflag:s18], $0x30D0  }
0xd3: {  	[sflag:s18] =	ssyncset.done $0x0  }
0xd4: {  	[sflag:s18] =	ssyncadd.s32 $0xFFFFCF30  }
0xd5: {  	[spmem:s2] =	stream.indirect.scatter.add.f32 [tilespmem:s16], [sflag:$0x4], $0x1, s13, s15, $0xb8;
	[tilespmem:$0x155E0] =	vst v63  }
0xd6: {  	_ =	swait.ge [sflag:s10], $0x30D8  }
0xd7: {  	[sflag:s10] =	ssyncset.done $0x0  }
0xd8: {  	[sflag:s10] =	ssyncadd.s32 $0xFFFFCF28  }
0xd9: {  	_ =	swait.ge [sflag:s9], $0x30D0  }
0xda: {  	[sflag:s9] =	ssyncset.done $0x0  }
0xdb: {  	s0 =	rddreg [dreg:$0x7];
	[sflag:s9] =	ssyncadd.s32 $0xFFFFCF30  }
0xdc: {  	[tilespmem:s1], [sflag:$0x3] =	stream.linear.gather [hbm4b:s0+s1], $0x61A8, $0x38;
	[tilespmem:$0x155E0] =	vst v63  }
0xdd: {  	s4 =	rddreg [dreg:$0x8]  }
0xde: {  	[tilespmem:s17], [sflag:$0x4] =	stream.linear.gather [hbm4b:s4+s1], $0x61A8, $0x38;
	[tilespmem:$0x155E0] =	vst v63  }
0xdf: {  	_ =	swait.ge [sflag:s10], $0x61A8  }
0xe0: {  	[sflag:s10] =	ssyncset.done $0x0  }
0xe1: {  	[sflag:s10] =	ssyncadd.s32 $0xFFFF9E58  }
0xe2: {  	_ =	swait.ge [sflag:s9], $0x61A8  }
0xe3: {  	[sflag:s9] =	ssyncset.done $0x0  }
0xe4: {  	[sflag:s9] =	ssyncadd.s32 $0xFFFF9E58  }
0xe5: {  	[tilespmem:s8], [sflag:$0x1] =	stream.indirect.gather [spmem:s3], $0x1, s17, s13, $0xb8;
	[tilespmem:$0x155E0] =	vst v63  }
0xe6: {  	_ = 	snop  }
0xe7: {  	[tilespmem:s16], [sflag:$0x2] =	stream.indirect.gather [spmem:s3], $0x1, s19, s15, $0xb8;
	[tilespmem:$0x155E0] =	vst v63  }
0xe8: {  	_ =	swait.ge [sflag:s20], $0x30D8  }
0xe9: {  	[sflag:s20] =	ssyncset.done $0x0  }
0xea: {  	[sflag:s20] =	ssyncadd.s32 $0xFFFFCF28  }
0xeb: {  	[spmem:s2] =	stream.indirect.scatter.add.f32 [tilespmem:s8], [sflag:$0x3], $0x1, s1, s13, $0xb8;
	[tilespmem:$0x155E0] =	vst v63  }
0xec: {  	_ =	swait.ge [sflag:s18], $0x30D0  }
0xed: {  	[sflag:s18] =	ssyncset.done $0x0  }
0xee: {  	[sflag:s18] =	ssyncadd.s32 $0xFFFFCF30  }
0xef: {  	[spmem:s2] =	stream.indirect.scatter.add.f32 [tilespmem:s16], [sflag:$0x4], $0x1, s13, s15, $0xb8;
	[tilespmem:$0x155E0] =	vst v63  }
0xf0: {  	_ =	swait.ge [sflag:s10], $0x30D8  }
0xf1: {  	s4 =	smov.u32 s5;
	[sflag:s10] =	ssyncset.done $0x0  }
0xf2: {  	s5 =	smov.u32 s6;
	s6 =	smov.u32 s7;
	[sflag:s10] =	ssyncadd.s32 $0xFFFFCF28  }
0xf3: {  	s7 =	smov.u32 s14;
	s14 =	smov.u32 s21;
	_ =	swait.ge [sflag:s9], $0x30D0  }
0xf4: {  	s21 =	smov.u32 s23;
	s23 =	smov.u32 s24;
	[sflag:s9] =	ssyncset.done $0x0  }
0xf5: {  	s24 =	smov.u32 s25;
	s25 =	rddreg [dreg:$0x9];
	[sflag:s9] =	ssyncadd.s32 $0xFFFFCF30  }
0xf6: {  	[tilespmem:s1], [sflag:$0x3] =	stream.linear.gather [hbm4b:s25+s1], $0x61A8, $0x38;
	[tilespmem:$0x155E0] =	vst v63  }
0xf7: {  	_ = 	snop  }
0xf8: {  	[tilespmem:s17], [sflag:$0x4] =	stream.linear.gather [hbm4b:s14+s1], $0x61A8, $0x38;
	[tilespmem:$0x155E0] =	vst v63  }
0xf9: {  	_ =	swait.ge [sflag:s10], $0x61A8  }
0xfa: {  	[sflag:s10] =	ssyncset.done $0x0  }
0xfb: {  	[sflag:s10] =	ssyncadd.s32 $0xFFFF9E58  }
0xfc: {  	_ =	swait.ge [sflag:s9], $0x61A8  }
0xfd: {  	[sflag:s9] =	ssyncset.done $0x0  }
0xfe: {  	[sflag:s9] =	ssyncadd.s32 $0xFFFF9E58  }
0xff: {  	[tilespmem:s8], [sflag:$0x1] =	stream.indirect.gather [spmem:s3], $0x1, s17, s13, $0xb8;
	[tilespmem:$0x155E0] =	vst v63  }
0x100: {  	_ = 	snop  }
0x101: {  	[tilespmem:s16], [sflag:$0x2] =	stream.indirect.gather [spmem:s3], $0x1, s19, s15, $0xb8;
	[tilespmem:$0x155E0] =	vst v63  }
0x102: {  	_ =	swait.ge [sflag:s20], $0x30D8  }
0x103: {  	[sflag:s20] =	ssyncset.done $0x0  }
0x104: {  	[sflag:s20] =	ssyncadd.s32 $0xFFFFCF28  }
0x105: {  	[spmem:s2] =	stream.indirect.scatter.add.f32 [tilespmem:s8], [sflag:$0x3], $0x1, s1, s13, $0xb8;
	[tilespmem:$0x155E0] =	vst v63  }
0x106: {  	_ =	swait.ge [sflag:s18], $0x30D0  }
0x107: {  	[sflag:s18] =	ssyncset.done $0x0  }
0x108: {  	[sflag:s18] =	ssyncadd.s32 $0xFFFFCF30  }
0x109: {  	[spmem:s2] =	stream.indirect.scatter.add.f32 [tilespmem:s16], [sflag:$0x4], $0x1, s13, s15, $0xb8;
	[tilespmem:$0x155E0] =	vst v63  }
0x10a: {  	_ =	swait.ge [sflag:s10], $0x30D8  }
0x10b: {  	[sflag:s10] =	ssyncset.done $0x0  }
0x10c: {  	[sflag:s10] =	ssyncadd.s32 $0xFFFFCF28  }
0x10d: {  	_ =	swait.ge [sflag:s9], $0x30D0  }
0x10e: {  	[sflag:s9] =	ssyncset.done $0x0  }
0x10f: {  	[sflag:s9] =	ssyncadd.s32 $0xFFFFCF30  }
0x110: {  	[bflag:$0x0] =	sbarrier.arrive $0xFFFF  }
0x111: {  	[tilespmem:s8], [sflag:$0x6] =	stream.linear.gather [spmem:s7], $0x1388, $0x38;
	[tilespmem:$0x155E0] =	vst v63  }
0x112: {  	_ =	swait.ge [sflag:s12], $0x1388  }
0x113: {  	[sflag:s12] =	ssyncset.done $0x0  }
0x114: {  	[sflag:s12] =	ssyncadd.s32 $0xFFFFEC78  }
0x115: {  	[hbm4b:s6+s1] =	stream.linear.scatter [tilespmem:s8], [sflag:$0x5], $0x1388, $0x38;
	[tilespmem:$0x155E0] =	vst v63  }
0x116: {  	_ =	swait.ge [sflag:s11], $0x1388  }
0x117: {  	[sflag:s11] =	ssyncset.done $0x0  }
0x118: {  	s31 =	sadd.s32 $0xFFFFFFFF, s31;
	[sflag:s11] =	ssyncadd.s32 $0xFFFFEC78  }
0x119: {  	[tilespmem:s28], [sflag:$0x6] =	stream.linear.gather @!p1 [spmem:s5], $0x1388, $0x38;
	[tilespmem:$0x155E0] =	vst v63  }
0x11a: {  	p3 =	sne.s32 s31, $0x0;
	_ =	swait.ge @!p1 [sflag:s30], $0x1388  }
.Ltmp2:
0x11b: {  	[sflag:s30] =	ssyncset.done @!p1 $0x0;
	(pc) =	sbr.rel @p3 .LBB2_3-.Ltmp2, $4  }
0x11c: {  	s0 =	simm.s32 @!p1 $0x0;
	[sflag:s30] =	ssyncadd.s32 @!p1 $0xFFFFEC78  }
0x11d: {  	[hbm4b:s4+s0] =	stream.linear.scatter @!p1 [tilespmem:s28], [sflag:$0x5], $0x1388, $0x38;
	[tilespmem:$0x155E0] =	vst v63  }
0x11e: {  	_ =	swait.ge @!p1 [sflag:s29], $0x1388  }
0x11f: {  	[sflag:s29] =	ssyncset.done @!p1 $0x0  }
0x120: {  	s25 =	rddreg [dreg:$0x3]  }
.LBB2_5:
0x121: {  	p2 =	por p1, !p2  }
0x122: {  	s0 =	simm.s32 @!p0 $0x1C05;
	[sflag:s29] =	ssyncadd.s32 @!p2 $0xFFFFEC78  }
0x123: {  	[spmem:s24], [sflag:s0] =	dma.local @!p0 [hbm:s22], $0x30D4  }
0x124: {  	s24 =	smov.u32 s4;
	s4 =	simm.s32 @!p0 $0x5  }
0x125: {  	_ =	swait.ge @!p0 [sflag:s4], $0x30D4  }
0x126: {  	[sflag:s4] =	ssyncset.done @!p0 $0x0  }
0x127: {  	[sflag:s4] =	ssyncadd.s32 @!p0 $0xFFFFCF2C  }
0x128: {  	[spmem:s23], [sflag:s0] =	dma.local @!p0 [hbm:s22], $0x30D4  }
0x129: {  	_ =	swait.ge @!p0 [sflag:s4], $0x30D4  }
0x12a: {  	[sflag:s4] =	ssyncset.done @!p0 $0x0  }
0x12b: {  	[sflag:s4] =	ssyncadd.s32 @!p0 $0xFFFFCF2C  }
0x12c: {  	[bflag:$0x0] =	sbarrier.arrive $0xFFFF  }
0x12d: {  	[tilespmem:s1], [sflag:$0x3] =	stream.linear.gather [hbm4b:s21+s1], $0x61A8, $0x38;
	[tilespmem:$0x155E0] =	vst v63  }
0x12e: {  	s23 =	rddreg [dreg:$0x4]  }
0x12f: {  	[tilespmem:s17], [sflag:$0x4] =	stream.linear.gather [hbm4b:s23+s1], $0x61A8, $0x38;
	[tilespmem:$0x155E0] =	vst v63  }
0x130: {  	_ =	swait.ge [sflag:s10], $0x61A8  }
0x131: {  	[sflag:s10] =	ssyncset.done $0x0  }
0x132: {  	[sflag:s10] =	ssyncadd.s32 $0xFFFF9E58  }
0x133: {  	_ =	swait.ge [sflag:s9], $0x61A8  }
0x134: {  	[sflag:s9] =	ssyncset.done $0x0  }
0x135: {  	[sflag:s9] =	ssyncadd.s32 $0xFFFF9E58  }
0x136: {  	[tilespmem:s8], [sflag:$0x1] =	stream.indirect.gather [spmem:s3], $0x1, s17, s13, $0xb8;
	[tilespmem:$0x155E0] =	vst v63  }
0x137: {  	_ = 	snop  }
0x138: {  	[tilespmem:s16], [sflag:$0x2] =	stream.indirect.gather [spmem:s3], $0x1, s19, s15, $0xb8;
	[tilespmem:$0x155E0] =	vst v63  }
0x139: {  	_ =	swait.ge [sflag:s20], $0x30D8  }
0x13a: {  	[sflag:s20] =	ssyncset.done $0x0  }
0x13b: {  	[sflag:s20] =	ssyncadd.s32 $0xFFFFCF28  }
0x13c: {  	[spmem:s2] =	stream.indirect.scatter.add.f32 [tilespmem:s8], [sflag:$0x3], $0x1, s1, s13, $0xb8;
	[tilespmem:$0x155E0] =	vst v63  }
0x13d: {  	_ =	swait.ge [sflag:s18], $0x30D0  }
0x13e: {  	[sflag:s18] =	ssyncset.done $0x0  }
0x13f: {  	[sflag:s18] =	ssyncadd.s32 $0xFFFFCF30  }
0x140: {  	[spmem:s2] =	stream.indirect.scatter.add.f32 [tilespmem:s16], [sflag:$0x4], $0x1, s13, s15, $0xb8;
	[tilespmem:$0x155E0] =	vst v63  }
0x141: {  	_ =	swait.ge [sflag:s10], $0x30D8  }
0x142: {  	[sflag:s10] =	ssyncset.done $0x0  }
0x143: {  	[sflag:s10] =	ssyncadd.s32 $0xFFFFCF28  }
0x144: {  	_ =	swait.ge [sflag:s9], $0x30D0  }
0x145: {  	[sflag:s9] =	ssyncset.done $0x0  }
0x146: {  	s26 =	rddreg [dreg:$0x5];
	[sflag:s9] =	ssyncadd.s32 $0xFFFFCF30  }
0x147: {  	[tilespmem:s1], [sflag:$0x3] =	stream.linear.gather [hbm4b:s26+s1], $0x61A8, $0x38;
	[tilespmem:$0x155E0] =	vst v63  }
0x148: {  	s28 =	rddreg [dreg:$0x6]  }
0x149: {  	[tilespmem:s17], [sflag:$0x4] =	stream.linear.gather [hbm4b:s28+s1], $0x61A8, $0x38;
	[tilespmem:$0x155E0] =	vst v63  }
0x14a: {  	_ =	swait.ge [sflag:s10], $0x61A8  }
0x14b: {  	[sflag:s10] =	ssyncset.done $0x0  }
0x14c: {  	[sflag:s10] =	ssyncadd.s32 $0xFFFF9E58  }
0x14d: {  	_ =	swait.ge [sflag:s9], $0x61A8  }
0x14e: {  	[sflag:s9] =	ssyncset.done $0x0  }
0x14f: {  	[sflag:s9] =	ssyncadd.s32 $0xFFFF9E58  }
0x150: {  	[tilespmem:s8], [sflag:$0x1] =	stream.indirect.gather [spmem:s3], $0x1, s17, s13, $0xb8;
	[tilespmem:$0x155E0] =	vst v63  }
0x151: {  	_ = 	snop  }
0x152: {  	[tilespmem:s16], [sflag:$0x2] =	stream.indirect.gather [spmem:s3], $0x1, s19, s15, $0xb8;
	[tilespmem:$0x155E0] =	vst v63  }
0x153: {  	_ =	swait.ge [sflag:s20], $0x30D8  }
0x154: {  	[sflag:s20] =	ssyncset.done $0x0  }
0x155: {  	[sflag:s20] =	ssyncadd.s32 $0xFFFFCF28  }
0x156: {  	[spmem:s2] =	stream.indirect.scatter.add.f32 [tilespmem:s8], [sflag:$0x3], $0x1, s1, s13, $0xb8;
	[tilespmem:$0x155E0] =	vst v63  }
0x157: {  	_ =	swait.ge [sflag:s18], $0x30D0  }
0x158: {  	[sflag:s18] =	ssyncset.done $0x0  }
0x159: {  	[sflag:s18] =	ssyncadd.s32 $0xFFFFCF30  }
0x15a: {  	[spmem:s2] =	stream.indirect.scatter.add.f32 [tilespmem:s16], [sflag:$0x4], $0x1, s13, s15, $0xb8;
	[tilespmem:$0x155E0] =	vst v63  }
0x15b: {  	_ =	swait.ge [sflag:s10], $0x30D8  }
0x15c: {  	[sflag:s10] =	ssyncset.done $0x0  }
0x15d: {  	[sflag:s10] =	ssyncadd.s32 $0xFFFFCF28  }
0x15e: {  	_ =	swait.ge [sflag:s9], $0x30D0  }
0x15f: {  	[sflag:s9] =	ssyncset.done $0x0  }
0x160: {  	s29 =	rddreg [dreg:$0x7];
	[sflag:s9] =	ssyncadd.s32 $0xFFFFCF30  }
0x161: {  	[tilespmem:s1], [sflag:$0x3] =	stream.linear.gather [hbm4b:s29+s1], $0x61A8, $0x38;
	[tilespmem:$0x155E0] =	vst v63  }
0x162: {  	s30 =	rddreg [dreg:$0x8]  }
0x163: {  	[tilespmem:s17], [sflag:$0x4] =	stream.linear.gather [hbm4b:s30+s1], $0x61A8, $0x38;
	[tilespmem:$0x155E0] =	vst v63  }
0x164: {  	_ =	swait.ge [sflag:s10], $0x61A8  }
0x165: {  	[sflag:s10] =	ssyncset.done $0x0  }
0x166: {  	[sflag:s10] =	ssyncadd.s32 $0xFFFF9E58  }
0x167: {  	_ =	swait.ge [sflag:s9], $0x61A8  }
0x168: {  	[sflag:s9] =	ssyncset.done $0x0  }
0x169: {  	[sflag:s9] =	ssyncadd.s32 $0xFFFF9E58  }
0x16a: {  	[tilespmem:s8], [sflag:$0x1] =	stream.indirect.gather [spmem:s3], $0x1, s17, s13, $0xb8;
	[tilespmem:$0x155E0] =	vst v63  }
0x16b: {  	_ = 	snop  }
0x16c: {  	[tilespmem:s16], [sflag:$0x2] =	stream.indirect.gather [spmem:s3], $0x1, s19, s15, $0xb8;
	[tilespmem:$0x155E0] =	vst v63  }
0x16d: {  	_ =	swait.ge [sflag:s20], $0x30D8  }
0x16e: {  	[sflag:s20] =	ssyncset.done $0x0  }
0x16f: {  	[sflag:s20] =	ssyncadd.s32 $0xFFFFCF28  }
0x170: {  	[spmem:s2] =	stream.indirect.scatter.add.f32 [tilespmem:s8], [sflag:$0x3], $0x1, s1, s13, $0xb8;
	[tilespmem:$0x155E0] =	vst v63  }
0x171: {  	_ =	swait.ge [sflag:s18], $0x30D0  }
0x172: {  	[sflag:s18] =	ssyncset.done $0x0  }
0x173: {  	[sflag:s18] =	ssyncadd.s32 $0xFFFFCF30  }
0x174: {  	[spmem:s2] =	stream.indirect.scatter.add.f32 [tilespmem:s16], [sflag:$0x4], $0x1, s13, s15, $0xb8;
	[tilespmem:$0x155E0] =	vst v63  }
0x175: {  	_ =	swait.ge [sflag:s10], $0x30D8  }
0x176: {  	[sflag:s10] =	ssyncset.done $0x0  }
0x177: {  	[sflag:s10] =	ssyncadd.s32 $0xFFFFCF28  }
0x178: {  	_ =	swait.ge [sflag:s9], $0x30D0  }
0x179: {  	[sflag:s9] =	ssyncset.done $0x0  }
0x17a: {  	s31 =	rddreg [dreg:$0x9];
	[sflag:s9] =	ssyncadd.s32 $0xFFFFCF30  }
0x17b: {  	[tilespmem:s1], [sflag:$0x3] =	stream.linear.gather [hbm4b:s31+s1], $0x61A8, $0x38;
	[tilespmem:$0x155E0] =	vst v63  }
0x17c: {  	_ = 	snop  }
0x17d: {  	[tilespmem:s17], [sflag:$0x4] =	stream.linear.gather [hbm4b:s14+s1], $0x61A8, $0x38;
	[tilespmem:$0x155E0] =	vst v63  }
0x17e: {  	_ =	swait.ge [sflag:s10], $0x61A8  }
0x17f: {  	[sflag:s10] =	ssyncset.done $0x0  }
0x180: {  	[sflag:s10] =	ssyncadd.s32 $0xFFFF9E58  }
0x181: {  	_ =	swait.ge [sflag:s9], $0x61A8  }
0x182: {  	[sflag:s9] =	ssyncset.done $0x0  }
0x183: {  	[sflag:s9] =	ssyncadd.s32 $0xFFFF9E58  }
0x184: {  	[tilespmem:s8], [sflag:$0x1] =	stream.indirect.gather [spmem:s3], $0x1, s17, s13, $0xb8;
	[tilespmem:$0x155E0] =	vst v63  }
0x185: {  	_ = 	snop  }
0x186: {  	[tilespmem:s16], [sflag:$0x2] =	stream.indirect.gather [spmem:s3], $0x1, s19, s15, $0xb8;
	[tilespmem:$0x155E0] =	vst v63  }
0x187: {  	_ =	swait.ge [sflag:s20], $0x30D8  }
0x188: {  	[sflag:s20] =	ssyncset.done $0x0  }
0x189: {  	[sflag:s20] =	ssyncadd.s32 $0xFFFFCF28  }
0x18a: {  	[spmem:s2] =	stream.indirect.scatter.add.f32 [tilespmem:s8], [sflag:$0x3], $0x1, s1, s13, $0xb8;
	[tilespmem:$0x155E0] =	vst v63  }
0x18b: {  	_ =	swait.ge [sflag:s18], $0x30D0  }
0x18c: {  	[sflag:s18] =	ssyncset.done $0x0  }
0x18d: {  	[sflag:s18] =	ssyncadd.s32 $0xFFFFCF30  }
0x18e: {  	[spmem:s2] =	stream.indirect.scatter.add.f32 [tilespmem:s16], [sflag:$0x4], $0x1, s13, s15, $0xb8;
	[tilespmem:$0x155E0] =	vst v63  }
0x18f: {  	_ =	swait.ge [sflag:s10], $0x30D8  }
0x190: {  	[sflag:s10] =	ssyncset.done $0x0  }
0x191: {  	[sflag:s10] =	ssyncadd.s32 $0xFFFFCF28  }
0x192: {  	_ =	swait.ge [sflag:s9], $0x30D0  }
0x193: {  	[sflag:s9] =	ssyncset.done $0x0  }
0x194: {  	[sflag:s9] =	ssyncadd.s32 $0xFFFFCF30  }
0x195: {  	[bflag:$0x0] =	sbarrier.arrive $0xFFFF  }
0x196: {  	[tilespmem:s8], [sflag:$0x6] =	stream.linear.gather [spmem:s7], $0x1388, $0x38;
	[tilespmem:$0x155E0] =	vst v63  }
0x197: {  	_ =	swait.ge [sflag:s12], $0x1388  }
0x198: {  	[sflag:s12] =	ssyncset.done $0x0  }
0x199: {  	[sflag:s12] =	ssyncadd.s32 $0xFFFFEC78  }
0x19a: {  	[hbm4b:s6+s1] =	stream.linear.scatter [tilespmem:s8], [sflag:$0x5], $0x1388, $0x38;
	[tilespmem:$0x155E0] =	vst v63  }
0x19b: {  	_ =	swait.ge [sflag:s11], $0x1388  }
0x19c: {  	[sflag:s11] =	ssyncset.done $0x0  }
0x19d: {  	s0 =	simm.s32 @!p1 $0xC350;
	s1 =	simm.s32 @!p1 $0x6;
	[sflag:s11] =	ssyncadd.s32 $0xFFFFEC78  }
0x19e: {  	[tilespmem:s0], [sflag:$0x6] =	stream.linear.gather @!p1 [spmem:s5], $0x1388, $0x38;
	[tilespmem:$0x155E0] =	vst v63  }
0x19f: {  	_ =	swait.ge @!p1 [sflag:s1], $0x1388  }
0x1a0: {  	[sflag:s1] =	ssyncset.done @!p1 $0x0  }
0x1a1: {  	[sflag:s1] =	ssyncadd.s32 @!p1 $0xFFFFEC78;
	s1 =	simm.s32 @!p1 $0x0  }
0x1a2: {  	[hbm4b:s24+s1] =	stream.linear.scatter @!p1 [tilespmem:s0], [sflag:$0x5], $0x1388, $0x38;
	[tilespmem:$0x155E0] =	vst v63  }
0x1a3: {  	s0 =	simm.s32 @!p1 $0x5  }
0x1a4: {  	_ =	swait.ge @!p1 [sflag:s0], $0x1388  }
0x1a5: {  	[sflag:s0] =	ssyncset.done @!p1 $0x0  }
0x1a6: {  	[sflag:s0] =	ssyncadd.s32 @!p1 $0xFFFFEC78  }
0x1a7: {  	_ =	sfence.sel $0x180000  }
0x1a8: {  	[bflag:$0x0] =	sbarrier.arrive $0xFFFF  }
0x1a9: {  	_ =	strace $0x9000004D  }
0x1aa: {  	s0 =	sadd.s32 @!p0 $0x100000, s25;
	[bflag:$0x2] =	sbarrier.arrive $0xFFFF  }
0x1ab: {  	[sflag:s0] =	ssyncadd.tile.s32 @!p0 $0x1;
	_ =	shalt  }
.LBB2_2:
.Ltmp3:
0x1ac: {  	(pc) =	sbr.rel .LBB2_5-.Ltmp3, $2  }
0x1ad: {  	_ =	sdelay $0x2  }
0x1ae: {  	s25 =	rddreg [dreg:$0x3]  }
.Lfunc_end2:
_tile_overlayer_lowered:
.L_overlay_start_2:
0x1af: {  	(tag) =	ssettag $0x2  }
0x1b0: {  	s0 =	rddreg [dreg:$0x0];
	s2 =	stileid.u32  }
0x1b1: {  	s1 =	rddreg [dreg:$0x1];
	p0 =	sne.s32 s2, $0x0  }
0x1b2: {  	s3 =	rddreg [dreg:$0x2];
	[bflag:$0x3] =	sbarrier.arrive $0xFFFF;
	s2 =	simm.s32 @!p0 $0x1C05  }
0x1b3: {  	[timem:s3], [sflag:s2] =	dma.local @!p0 [hbm:s0], s1  }
0x1b4: {  	s0 =	simm.s32 @!p0 $0x5  }
0x1b5: {  	_ =	swait.ge @!p0 [sflag:s0], s1  }
0x1b6: {  	s1 =	ssub.s32 @!p0 $0x0, s1;
	[sflag:s0] =	ssyncset.done @!p0 $0x0  }
0x1b7: {  	[sflag:s0] =	ssyncadd.s32 @!p0 s1  }
0x1b8: {  	[bflag:$0x3] =	sbarrier.arrive $0xFFFF  }
0x1b9: {  	_ =	shalt  }

// kernel: kernel.20.cloned.1.call-start
scs
__scs_entry_jumppad:
0x0: {  	(pc) =	sbr.rel $0x88, $3  }
0x1: {  	(tag) =	ssettag $0x0;
	lr =	simm.s32 $0x1  }
0x2: {  	[smem:$0x3F99] =	sst lr;
	_ =	strace $0xD0000000  }
0x3: {  	_ = 	snop  }
0x4: {  	_ = 	snop  }
0x5: {  	_ = 	snop  }
0x6: {  	_ = 	snop  }
0x7: {  	_ = 	snop  }
__scs_overlays_trampoline_lowered:
0x8: {  	[smem:$0x3FA8] =	sst s0  }
0x9: {  	[smem:$0x3FA9] =	sst s1  }
0xa: {  	[smem:$0x3FAA] =	sst s2  }
0xb: {  	[smem:$0x3FAB] =	sst s3  }
0xc: {  	[smem:$0x3FAC] =	sst s4  }
0xd: {  	[smem:$0x3FAD] =	sst s5  }
0xe: {  	[smem:$0x3FAE] =	sst s6  }
0xf: {  	[smem:$0x3FAF] =	sst s7  }
0x10: {  	[smem:$0x3FB0] =	sst s8  }
0x11: {  	[smem:$0x3FB1] =	sst s9;
	s0 =	simm.s32 @!p0 $0x0  }
0x12: {  	s1 =	sld [smem:$0x3F97];
	s0 =	simm.s32 @p0 $0x1  }
0x13: {  	[smem:$0x3FB2] =	sst s0;
	s0 =	simm.s32 @!p1 $0x0  }
0x14: {  	s2 =	sld [smem:$0x3F96];
	s0 =	simm.s32 @p1 $0x1  }
0x15: {  	[smem:$0x3FB3] =	sst s0;
	s0 =	simm.s32 @!p2 $0x0  }
0x16: {  	s3 =	sld [smem:$0x3FDB];
	s0 =	simm.s32 @p2 $0x1  }
0x17: {  	s4 =	simm.s32 $0x1BF5;
	[smem:$0x3FB5] =	sst s0  }
0x18: {  	s0 =	sld [smem:$0x3F98];
	_ =	swait.ge [sflag:s4], $0x0  }
0x19: {  	s7 =	sld [smem:$0x3F99]  }
0x1a: {  	s8 =	sadd.s32 $0xFFFFE003, lr  }
0x1b: {  	s9 =	sadd.s32 $0xFFFFFEF7, lr;
	s5 =	simm.s32 $0xFFFFFFFF;
	p2 =	slt.u32 s8, $0xFFFFF086  }
0x1c: {  	p1 =	slt.u32 s9, $0xF7A;
	s5 =	simm.s32 @!p2 $0x0  }
0x1d: {  	s5 =	simm.s32 @p1 $0x1;
	p0 =	seq.s32 s7, s2  }
0x1e: {  	s7 =	smul.u32 @!p0 $0xF7A, s2;
	p2 =	seq.s32 @!p0 s5, $0x0  }
0x1f: {  	s9 =	smul.u32 $0xF7A, s1;
	s8 =	simm.s32 @!p0 $0x1BF5;
	p2 =	por !p2, p0  }
0x20: {  	[sflag:s8] =	ssyncset.s32 @!p0 $0xFFFFF086;
	s6 =	sadd.s32 @!p0 s3, s7;
	s7 =	simm.s32 @!p0 $0x108  }
0x21: {  	s3 =	sadd.s32 s3, s9;
	s6 =	sadd.s32 @!p0 $0x88, s6;
	s7 =	simm.s32 @p2 $0x1082  }
0x22: {  	[simem:s7], [sflag:s8] =	dma.local @!p0 [hbm:s6], $0xF7A  }
0x23: {  	s9 =	sor.u32 $0xD0000000, s2;
	s6 =	simm.s32 $0x108;
	_ =	swait.ge @!p0 [sflag:s8], $0x0  }
0x24: {  	s3 =	sadd.s32 $0x88, s3;
	s6 =	simm.s32 @!p1 $0x1082;
	[sflag:s4] =	ssyncset.s32 $0xFFFFF086  }
0x25: {  	[simem:s6], [sflag:s4] =	dma.local [hbm:s3], $0xF7A  }
0x26: {  	[smem:$0x3F99] =	sst s1;
	(tag) =	ssettag s2;
	_ =	strace s9  }
0x27: {  	s1 =	sld [smem:$0x3FA9]  }
0x28: {  	s2 =	sld [smem:$0x3FAA]  }
0x29: {  	s4 =	sld [smem:$0x3FAC]  }
0x2a: {  	p0 =	seq.s32 s5, $0x0;
	s5 =	sld [smem:$0x3FAD]  }
0x2b: {  	s6 =	sld [smem:$0x3FAE]  }
0x2c: {  	s7 =	sld [smem:$0x3FAF]  }
0x2d: {  	s3 =	simm.s32 $0x108;
	s8 =	sld [smem:$0x3FB0]  }
0x2e: {  	s3 =	simm.s32 @!p0 $0x1082;
	s9 =	sld [smem:$0x3FB1]  }
0x2f: {  	lr =	sadd.s32 s0, s3;
	s0 =	sld [smem:$0x3FA8]  }
0x30: {  	s3 =	sld [smem:$0x3FAB]  }
0x31: {  	[smem:$0x3FB4] =	sst s10  }
0x32: {  	s10 =	sld [smem:$0x3FB2];
	_ =	sdelay $0x3  }
0x33: {  	p0 =	seq.s32 s10, $0x1;
	s10 =	sld [smem:$0x3FB4];
	_ =	sdelay $0x3  }
0x34: {  	[smem:$0x3FB4] =	sst s10  }
0x35: {  	s10 =	sld [smem:$0x3FB3];
	_ =	sdelay $0x3  }
0x36: {  	p1 =	seq.s32 s10, $0x1;
	s10 =	sld [smem:$0x3FB4];
	_ =	sdelay $0x3  }
0x37: {  	[smem:$0x3FB4] =	sst s10  }
0x38: {  	s10 =	sld [smem:$0x3FB5]  }
0x39: {  	_ = 	snop;
	(pc) =	sbr.ind lr, $3  }
0x3a: {  	_ = 	snop  }
0x3b: {  	_ = 	snop  }
0x3c: {  	p2 =	seq.s32 s10, $0x1;
	s10 =	sld [smem:$0x3FB4]  }
0x3d: {  	_ =	shalt  }
0x3e: {  	_ =	shalt  }
0x3f: {  	_ =	shalt  }
0x40: {  	_ =	shalt  }
0x41: {  	_ =	shalt  }
0x42: {  	_ =	shalt  }
0x43: {  	_ =	shalt  }
0x44: {  	_ =	shalt  }
0x45: {  	_ =	shalt  }
0x46: {  	_ =	shalt  }
0x47: {  	_ =	shalt  }
0x48: {  	_ =	shalt  }
0x49: {  	_ =	shalt  }
0x4a: {  	_ =	shalt  }
0x4b: {  	_ =	shalt  }
0x4c: {  	_ =	shalt  }
0x4d: {  	_ =	shalt  }
0x4e: {  	_ =	shalt  }
0x4f: {  	_ =	shalt  }
0x50: {  	_ =	shalt  }
0x51: {  	_ =	shalt  }
0x52: {  	_ =	shalt  }
0x53: {  	_ =	shalt  }
0x54: {  	_ =	shalt  }
0x55: {  	_ =	shalt  }
0x56: {  	_ =	shalt  }
0x57: {  	_ =	shalt  }
0x58: {  	_ =	shalt  }
0x59: {  	_ =	shalt  }
0x5a: {  	_ =	shalt  }
0x5b: {  	_ =	shalt  }
0x5c: {  	_ =	shalt  }
0x5d: {  	_ =	shalt  }
0x5e: {  	_ =	shalt  }
0x5f: {  	_ =	shalt  }
0x60: {  	_ =	shalt  }
0x61: {  	_ =	shalt  }
0x62: {  	_ =	shalt  }
0x63: {  	_ =	shalt  }
0x64: {  	_ =	shalt  }
0x65: {  	_ =	shalt  }
0x66: {  	_ =	shalt  }
0x67: {  	_ =	shalt  }
0x68: {  	_ =	shalt  }
0x69: {  	_ =	shalt  }
0x6a: {  	_ =	shalt  }
0x6b: {  	_ =	shalt  }
0x6c: {  	_ =	shalt  }
0x6d: {  	_ =	shalt  }
0x6e: {  	_ =	shalt  }
0x6f: {  	_ =	shalt  }
0x70: {  	_ =	shalt  }
0x71: {  	_ =	shalt  }
0x72: {  	_ =	shalt  }
0x73: {  	_ =	shalt  }
0x74: {  	_ =	shalt  }
0x75: {  	_ =	shalt  }
0x76: {  	_ =	shalt  }
0x77: {  	_ =	shalt  }
0x78: {  	_ =	shalt  }
0x79: {  	_ =	shalt  }
0x7a: {  	_ =	shalt  }
0x7b: {  	_ =	shalt  }
0x7c: {  	_ =	shalt  }
0x7d: {  	_ =	shalt  }
0x7e: {  	_ =	shalt  }
0x7f: {  	_ =	shalt  }
0x80: {  	_ =	shalt  }
0x81: {  	_ =	shalt  }
0x82: {  	_ =	shalt  }
0x83: {  	_ =	shalt  }
0x84: {  	_ =	shalt  }
0x85: {  	_ =	shalt  }
0x86: {  	_ =	shalt  }
0x87: {  	_ =	shalt  }
.Lfunc_end0:
.L_simem_size_0:
called_computation.4_lowered:
.L_overlay_start_0:
0x88: {  	s2 =	sld [smem:$0x3FD9]  }
0x89: {  	s3 =	sld [smem:$0x3FFE];
	_ =	sdelay $0x1  }
0x8a: {  	s1 =	srdreg.scid  }
0x8b: {  	s0 =	sand.u32 $0x1, s1  }
0x8c: {  	s17 =	sshll.u32 s0, $0xA;
	s2 =	sadd.s32 s3, s2  }
0x8d: {  	s2 =	sadd.s32 s2, s17  }
0x8e: {  	[smem:$0x3FC0] =	sst s2  }
0x8f: {  	_ = 	snop  }
0x90: {  	s2 =	sld [smem:$0x3FC6];
	(tm) =	ssettm $0x1  }
0x91: {  	s18 =	sld [smem:$0x3FFB];
	_ =	sdelay $0x3  }
0x92: {  	_ =	strace s18  }
0x93: {  	s3 =	sld [smem:$0x3FFC];
	_ =	sdelay $0x3  }
0x94: {  	_ =	strace s3  }
0x95: {  	s3 =	sld [smem:$0x3FFD];
	_ =	sdelay $0x3  }
0x96: {  	_ =	strace s3  }
0x97: {  	_ =	strace $0x8FFFFFFF  }
0x98: {  	s19 =	sld [smem:$0x3FDB];
	_ =	sdelay $0x1  }
0x99: {  	s4 =	simm.s32 $_scs_section_size  }
0x9a: {  	s5 =	simm.s32 $_size__tile_overlayer_lowered;
	s6 =	simm.s32 $_tile_overlayer_lowered  }
0x9b: {  	s22 =	simm.s32 $0x1BFF;
	s21 =	sshll.u32 s6, $0x1;
	s3 =	sadd.s32 s4, s19  }
0x9c: {  	s7 =	simm.s32 $0x0;
	s20 =	sshll.u32 s5, $0x1;
	s5 =	sadd.s32 s21, s3  }
0x9d: {  	[timem:s7], [sflag:s22] =	dma.local [hbm:s5], s20  }
0x9e: {  	_ =	swait.ge [sflag:s22], s20  }
0x9f: {  	s4 =	ssub.s32 $0x0, s20;
	[sflag:s22] =	ssyncset.done $0x0  }
0xa0: {  	[sflag:s22] =	ssyncadd.s32 s4;
	_ =	sdelay $0x1  }
0xa1: {  	s23 =	simm.s32 $0x1B8B  }
0xa2: {  	_ =	swait.ge [sflag:s23], $0x1  }
0xa3: {  	[sflag:s23] =	ssyncset.done $0x0  }
0xa4: {  	s25 =	simm.s32 $0x1B8E;
	s24 =	sld [smem:$0x3FFE];
	[sflag:s23] =	ssyncadd.s32 $0xFFFFFFFF  }
0xa5: {  	s26 =	simm.s32 $execute0_lowered;
	[smem:$0x3FD2] =	sst s25  }
0xa6: {  	s5 =	sshll.u32 s26, $0x1;
	_ =	strace $0x80000052;
	[dreg:$0x1] =	wrdreg $0xFFFFFFFF  }
0xa7: {  	s28 =	simm.s32 $_size_execute0_lowered;
	s3 =	sadd.s32 s3, s5;
	[dreg:$0x0] =	wrdreg $0x0  }
0xa8: {  	s5 =	sshll.u32 s28, $0x1;
	[dreg:$0x2] =	wrdreg s3  }
0xa9: {  	[dreg:$0x3] =	wrdreg s5  }
0xaa: {  	[dreg:$0x4] =	wrdreg $0xC0  }
0xab: {  	_ =	task [dreg:s7], $0x5FFFF  }
0xac: {  	[dreg:$0x1] =	wrdreg $0xFFFFFFFF  }
0xad: {  	[dreg:$0x0] =	wrdreg $0x60  }
0xae: {  	[dreg:$0x2] =	wrdreg s24  }
0xaf: {  	[dreg:$0x3] =	wrdreg s2  }
0xb0: {  	[dreg:$0x4] =	wrdreg $0x9  }
0xb1: {  	_ =	task.clear_ibuf [dreg:s7], $0x5FFFF;
	_ =	strace $0x90000052  }
0xb2: {  	s29 =	simm.s32 $0x9;
	_ =	strace $0x80000054  }
0xb3: {  	_ =	swait.ge [sflag:s29], $0x1  }
0xb4: {  	[sflag:s29] =	ssyncadd.s32 $0xFFFFFFFF  }
0xb5: {  	_ =	strace $0x90000054  }
0xb6: {  	_ =	sfence  }
0xb7: {  	s30 =	sld [smem:$0x0];
	_ =	sdelay $0x2  }
0xb8: {  	s31 =	sshll.u32 s1, $0xD;
	s1 =	sshrl.u32 s1, $0x2  }
0xb9: {  	s3 =	sand.u32 $0x4000, s31;
	s1 =	sadd.s32 s1, s30  }
0xba: {  	s0 =	sor.u32 s3, s0;
	s1 =	sshll.u32 s1, $0x11  }
0xbb: {  	s0 =	sor.u32 s1, s0  }
0xbc: {  	s0 =	sadd.s32 $0x8F2B, s0  }
0xbd: {  	[sflag:s0] =	ssyncadd.remote.s32 $0x1  }
0xbe: {  	_ =	sfence.sel $0xFFFF  }
0xbf: {  	[dreg:$0x0] =	wrdreg $0xFFFFFFFF;
	(pc) =	sbr.abs _section_cstart, $3  }
0xc0: {  	[dreg:$0x1] =	wrdreg $0xFFFFFFFF  }
0xc1: {  	_ =	task.clear_ibuf [dreg:s7], $0x2FFFF;
	_ =	strace $0x9FFFFFFF  }
0xc2: {  	(tm) =	ssettm $0x7FFFFFFF  }
0xc3: {  	_ =	shalt  }
tec
execute0_lowered:
.L_overlay_start_1:
0x0: {  	(tag) =	ssettag $0x1  }
0x1: {  	s8 =	rddreg [dreg:$0x0]  }
0x2: {  	s1 =	rddreg [dreg:$0x1]  }
0x3: {  	s0 =	rddreg [dreg:$0x2];
	s2 =	simm.s32 $0x0;
	s3 =	srdreg.scid  }
0x4: {  	s12 =	simm.s32 $0x1;
	s13 =	simm.s32 $0x3200;
	s14 =	simm.s32 $0x6400  }
0x5: {  	s15 =	simm.s32 $0x9600;
	s16 =	simm.s32 $0x9920;
	s17 =	simm.s32 $0x9C40  }
0x6: {  	s18 =	simm.s32 $0x9F70;
	s19 =	simm.s32 $0x0;
	[smem:$0x7FF] =	sst s2  }
0x7: {  	s6 =	sand.u32 $0x1, s3;
	s3 =	stileid.u32;
	s4 =	sadd.s32 $0x10F800, s8  }
.Ltmp0:
0x8: {  	s7 =	sadd.s32 $0xDEA00, s8;
	s5 =	sshll.u32 s6, $0x4;
	(pc) =	sbr.rel .LBB2_1-.Ltmp0, $4  }
0x9: {  	_ =	strace $0x80000053;
	s9 =	ssub.s32 $0x2, s6;
	s5 =	sor.u32 s3, s5  }
0xa: {  	s6 =	sadd.s32 $0xC8C00, s8;
	s11 =	sshrl.u32 s9, $0x1;
	s10 =	sshll.u32 s5, $0x1  }
0xb: {  	s11 =	ssub.s32 s9, s11;
	s10 =	sadd.s32 s10, s8;
	s8 =	sadd.s32 $0xC5A00, s8  }
0xc: {  	v0 =	vimm.f32 $0.0e+00;
	s9 =	sadd.s32 $0xCEE00, s10;
	s10 =	smax.u32 s11, $0x1;
	s11 =	simm.s32 $0x9F60  }
.LBB2_7:
0xd: {  	s19 =	sadd.s32 $0x1, s19  }
0xe: {  	p0 =	sne.s32 s19, s10  }
.Ltmp1:
0xf: {  	_ = 	snop;
	(pc) =	sbr.rel @!p0 .LBB2_8-.Ltmp1, $4  }
0x10: {  	[hbm4b:s9+s2] =	stream.linear.scatter [tilespmem:s18], [sflag:$0x1], $0x10, $0x38;
	[tilespmem:$0x9F80] =	vst v63  }
0x11: {  	_ =	swait.ge [sflag:s12], $0x10  }
0x12: {  	[sflag:s12] =	ssyncset.done $0x0  }
0x13: {  	[sflag:s12] =	ssyncadd.s32 $0xFFFFFFF0  }
.LBB2_1:
0x14: {  	[tilespmem:s11], [sflag:$0x1] =	stream.linear.gather [hbm4b:s1+s2], $0x10, $0x38;
	[tilespmem:$0x9F80] =	vst v63  }
.Ltmp2:
0x15: {  	_ = 	snop;
	(pc) =	sbr.rel .LBB2_2-.Ltmp2, $4  }
0x16: {  	_ =	swait.ge [sflag:s12], $0x10  }
0x17: {  	[sflag:s12] =	ssyncset.done $0x0  }
0x18: {  	[sflag:s12] =	ssyncadd.s32 $0xFFFFFFF0  }
0x19: {  	s20 =	simm.s32 $0x0;
	[tilespmem:$0x9F70] =	vst v0  }
.LBB2_6:
0x1a: {  	s20 =	sadd.s32 $0x1, s20  }
0x1b: {  	p0 =	sne.s32 s20, $0x4  }
.Ltmp3:
0x1c: {  	_ = 	snop;
	(pc) =	sbr.rel @!p0 .LBB2_7-.Ltmp3, $1  }
0x1d: {  	_ =	sdelay $0x3  }
.LBB2_2:
0x1e: {  	s21 =	sshll.u32 s20, $0x5  }
0x1f: {  	s21 =	sor.u32 s5, s21  }
0x20: {  	p0 =	sgt.u32 s21, $0x7C  }
.Ltmp4:
0x21: {  	_ = 	snop;
	(pc) =	sbr.rel @p0 .LBB2_6-.Ltmp4, $1  }
0x22: {  	_ =	sdelay $0x3  }
0x23: {  	s22 =	smul.u32 $0x640, s21;
	_ =	sdelay $0x1  }
0x24: {  	s26 =	smul.u32 $0x320, s21;
	s24 =	simm.s32 $0x0;
	s23 =	sadd.s32 s4, s22  }
0x25: {  	[tilespmem:s24], [sflag:$0x1] =	stream.linear.gather [hbm4b:s23+s24], $0x3200, $0x38;
	[tilespmem:$0x9F80] =	vst v63  }
0x26: {  	s28 =	sadd.s32 $0x186A0, s26;
	_ =	swait.ge [sflag:s12], $0x3200  }
0x27: {  	s25 =	sshll.u32 s28, $0x1;
	[sflag:s12] =	ssyncset.done $0x0  }
0x28: {  	s25 =	sadd.s32 s4, s25;
	[sflag:s12] =	ssyncadd.s32 $0xFFFFCE00  }
0x29: {  	[tilespmem:s13], [sflag:$0x1] =	stream.linear.gather [hbm4b:s25+s24], $0x3200, $0x38;
	[tilespmem:$0x9F80] =	vst v63  }
0x2a: {  	_ =	swait.ge [sflag:s12], $0x3200  }
0x2b: {  	[sflag:s12] =	ssyncset.done $0x0  }
0x2c: {  	s22 =	sadd.s32 s7, s22;
	[sflag:s12] =	ssyncadd.s32 $0xFFFFCE00  }
0x2d: {  	[tilespmem:s14], [sflag:$0x1] =	stream.linear.gather [hbm4b:s22+s24], $0x3200, $0x38;
	[tilespmem:$0x9F80] =	vst v63  }
0x2e: {  	_ =	swait.ge [sflag:s12], $0x3200  }
0x2f: {  	s21 =	sshrl.u32 s26, $0x3;
	[sflag:s12] =	ssyncset.done $0x0  }
0x30: {  	s29 =	sadd.s32 s8, s21;
	[sflag:s12] =	ssyncadd.s32 $0xFFFFCE00  }
0x31: {  	[tilespmem:s15], [sflag:$0x1] =	stream.linear.gather [hbm4b:s29+s24], $0x320, $0x38;
	[tilespmem:$0x9F80] =	vst v63  }
0x32: {  	_ =	swait.ge [sflag:s12], $0x320  }
0x33: {  	[sflag:s12] =	ssyncset.done $0x0  }
0x34: {  	s21 =	sadd.s32 s6, s21;
	[sflag:s12] =	ssyncadd.s32 $0xFFFFFCE0  }
0x35: {  	[tilespmem:s16], [sflag:$0x1] =	stream.linear.gather [hbm4b:s21+s24], $0x320, $0x38;
	[tilespmem:$0x9F80] =	vst v63  }
0x36: {  	_ =	swait.ge [sflag:s12], $0x320  }
0x37: {  	s30 =	sshrl.u32 s28, $0x3;
	[sflag:s12] =	ssyncset.done $0x0  }
0x38: {  	s21 =	sadd.s32 s6, s30;
	[sflag:s12] =	ssyncadd.s32 $0xFFFFFCE0  }
0x39: {  	[tilespmem:s17], [sflag:$0x1] =	stream.linear.gather [hbm4b:s21+s24], $0x320, $0x38;
	[tilespmem:$0x9F80] =	vst v63  }
0x3a: {  	_ =	swait.ge [sflag:s12], $0x320  }
0x3b: {  	[sflag:s12] =	ssyncset.done $0x0  }
0x3c: {  	[sflag:s12] =	ssyncadd.s32 $0xFFFFFCE0  }
0x3d: {  	v1 =	vld [tilespmem:$0x9F60]  }
0x3e: {  	s21 =	simm.s32 $0x6480;
	v16 =	vld [tilespmem:$0x9F70]  }
0x3f: {  	v5 =	vld [tilespmem:s21+$0x70]  }
0x40: {  	s22 =	simm.s32 $0x80;
	v6 =	vld [tilespmem:s21+$0x60]  }
0x41: {  	s23 =	simm.s32 $0x3280;
	v4 =	vld [tilespmem:s22+$0x70]  }
0x42: {  	v7 =	vld [tilespmem:s23+$0x70]  }
0x43: {  	v9 =	vld [tilespmem:s21+$0x50]  }
0x44: {  	v8 =	vld [tilespmem:s22+$0x60]  }
0x45: {  	v11 =	vld [tilespmem:s23+$0x60]  }
0x46: {  	v10 =	vld [tilespmem:s21+$0x40]  }
0x47: {  	v15 =	vld [tilespmem:s22+$0x50]  }
0x48: {  	v17 =	vld [tilespmem:s23+$0x50]  }
0x49: {  	v12 =	vld [tilespmem:s21+$0x30]  }
0x4a: {  	v20 =	vld [tilespmem:s22+$0x40]  }
0x4b: {  	v21 =	vld [tilespmem:s23+$0x40]  }
0x4c: {  	v13 =	vld [tilespmem:s21+$0x20]  }
0x4d: {  	v24 =	vld [tilespmem:s22+$0x30]  }
0x4e: {  	v28 =	vld [tilespmem:s23+$0x30]  }
0x4f: {  	v14 =	vld [tilespmem:s21+$0x10]  }
0x50: {  	v22 =	vld [tilespmem:s22+$0x20]  }
0x51: {  	v30 =	vld [tilespmem:s23+$0x20]  }
0x52: {  	v44 =	vld [tilespmem:s22+$0x10]  }
0x53: {  	v45 =	vld [tilespmem:s23+$0x10]  }
0x54: {  	v46 =	vld [tilespmem:s22+$0x0]  }
0x55: {  	v47 =	vld [tilespmem:s23+$0x0]  }
0x56: {  	v48 =	vld [tilespmem:s22+$0xFFFFFFF0]  }
0x57: {  	v49 =	vld [tilespmem:s23+$0xFFFFFFF0]  }
0x58: {  	v50 =	vld [tilespmem:s22+$0xFFFFFFE0]  }
0x59: {  	v51 =	vld [tilespmem:s23+$0xFFFFFFE0]  }
0x5a: {  	v26 =	vld [tilespmem:s22+$0xFFFFFFD0]  }
0x5b: {  	v29 =	vld [tilespmem:s23+$0xFFFFFFD0]  }
0x5c: {  	v23 =	vld [tilespmem:s22+$0xFFFFFFC0]  }
0x5d: {  	s31 =	simm.s32 $0x0;
	v32 =	vld [tilespmem:s23+$0xFFFFFFC0]  }
0x5e: {  	v19 =	vld [tilespmem:s31+$0x9600]  }
0x5f: {  	v18 =	vld [tilespmem:s22+$0xFFFFFFB0]  }
0x60: {  	v33 =	vld [tilespmem:s23+$0xFFFFFFB0]  }
0x61: {  	v36 =	vld [tilespmem:s22+$0xFFFFFFA0]  }
0x62: {  	v38 =	vld [tilespmem:s23+$0xFFFFFFA0]  }
0x63: {  	v37 =	vld [tilespmem:s22+$0xFFFFFF90]  }
0x64: {  	v39 =	vld [tilespmem:s23+$0xFFFFFF90];
	v2 =	vbroadcast v19, $0xF;
	v3 =	vbroadcast v19, $0xE;
	v34 =	vadd.f32 v7, v4  }
0x65: {  	v40 =	vld [tilespmem:s31+$0x9920];
	v27 =	vadd.f32 v17, v15;
	v4 =	vbroadcast v19, $0xD;
	v35 =	vadd.f32 v11, v8  }
0x66: {  	v41 =	vld [tilespmem:s31+$0x9C40];
	v8 =	vbroadcast v19, $0xB;
	v25 =	vadd.f32 v21, v20;
	v7 =	vbroadcast v19, $0xC  }
0x67: {  	v42 =	vld [tilespmem:s22+$0xFFFFFF80];
	v22 =	vadd.f32 v30, v22;
	v11 =	vbroadcast v19, $0xA;
	v31 =	vadd.f32 v28, v24  }
0x68: {  	v43 =	vld [tilespmem:s23+$0xFFFFFF80];
	v20 =	vadd.f32 v47, v46;
	v28 =	vadd.f32 v45, v44;
	v15 =	vbroadcast v19, $0x9  }
0x69: {  	s25 =	simm.s32 $0x40;
	s24 =	simm.s32 $0x6480;
	v21 =	vadd.f32 v51, v50;
	v24 =	vadd.f32 v49, v48;
	v30 =	vld [tilespmem:s21+$0x0];
	v17 =	vbroadcast v19, $0x8  }
.LBB2_4:
0x6a: {  	p0 =	sne.s32 s25, $0xC40;
	v44 =	vadd.f32 v32, v23;
	v45 =	vadd.f32 v29, v26;
	v46 =	vld [tilespmem:s21+$0xFFFFFFF0];
	v47 =	vbroadcast v19, $0x7  }
0x6b: {  	v36 =	vadd.f32 v38, v36;
	v33 =	vadd.f32 v33, v18;
	v38 =	vbroadcast v19, $0x6;
	v48 =	vld [tilespmem:s21+$0xFFFFFF80]  }
0x6c: {  	v37 =	vadd.f32 v39, v37;
	v39 =	vbroadcast v19, $0x5;
	v40 =	vadd.f32 v41, v40;
	v41 =	vld [tilespmem:s21+$0xFFFFFFE0]  }
0x6d: {  	v49 =	vbroadcast v19, $0x4;
	v18 =	vsub.f32 v34, v5;
	v42 =	vadd.f32 v43, v42;
	v43 =	vld [tilespmem:s21+$0xFFFFFF90]  }
0x6e: {  	v34 =	vbroadcast v19, $0x3;
	v26 =	vsub.f32 v27, v9;
	v23 =	vsub.f32 v35, v6;
	v50 =	vld [tilespmem:s21+$0xFFFFFFD0]  }
0x6f: {  	v27 =	vbroadcast v19, $0x2;
	v32 =	vsub.f32 v31, v12;
	v29 =	vsub.f32 v25, v10;
	v9 =	vld [tilespmem:s21+$0xFFFFFFA0]  }
0x70: {  	v10 =	vbroadcast v19, $0x0;
	v35 =	vsub.f32 v22, v13;
	s21 =	sadd.s32 $0x100, s21;
	v6 =	vsub.f32 v42, v48;
	v12 =	vld [tilespmem:s24+$0xFFFFFFB0]  }
0x71: {  	v25 =	vbroadcast v19, $0x1;
	v13 =	vsub.f32 v40, v19;
	v40 =	vsub.f32 v28, v14;
	v5 =	vld [tilespmem:s21+$0x70]  }
0x72: {  	v10 =	vmul.f32 v6, v10;
	v14 =	vsub.f32 v37, v43;
	v28 =	vld [tilespmem:s24+$0xFFFFFFC0];
	v37 =	vsub.f32 v20, v30;
	s24 =	smov.u32 s21  }
0x73: {  	s22 =	sadd.s32 $0x100, s22;
	v22 =	vmul.f32 v13, v19;
	v19 =	vsub.f32 v24, v46;
	v13 =	vsub.f32 v21, v41;
	v6 =	vld [tilespmem:s21+$0x60]  }
0x74: {  	s23 =	sadd.s32 $0x100, s23;
	v20 =	vld [tilespmem:s22+$0x70];
	v10 =	vadd.f32 v10, v1;
	v14 =	vmul.f32 v14, v25;
	v24 =	vsub.f32 v36, v9  }
0x75: {  	v30 =	vsub.f32 v45, v50;
	v25 =	vbroadcast v22, $0x0;
	v21 =	vld [tilespmem:s23+$0x70];
	v12 =	vsub.f32 v33, v12  }
0x76: {  	v9 =	vld [tilespmem:s21+$0x50];
	v10 =	vmax.f32 v10, $0.0e+00;
	v14 =	vadd.f32 v14, v1;
	v27 =	vmul.f32 v24, v27  }
0x77: {  	v33 =	vbroadcast v22, $0x1;
	v24 =	vld [tilespmem:s22+$0x60];
	v31 =	vmul.f32 v10, v25;
	v28 =	vsub.f32 v44, v28  }
0x78: {  	v12 =	vmul.f32 v12, v34;
	v25 =	vld [tilespmem:s23+$0x60];
	v14 =	vmax.f32 v14, $0.0e+00;
	v36 =	vadd.f32 v27, v1  }
0x79: {  	v10 =	vld [tilespmem:s21+$0x40];
	v16 =	vadd.f32 v31, v16;
	v14 =	vmul.f32 v14, v33;
	v31 =	vbroadcast v22, $0x2  }
0x7a: {  	v34 =	vadd.f32 v12, v1;
	v27 =	vld [tilespmem:s22+$0x50];
	v33 =	vmax.f32 v36, $0.0e+00;
	v36 =	vmul.f32 v28, v49  }
0x7b: {  	v28 =	vld [tilespmem:s23+$0x50];
	v14 =	vadd.f32 v14, v16;
	v16 =	vmul.f32 v33, v31;
	v31 =	vbroadcast v22, $0x3  }
0x7c: {  	v33 =	vmax.f32 v34, $0.0e+00;
	v12 =	vld [tilespmem:s21+$0x30];
	v34 =	vadd.f32 v36, v1;
	v36 =	vmul.f32 v30, v39  }
0x7d: {  	v30 =	vld [tilespmem:s22+$0x40];
	v14 =	vadd.f32 v16, v14;
	v16 =	vmul.f32 v33, v31;
	v33 =	vbroadcast v22, $0x4  }
0x7e: {  	v38 =	vmul.f32 v13, v38;
	v31 =	vld [tilespmem:s23+$0x40];
	v34 =	vmax.f32 v34, $0.0e+00;
	v36 =	vadd.f32 v36, v1  }
0x7f: {  	v13 =	vld [tilespmem:s21+$0x20];
	v14 =	vadd.f32 v16, v14;
	v16 =	vmul.f32 v34, v33;
	v33 =	vbroadcast v22, $0x5  }
0x80: {  	v19 =	vmul.f32 v19, v47;
	v43 =	vld [tilespmem:s22+$0x30];
	v34 =	vmax.f32 v36, $0.0e+00;
	v36 =	vadd.f32 v38, v1  }
0x81: {  	v44 =	vld [tilespmem:s23+$0x30];
	v16 =	vadd.f32 v16, v14;
	v33 =	vmul.f32 v34, v33;
	v34 =	vbroadcast v22, $0x6  }
0x82: {  	v19 =	vadd.f32 v19, v1;
	v17 =	vmul.f32 v37, v17;
	v14 =	vld [tilespmem:s21+$0x10];
	v36 =	vmax.f32 v36, $0.0e+00  }
0x83: {  	v45 =	vld [tilespmem:s22+$0x20];
	v16 =	vadd.f32 v33, v16;
	v33 =	vmul.f32 v36, v34;
	v34 =	vbroadcast v22, $0x7  }
0x84: {  	v15 =	vmul.f32 v40, v15;
	v19 =	vmax.f32 v19, $0.0e+00;
	v17 =	vadd.f32 v17, v1;
	v46 =	vld [tilespmem:s23+$0x20]  }
0x85: {  	v47 =	vld [tilespmem:s22+$0x10];
	v16 =	vadd.f32 v33, v16;
	v19 =	vmul.f32 v19, v34;
	v33 =	vbroadcast v22, $0x8  }
0x86: {  	v11 =	vmul.f32 v35, v11;
	v15 =	vadd.f32 v15, v1;
	v17 =	vmax.f32 v17, $0.0e+00;
	v48 =	vld [tilespmem:s23+$0x10]  }
0x87: {  	v49 =	vld [tilespmem:s22+$0x0];
	v16 =	vadd.f32 v19, v16;
	v17 =	vmul.f32 v17, v33;
	v19 =	vbroadcast v22, $0x9  }
0x88: {  	v8 =	vmul.f32 v32, v8;
	v11 =	vadd.f32 v11, v1;
	v15 =	vmax.f32 v15, $0.0e+00;
	v50 =	vld [tilespmem:s23+$0x0]  }
0x89: {  	v51 =	vld [tilespmem:s22+$0xFFFFFFF0];
	v16 =	vadd.f32 v17, v16;
	v15 =	vmul.f32 v15, v19;
	v17 =	vbroadcast v22, $0xA  }
0x8a: {  	v7 =	vmul.f32 v29, v7;
	v8 =	vadd.f32 v8, v1;
	v11 =	vmax.f32 v11, $0.0e+00;
	v52 =	vld [tilespmem:s23+$0xFFFFFFF0]  }
0x8b: {  	v53 =	vld [tilespmem:s22+$0xFFFFFFE0];
	v15 =	vadd.f32 v15, v16;
	v11 =	vmul.f32 v11, v17;
	v16 =	vbroadcast v22, $0xB  }
0x8c: {  	v4 =	vmul.f32 v26, v4;
	v7 =	vadd.f32 v7, v1;
	v8 =	vmax.f32 v8, $0.0e+00;
	v17 =	vld [tilespmem:s23+$0xFFFFFFE0]  }
0x8d: {  	v26 =	vld [tilespmem:s22+$0xFFFFFFD0];
	v11 =	vadd.f32 v11, v15;
	v8 =	vmul.f32 v8, v16;
	v15 =	vbroadcast v22, $0xC  }
0x8e: {  	v3 =	vmul.f32 v23, v3;
	v4 =	vadd.f32 v4, v1;
	v7 =	vmax.f32 v7, $0.0e+00;
	v29 =	vld [tilespmem:s23+$0xFFFFFFD0]  }
0x8f: {  	v23 =	vld [tilespmem:s22+$0xFFFFFFC0];
	v8 =	vadd.f32 v8, v11;
	v7 =	vmul.f32 v7, v15;
	v11 =	vbroadcast v22, $0xD  }
0x90: {  	s26 =	sshra.s32 s25, $0x2;
	v2 =	vmul.f32 v18, v2;
	v3 =	vadd.f32 v3, v1;
	v4 =	vmax.f32 v4, $0.0e+00;
	v32 =	vld [tilespmem:s23+$0xFFFFFFC0]  }
0x91: {  	v19 =	vld [tilespmem:s26+$0x9600];
	v7 =	vadd.f32 v7, v8;
	v4 =	vmul.f32 v4, v11;
	v8 =	vbroadcast v22, $0xE  }
0x92: {  	v2 =	vadd.f32 v2, v1;
	v3 =	vmax.f32 v3, $0.0e+00;
	v18 =	vld [tilespmem:s22+$0xFFFFFFB0]  }
0x93: {  	v33 =	vld [tilespmem:s23+$0xFFFFFFB0];
	v4 =	vadd.f32 v4, v7;
	v3 =	vmul.f32 v3, v8;
	v7 =	vbroadcast v22, $0xF  }
0x94: {  	v2 =	vmax.f32 v2, $0.0e+00;
	v36 =	vld [tilespmem:s22+$0xFFFFFFA0]  }
0x95: {  	v38 =	vld [tilespmem:s23+$0xFFFFFFA0];
	v4 =	vadd.f32 v3, v4;
	v7 =	vmul.f32 v2, v7  }
0x96: {  	v37 =	vld [tilespmem:s22+$0xFFFFFF90];
	v2 =	vbroadcast v19, $0xF  }
0x97: {  	v34 =	vadd.f32 v21, v20;
	v3 =	vbroadcast v19, $0xE;
	v39 =	vld [tilespmem:s23+$0xFFFFFF90];
	v16 =	vadd.f32 v7, v4  }
.Ltmp5:
0x98: {  	v35 =	vadd.f32 v25, v24;
	v27 =	vadd.f32 v28, v27;
	v4 =	vbroadcast v19, $0xD;
	v40 =	vld [tilespmem:s26+$0x9920];
	(pc) =	sbr.rel @p0 .LBB2_4-.Ltmp5, $4  }
0x99: {  	v25 =	vadd.f32 v31, v30;
	v8 =	vbroadcast v19, $0xB;
	v7 =	vbroadcast v19, $0xC;
	v41 =	vld [tilespmem:s26+$0x9C40]  }
0x9a: {  	v31 =	vadd.f32 v44, v43;
	v22 =	vadd.f32 v46, v45;
	v11 =	vbroadcast v19, $0xA;
	v42 =	vld [tilespmem:s22+$0xFFFFFF80]  }
0x9b: {  	v28 =	vadd.f32 v48, v47;
	v20 =	vadd.f32 v50, v49;
	v15 =	vbroadcast v19, $0x9;
	v43 =	vld [tilespmem:s23+$0xFFFFFF80]  }
0x9c: {  	s25 =	sadd.s32 $0x40, s25;
	v24 =	vadd.f32 v52, v51;
	v21 =	vadd.f32 v17, v53;
	v17 =	vbroadcast v19, $0x8;
	v30 =	vld [tilespmem:s21+$0x0]  }
0x9d: {  	v23 =	vadd.f32 v32, v23;
	v26 =	vadd.f32 v29, v26;
	v59 =	vld [tilespmem:s21+$0xFFFFFFF0];
	v32 =	vbroadcast v19, $0x7  }
0x9e: {  	v44 =	vld [tilespmem:s21+$0xFFFFFF80];
	v36 =	vadd.f32 v38, v36;
	v18 =	vadd.f32 v33, v18;
	v33 =	vbroadcast v19, $0x6  }
0x9f: {  	v37 =	vadd.f32 v39, v37;
	v39 =	vbroadcast v19, $0x5;
	v61 =	vld [tilespmem:s21+$0xFFFFFFE0];
	v5 =	vsub.f32 v34, v5  }
0xa0: {  	v63 =	vld [tilespmem:s21+$0xFFFFFF90];
	v48 =	vbroadcast v19, $0x4;
	v9 =	vsub.f32 v27, v9;
	v6 =	vsub.f32 v35, v6  }
0xa1: {  	v49 =	vbroadcast v19, $0x3;
	v45 =	vld [tilespmem:s21+$0xFFFFFFD0];
	v12 =	vsub.f32 v31, v12;
	v62 =	vadd.f32 v43, v42  }
0xa2: {  	v50 =	vld [tilespmem:s21+$0xFFFFFFA0];
	v51 =	vbroadcast v19, $0x2;
	v10 =	vsub.f32 v25, v10;
	v60 =	vadd.f32 v41, v40  }
0xa3: {  	v53 =	vbroadcast v19, $0x0;
	v54 =	vld [tilespmem:s24+$0xFFFFFFB0];
	v13 =	vsub.f32 v22, v13;
	v52 =	vsub.f32 v62, v44  }
0xa4: {  	v56 =	vbroadcast v19, $0x1;
	v14 =	vsub.f32 v28, v14;
	v55 =	vsub.f32 v60, v19  }
0xa5: {  	v58 =	vld [tilespmem:s24+$0xFFFFFFC0];
	v20 =	vsub.f32 v20, v30;
	v57 =	vsub.f32 v37, v63;
	v25 =	vmul.f32 v52, v53  }
0xa6: {  	v19 =	vmul.f32 v55, v19;
	v21 =	vsub.f32 v21, v61;
	v59 =	vsub.f32 v24, v59  }
0xa7: {  	v27 =	vsub.f32 v36, v50;
	v61 =	vmul.f32 v57, v56;
	v60 =	vadd.f32 v25, v1  }
0xa8: {  	v18 =	vsub.f32 v18, v54;
	v26 =	vsub.f32 v26, v45;
	v62 =	vbroadcast v19, $0x0  }
0xa9: {  	v27 =	vmul.f32 v27, v51;
	v25 =	vadd.f32 v61, v1;
	v24 =	vmax.f32 v60, $0.0e+00  }
0xaa: {  	v23 =	vsub.f32 v23, v58;
	v63 =	vbroadcast v19, $0x1;
	v24 =	vmul.f32 v24, v62  }
0xab: {  	v18 =	vmul.f32 v18, v49;
	v27 =	vadd.f32 v27, v1;
	v25 =	vmax.f32 v25, $0.0e+00  }
0xac: {  	v31 =	vbroadcast v19, $0x2;
	v30 =	vmul.f32 v25, v63;
	v16 =	vadd.f32 v24, v16  }
0xad: {  	v23 =	vmul.f32 v23, v48;
	v18 =	vadd.f32 v18, v1;
	v27 =	vmax.f32 v27, $0.0e+00  }
0xae: {  	v35 =	vbroadcast v19, $0x3;
	v34 =	vmul.f32 v27, v31;
	v16 =	vadd.f32 v30, v16  }
0xaf: {  	v26 =	vmul.f32 v26, v39;
	v23 =	vadd.f32 v23, v1;
	v18 =	vmax.f32 v18, $0.0e+00  }
0xb0: {  	v36 =	vbroadcast v19, $0x4;
	v18 =	vmul.f32 v18, v35;
	v16 =	vadd.f32 v34, v16  }
0xb1: {  	v21 =	vmul.f32 v21, v33;
	v37 =	vadd.f32 v26, v1;
	v23 =	vmax.f32 v23, $0.0e+00  }
0xb2: {  	v39 =	vbroadcast v19, $0x5;
	v38 =	vmul.f32 v23, v36;
	v16 =	vadd.f32 v18, v16  }
0xb3: {  	v22 =	vmul.f32 v59, v32;
	v21 =	vadd.f32 v21, v1;
	v40 =	vmax.f32 v37, $0.0e+00  }
0xb4: {  	v42 =	vbroadcast v19, $0x6;
	v41 =	vmul.f32 v40, v39;
	v16 =	vadd.f32 v38, v16  }
0xb5: {  	v17 =	vmul.f32 v20, v17;
	v22 =	vadd.f32 v22, v1;
	v21 =	vmax.f32 v21, $0.0e+00  }
0xb6: {  	v44 =	vbroadcast v19, $0x7;
	v43 =	vmul.f32 v21, v42;
	v16 =	vadd.f32 v41, v16  }
0xb7: {  	v14 =	vmul.f32 v14, v15;
	v17 =	vadd.f32 v17, v1;
	v45 =	vmax.f32 v22, $0.0e+00  }
0xb8: {  	v48 =	vbroadcast v19, $0x8;
	v47 =	vmul.f32 v45, v44;
	v46 =	vadd.f32 v43, v16  }
0xb9: {  	v11 =	vmul.f32 v13, v11;
	v14 =	vadd.f32 v14, v1;
	v17 =	vmax.f32 v17, $0.0e+00  }
0xba: {  	v51 =	vbroadcast v19, $0x9;
	v50 =	vmul.f32 v17, v48;
	v49 =	vadd.f32 v47, v46  }
0xbb: {  	v8 =	vmul.f32 v12, v8;
	v11 =	vadd.f32 v11, v1;
	v14 =	vmax.f32 v14, $0.0e+00  }
0xbc: {  	v54 =	vbroadcast v19, $0xA;
	v53 =	vmul.f32 v14, v51;
	v52 =	vadd.f32 v50, v49  }
0xbd: {  	v7 =	vmul.f32 v10, v7;
	v8 =	vadd.f32 v8, v1;
	v11 =	vmax.f32 v11, $0.0e+00  }
0xbe: {  	v56 =	vbroadcast v19, $0xB;
	v11 =	vmul.f32 v11, v54;
	v55 =	vadd.f32 v53, v52  }
0xbf: {  	v4 =	vmul.f32 v9, v4;
	v7 =	vadd.f32 v7, v1;
	v8 =	vmax.f32 v8, $0.0e+00  }
0xc0: {  	v58 =	vbroadcast v19, $0xC;
	v8 =	vmul.f32 v8, v56;
	v57 =	vadd.f32 v11, v55  }
0xc1: {  	v3 =	vmul.f32 v6, v3;
	v4 =	vadd.f32 v4, v1;
	v7 =	vmax.f32 v7, $0.0e+00  }
0xc2: {  	v7 =	vmul.f32 v7, v58;
	v60 =	vbroadcast v19, $0xD;
	v59 =	vadd.f32 v8, v57  }
0xc3: {  	v2 =	vmul.f32 v5, v2;
	v3 =	vadd.f32 v3, v1;
	v4 =	vmax.f32 v4, $0.0e+00  }
0xc4: {  	v62 =	vbroadcast v19, $0xE;
	v4 =	vmul.f32 v4, v60;
	v61 =	vadd.f32 v7, v59  }
0xc5: {  	v3 =	vmax.f32 v3, $0.0e+00;
	v1 =	vadd.f32 v2, v1  }
0xc6: {  	v63 =	vbroadcast v19, $0xF;
	v3 =	vmul.f32 v3, v62;
	v2 =	vadd.f32 v4, v61  }
0xc7: {  	v1 =	vmax.f32 v1, $0.0e+00  }
.Ltmp6:
0xc8: {  	v1 =	vmul.f32 v1, v63;
	v2 =	vadd.f32 v3, v2;
	(pc) =	sbr.rel .LBB2_6-.Ltmp6, $3  }
0xc9: {  	_ = 	snop  }
0xca: {  	v1 =	vadd.f32 v1, v2;
	_ =	sdelay $0x1  }
0xcb: {  	[tilespmem:$0x9F70] =	vst v1  }
.LBB2_8:
0xcc: {  	_ =	sfence.sel $0x180000  }
0xcd: {  	[bflag:$0x0] =	sbarrier.arrive $0xFFFF  }
0xce: {  	p0 =	sne.s32 s3, $0x0;
	_ =	strace $0x90000053  }
0xcf: {  	s0 =	sadd.s32 @!p0 $0x100000, s0;
	[bflag:$0x2] =	sbarrier.arrive $0xFFFF  }
0xd0: {  	[sflag:s0] =	ssyncadd.tile.s32 @!p0 $0x1;
	_ =	shalt  }
.Lfunc_end2:
_tile_overlayer_lowered:
.L_overlay_start_2:
0xd1: {  	(tag) =	ssettag $0x2  }
0xd2: {  	s0 =	rddreg [dreg:$0x0];
	s2 =	stileid.u32  }
0xd3: {  	s1 =	rddreg [dreg:$0x1];
	p0 =	sne.s32 s2, $0x0  }
0xd4: {  	s3 =	rddreg [dreg:$0x2];
	[bflag:$0x3] =	sbarrier.arrive $0xFFFF;
	s2 =	simm.s32 @!p0 $0x1C01  }
0xd5: {  	[timem:s3], [sflag:s2] =	dma.local @!p0 [hbm:s0], s1  }
0xd6: {  	s0 =	simm.s32 @!p0 $0x1  }
0xd7: {  	_ =	swait.ge @!p0 [sflag:s0], s1  }
0xd8: {  	s1 =	ssub.s32 @!p0 $0x0, s1;
	[sflag:s0] =	ssyncset.done @!p0 $0x0  }
0xd9: {  	[sflag:s0] =	ssyncadd.s32 @!p0 s1  }
0xda: {  	[bflag:$0x3] =	sbarrier.arrive $0xFFFF  }
0xdb: {  	_ =	shalt  }

// kernel: kernel.8.cloned.1.call-start
scs
__scs_entry_jumppad:
0x0: {  	(pc) =	sbr.rel $0x88, $3  }
0x1: {  	(tag) =	ssettag $0x0;
	lr =	simm.s32 $0x1  }
0x2: {  	[smem:$0x3F99] =	sst lr;
	_ =	strace $0xD0000000  }
0x3: {  	_ = 	snop  }
0x4: {  	_ = 	snop  }
0x5: {  	_ = 	snop  }
0x6: {  	_ = 	snop  }
0x7: {  	_ = 	snop  }
__scs_overlays_trampoline_lowered:
0x8: {  	[smem:$0x3FA8] =	sst s0  }
0x9: {  	[smem:$0x3FA9] =	sst s1  }
0xa: {  	[smem:$0x3FAA] =	sst s2  }
0xb: {  	[smem:$0x3FAB] =	sst s3  }
0xc: {  	[smem:$0x3FAC] =	sst s4  }
0xd: {  	[smem:$0x3FAD] =	sst s5  }
0xe: {  	[smem:$0x3FAE] =	sst s6  }
0xf: {  	[smem:$0x3FAF] =	sst s7  }
0x10: {  	[smem:$0x3FB0] =	sst s8  }
0x11: {  	[smem:$0x3FB1] =	sst s9;
	s0 =	simm.s32 @!p0 $0x0  }
0x12: {  	s1 =	sld [smem:$0x3F97];
	s0 =	simm.s32 @p0 $0x1  }
0x13: {  	[smem:$0x3FB2] =	sst s0;
	s0 =	simm.s32 @!p1 $0x0  }
0x14: {  	s2 =	sld [smem:$0x3F96];
	s0 =	simm.s32 @p1 $0x1  }
0x15: {  	[smem:$0x3FB3] =	sst s0;
	s0 =	simm.s32 @!p2 $0x0  }
0x16: {  	s3 =	sld [smem:$0x3FDB];
	s0 =	simm.s32 @p2 $0x1  }
0x17: {  	s4 =	simm.s32 $0x1BF5;
	[smem:$0x3FB5] =	sst s0  }
0x18: {  	s0 =	sld [smem:$0x3F98];
	_ =	swait.ge [sflag:s4], $0x0  }
0x19: {  	s7 =	sld [smem:$0x3F99]  }
0x1a: {  	s8 =	sadd.s32 $0xFFFFE003, lr  }
0x1b: {  	s9 =	sadd.s32 $0xFFFFFEF7, lr;
	s5 =	simm.s32 $0xFFFFFFFF;
	p2 =	slt.u32 s8, $0xFFFFF086  }
0x1c: {  	p1 =	slt.u32 s9, $0xF7A;
	s5 =	simm.s32 @!p2 $0x0  }
0x1d: {  	s5 =	simm.s32 @p1 $0x1;
	p0 =	seq.s32 s7, s2  }
0x1e: {  	s7 =	smul.u32 @!p0 $0xF7A, s2;
	p2 =	seq.s32 @!p0 s5, $0x0  }
0x1f: {  	s9 =	smul.u32 $0xF7A, s1;
	s8 =	simm.s32 @!p0 $0x1BF5;
	p2 =	por !p2, p0  }
0x20: {  	[sflag:s8] =	ssyncset.s32 @!p0 $0xFFFFF086;
	s6 =	sadd.s32 @!p0 s3, s7;
	s7 =	simm.s32 @!p0 $0x108  }
0x21: {  	s3 =	sadd.s32 s3, s9;
	s6 =	sadd.s32 @!p0 $0x88, s6;
	s7 =	simm.s32 @p2 $0x1082  }
0x22: {  	[simem:s7], [sflag:s8] =	dma.local @!p0 [hbm:s6], $0xF7A  }
0x23: {  	s9 =	sor.u32 $0xD0000000, s2;
	s6 =	simm.s32 $0x108;
	_ =	swait.ge @!p0 [sflag:s8], $0x0  }
0x24: {  	s3 =	sadd.s32 $0x88, s3;
	s6 =	simm.s32 @!p1 $0x1082;
	[sflag:s4] =	ssyncset.s32 $0xFFFFF086  }
0x25: {  	[simem:s6], [sflag:s4] =	dma.local [hbm:s3], $0xF7A  }
0x26: {  	[smem:$0x3F99] =	sst s1;
	(tag) =	ssettag s2;
	_ =	strace s9  }
0x27: {  	s1 =	sld [smem:$0x3FA9]  }
0x28: {  	s2 =	sld [smem:$0x3FAA]  }
0x29: {  	s4 =	sld [smem:$0x3FAC]  }
0x2a: {  	p0 =	seq.s32 s5, $0x0;
	s5 =	sld [smem:$0x3FAD]  }
0x2b: {  	s6 =	sld [smem:$0x3FAE]  }
0x2c: {  	s7 =	sld [smem:$0x3FAF]  }
0x2d: {  	s3 =	simm.s32 $0x108;
	s8 =	sld [smem:$0x3FB0]  }
0x2e: {  	s3 =	simm.s32 @!p0 $0x1082;
	s9 =	sld [smem:$0x3FB1]  }
0x2f: {  	lr =	sadd.s32 s0, s3;
	s0 =	sld [smem:$0x3FA8]  }
0x30: {  	s3 =	sld [smem:$0x3FAB]  }
0x31: {  	[smem:$0x3FB4] =	sst s10  }
0x32: {  	s10 =	sld [smem:$0x3FB2];
	_ =	sdelay $0x3  }
0x33: {  	p0 =	seq.s32 s10, $0x1;
	s10 =	sld [smem:$0x3FB4];
	_ =	sdelay $0x3  }
0x34: {  	[smem:$0x3FB4] =	sst s10  }
0x35: {  	s10 =	sld [smem:$0x3FB3];
	_ =	sdelay $0x3  }
0x36: {  	p1 =	seq.s32 s10, $0x1;
	s10 =	sld [smem:$0x3FB4];
	_ =	sdelay $0x3  }
0x37: {  	[smem:$0x3FB4] =	sst s10  }
0x38: {  	s10 =	sld [smem:$0x3FB5]  }
0x39: {  	_ = 	snop;
	(pc) =	sbr.ind lr, $3  }
0x3a: {  	_ = 	snop  }
0x3b: {  	_ = 	snop  }
0x3c: {  	p2 =	seq.s32 s10, $0x1;
	s10 =	sld [smem:$0x3FB4]  }
0x3d: {  	_ =	shalt  }
0x3e: {  	_ =	shalt  }
0x3f: {  	_ =	shalt  }
0x40: {  	_ =	shalt  }
0x41: {  	_ =	shalt  }
0x42: {  	_ =	shalt  }
0x43: {  	_ =	shalt  }
0x44: {  	_ =	shalt  }
0x45: {  	_ =	shalt  }
0x46: {  	_ =	shalt  }
0x47: {  	_ =	shalt  }
0x48: {  	_ =	shalt  }
0x49: {  	_ =	shalt  }
0x4a: {  	_ =	shalt  }
0x4b: {  	_ =	shalt  }
0x4c: {  	_ =	shalt  }
0x4d: {  	_ =	shalt  }
0x4e: {  	_ =	shalt  }
0x4f: {  	_ =	shalt  }
0x50: {  	_ =	shalt  }
0x51: {  	_ =	shalt  }
0x52: {  	_ =	shalt  }
0x53: {  	_ =	shalt  }
0x54: {  	_ =	shalt  }
0x55: {  	_ =	shalt  }
0x56: {  	_ =	shalt  }
0x57: {  	_ =	shalt  }
0x58: {  	_ =	shalt  }
0x59: {  	_ =	shalt  }
0x5a: {  	_ =	shalt  }
0x5b: {  	_ =	shalt  }
0x5c: {  	_ =	shalt  }
0x5d: {  	_ =	shalt  }
0x5e: {  	_ =	shalt  }
0x5f: {  	_ =	shalt  }
0x60: {  	_ =	shalt  }
0x61: {  	_ =	shalt  }
0x62: {  	_ =	shalt  }
0x63: {  	_ =	shalt  }
0x64: {  	_ =	shalt  }
0x65: {  	_ =	shalt  }
0x66: {  	_ =	shalt  }
0x67: {  	_ =	shalt  }
0x68: {  	_ =	shalt  }
0x69: {  	_ =	shalt  }
0x6a: {  	_ =	shalt  }
0x6b: {  	_ =	shalt  }
0x6c: {  	_ =	shalt  }
0x6d: {  	_ =	shalt  }
0x6e: {  	_ =	shalt  }
0x6f: {  	_ =	shalt  }
0x70: {  	_ =	shalt  }
0x71: {  	_ =	shalt  }
0x72: {  	_ =	shalt  }
0x73: {  	_ =	shalt  }
0x74: {  	_ =	shalt  }
0x75: {  	_ =	shalt  }
0x76: {  	_ =	shalt  }
0x77: {  	_ =	shalt  }
0x78: {  	_ =	shalt  }
0x79: {  	_ =	shalt  }
0x7a: {  	_ =	shalt  }
0x7b: {  	_ =	shalt  }
0x7c: {  	_ =	shalt  }
0x7d: {  	_ =	shalt  }
0x7e: {  	_ =	shalt  }
0x7f: {  	_ =	shalt  }
0x80: {  	_ =	shalt  }
0x81: {  	_ =	shalt  }
0x82: {  	_ =	shalt  }
0x83: {  	_ =	shalt  }
0x84: {  	_ =	shalt  }
0x85: {  	_ =	shalt  }
0x86: {  	_ =	shalt  }
0x87: {  	_ =	shalt  }
.Lfunc_end0:
.L_simem_size_0:
called_computation_lowered:
.L_overlay_start_0:
0x88: {  	s2 =	sld [smem:$0x3FD9]  }
0x89: {  	s3 =	sld [smem:$0x3FFE];
	_ =	sdelay $0x1  }
0x8a: {  	s1 =	srdreg.scid  }
0x8b: {  	s0 =	sand.u32 $0x1, s1  }
0x8c: {  	s16 =	sshll.u32 s0, $0xA;
	s2 =	sadd.s32 s3, s2  }
0x8d: {  	s2 =	sadd.s32 s2, s16  }
0x8e: {  	[smem:$0x3FC0] =	sst s2  }
0x8f: {  	_ = 	snop  }
0x90: {  	(tm) =	ssettm $0x1  }
0x91: {  	s17 =	sld [smem:$0x3FFB];
	_ =	sdelay $0x3  }
0x92: {  	_ =	strace s17  }
0x93: {  	s2 =	sld [smem:$0x3FFC];
	_ =	sdelay $0x3  }
0x94: {  	_ =	strace s2  }
0x95: {  	s2 =	sld [smem:$0x3FFD];
	_ =	sdelay $0x3  }
0x96: {  	_ =	strace s2  }
0x97: {  	_ =	strace $0x8FFFFFFF  }
0x98: {  	s18 =	sld [smem:$0x3FDB];
	_ =	sdelay $0x1  }
0x99: {  	s19 =	simm.s32 $_scs_section_size  }
0x9a: {  	s4 =	simm.s32 $_size__tile_overlayer_lowered;
	s5 =	simm.s32 $_tile_overlayer_lowered  }
0x9b: {  	s22 =	simm.s32 $0x1BFF;
	s21 =	sshll.u32 s5, $0x1;
	s2 =	sadd.s32 s19, s18  }
0x9c: {  	s6 =	simm.s32 $0x0;
	s20 =	sshll.u32 s4, $0x1;
	s4 =	sadd.s32 s21, s2  }
0x9d: {  	[timem:s6], [sflag:s22] =	dma.local [hbm:s4], s20  }
0x9e: {  	_ =	swait.ge [sflag:s22], s20  }
0x9f: {  	s3 =	ssub.s32 $0x0, s20;
	[sflag:s22] =	ssyncset.done $0x0  }
0xa0: {  	[sflag:s22] =	ssyncadd.s32 s3;
	_ =	sdelay $0x1  }
0xa1: {  	s23 =	simm.s32 $0x1B8B  }
0xa2: {  	_ =	swait.ge [sflag:s23], $0x1  }
0xa3: {  	[sflag:s23] =	ssyncset.done $0x0  }
0xa4: {  	s25 =	simm.s32 $0x1B8E;
	s24 =	sld [smem:$0x3FFE];
	[sflag:s23] =	ssyncadd.s32 $0xFFFFFFFF  }
0xa5: {  	s26 =	simm.s32 $execute0_lowered;
	[smem:$0x3FD2] =	sst s25  }
0xa6: {  	s4 =	sshll.u32 s26, $0x1;
	_ =	strace $0x80000046;
	[dreg:$0x1] =	wrdreg $0xFFFFFFFF  }
0xa7: {  	s28 =	simm.s32 $_size_execute0_lowered;
	s2 =	sadd.s32 s2, s4;
	[dreg:$0x0] =	wrdreg $0x0  }
0xa8: {  	s4 =	sshll.u32 s28, $0x1;
	[dreg:$0x2] =	wrdreg s2  }
0xa9: {  	[dreg:$0x3] =	wrdreg s4  }
0xaa: {  	[dreg:$0x4] =	wrdreg $0xC0  }
0xab: {  	_ =	task [dreg:s6], $0x5FFFF  }
0xac: {  	[dreg:$0x1] =	wrdreg $0xFFFFFFFF  }
0xad: {  	[dreg:$0x0] =	wrdreg $0x60  }
0xae: {  	[dreg:$0x2] =	wrdreg s24  }
0xaf: {  	[dreg:$0x3] =	wrdreg $0x4E200  }
0xb0: {  	[dreg:$0x4] =	wrdreg $0x9  }
0xb1: {  	_ =	task.clear_ibuf [dreg:s6], $0x5FFFF;
	_ =	strace $0x90000046  }
0xb2: {  	s29 =	simm.s32 $0x9;
	_ =	strace $0x80000048  }
0xb3: {  	_ =	swait.ge [sflag:s29], $0x1  }
0xb4: {  	[sflag:s29] =	ssyncadd.s32 $0xFFFFFFFF  }
0xb5: {  	_ =	strace $0x90000048  }
0xb6: {  	_ =	sfence  }
0xb7: {  	s30 =	sld [smem:$0x0];
	_ =	sdelay $0x2  }
0xb8: {  	s31 =	sshll.u32 s1, $0xD;
	s1 =	sshrl.u32 s1, $0x2  }
0xb9: {  	s3 =	sand.u32 $0x4000, s31;
	s1 =	sadd.s32 s1, s30  }
0xba: {  	s0 =	sor.u32 s3, s0;
	s1 =	sshll.u32 s1, $0x11  }
0xbb: {  	s0 =	sor.u32 s1, s0  }
0xbc: {  	s0 =	sadd.s32 $0x8F2B, s0  }
0xbd: {  	[sflag:s0] =	ssyncadd.remote.s32 $0x1  }
0xbe: {  	_ =	sfence.sel $0xFFFF  }
0xbf: {  	[dreg:$0x0] =	wrdreg $0xFFFFFFFF;
	(pc) =	sbr.abs _section_cstart, $3  }
0xc0: {  	[dreg:$0x1] =	wrdreg $0xFFFFFFFF  }
0xc1: {  	_ =	task.clear_ibuf [dreg:s6], $0x2FFFF;
	_ =	strace $0x9FFFFFFF  }
0xc2: {  	(tm) =	ssettm $0x7FFFFFFF  }
0xc3: {  	_ =	shalt  }
tec
execute0_lowered:
.L_overlay_start_1:
0x0: {  	(tag) =	ssettag $0x1  }
0x1: {  	s0 =	srdreg.scid;
	s4 =	rddreg [dreg:$0x0]  }
0x2: {  	s6 =	stileid.u32;
	s1 =	rddreg [dreg:$0x1]  }
0x3: {  	s2 =	simm.s32 $0x0;
	p2 =	por $0x0, $0x0;
	s3 =	sand.u32 $0x1, s0  }
0x4: {  	s7 =	smul.u32 $0x2710, s6;
	[smem:$0x7FF] =	sst s2;
	s17 =	sadd.s32 $0xC5A00, s4  }
0x5: {  	s16 =	sadd.s32 $0xC8C00, s4;
	p0 =	sne.s32 s6, $0x0;
	p1 =	sgt.u32 s6, $0x9  }
0x6: {  	s0 =	sshll.u32 s3, $0x4;
	s8 =	smul.u32 $0x186A0, s3;
	s3 =	ssub.s32 $0x2, s3  }
0x7: {  	s19 =	sshrl.u32 @!p0 s1, $0x3;
	s0 =	sor.u32 s6, s0;
	s9 =	sshrl.u32 s3, $0x1  }
0x8: {  	s6 =	simm.s32 $0x1;
	s5 =	smul.u32 $0x186A0, s0;
	s9 =	ssub.s32 s3, s9  }
0x9: {  	s0 =	rddreg [dreg:$0x2];
	s8 =	sadd.s32 s7, s8;
	s31 =	smax.u32 s9, $0x1  }
0xa: {  	_ =	strace $0x80000047;
	s8 =	sshrl.u32 s8, $0x3;
	s24 =	sadd.s32 $0xFFFFFFFF, s31  }
0xb: {  	s5 =	sshrl.u32 s5, $0x3;
	s8 =	sadd.s32 s8, s4;
	p3 =	sne.s32 s24, $0x0  }
.Ltmp0:
0xc: {  	s5 =	sadd.s32 s5, s4;
	s4 =	sadd.s32 s7, s1;
	(pc) =	sbr.rel @!p3 .LBB2_3-.Ltmp0, $4  }
0xd: {  	s3 =	sadd.s32 $0xC9200, s8;
	s7 =	simm.s32 $0x2710;
	s18 =	sadd.s32 $0x63E80, s5  }
0xe: {  	s15 =	sadd.s32 $0x64362, s5;
	s14 =	sadd.s32 $0x64844, s5;
	s13 =	sadd.s32 $0x64D26, s5  }
0xf: {  	s12 =	sadd.s32 $0x65208, s5;
	s11 =	sadd.s32 $0x656EA, s5;
	s10 =	sadd.s32 $0x65BCC, s5  }
0x10: {  	s9 =	sadd.s32 $0x660AE, s5;
	s8 =	sadd.s32 $0x66590, s5;
	s5 =	sadd.s32 $0x66A72, s5  }
0x11: {  	s20 =	simm.s32 @!p0 $0x1C01;
	s21 =	simm.s32 @!p0 $0x1  }
0x12: {  	[spmem:s19], [sflag:s20] =	dma.local @!p0 [hbm:s17], $0x30D4  }
0x13: {  	_ =	swait.ge @!p0 [sflag:s21], $0x30D4  }
0x14: {  	[sflag:s21] =	ssyncset.done @!p0 $0x0  }
0x15: {  	[sflag:s21] =	ssyncadd.s32 @!p0 $0xFFFFCF2C  }
0x16: {  	[tilespmem:s7], [sflag:$0x1] =	stream.linear.gather [hbm4b:s16+s2], $0x2710, $0x38;
	[tilespmem:$0x6690] =	vst v63  }
0x17: {  	_ =	swait.ge [sflag:s6], $0x2710  }
0x18: {  	[sflag:s6] =	ssyncset.done $0x0  }
0x19: {  	[sflag:s6] =	ssyncadd.s32 $0xFFFFD8F0  }
0x1a: {  	[bflag:$0x0] =	sbarrier.arrive $0xFFFF  }
0x1b: {  	[tilespmem:s2], [sflag:$0x1] =	stream.linear.gather [hbm4b:s18+s2], $0x2710, $0x38;
	[tilespmem:$0x6690] =	vst v63  }
0x1c: {  	_ =	swait.ge [sflag:s6], $0x2710  }
0x1d: {  	[sflag:s6] =	ssyncset.done $0x0  }
0x1e: {  	[sflag:s6] =	ssyncadd.s32 $0xFFFFD8F0  }
0x1f: {  	[spmem:s1] =	stream.indirect.scatter.add.f32 [tilespmem:s7], [sflag:$0x1], $0x1, s2, s7, $0xb8;
	[tilespmem:$0x6690] =	vst v63  }
0x20: {  	_ =	swait.ge [sflag:s6], $0x2710  }
0x21: {  	[sflag:s6] =	ssyncset.done $0x0  }
0x22: {  	[sflag:s6] =	ssyncadd.s32 $0xFFFFD8F0  }
0x23: {  	[tilespmem:s2], [sflag:$0x1] =	stream.linear.gather [hbm4b:s15+s2], $0x2710, $0x38;
	[tilespmem:$0x6690] =	vst v63  }
0x24: {  	_ =	swait.ge [sflag:s6], $0x2710  }
0x25: {  	[sflag:s6] =	ssyncset.done $0x0  }
0x26: {  	[sflag:s6] =	ssyncadd.s32 $0xFFFFD8F0  }
0x27: {  	[spmem:s1] =	stream.indirect.scatter.add.f32 [tilespmem:s7], [sflag:$0x1], $0x1, s2, s7, $0xb8;
	[tilespmem:$0x6690] =	vst v63  }
0x28: {  	_ =	swait.ge [sflag:s6], $0x2710  }
0x29: {  	[sflag:s6] =	ssyncset.done $0x0  }
0x2a: {  	[sflag:s6] =	ssyncadd.s32 $0xFFFFD8F0  }
0x2b: {  	[tilespmem:s2], [sflag:$0x1] =	stream.linear.gather [hbm4b:s14+s2], $0x2710, $0x38;
	[tilespmem:$0x6690] =	vst v63  }
0x2c: {  	_ =	swait.ge [sflag:s6], $0x2710  }
0x2d: {  	[sflag:s6] =	ssyncset.done $0x0  }
0x2e: {  	[sflag:s6] =	ssyncadd.s32 $0xFFFFD8F0  }
0x2f: {  	[spmem:s1] =	stream.indirect.scatter.add.f32 [tilespmem:s7], [sflag:$0x1], $0x1, s2, s7, $0xb8;
	[tilespmem:$0x6690] =	vst v63  }
0x30: {  	_ =	swait.ge [sflag:s6], $0x2710  }
0x31: {  	[sflag:s6] =	ssyncset.done $0x0  }
0x32: {  	[sflag:s6] =	ssyncadd.s32 $0xFFFFD8F0  }
0x33: {  	[tilespmem:s2], [sflag:$0x1] =	stream.linear.gather [hbm4b:s13+s2], $0x2710, $0x38;
	[tilespmem:$0x6690] =	vst v63  }
0x34: {  	_ =	swait.ge [sflag:s6], $0x2710  }
0x35: {  	[sflag:s6] =	ssyncset.done $0x0  }
0x36: {  	[sflag:s6] =	ssyncadd.s32 $0xFFFFD8F0  }
0x37: {  	[spmem:s1] =	stream.indirect.scatter.add.f32 [tilespmem:s7], [sflag:$0x1], $0x1, s2, s7, $0xb8;
	[tilespmem:$0x6690] =	vst v63  }
0x38: {  	_ =	swait.ge [sflag:s6], $0x2710  }
0x39: {  	[sflag:s6] =	ssyncset.done $0x0  }
0x3a: {  	[sflag:s6] =	ssyncadd.s32 $0xFFFFD8F0  }
0x3b: {  	[tilespmem:s2], [sflag:$0x1] =	stream.linear.gather [hbm4b:s12+s2], $0x2710, $0x38;
	[tilespmem:$0x6690] =	vst v63  }
0x3c: {  	_ =	swait.ge [sflag:s6], $0x2710  }
0x3d: {  	[sflag:s6] =	ssyncset.done $0x0  }
0x3e: {  	[sflag:s6] =	ssyncadd.s32 $0xFFFFD8F0  }
0x3f: {  	[spmem:s1] =	stream.indirect.scatter.add.f32 [tilespmem:s7], [sflag:$0x1], $0x1, s2, s7, $0xb8;
	[tilespmem:$0x6690] =	vst v63  }
0x40: {  	_ =	swait.ge [sflag:s6], $0x2710  }
0x41: {  	[sflag:s6] =	ssyncset.done $0x0  }
0x42: {  	[sflag:s6] =	ssyncadd.s32 $0xFFFFD8F0  }
0x43: {  	[tilespmem:s2], [sflag:$0x1] =	stream.linear.gather [hbm4b:s11+s2], $0x2710, $0x38;
	[tilespmem:$0x6690] =	vst v63  }
0x44: {  	_ =	swait.ge [sflag:s6], $0x2710  }
0x45: {  	[sflag:s6] =	ssyncset.done $0x0  }
0x46: {  	[sflag:s6] =	ssyncadd.s32 $0xFFFFD8F0  }
0x47: {  	[spmem:s1] =	stream.indirect.scatter.add.f32 [tilespmem:s7], [sflag:$0x1], $0x1, s2, s7, $0xb8;
	[tilespmem:$0x6690] =	vst v63  }
0x48: {  	_ =	swait.ge [sflag:s6], $0x2710  }
0x49: {  	[sflag:s6] =	ssyncset.done $0x0  }
0x4a: {  	[sflag:s6] =	ssyncadd.s32 $0xFFFFD8F0  }
0x4b: {  	[tilespmem:s2], [sflag:$0x1] =	stream.linear.gather [hbm4b:s10+s2], $0x2710, $0x38;
	[tilespmem:$0x6690] =	vst v63  }
0x4c: {  	_ =	swait.ge [sflag:s6], $0x2710  }
0x4d: {  	[sflag:s6] =	ssyncset.done $0x0  }
0x4e: {  	[sflag:s6] =	ssyncadd.s32 $0xFFFFD8F0  }
0x4f: {  	[spmem:s1] =	stream.indirect.scatter.add.f32 [tilespmem:s7], [sflag:$0x1], $0x1, s2, s7, $0xb8;
	[tilespmem:$0x6690] =	vst v63  }
0x50: {  	_ =	swait.ge [sflag:s6], $0x2710  }
0x51: {  	[sflag:s6] =	ssyncset.done $0x0  }
0x52: {  	[sflag:s6] =	ssyncadd.s32 $0xFFFFD8F0  }
0x53: {  	[tilespmem:s2], [sflag:$0x1] =	stream.linear.gather [hbm4b:s9+s2], $0x2710, $0x38;
	[tilespmem:$0x6690] =	vst v63  }
0x54: {  	_ =	swait.ge [sflag:s6], $0x2710  }
0x55: {  	[sflag:s6] =	ssyncset.done $0x0  }
0x56: {  	[sflag:s6] =	ssyncadd.s32 $0xFFFFD8F0  }
0x57: {  	[spmem:s1] =	stream.indirect.scatter.add.f32 [tilespmem:s7], [sflag:$0x1], $0x1, s2, s7, $0xb8;
	[tilespmem:$0x6690] =	vst v63  }
0x58: {  	_ =	swait.ge [sflag:s6], $0x2710  }
0x59: {  	[sflag:s6] =	ssyncset.done $0x0  }
0x5a: {  	[sflag:s6] =	ssyncadd.s32 $0xFFFFD8F0  }
0x5b: {  	[tilespmem:s2], [sflag:$0x1] =	stream.linear.gather [hbm4b:s8+s2], $0x2710, $0x38;
	[tilespmem:$0x6690] =	vst v63  }
0x5c: {  	_ =	swait.ge [sflag:s6], $0x2710  }
0x5d: {  	[sflag:s6] =	ssyncset.done $0x0  }
0x5e: {  	[sflag:s6] =	ssyncadd.s32 $0xFFFFD8F0  }
0x5f: {  	[spmem:s1] =	stream.indirect.scatter.add.f32 [tilespmem:s7], [sflag:$0x1], $0x1, s2, s7, $0xb8;
	[tilespmem:$0x6690] =	vst v63  }
0x60: {  	_ =	swait.ge [sflag:s6], $0x2710  }
0x61: {  	[sflag:s6] =	ssyncset.done $0x0  }
0x62: {  	[sflag:s6] =	ssyncadd.s32 $0xFFFFD8F0  }
0x63: {  	[tilespmem:s2], [sflag:$0x1] =	stream.linear.gather [hbm4b:s5+s2], $0x2710, $0x38;
	[tilespmem:$0x6690] =	vst v63  }
0x64: {  	_ =	swait.ge [sflag:s6], $0x2710  }
0x65: {  	[sflag:s6] =	ssyncset.done $0x0  }
0x66: {  	[sflag:s6] =	ssyncadd.s32 $0xFFFFD8F0  }
0x67: {  	[spmem:s1] =	stream.indirect.scatter.add.f32 [tilespmem:s7], [sflag:$0x1], $0x1, s2, s7, $0xb8;
	[tilespmem:$0x6690] =	vst v63  }
0x68: {  	_ =	swait.ge [sflag:s6], $0x2710  }
0x69: {  	[sflag:s6] =	ssyncset.done $0x0  }
0x6a: {  	s23 =	simm.s32 @!p1 $0x2710;
	[sflag:s6] =	ssyncadd.s32 $0xFFFFD8F0  }
0x6b: {  	s22 =	simm.s32 @!p1 $0x1;
	s24 =	sadd.s32 $0xFFFFFFFF, s24;
	[bflag:$0x0] =	sbarrier.arrive $0xFFFF  }
0x6c: {  	[tilespmem:s23], [sflag:$0x1] =	stream.linear.gather @!p1 [spmem:s4], $0x2710, $0x38;
	[tilespmem:$0x6690] =	vst v63  }
0x6d: {  	p3 =	sne.s32 s24, $0x0;
	_ =	swait.ge @!p1 [sflag:s22], $0x2710  }
.Ltmp1:
0x6e: {  	[sflag:s22] =	ssyncset.done @!p1 $0x0;
	(pc) =	sbr.rel @!p3 .LBB2_3-.Ltmp1, $4  }
0x6f: {  	s25 =	simm.s32 @!p1 $0x0;
	[sflag:s22] =	ssyncadd.s32 @!p1 $0xFFFFD8F0  }
0x70: {  	[hbm4b:s3+s25] =	stream.linear.scatter @!p1 [tilespmem:s23], [sflag:$0x1], $0x2710, $0x38;
	[tilespmem:$0x6690] =	vst v63  }
0x71: {  	_ =	swait.ge @!p1 [sflag:s22], $0x2710  }
0x72: {  	p2 =	por $0x1, $0x1;
	[sflag:s22] =	ssyncset.done @!p1 $0x0  }
.LBB2_2:
0x73: {  	[sflag:s22] =	ssyncadd.s32 @!p1 $0xFFFFD8F0  }
0x74: {  	[spmem:s19], [sflag:s20] =	dma.local @!p0 [hbm:s17], $0x30D4  }
0x75: {  	s24 =	sadd.s32 $0xFFFFFFFF, s24;
	_ =	swait.ge @!p0 [sflag:s21], $0x30D4  }
0x76: {  	p3 =	sne.s32 s24, $0x0;
	[sflag:s21] =	ssyncset.done @!p0 $0x0  }
0x77: {  	[sflag:s21] =	ssyncadd.s32 @!p0 $0xFFFFCF2C  }
0x78: {  	[tilespmem:s7], [sflag:$0x1] =	stream.linear.gather [hbm4b:s16+s2], $0x2710, $0x38;
	[tilespmem:$0x6690] =	vst v63  }
0x79: {  	_ =	swait.ge [sflag:s6], $0x2710  }
0x7a: {  	[sflag:s6] =	ssyncset.done $0x0  }
0x7b: {  	[sflag:s6] =	ssyncadd.s32 $0xFFFFD8F0  }
0x7c: {  	[bflag:$0x0] =	sbarrier.arrive $0xFFFF  }
0x7d: {  	[tilespmem:s2], [sflag:$0x1] =	stream.linear.gather [hbm4b:s18+s2], $0x2710, $0x38;
	[tilespmem:$0x6690] =	vst v63  }
0x7e: {  	_ =	swait.ge [sflag:s6], $0x2710  }
0x7f: {  	[sflag:s6] =	ssyncset.done $0x0  }
0x80: {  	[sflag:s6] =	ssyncadd.s32 $0xFFFFD8F0  }
0x81: {  	[spmem:s1] =	stream.indirect.scatter.add.f32 [tilespmem:s7], [sflag:$0x1], $0x1, s2, s7, $0xb8;
	[tilespmem:$0x6690] =	vst v63  }
0x82: {  	_ =	swait.ge [sflag:s6], $0x2710  }
0x83: {  	[sflag:s6] =	ssyncset.done $0x0  }
0x84: {  	[sflag:s6] =	ssyncadd.s32 $0xFFFFD8F0  }
0x85: {  	[tilespmem:s2], [sflag:$0x1] =	stream.linear.gather [hbm4b:s15+s2], $0x2710, $0x38;
	[tilespmem:$0x6690] =	vst v63  }
0x86: {  	_ =	swait.ge [sflag:s6], $0x2710  }
0x87: {  	[sflag:s6] =	ssyncset.done $0x0  }
0x88: {  	[sflag:s6] =	ssyncadd.s32 $0xFFFFD8F0  }
0x89: {  	[spmem:s1] =	stream.indirect.scatter.add.f32 [tilespmem:s7], [sflag:$0x1], $0x1, s2, s7, $0xb8;
	[tilespmem:$0x6690] =	vst v63  }
0x8a: {  	_ =	swait.ge [sflag:s6], $0x2710  }
0x8b: {  	[sflag:s6] =	ssyncset.done $0x0  }
0x8c: {  	[sflag:s6] =	ssyncadd.s32 $0xFFFFD8F0  }
0x8d: {  	[tilespmem:s2], [sflag:$0x1] =	stream.linear.gather [hbm4b:s14+s2], $0x2710, $0x38;
	[tilespmem:$0x6690] =	vst v63  }
0x8e: {  	_ =	swait.ge [sflag:s6], $0x2710  }
0x8f: {  	[sflag:s6] =	ssyncset.done $0x0  }
0x90: {  	[sflag:s6] =	ssyncadd.s32 $0xFFFFD8F0  }
0x91: {  	[spmem:s1] =	stream.indirect.scatter.add.f32 [tilespmem:s7], [sflag:$0x1], $0x1, s2, s7, $0xb8;
	[tilespmem:$0x6690] =	vst v63  }
0x92: {  	_ =	swait.ge [sflag:s6], $0x2710  }
0x93: {  	[sflag:s6] =	ssyncset.done $0x0  }
0x94: {  	[sflag:s6] =	ssyncadd.s32 $0xFFFFD8F0  }
0x95: {  	[tilespmem:s2], [sflag:$0x1] =	stream.linear.gather [hbm4b:s13+s2], $0x2710, $0x38;
	[tilespmem:$0x6690] =	vst v63  }
0x96: {  	_ =	swait.ge [sflag:s6], $0x2710  }
0x97: {  	[sflag:s6] =	ssyncset.done $0x0  }
0x98: {  	[sflag:s6] =	ssyncadd.s32 $0xFFFFD8F0  }
0x99: {  	[spmem:s1] =	stream.indirect.scatter.add.f32 [tilespmem:s7], [sflag:$0x1], $0x1, s2, s7, $0xb8;
	[tilespmem:$0x6690] =	vst v63  }
0x9a: {  	_ =	swait.ge [sflag:s6], $0x2710  }
0x9b: {  	[sflag:s6] =	ssyncset.done $0x0  }
0x9c: {  	[sflag:s6] =	ssyncadd.s32 $0xFFFFD8F0  }
0x9d: {  	[tilespmem:s2], [sflag:$0x1] =	stream.linear.gather [hbm4b:s12+s2], $0x2710, $0x38;
	[tilespmem:$0x6690] =	vst v63  }
0x9e: {  	_ =	swait.ge [sflag:s6], $0x2710  }
0x9f: {  	[sflag:s6] =	ssyncset.done $0x0  }
0xa0: {  	[sflag:s6] =	ssyncadd.s32 $0xFFFFD8F0  }
0xa1: {  	[spmem:s1] =	stream.indirect.scatter.add.f32 [tilespmem:s7], [sflag:$0x1], $0x1, s2, s7, $0xb8;
	[tilespmem:$0x6690] =	vst v63  }
0xa2: {  	_ =	swait.ge [sflag:s6], $0x2710  }
0xa3: {  	[sflag:s6] =	ssyncset.done $0x0  }
0xa4: {  	[sflag:s6] =	ssyncadd.s32 $0xFFFFD8F0  }
0xa5: {  	[tilespmem:s2], [sflag:$0x1] =	stream.linear.gather [hbm4b:s11+s2], $0x2710, $0x38;
	[tilespmem:$0x6690] =	vst v63  }
0xa6: {  	_ =	swait.ge [sflag:s6], $0x2710  }
0xa7: {  	[sflag:s6] =	ssyncset.done $0x0  }
0xa8: {  	[sflag:s6] =	ssyncadd.s32 $0xFFFFD8F0  }
0xa9: {  	[spmem:s1] =	stream.indirect.scatter.add.f32 [tilespmem:s7], [sflag:$0x1], $0x1, s2, s7, $0xb8;
	[tilespmem:$0x6690] =	vst v63  }
0xaa: {  	_ =	swait.ge [sflag:s6], $0x2710  }
0xab: {  	[sflag:s6] =	ssyncset.done $0x0  }
0xac: {  	[sflag:s6] =	ssyncadd.s32 $0xFFFFD8F0  }
0xad: {  	[tilespmem:s2], [sflag:$0x1] =	stream.linear.gather [hbm4b:s10+s2], $0x2710, $0x38;
	[tilespmem:$0x6690] =	vst v63  }
0xae: {  	_ =	swait.ge [sflag:s6], $0x2710  }
0xaf: {  	[sflag:s6] =	ssyncset.done $0x0  }
0xb0: {  	[sflag:s6] =	ssyncadd.s32 $0xFFFFD8F0  }
0xb1: {  	[spmem:s1] =	stream.indirect.scatter.add.f32 [tilespmem:s7], [sflag:$0x1], $0x1, s2, s7, $0xb8;
	[tilespmem:$0x6690] =	vst v63  }
0xb2: {  	_ =	swait.ge [sflag:s6], $0x2710  }
0xb3: {  	[sflag:s6] =	ssyncset.done $0x0  }
0xb4: {  	[sflag:s6] =	ssyncadd.s32 $0xFFFFD8F0  }
0xb5: {  	[tilespmem:s2], [sflag:$0x1] =	stream.linear.gather [hbm4b:s9+s2], $0x2710, $0x38;
	[tilespmem:$0x6690] =	vst v63  }
0xb6: {  	_ =	swait.ge [sflag:s6], $0x2710  }
0xb7: {  	[sflag:s6] =	ssyncset.done $0x0  }
0xb8: {  	[sflag:s6] =	ssyncadd.s32 $0xFFFFD8F0  }
0xb9: {  	[spmem:s1] =	stream.indirect.scatter.add.f32 [tilespmem:s7], [sflag:$0x1], $0x1, s2, s7, $0xb8;
	[tilespmem:$0x6690] =	vst v63  }
0xba: {  	_ =	swait.ge [sflag:s6], $0x2710  }
0xbb: {  	[sflag:s6] =	ssyncset.done $0x0  }
0xbc: {  	[sflag:s6] =	ssyncadd.s32 $0xFFFFD8F0  }
0xbd: {  	[tilespmem:s2], [sflag:$0x1] =	stream.linear.gather [hbm4b:s8+s2], $0x2710, $0x38;
	[tilespmem:$0x6690] =	vst v63  }
0xbe: {  	_ =	swait.ge [sflag:s6], $0x2710  }
0xbf: {  	[sflag:s6] =	ssyncset.done $0x0  }
0xc0: {  	[sflag:s6] =	ssyncadd.s32 $0xFFFFD8F0  }
0xc1: {  	[spmem:s1] =	stream.indirect.scatter.add.f32 [tilespmem:s7], [sflag:$0x1], $0x1, s2, s7, $0xb8;
	[tilespmem:$0x6690] =	vst v63  }
0xc2: {  	_ =	swait.ge [sflag:s6], $0x2710  }
0xc3: {  	[sflag:s6] =	ssyncset.done $0x0  }
0xc4: {  	[sflag:s6] =	ssyncadd.s32 $0xFFFFD8F0  }
0xc5: {  	[tilespmem:s2], [sflag:$0x1] =	stream.linear.gather [hbm4b:s5+s2], $0x2710, $0x38;
	[tilespmem:$0x6690] =	vst v63  }
0xc6: {  	_ =	swait.ge [sflag:s6], $0x2710  }
0xc7: {  	[sflag:s6] =	ssyncset.done $0x0  }
0xc8: {  	[sflag:s6] =	ssyncadd.s32 $0xFFFFD8F0  }
0xc9: {  	[spmem:s1] =	stream.indirect.scatter.add.f32 [tilespmem:s7], [sflag:$0x1], $0x1, s2, s7, $0xb8;
	[tilespmem:$0x6690] =	vst v63  }
0xca: {  	_ =	swait.ge [sflag:s6], $0x2710  }
0xcb: {  	[sflag:s6] =	ssyncset.done $0x0  }
0xcc: {  	[sflag:s6] =	ssyncadd.s32 $0xFFFFD8F0  }
0xcd: {  	[bflag:$0x0] =	sbarrier.arrive $0xFFFF  }
0xce: {  	[tilespmem:s23], [sflag:$0x1] =	stream.linear.gather @!p1 [spmem:s4], $0x2710, $0x38;
	[tilespmem:$0x6690] =	vst v63  }
0xcf: {  	_ =	swait.ge @!p1 [sflag:s22], $0x2710  }
.Ltmp2:
0xd0: {  	[sflag:s22] =	ssyncset.done @!p1 $0x0;
	(pc) =	sbr.rel @p3 .LBB2_2-.Ltmp2, $4  }
0xd1: {  	[sflag:s22] =	ssyncadd.s32 @!p1 $0xFFFFD8F0  }
0xd2: {  	[hbm4b:s3+s25] =	stream.linear.scatter @!p1 [tilespmem:s23], [sflag:$0x1], $0x2710, $0x38;
	[tilespmem:$0x6690] =	vst v63  }
0xd3: {  	_ =	swait.ge @!p1 [sflag:s22], $0x2710  }
0xd4: {  	[sflag:s22] =	ssyncset.done @!p1 $0x0  }
.LBB2_3:
0xd5: {  	p2 =	por p1, !p2  }
0xd6: {  	s20 =	simm.s32 @!p0 $0x1C01;
	s21 =	simm.s32 @!p0 $0x1;
	[sflag:s22] =	ssyncadd.s32 @!p2 $0xFFFFD8F0  }
0xd7: {  	[spmem:s19], [sflag:s20] =	dma.local @!p0 [hbm:s17], $0x30D4  }
0xd8: {  	_ =	swait.ge @!p0 [sflag:s21], $0x30D4  }
0xd9: {  	[sflag:s21] =	ssyncset.done @!p0 $0x0  }
0xda: {  	[sflag:s21] =	ssyncadd.s32 @!p0 $0xFFFFCF2C  }
0xdb: {  	[tilespmem:s7], [sflag:$0x1] =	stream.linear.gather [hbm4b:s16+s2], $0x2710, $0x38;
	[tilespmem:$0x6690] =	vst v63  }
0xdc: {  	_ =	swait.ge [sflag:s6], $0x2710  }
0xdd: {  	[sflag:s6] =	ssyncset.done $0x0  }
0xde: {  	[sflag:s6] =	ssyncadd.s32 $0xFFFFD8F0  }
0xdf: {  	[bflag:$0x0] =	sbarrier.arrive $0xFFFF  }
0xe0: {  	[tilespmem:s2], [sflag:$0x1] =	stream.linear.gather [hbm4b:s18+s2], $0x2710, $0x38;
	[tilespmem:$0x6690] =	vst v63  }
0xe1: {  	_ =	swait.ge [sflag:s6], $0x2710  }
0xe2: {  	[sflag:s6] =	ssyncset.done $0x0  }
0xe3: {  	[sflag:s6] =	ssyncadd.s32 $0xFFFFD8F0  }
0xe4: {  	[spmem:s1] =	stream.indirect.scatter.add.f32 [tilespmem:s7], [sflag:$0x1], $0x1, s2, s7, $0xb8;
	[tilespmem:$0x6690] =	vst v63  }
0xe5: {  	_ =	swait.ge [sflag:s6], $0x2710  }
0xe6: {  	[sflag:s6] =	ssyncset.done $0x0  }
0xe7: {  	[sflag:s6] =	ssyncadd.s32 $0xFFFFD8F0  }
0xe8: {  	[tilespmem:s2], [sflag:$0x1] =	stream.linear.gather [hbm4b:s15+s2], $0x2710, $0x38;
	[tilespmem:$0x6690] =	vst v63  }
0xe9: {  	_ =	swait.ge [sflag:s6], $0x2710  }
0xea: {  	[sflag:s6] =	ssyncset.done $0x0  }
0xeb: {  	[sflag:s6] =	ssyncadd.s32 $0xFFFFD8F0  }
0xec: {  	[spmem:s1] =	stream.indirect.scatter.add.f32 [tilespmem:s7], [sflag:$0x1], $0x1, s2, s7, $0xb8;
	[tilespmem:$0x6690] =	vst v63  }
0xed: {  	_ =	swait.ge [sflag:s6], $0x2710  }
0xee: {  	[sflag:s6] =	ssyncset.done $0x0  }
0xef: {  	[sflag:s6] =	ssyncadd.s32 $0xFFFFD8F0  }
0xf0: {  	[tilespmem:s2], [sflag:$0x1] =	stream.linear.gather [hbm4b:s14+s2], $0x2710, $0x38;
	[tilespmem:$0x6690] =	vst v63  }
0xf1: {  	_ =	swait.ge [sflag:s6], $0x2710  }
0xf2: {  	[sflag:s6] =	ssyncset.done $0x0  }
0xf3: {  	[sflag:s6] =	ssyncadd.s32 $0xFFFFD8F0  }
0xf4: {  	[spmem:s1] =	stream.indirect.scatter.add.f32 [tilespmem:s7], [sflag:$0x1], $0x1, s2, s7, $0xb8;
	[tilespmem:$0x6690] =	vst v63  }
0xf5: {  	_ =	swait.ge [sflag:s6], $0x2710  }
0xf6: {  	[sflag:s6] =	ssyncset.done $0x0  }
0xf7: {  	[sflag:s6] =	ssyncadd.s32 $0xFFFFD8F0  }
0xf8: {  	[tilespmem:s2], [sflag:$0x1] =	stream.linear.gather [hbm4b:s13+s2], $0x2710, $0x38;
	[tilespmem:$0x6690] =	vst v63  }
0xf9: {  	_ =	swait.ge [sflag:s6], $0x2710  }
0xfa: {  	[sflag:s6] =	ssyncset.done $0x0  }
0xfb: {  	[sflag:s6] =	ssyncadd.s32 $0xFFFFD8F0  }
0xfc: {  	[spmem:s1] =	stream.indirect.scatter.add.f32 [tilespmem:s7], [sflag:$0x1], $0x1, s2, s7, $0xb8;
	[tilespmem:$0x6690] =	vst v63  }
0xfd: {  	_ =	swait.ge [sflag:s6], $0x2710  }
0xfe: {  	[sflag:s6] =	ssyncset.done $0x0  }
0xff: {  	[sflag:s6] =	ssyncadd.s32 $0xFFFFD8F0  }
0x100: {  	[tilespmem:s2], [sflag:$0x1] =	stream.linear.gather [hbm4b:s12+s2], $0x2710, $0x38;
	[tilespmem:$0x6690] =	vst v63  }
0x101: {  	_ =	swait.ge [sflag:s6], $0x2710  }
0x102: {  	[sflag:s6] =	ssyncset.done $0x0  }
0x103: {  	[sflag:s6] =	ssyncadd.s32 $0xFFFFD8F0  }
0x104: {  	[spmem:s1] =	stream.indirect.scatter.add.f32 [tilespmem:s7], [sflag:$0x1], $0x1, s2, s7, $0xb8;
	[tilespmem:$0x6690] =	vst v63  }
0x105: {  	_ =	swait.ge [sflag:s6], $0x2710  }
0x106: {  	[sflag:s6] =	ssyncset.done $0x0  }
0x107: {  	[sflag:s6] =	ssyncadd.s32 $0xFFFFD8F0  }
0x108: {  	[tilespmem:s2], [sflag:$0x1] =	stream.linear.gather [hbm4b:s11+s2], $0x2710, $0x38;
	[tilespmem:$0x6690] =	vst v63  }
0x109: {  	_ =	swait.ge [sflag:s6], $0x2710  }
0x10a: {  	[sflag:s6] =	ssyncset.done $0x0  }
0x10b: {  	[sflag:s6] =	ssyncadd.s32 $0xFFFFD8F0  }
0x10c: {  	[spmem:s1] =	stream.indirect.scatter.add.f32 [tilespmem:s7], [sflag:$0x1], $0x1, s2, s7, $0xb8;
	[tilespmem:$0x6690] =	vst v63  }
0x10d: {  	_ =	swait.ge [sflag:s6], $0x2710  }
0x10e: {  	[sflag:s6] =	ssyncset.done $0x0  }
0x10f: {  	[sflag:s6] =	ssyncadd.s32 $0xFFFFD8F0  }
0x110: {  	[tilespmem:s2], [sflag:$0x1] =	stream.linear.gather [hbm4b:s10+s2], $0x2710, $0x38;
	[tilespmem:$0x6690] =	vst v63  }
0x111: {  	_ =	swait.ge [sflag:s6], $0x2710  }
0x112: {  	[sflag:s6] =	ssyncset.done $0x0  }
0x113: {  	[sflag:s6] =	ssyncadd.s32 $0xFFFFD8F0  }
0x114: {  	[spmem:s1] =	stream.indirect.scatter.add.f32 [tilespmem:s7], [sflag:$0x1], $0x1, s2, s7, $0xb8;
	[tilespmem:$0x6690] =	vst v63  }
0x115: {  	_ =	swait.ge [sflag:s6], $0x2710  }
0x116: {  	[sflag:s6] =	ssyncset.done $0x0  }
0x117: {  	[sflag:s6] =	ssyncadd.s32 $0xFFFFD8F0  }
0x118: {  	[tilespmem:s2], [sflag:$0x1] =	stream.linear.gather [hbm4b:s9+s2], $0x2710, $0x38;
	[tilespmem:$0x6690] =	vst v63  }
0x119: {  	_ =	swait.ge [sflag:s6], $0x2710  }
0x11a: {  	[sflag:s6] =	ssyncset.done $0x0  }
0x11b: {  	[sflag:s6] =	ssyncadd.s32 $0xFFFFD8F0  }
0x11c: {  	[spmem:s1] =	stream.indirect.scatter.add.f32 [tilespmem:s7], [sflag:$0x1], $0x1, s2, s7, $0xb8;
	[tilespmem:$0x6690] =	vst v63  }
0x11d: {  	_ =	swait.ge [sflag:s6], $0x2710  }
0x11e: {  	[sflag:s6] =	ssyncset.done $0x0  }
0x11f: {  	[sflag:s6] =	ssyncadd.s32 $0xFFFFD8F0  }
0x120: {  	[tilespmem:s2], [sflag:$0x1] =	stream.linear.gather [hbm4b:s8+s2], $0x2710, $0x38;
	[tilespmem:$0x6690] =	vst v63  }
0x121: {  	_ =	swait.ge [sflag:s6], $0x2710  }
0x122: {  	[sflag:s6] =	ssyncset.done $0x0  }
0x123: {  	[sflag:s6] =	ssyncadd.s32 $0xFFFFD8F0  }
0x124: {  	[spmem:s1] =	stream.indirect.scatter.add.f32 [tilespmem:s7], [sflag:$0x1], $0x1, s2, s7, $0xb8;
	[tilespmem:$0x6690] =	vst v63  }
0x125: {  	_ =	swait.ge [sflag:s6], $0x2710  }
0x126: {  	[sflag:s6] =	ssyncset.done $0x0  }
0x127: {  	[sflag:s6] =	ssyncadd.s32 $0xFFFFD8F0  }
0x128: {  	[tilespmem:s2], [sflag:$0x1] =	stream.linear.gather [hbm4b:s5+s2], $0x2710, $0x38;
	[tilespmem:$0x6690] =	vst v63  }
0x129: {  	_ =	swait.ge [sflag:s6], $0x2710  }
0x12a: {  	[sflag:s6] =	ssyncset.done $0x0  }
0x12b: {  	[sflag:s6] =	ssyncadd.s32 $0xFFFFD8F0  }
0x12c: {  	[spmem:s1] =	stream.indirect.scatter.add.f32 [tilespmem:s7], [sflag:$0x1], $0x1, s2, s7, $0xb8;
	[tilespmem:$0x6690] =	vst v63  }
0x12d: {  	_ =	swait.ge [sflag:s6], $0x2710  }
0x12e: {  	[sflag:s6] =	ssyncset.done $0x0  }
0x12f: {  	[sflag:s6] =	ssyncadd.s32 $0xFFFFD8F0  }
0x130: {  	s1 =	simm.s32 @!p1 $0x2710;
	s2 =	simm.s32 @!p1 $0x1;
	[bflag:$0x0] =	sbarrier.arrive $0xFFFF  }
0x131: {  	[tilespmem:s1], [sflag:$0x1] =	stream.linear.gather @!p1 [spmem:s4], $0x2710, $0x38;
	[tilespmem:$0x6690] =	vst v63  }
0x132: {  	_ =	swait.ge @!p1 [sflag:s2], $0x2710  }
0x133: {  	[sflag:s2] =	ssyncset.done @!p1 $0x0  }
0x134: {  	s4 =	simm.s32 @!p1 $0x0;
	[sflag:s2] =	ssyncadd.s32 @!p1 $0xFFFFD8F0  }
0x135: {  	[hbm4b:s3+s4] =	stream.linear.scatter @!p1 [tilespmem:s1], [sflag:$0x1], $0x2710, $0x38;
	[tilespmem:$0x6690] =	vst v63  }
0x136: {  	_ =	swait.ge @!p1 [sflag:s2], $0x2710  }
0x137: {  	[sflag:s2] =	ssyncset.done @!p1 $0x0  }
0x138: {  	[sflag:s2] =	ssyncadd.s32 @!p1 $0xFFFFD8F0  }
0x139: {  	_ =	sfence.sel $0x180000  }
0x13a: {  	[bflag:$0x0] =	sbarrier.arrive $0xFFFF  }
0x13b: {  	_ =	strace $0x90000047  }
0x13c: {  	s0 =	sadd.s32 @!p0 $0x100000, s0;
	[bflag:$0x2] =	sbarrier.arrive $0xFFFF  }
0x13d: {  	[sflag:s0] =	ssyncadd.tile.s32 @!p0 $0x1;
	_ =	shalt  }
.Lfunc_end2:
_tile_overlayer_lowered:
.L_overlay_start_2:
0x13e: {  	(tag) =	ssettag $0x2  }
0x13f: {  	s0 =	rddreg [dreg:$0x0];
	s2 =	stileid.u32  }
0x140: {  	s1 =	rddreg [dreg:$0x1];
	p0 =	sne.s32 s2, $0x0  }
0x141: {  	s3 =	rddreg [dreg:$0x2];
	[bflag:$0x3] =	sbarrier.arrive $0xFFFF;
	s2 =	simm.s32 @!p0 $0x1C01  }
0x142: {  	[timem:s3], [sflag:s2] =	dma.local @!p0 [hbm:s0], s1  }
0x143: {  	s0 =	simm.s32 @!p0 $0x1  }
0x144: {  	_ =	swait.ge @!p0 [sflag:s0], s1  }
0x145: {  	s1 =	ssub.s32 @!p0 $0x0, s1;
	[sflag:s0] =	ssyncset.done @!p0 $0x0  }
0x146: {  	[sflag:s0] =	ssyncadd.s32 @!p0 s1  }
0x147: {  	[bflag:$0x3] =	sbarrier.arrive $0xFFFF  }
0x148: {  	_ =	shalt  }

</sc_bundles>
